<compile_context>
chip_gen: v7x
topology: tpu7x:2x2x1
jax: 0.10.2.dev20260603
libtpu: 0.0.44.dev20260713+nightly
codegen_flags: <defaults>
</compile_context>

<pallas_src>
import functools
import math

import jax
import jax.numpy as jnp
from jax import lax
from jax.experimental import pallas as pl
from jax.experimental.pallas import tpu as pltpu
from jax.experimental.pallas import tpu_sc as plsc

VOCAB = 1000
D_MODEL = 32
SCALE = math.sqrt(float(D_MODEL))

NUM_CORES = 2
NUM_SUBCORES = 16
NW = NUM_CORES * NUM_SUBCORES

BATCH = 16384
SEQ = 200
W_TILE = BATCH // NW

R_STAGE = 40
N_STAGE = SEQ // R_STAGE
LANES = 16
CW = 256
N_GROUPS = CW // LANES
K_CHUNKS = W_TILE // CW


def _scale_body(t_ref, o_ref):
    o_ref[...] = t_ref[...].T * SCALE


def _scale_table(table):
    return pl.pallas_call(
        _scale_body,
        out_shape=jax.ShapeDtypeStruct((D_MODEL, VOCAB), table.dtype),
    )(table)


@functools.partial(
    pl.kernel,
    mesh=plsc.VectorSubcoreMesh(core_axis_name="c", subcore_axis_name="s"),
    out_type=jax.ShapeDtypeStruct((SEQ, D_MODEL, BATCH), jnp.float32),
    scratch_types=[
        pltpu.VMEM((VOCAB * D_MODEL,), jnp.float32),
        pltpu.VMEM((R_STAGE, W_TILE), jnp.int32),
        pltpu.VMEM((R_STAGE, W_TILE), jnp.int32),
        pltpu.VMEM((D_MODEL, CW), jnp.float32),
        pltpu.VMEM((D_MODEL, CW), jnp.float32),
        pltpu.SemaphoreType.DMA,
        pltpu.SemaphoreType.DMA,
        pltpu.SemaphoreType.DMA,
        pltpu.SemaphoreType.DMA,
    ],
    compiler_params=pltpu.CompilerParams(use_tc_tiling_on_sc=True,
                                         needs_layout_passes=False),
)
def _gather_t(table_hbm, xt_hbm, out_hbm,
              table_v, xs0, xs1, oc0, oc1,
              xsem0, xsem1, osem0, osem1):
    xs = (xs0, xs1)
    oc = (oc0, oc1)
    xsem = (xsem0, xsem1)
    osem = (osem0, osem1)

    wid = lax.axis_index("s") * NUM_CORES + lax.axis_index("c")
    col0 = wid * W_TILE

    pltpu.sync_copy(table_hbm, table_v)

    def issue_stage(s, b):
        pltpu.async_copy(
            xt_hbm.at[pl.ds(s * R_STAGE, R_STAGE), pl.ds(col0, W_TILE)],
            xs[b], xsem[b])

    def wait_stage(b):
        pltpu.make_async_copy(
            xt_hbm.at[pl.ds(0, R_STAGE), pl.ds(0, W_TILE)],
            xs[b], xsem[b]).wait()

    def wait_out(slot):
        pltpu.make_async_copy(
            oc[slot], out_hbm.at[0, :, pl.ds(0, CW)], osem[slot]).wait()

    def compute_chunk(r, k, b, slot):
        def group(g, _):
            off = pl.multiple_of(k * CW + g * LANES, LANES)
            idxv = xs[b][r, pl.ds(off, LANES)]
            vals = [plsc.load_gather(table_v, [idxv + c * VOCAB])
                    for c in range(D_MODEL)]
            for c in range(D_MODEL):
                oc[slot][c, pl.ds(g * LANES, LANES)] = vals[c]
            return 0
        lax.fori_loop(0, N_GROUPS, group, 0, unroll=False)

    def issue_chunk(i1, k, slot):
        pltpu.async_copy(
            oc[slot],
            out_hbm.at[i1, :, pl.ds(col0 + k * CW, CW)],
            osem[slot])

    issue_stage(0, 0)
    issue_stage(1, 1)

    for s in range(N_STAGE):
        b = s % 2
        wait_stage(b)

        def row_body(r, _, s=s, b=b):
            i1 = s * R_STAGE + r
            for k in range(K_CHUNKS):
                slot = k % 2
                if s == 0 and k < 2:
                    @pl.when(r > 0)
                    def _():
                        wait_out(slot)
                else:
                    wait_out(slot)
                compute_chunk(r, k, b, slot)
                issue_chunk(i1, k, slot)
            return 0

        lax.fori_loop(0, R_STAGE, row_body, 0, unroll=False)
        if s + 2 < N_STAGE:
            issue_stage(s + 2, b)

    wait_out(0)
    wait_out(1)


def kernel(x, table):
    xt = x.T.astype(jnp.int32)
    flat = _scale_table(table).reshape(-1)
    out_t = _gather_t(flat, xt)
    return out_t.transpose(2, 0, 1)

# --- scband reference (transcript-rebuilt; emitter-appended) ---
"""Pipeline reference for scband-byte-embedding-28930899706482 (READ-ONLY COPY).

The authoritative reference and input builder live on the scoring server;
editing this copy changes nothing except your own understanding.
"""

import jax, jax.numpy as jnp
import numpy as np
import math

VOCAB = 1000
D_MODEL = 32

def setup_inputs(seed: int = 0) -> dict:
    key = jax.random.key(seed)
    k1, k2 = jax.random.split(key)
    x = jax.random.randint(k1, (16384, 200), 0, VOCAB, dtype=jnp.int64 if jax.config.jax_enable_x64 else jnp.int32)
    table = jax.random.normal(k2, (VOCAB, D_MODEL), dtype=jnp.float32)
    return {"x": x, "table": table}

def reference(x, table):
    # emb(x) * sqrt(embedding_dim)
    out = jnp.take(table, x, axis=0) * math.sqrt(D_MODEL)
    return out

if __name__ == "__main__":
    import jax
    _d = setup_inputs()
    print(jax.jit(kernel)(*tuple(_d.values())))

</pallas_src>

<mosaic_0001>
#map = affine_map<(d0, d1) -> (0)>
#map1 = affine_map<(d0, d1) -> (0, 0)>
#map2 = affine_map<(d0, d1) -> (0, 0, 0)>
module attributes {stable_mosaic.version = 14 : i64} {
  func.func @_gather_t(%arg0: i32, %arg1: i32, %arg2: memref<32000xf32, #tpu.memory_space<hbm>>, %arg3: memref<200x16384xi32, #tpu.memory_space<hbm>>, %arg4: memref<200x32x16384xf32, #tpu.memory_space<hbm>>, %arg5: memref<32000xf32, #tpu.memory_space<vmem>>, %arg6: memref<40x512xi32, #tpu.memory_space<vmem>>, %arg7: memref<40x512xi32, #tpu.memory_space<vmem>>, %arg8: memref<32x256xf32, #tpu.memory_space<vmem>>, %arg9: memref<32x256xf32, #tpu.memory_space<vmem>>, %arg10: memref<!tpu.dma_semaphore, #tpu.memory_space<semaphore_mem>>, %arg11: memref<!tpu.dma_semaphore, #tpu.memory_space<semaphore_mem>>, %arg12: memref<!tpu.dma_semaphore, #tpu.memory_space<semaphore_mem>>, %arg13: memref<!tpu.dma_semaphore, #tpu.memory_space<semaphore_mem>>) attributes {dimension_semantics = [#tpu.dimension_semantics<core_parallel>, #tpu.dimension_semantics<subcore_parallel>], iteration_bounds = array<i64: 2, 16>, scalar_prefetch = 0 : i64, scratch_operands = 9 : i64, tpu.core_type = #tpu.core_type<sc_vector_subcore>, window_params = [{transform_indices = #map}, {transform_indices = #map1}, {transform_indices = #map2}]} {
    %mul3A = arith.constant 2 : i32
    %mul3A_0 = arith.muli %arg1, %mul3A : i32
    %add3A = arith.addi %mul3A_0, %arg0 : i32
    %mul3A_1 = arith.constant 512 : i32
    %mul3A_2 = arith.muli %add3A, %mul3A_1 : i32
    "tpu.region"() ({
      %run_scoped3A = tpu.sem_alloc : memref<!tpu.dma_semaphore, #tpu.memory_space<semaphore_mem>>
      tpu.enqueue_dma source(%arg2 : memref<32000xf32, #tpu.memory_space<hbm>>) target(%arg5 : memref<32000xf32, #tpu.memory_space<vmem>>) target_semaphore(%run_scoped3A : memref<!tpu.dma_semaphore, #tpu.memory_space<semaphore_mem>>)
      tpu.wait_dma2 semaphore(%run_scoped3A : memref<!tpu.dma_semaphore, #tpu.memory_space<semaphore_mem>>) src(%arg2 : memref<32000xf32, #tpu.memory_space<hbm>>) dst(%arg5 : memref<32000xf32, #tpu.memory_space<vmem>>)
      tpu.yield
    }) : () -> ()
    %dma_start3A = arith.constant 0 : i32
    %dma_start3A_3 = tpu.memref_slice %arg3[%dma_start3A, %mul3A_2] : memref<200x16384xi32, #tpu.memory_space<hbm>> -> memref<40x512xi32, #tpu.memory_space<hbm>>
    %dma_start3A_4 = arith.constant 0 : i32
    %dma_start3A_5 = tpu.memref_slice %arg3[%dma_start3A_4, %mul3A_2] : memref<200x16384xi32, #tpu.memory_space<hbm>> -> memref<40x512xi32, #tpu.memory_space<hbm>>
    tpu.enqueue_dma source(%dma_start3A_5 : memref<40x512xi32, #tpu.memory_space<hbm>>) target(%arg6 : memref<40x512xi32, #tpu.memory_space<vmem>>) target_semaphore(%arg10 : memref<!tpu.dma_semaphore, #tpu.memory_space<semaphore_mem>>)
    %dma_start3A_6 = arith.constant 40 : i32
    %dma_start3A_7 = tpu.memref_slice %arg3[%dma_start3A_6, %mul3A_2] : memref<200x16384xi32, #tpu.memory_space<hbm>> -> memref<40x512xi32, #tpu.memory_space<hbm>>
    %dma_start3A_8 = arith.constant 40 : i32
    %dma_start3A_9 = tpu.memref_slice %arg3[%dma_start3A_8, %mul3A_2] : memref<200x16384xi32, #tpu.memory_space<hbm>> -> memref<40x512xi32, #tpu.memory_space<hbm>>
    tpu.enqueue_dma source(%dma_start3A_9 : memref<40x512xi32, #tpu.memory_space<hbm>>) target(%arg7 : memref<40x512xi32, #tpu.memory_space<vmem>>) target_semaphore(%arg11 : memref<!tpu.dma_semaphore, #tpu.memory_space<semaphore_mem>>)
    %dma_wait3A = arith.constant 0 : i32
    %dma_wait3A_10 = arith.constant 0 : i32
    %dma_wait3A_11 = tpu.memref_slice %arg3[%dma_wait3A, %dma_wait3A_10] : memref<200x16384xi32, #tpu.memory_space<hbm>> -> memref<40x512xi32, #tpu.memory_space<hbm>>
    %dma_wait3A_12 = arith.constant 0 : i32
    %dma_wait3A_13 = arith.constant 0 : i32
    %dma_wait3A_14 = tpu.memref_slice %arg3[%dma_wait3A_12, %dma_wait3A_13] : memref<200x16384xi32, #tpu.memory_space<hbm>> -> memref<40x512xi32, #tpu.memory_space<hbm>>
    tpu.wait_dma2 semaphore(%arg10 : memref<!tpu.dma_semaphore, #tpu.memory_space<semaphore_mem>>) src(%dma_wait3A_14 : memref<40x512xi32, #tpu.memory_space<hbm>>) dst(%arg6 : memref<40x512xi32, #tpu.memory_space<vmem>>)
    %scan3A = arith.constant 0 : i32
    %scan3A_15 = arith.constant 0 : i32
    %scan3A_16 = arith.constant 40 : i32
    %scan3A_17 = arith.addi %scan3A_15, %scan3A_16 : i32
    %scan3A_18 = arith.constant 1 : i32
    %scan3A_19 = scf.for %scan3A_103 = %scan3A_15 to %scan3A_17 step %scan3A_18 iter_args(%scan3A_104 = %scan3A) -> (i32)  : i32 {
      %add3A_105 = arith.constant 0 : i32
      %add3A_106 = arith.addi %add3A_105, %scan3A_103 : i32
      %gt3A = arith.constant 0 : i32
      %gt3A_107 = arith.cmpi sgt, %scan3A_103, %gt3A : i32
      %convert_element_type3A = arith.extui %gt3A_107 : i1 to i32
      %cond3A = arith.constant 0 : i32
      %cond3A_108 = arith.cmpi ne, %convert_element_type3A, %cond3A : i32
      scf.if %cond3A_108 {
        %dma_wait3A_145 = arith.constant 0 : i32
        %dma_wait3A_146 = arith.constant 0 : i32
        %dma_wait3A_147 = arith.constant 0 : i32
        %dma_wait3A_148 = tpu.memref_slice %arg4[%dma_wait3A_145, %dma_wait3A_146, %dma_wait3A_147] : memref<200x32x16384xf32, #tpu.memory_space<hbm>> -> memref<1x32x256xf32, #tpu.memory_space<hbm>>
        %dma_wait3A_149 = tpu.memref_squeeze %dma_wait3A_148 : memref<1x32x256xf32, #tpu.memory_space<hbm>> -> memref<32x256xf32, #tpu.memory_space<hbm>>
        %dma_wait3A_150 = arith.constant 0 : i32
        %dma_wait3A_151 = arith.constant 0 : i32
        %dma_wait3A_152 = tpu.memref_slice %arg4[%dma_wait3A_145, %dma_wait3A_150, %dma_wait3A_151] : memref<200x32x16384xf32, #tpu.memory_space<hbm>> -> memref<1x32x256xf32, #tpu.memory_space<hbm>>
        %dma_wait3A_153 = tpu.memref_squeeze %dma_wait3A_152 : memref<1x32x256xf32, #tpu.memory_space<hbm>> -> memref<32x256xf32, #tpu.memory_space<hbm>>
        tpu.wait_dma2 semaphore(%arg12 : memref<!tpu.dma_semaphore, #tpu.memory_space<semaphore_mem>>) src(%arg8 : memref<32x256xf32, #tpu.memory_space<vmem>>) dst(%dma_wait3A_153 : memref<32x256xf32, #tpu.memory_space<hbm>>)
      } else {
      }
      %scan3A_109 = arith.constant 0 : i32
      %scan3A_110 = arith.constant 0 : i32
      %scan3A_111 = arith.constant 16 : i32
      %scan3A_112 = arith.addi %scan3A_110, %scan3A_111 : i32
      %scan3A_113 = arith.constant 1 : i32
      %scan3A_114 = scf.for %scan3A_145 = %scan3A_110 to %scan3A_112 step %scan3A_113 iter_args(%scan3A_146 = %scan3A_109) -> (i32)  : i32 {
        %mul3A_147 = arith.constant 16 : i32
        %mul3A_148 = arith.muli %scan3A_145, %mul3A_147 : i32
        %add3A_149 = arith.constant 0 : i32
        %add3A_150 = arith.addi %add3A_149, %mul3A_148 : i32
        %multiple_of3A = tpu.assume_multiple %add3A_150, 16 : i32
        %get3A = arith.index_cast %scan3A_103 : i32 to index
        %get3A_151 = arith.index_cast %multiple_of3A : i32 to index
        %get3A_152 = tpu.vector_load %arg6[%get3A, %get3A_151] {strides = array<i32>} : memref<40x512xi32, #tpu.memory_space<vmem>>, vector<16xi32>,
        %add3A_153 = arith.constant 0 : i32
        %add3A_154 = vector.broadcast %add3A_153 : i32 to vector<16xi32>
        %add3A_155 = arith.addi %get3A_152, %add3A_154 : vector<16xi32>
        %gather3A = tpu.vector_load_idx %arg5[%add3A_155] : memref<32000xf32, #tpu.memory_space<vmem>>[vector<16xi32>], vector<16xf32>,
        %add3A_156 = arith.constant 1000 : i32
        %add3A_157 = vector.broadcast %add3A_156 : i32 to vector<16xi32>
        %add3A_158 = arith.addi %get3A_152, %add3A_157 : vector<16xi32>
        %gather3A_159 = tpu.vector_load_idx %arg5[%add3A_158] : memref<32000xf32, #tpu.memory_space<vmem>>[vector<16xi32>], vector<16xf32>,
        %add3A_160 = arith.constant 2000 : i32
        %add3A_161 = vector.broadcast %add3A_160 : i32 to vector<16xi32>
        %add3A_162 = arith.addi %get3A_152, %add3A_161 : vector<16xi32>
        %gather3A_163 = tpu.vector_load_idx %arg5[%add3A_162] : memref<32000xf32, #tpu.memory_space<vmem>>[vector<16xi32>], vector<16xf32>,
        %add3A_164 = arith.constant 3000 : i32
        %add3A_165 = vector.broadcast %add3A_164 : i32 to vector<16xi32>
        %add3A_166 = arith.addi %get3A_152, %add3A_165 : vector<16xi32>
        %gather3A_167 = tpu.vector_load_idx %arg5[%add3A_166] : memref<32000xf32, #tpu.memory_space<vmem>>[vector<16xi32>], vector<16xf32>,
        %add3A_168 = arith.constant 4000 : i32
        %add3A_169 = vector.broadcast %add3A_168 : i32 to vector<16xi32>
        %add3A_170 = arith.addi %get3A_152, %add3A_169 : vector<16xi32>
        %gather3A_171 = tpu.vector_load_idx %arg5[%add3A_170] : memref<32000xf32, #tpu.memory_space<vmem>>[vector<16xi32>], vector<16xf32>,
        %add3A_172 = arith.constant 5000 : i32
        %add3A_173 = vector.broadcast %add3A_172 : i32 to vector<16xi32>
        %add3A_174 = arith.addi %get3A_152, %add3A_173 : vector<16xi32>
        %gather3A_175 = tpu.vector_load_idx %arg5[%add3A_174] : memref<32000xf32, #tpu.memory_space<vmem>>[vector<16xi32>], vector<16xf32>,
        %add3A_176 = arith.constant 6000 : i32
        %add3A_177 = vector.broadcast %add3A_176 : i32 to vector<16xi32>
        %add3A_178 = arith.addi %get3A_152, %add3A_177 : vector<16xi32>
        %gather3A_179 = tpu.vector_load_idx %arg5[%add3A_178] : memref<32000xf32, #tpu.memory_space<vmem>>[vector<16xi32>], vector<16xf32>,
        %add3A_180 = arith.constant 7000 : i32
        %add3A_181 = vector.broadcast %add3A_180 : i32 to vector<16xi32>
        %add3A_182 = arith.addi %get3A_152, %add3A_181 : vector<16xi32>
        %gather3A_183 = tpu.vector_load_idx %arg5[%add3A_182] : memref<32000xf32, #tpu.memory_space<vmem>>[vector<16xi32>], vector<16xf32>,
        %add3A_184 = arith.constant 8000 : i32
        %add3A_185 = vector.broadcast %add3A_184 : i32 to vector<16xi32>
        %add3A_186 = arith.addi %get3A_152, %add3A_185 : vector<16xi32>
        %gather3A_187 = tpu.vector_load_idx %arg5[%add3A_186] : memref<32000xf32, #tpu.memory_space<vmem>>[vector<16xi32>], vector<16xf32>,
        %add3A_188 = arith.constant 9000 : i32
        %add3A_189 = vector.broadcast %add3A_188 : i32 to vector<16xi32>
        %add3A_190 = arith.addi %get3A_152, %add3A_189 : vector<16xi32>
        %gather3A_191 = tpu.vector_load_idx %arg5[%add3A_190] : memref<32000xf32, #tpu.memory_space<vmem>>[vector<16xi32>], vector<16xf32>,
        %add3A_192 = arith.constant 10000 : i32
        %add3A_193 = vector.broadcast %add3A_192 : i32 to vector<16xi32>
        %add3A_194 = arith.addi %get3A_152, %add3A_193 : vector<16xi32>
        %gather3A_195 = tpu.vector_load_idx %arg5[%add3A_194] : memref<32000xf32, #tpu.memory_space<vmem>>[vector<16xi32>], vector<16xf32>,
        %add3A_196 = arith.constant 11000 : i32
        %add3A_197 = vector.broadcast %add3A_196 : i32 to vector<16xi32>
        %add3A_198 = arith.addi %get3A_152, %add3A_197 : vector<16xi32>
        %gather3A_199 = tpu.vector_load_idx %arg5[%add3A_198] : memref<32000xf32, #tpu.memory_space<vmem>>[vector<16xi32>], vector<16xf32>,
        %add3A_200 = arith.constant 12000 : i32
        %add3A_201 = vector.broadcast %add3A_200 : i32 to vector<16xi32>
        %add3A_202 = arith.addi %get3A_152, %add3A_201 : vector<16xi32>
        %gather3A_203 = tpu.vector_load_idx %arg5[%add3A_202] : memref<32000xf32, #tpu.memory_space<vmem>>[vector<16xi32>], vector<16xf32>,
        %add3A_204 = arith.constant 13000 : i32
        %add3A_205 = vector.broadcast %add3A_204 : i32 to vector<16xi32>
        %add3A_206 = arith.addi %get3A_152, %add3A_205 : vector<16xi32>
        %gather3A_207 = tpu.vector_load_idx %arg5[%add3A_206] : memref<32000xf32, #tpu.memory_space<vmem>>[vector<16xi32>], vector<16xf32>,
        %add3A_208 = arith.constant 14000 : i32
        %add3A_209 = vector.broadcast %add3A_208 : i32 to vector<16xi32>
        %add3A_210 = arith.addi %get3A_152, %add3A_209 : vector<16xi32>
        %gather3A_211 = tpu.vector_load_idx %arg5[%add3A_210] : memref<32000xf32, #tpu.memory_space<vmem>>[vector<16xi32>], vector<16xf32>,
        %add3A_212 = arith.constant 15000 : i32
        %add3A_213 = vector.broadcast %add3A_212 : i32 to vector<16xi32>
        %add3A_214 = arith.addi %get3A_152, %add3A_213 : vector<16xi32>
        %gather3A_215 = tpu.vector_load_idx %arg5[%add3A_214] : memref<32000xf32, #tpu.memory_space<vmem>>[vector<16xi32>], vector<16xf32>,
        %add3A_216 = arith.constant 16000 : i32
        %add3A_217 = vector.broadcast %add3A_216 : i32 to vector<16xi32>
        %add3A_218 = arith.addi %get3A_152, %add3A_217 : vector<16xi32>
        %gather3A_219 = tpu.vector_load_idx %arg5[%add3A_218] : memref<32000xf32, #tpu.memory_space<vmem>>[vector<16xi32>], vector<16xf32>,
        %add3A_220 = arith.constant 17000 : i32
        %add3A_221 = vector.broadcast %add3A_220 : i32 to vector<16xi32>
        %add3A_222 = arith.addi %get3A_152, %add3A_221 : vector<16xi32>
        %gather3A_223 = tpu.vector_load_idx %arg5[%add3A_222] : memref<32000xf32, #tpu.memory_space<vmem>>[vector<16xi32>], vector<16xf32>,
        %add3A_224 = arith.constant 18000 : i32
        %add3A_225 = vector.broadcast %add3A_224 : i32 to vector<16xi32>
        %add3A_226 = arith.addi %get3A_152, %add3A_225 : vector<16xi32>
        %gather3A_227 = tpu.vector_load_idx %arg5[%add3A_226] : memref<32000xf32, #tpu.memory_space<vmem>>[vector<16xi32>], vector<16xf32>,
        %add3A_228 = arith.constant 19000 : i32
        %add3A_229 = vector.broadcast %add3A_228 : i32 to vector<16xi32>
        %add3A_230 = arith.addi %get3A_152, %add3A_229 : vector<16xi32>
        %gather3A_231 = tpu.vector_load_idx %arg5[%add3A_230] : memref<32000xf32, #tpu.memory_space<vmem>>[vector<16xi32>], vector<16xf32>,
        %add3A_232 = arith.constant 20000 : i32
        %add3A_233 = vector.broadcast %add3A_232 : i32 to vector<16xi32>
        %add3A_234 = arith.addi %get3A_152, %add3A_233 : vector<16xi32>
        %gather3A_235 = tpu.vector_load_idx %arg5[%add3A_234] : memref<32000xf32, #tpu.memory_space<vmem>>[vector<16xi32>], vector<16xf32>,
        %add3A_236 = arith.constant 21000 : i32
        %add3A_237 = vector.broadcast %add3A_236 : i32 to vector<16xi32>
        %add3A_238 = arith.addi %get3A_152, %add3A_237 : vector<16xi32>
        %gather3A_239 = tpu.vector_load_idx %arg5[%add3A_238] : memref<32000xf32, #tpu.memory_space<vmem>>[vector<16xi32>], vector<16xf32>,
        %add3A_240 = arith.constant 22000 : i32
        %add3A_241 = vector.broadcast %add3A_240 : i32 to vector<16xi32>
        %add3A_242 = arith.addi %get3A_152, %add3A_241 : vector<16xi32>
        %gather3A_243 = tpu.vector_load_idx %arg5[%add3A_242] : memref<32000xf32, #tpu.memory_space<vmem>>[vector<16xi32>], vector<16xf32>,
        %add3A_244 = arith.constant 23000 : i32
        %add3A_245 = vector.broadcast %add3A_244 : i32 to vector<16xi32>
        %add3A_246 = arith.addi %get3A_152, %add3A_245 : vector<16xi32>
        %gather3A_247 = tpu.vector_load_idx %arg5[%add3A_246] : memref<32000xf32, #tpu.memory_space<vmem>>[vector<16xi32>], vector<16xf32>,
        %add3A_248 = arith.constant 24000 : i32
        %add3A_249 = vector.broadcast %add3A_248 : i32 to vector<16xi32>
        %add3A_250 = arith.addi %get3A_152, %add3A_249 : vector<16xi32>
        %gather3A_251 = tpu.vector_load_idx %arg5[%add3A_250] : memref<32000xf32, #tpu.memory_space<vmem>>[vector<16xi32>], vector<16xf32>,
        %add3A_252 = arith.constant 25000 : i32
        %add3A_253 = vector.broadcast %add3A_252 : i32 to vector<16xi32>
        %add3A_254 = arith.addi %get3A_152, %add3A_253 : vector<16xi32>
        %gather3A_255 = tpu.vector_load_idx %arg5[%add3A_254] : memref<32000xf32, #tpu.memory_space<vmem>>[vector<16xi32>], vector<16xf32>,
        %add3A_256 = arith.constant 26000 : i32
        %add3A_257 = vector.broadcast %add3A_256 : i32 to vector<16xi32>
        %add3A_258 = arith.addi %get3A_152, %add3A_257 : vector<16xi32>
        %gather3A_259 = tpu.vector_load_idx %arg5[%add3A_258] : memref<32000xf32, #tpu.memory_space<vmem>>[vector<16xi32>], vector<16xf32>,
        %add3A_260 = arith.constant 27000 : i32
        %add3A_261 = vector.broadcast %add3A_260 : i32 to vector<16xi32>
        %add3A_262 = arith.addi %get3A_152, %add3A_261 : vector<16xi32>
        %gather3A_263 = tpu.vector_load_idx %arg5[%add3A_262] : memref<32000xf32, #tpu.memory_space<vmem>>[vector<16xi32>], vector<16xf32>,
        %add3A_264 = arith.constant 28000 : i32
        %add3A_265 = vector.broadcast %add3A_264 : i32 to vector<16xi32>
        %add3A_266 = arith.addi %get3A_152, %add3A_265 : vector<16xi32>
        %gather3A_267 = tpu.vector_load_idx %arg5[%add3A_266] : memref<32000xf32, #tpu.memory_space<vmem>>[vector<16xi32>], vector<16xf32>,
        %add3A_268 = arith.constant 29000 : i32
        %add3A_269 = vector.broadcast %add3A_268 : i32 to vector<16xi32>
        %add3A_270 = arith.addi %get3A_152, %add3A_269 : vector<16xi32>
        %gather3A_271 = tpu.vector_load_idx %arg5[%add3A_270] : memref<32000xf32, #tpu.memory_space<vmem>>[vector<16xi32>], vector<16xf32>,
        %add3A_272 = arith.constant 30000 : i32
        %add3A_273 = vector.broadcast %add3A_272 : i32 to vector<16xi32>
        %add3A_274 = arith.addi %get3A_152, %add3A_273 : vector<16xi32>
        %gather3A_275 = tpu.vector_load_idx %arg5[%add3A_274] : memref<32000xf32, #tpu.memory_space<vmem>>[vector<16xi32>], vector<16xf32>,
        %add3A_276 = arith.constant 31000 : i32
        %add3A_277 = vector.broadcast %add3A_276 : i32 to vector<16xi32>
        %add3A_278 = arith.addi %get3A_152, %add3A_277 : vector<16xi32>
        %gather3A_279 = tpu.vector_load_idx %arg5[%add3A_278] : memref<32000xf32, #tpu.memory_space<vmem>>[vector<16xi32>], vector<16xf32>,
        %mul3A_280 = arith.constant 16 : i32
        %mul3A_281 = arith.muli %scan3A_145, %mul3A_280 : i32
        %swap3A = arith.constant 0 : i32
        %swap3A_282 = arith.index_cast %swap3A : i32 to index
        %swap3A_283 = arith.index_cast %mul3A_281 : i32 to index
        %swap3A_284 = tpu.vector_load %arg8[%swap3A_282, %swap3A_283] {strides = array<i32>} : memref<32x256xf32, #tpu.memory_space<vmem>>, vector<16xf32>,
        tpu.vector_store %arg8[%swap3A_282, %swap3A_283], %gather3A {strides = array<i32>} : memref<32x256xf32, #tpu.memory_space<vmem>>, vector<16xf32>,
        %mul3A_285 = arith.constant 16 : i32
        %mul3A_286 = arith.muli %scan3A_145, %mul3A_285 : i32
        %swap3A_287 = arith.constant 1 : i32
        %swap3A_288 = arith.index_cast %swap3A_287 : i32 to index
        %swap3A_289 = arith.index_cast %mul3A_286 : i32 to index
        %swap3A_290 = tpu.vector_load %arg8[%swap3A_288, %swap3A_289] {strides = array<i32>} : memref<32x256xf32, #tpu.memory_space<vmem>>, vector<16xf32>,
        tpu.vector_store %arg8[%swap3A_288, %swap3A_289], %gather3A_159 {strides = array<i32>} : memref<32x256xf32, #tpu.memory_space<vmem>>, vector<16xf32>,
        %mul3A_291 = arith.constant 16 : i32
        %mul3A_292 = arith.muli %scan3A_145, %mul3A_291 : i32
        %swap3A_293 = arith.constant 2 : i32
        %swap3A_294 = arith.index_cast %swap3A_293 : i32 to index
        %swap3A_295 = arith.index_cast %mul3A_292 : i32 to index
        %swap3A_296 = tpu.vector_load %arg8[%swap3A_294, %swap3A_295] {strides = array<i32>} : memref<32x256xf32, #tpu.memory_space<vmem>>, vector<16xf32>,
        tpu.vector_store %arg8[%swap3A_294, %swap3A_295], %gather3A_163 {strides = array<i32>} : memref<32x256xf32, #tpu.memory_space<vmem>>, vector<16xf32>,
        %mul3A_297 = arith.constant 16 : i32
        %mul3A_298 = arith.muli %scan3A_145, %mul3A_297 : i32
        %swap3A_299 = arith.constant 3 : i32
        %swap3A_300 = arith.index_cast %swap3A_299 : i32 to index
        %swap3A_301 = arith.index_cast %mul3A_298 : i32 to index
        %swap3A_302 = tpu.vector_load %arg8[%swap3A_300, %swap3A_301] {strides = array<i32>} : memref<32x256xf32, #tpu.memory_space<vmem>>, vector<16xf32>,
        tpu.vector_store %arg8[%swap3A_300, %swap3A_301], %gather3A_167 {strides = array<i32>} : memref<32x256xf32, #tpu.memory_space<vmem>>, vector<16xf32>,
        %mul3A_303 = arith.constant 16 : i32
        %mul3A_304 = arith.muli %scan3A_145, %mul3A_303 : i32
        %swap3A_305 = arith.constant 4 : i32
        %swap3A_306 = arith.index_cast %swap3A_305 : i32 to index
        %swap3A_307 = arith.index_cast %mul3A_304 : i32 to index
        %swap3A_308 = tpu.vector_load %arg8[%swap3A_306, %swap3A_307] {strides = array<i32>} : memref<32x256xf32, #tpu.memory_space<vmem>>, vector<16xf32>,
        tpu.vector_store %arg8[%swap3A_306, %swap3A_307], %gather3A_171 {strides = array<i32>} : memref<32x256xf32, #tpu.memory_space<vmem>>, vector<16xf32>,
        %mul3A_309 = arith.constant 16 : i32
        %mul3A_310 = arith.muli %scan3A_145, %mul3A_309 : i32
        %swap3A_311 = arith.constant 5 : i32
        %swap3A_312 = arith.index_cast %swap3A_311 : i32 to index
        %swap3A_313 = arith.index_cast %mul3A_310 : i32 to index
        %swap3A_314 = tpu.vector_load %arg8[%swap3A_312, %swap3A_313] {strides = array<i32>} : memref<32x256xf32, #tpu.memory_space<vmem>>, vector<16xf32>,
        tpu.vector_store %arg8[%swap3A_312, %swap3A_313], %gather3A_175 {strides = array<i32>} : memref<32x256xf32, #tpu.memory_space<vmem>>, vector<16xf32>,
        %mul3A_315 = arith.constant 16 : i32
        %mul3A_316 = arith.muli %scan3A_145, %mul3A_315 : i32
        %swap3A_317 = arith.constant 6 : i32
        %swap3A_318 = arith.index_cast %swap3A_317 : i32 to index
        %swap3A_319 = arith.index_cast %mul3A_316 : i32 to index
        %swap3A_320 = tpu.vector_load %arg8[%swap3A_318, %swap3A_319] {strides = array<i32>} : memref<32x256xf32, #tpu.memory_space<vmem>>, vector<16xf32>,
        tpu.vector_store %arg8[%swap3A_318, %swap3A_319], %gather3A_179 {strides = array<i32>} : memref<32x256xf32, #tpu.memory_space<vmem>>, vector<16xf32>,
        %mul3A_321 = arith.constant 16 : i32
        %mul3A_322 = arith.muli %scan3A_145, %mul3A_321 : i32
        %swap3A_323 = arith.constant 7 : i32
        %swap3A_324 = arith.index_cast %swap3A_323 : i32 to index
        %swap3A_325 = arith.index_cast %mul3A_322 : i32 to index
        %swap3A_326 = tpu.vector_load %arg8[%swap3A_324, %swap3A_325] {strides = array<i32>} : memref<32x256xf32, #tpu.memory_space<vmem>>, vector<16xf32>,
        tpu.vector_store %arg8[%swap3A_324, %swap3A_325], %gather3A_183 {strides = array<i32>} : memref<32x256xf32, #tpu.memory_space<vmem>>, vector<16xf32>,
        %mul3A_327 = arith.constant 16 : i32
        %mul3A_328 = arith.muli %scan3A_145, %mul3A_327 : i32
        %swap3A_329 = arith.constant 8 : i32
        %swap3A_330 = arith.index_cast %swap3A_329 : i32 to index
        %swap3A_331 = arith.index_cast %mul3A_328 : i32 to index
        %swap3A_332 = tpu.vector_load %arg8[%swap3A_330, %swap3A_331] {strides = array<i32>} : memref<32x256xf32, #tpu.memory_space<vmem>>, vector<16xf32>,
        tpu.vector_store %arg8[%swap3A_330, %swap3A_331], %gather3A_187 {strides = array<i32>} : memref<32x256xf32, #tpu.memory_space<vmem>>, vector<16xf32>,
        %mul3A_333 = arith.constant 16 : i32
        %mul3A_334 = arith.muli %scan3A_145, %mul3A_333 : i32
        %swap3A_335 = arith.constant 9 : i32
        %swap3A_336 = arith.index_cast %swap3A_335 : i32 to index
        %swap3A_337 = arith.index_cast %mul3A_334 : i32 to index
        %swap3A_338 = tpu.vector_load %arg8[%swap3A_336, %swap3A_337] {strides = array<i32>} : memref<32x256xf32, #tpu.memory_space<vmem>>, vector<16xf32>,
        tpu.vector_store %arg8[%swap3A_336, %swap3A_337], %gather3A_191 {strides = array<i32>} : memref<32x256xf32, #tpu.memory_space<vmem>>, vector<16xf32>,
        %mul3A_339 = arith.constant 16 : i32
        %mul3A_340 = arith.muli %scan3A_145, %mul3A_339 : i32
        %swap3A_341 = arith.constant 10 : i32
        %swap3A_342 = arith.index_cast %swap3A_341 : i32 to index
        %swap3A_343 = arith.index_cast %mul3A_340 : i32 to index
        %swap3A_344 = tpu.vector_load %arg8[%swap3A_342, %swap3A_343] {strides = array<i32>} : memref<32x256xf32, #tpu.memory_space<vmem>>, vector<16xf32>,
        tpu.vector_store %arg8[%swap3A_342, %swap3A_343], %gather3A_195 {strides = array<i32>} : memref<32x256xf32, #tpu.memory_space<vmem>>, vector<16xf32>,
        %mul3A_345 = arith.constant 16 : i32
        %mul3A_346 = arith.muli %scan3A_145, %mul3A_345 : i32
        %swap3A_347 = arith.constant 11 : i32
        %swap3A_348 = arith.index_cast %swap3A_347 : i32 to index
        %swap3A_349 = arith.index_cast %mul3A_346 : i32 to index
        %swap3A_350 = tpu.vector_load %arg8[%swap3A_348, %swap3A_349] {strides = array<i32>} : memref<32x256xf32, #tpu.memory_space<vmem>>, vector<16xf32>,
        tpu.vector_store %arg8[%swap3A_348, %swap3A_349], %gather3A_199 {strides = array<i32>} : memref<32x256xf32, #tpu.memory_space<vmem>>, vector<16xf32>,
        %mul3A_351 = arith.constant 16 : i32
        %mul3A_352 = arith.muli %scan3A_145, %mul3A_351 : i32
        %swap3A_353 = arith.constant 12 : i32
        %swap3A_354 = arith.index_cast %swap3A_353 : i32 to index
        %swap3A_355 = arith.index_cast %mul3A_352 : i32 to index
        %swap3A_356 = tpu.vector_load %arg8[%swap3A_354, %swap3A_355] {strides = array<i32>} : memref<32x256xf32, #tpu.memory_space<vmem>>, vector<16xf32>,
        tpu.vector_store %arg8[%swap3A_354, %swap3A_355], %gather3A_203 {strides = array<i32>} : memref<32x256xf32, #tpu.memory_space<vmem>>, vector<16xf32>,
        %mul3A_357 = arith.constant 16 : i32
        %mul3A_358 = arith.muli %scan3A_145, %mul3A_357 : i32
        %swap3A_359 = arith.constant 13 : i32
        %swap3A_360 = arith.index_cast %swap3A_359 : i32 to index
        %swap3A_361 = arith.index_cast %mul3A_358 : i32 to index
        %swap3A_362 = tpu.vector_load %arg8[%swap3A_360, %swap3A_361] {strides = array<i32>} : memref<32x256xf32, #tpu.memory_space<vmem>>, vector<16xf32>,
        tpu.vector_store %arg8[%swap3A_360, %swap3A_361], %gather3A_207 {strides = array<i32>} : memref<32x256xf32, #tpu.memory_space<vmem>>, vector<16xf32>,
        %mul3A_363 = arith.constant 16 : i32
        %mul3A_364 = arith.muli %scan3A_145, %mul3A_363 : i32
        %swap3A_365 = arith.constant 14 : i32
        %swap3A_366 = arith.index_cast %swap3A_365 : i32 to index
        %swap3A_367 = arith.index_cast %mul3A_364 : i32 to index
        %swap3A_368 = tpu.vector_load %arg8[%swap3A_366, %swap3A_367] {strides = array<i32>} : memref<32x256xf32, #tpu.memory_space<vmem>>, vector<16xf32>,
        tpu.vector_store %arg8[%swap3A_366, %swap3A_367], %gather3A_211 {strides = array<i32>} : memref<32x256xf32, #tpu.memory_space<vmem>>, vector<16xf32>,
        %mul3A_369 = arith.constant 16 : i32
        %mul3A_370 = arith.muli %scan3A_145, %mul3A_369 : i32
        %swap3A_371 = arith.constant 15 : i32
        %swap3A_372 = arith.index_cast %swap3A_371 : i32 to index
        %swap3A_373 = arith.index_cast %mul3A_370 : i32 to index
        %swap3A_374 = tpu.vector_load %arg8[%swap3A_372, %swap3A_373] {strides = array<i32>} : memref<32x256xf32, #tpu.memory_space<vmem>>, vector<16xf32>,
        tpu.vector_store %arg8[%swap3A_372, %swap3A_373], %gather3A_215 {strides = array<i32>} : memref<32x256xf32, #tpu.memory_space<vmem>>, vector<16xf32>,
        %mul3A_375 = arith.constant 16 : i32
        %mul3A_376 = arith.muli %scan3A_145, %mul3A_375 : i32
        %swap3A_377 = arith.constant 16 : i32
        %swap3A_378 = arith.index_cast %swap3A_377 : i32 to index
        %swap3A_379 = arith.index_cast %mul3A_376 : i32 to index
        %swap3A_380 = tpu.vector_load %arg8[%swap3A_378, %swap3A_379] {strides = array<i32>} : memref<32x256xf32, #tpu.memory_space<vmem>>, vector<16xf32>,
        tpu.vector_store %arg8[%swap3A_378, %swap3A_379], %gather3A_219 {strides = array<i32>} : memref<32x256xf32, #tpu.memory_space<vmem>>, vector<16xf32>,
        %mul3A_381 = arith.constant 16 : i32
        %mul3A_382 = arith.muli %scan3A_145, %mul3A_381 : i32
        %swap3A_383 = arith.constant 17 : i32
        %swap3A_384 = arith.index_cast %swap3A_383 : i32 to index
        %swap3A_385 = arith.index_cast %mul3A_382 : i32 to index
        %swap3A_386 = tpu.vector_load %arg8[%swap3A_384, %swap3A_385] {strides = array<i32>} : memref<32x256xf32, #tpu.memory_space<vmem>>, vector<16xf32>,
        tpu.vector_store %arg8[%swap3A_384, %swap3A_385], %gather3A_223 {strides = array<i32>} : memref<32x256xf32, #tpu.memory_space<vmem>>, vector<16xf32>,
        %mul3A_387 = arith.constant 16 : i32
        %mul3A_388 = arith.muli %scan3A_145, %mul3A_387 : i32
        %swap3A_389 = arith.constant 18 : i32
        %swap3A_390 = arith.index_cast %swap3A_389 : i32 to index
        %swap3A_391 = arith.index_cast %mul3A_388 : i32 to index
        %swap3A_392 = tpu.vector_load %arg8[%swap3A_390, %swap3A_391] {strides = array<i32>} : memref<32x256xf32, #tpu.memory_space<vmem>>, vector<16xf32>,
        tpu.vector_store %arg8[%swap3A_390, %swap3A_391], %gather3A_227 {strides = array<i32>} : memref<32x256xf32, #tpu.memory_space<vmem>>, vector<16xf32>,
        %mul3A_393 = arith.constant 16 : i32
        %mul3A_394 = arith.muli %scan3A_145, %mul3A_393 : i32
        %swap3A_395 = arith.constant 19 : i32
        %swap3A_396 = arith.index_cast %swap3A_395 : i32 to index
        %swap3A_397 = arith.index_cast %mul3A_394 : i32 to index
        %swap3A_398 = tpu.vector_load %arg8[%swap3A_396, %swap3A_397] {strides = array<i32>} : memref<32x256xf32, #tpu.memory_space<vmem>>, vector<16xf32>,
        tpu.vector_store %arg8[%swap3A_396, %swap3A_397], %gather3A_231 {strides = array<i32>} : memref<32x256xf32, #tpu.memory_space<vmem>>, vector<16xf32>,
        %mul3A_399 = arith.constant 16 : i32
        %mul3A_400 = arith.muli %scan3A_145, %mul3A_399 : i32
        %swap3A_401 = arith.constant 20 : i32
        %swap3A_402 = arith.index_cast %swap3A_401 : i32 to index
        %swap3A_403 = arith.index_cast %mul3A_400 : i32 to index
        %swap3A_404 = tpu.vector_load %arg8[%swap3A_402, %swap3A_403] {strides = array<i32>} : memref<32x256xf32, #tpu.memory_space<vmem>>, vector<16xf32>,
        tpu.vector_store %arg8[%swap3A_402, %swap3A_403], %gather3A_235 {strides = array<i32>} : memref<32x256xf32, #tpu.memory_space<vmem>>, vector<16xf32>,
        %mul3A_405 = arith.constant 16 : i32
        %mul3A_406 = arith.muli %scan3A_145, %mul3A_405 : i32
        %swap3A_407 = arith.constant 21 : i32
        %swap3A_408 = arith.index_cast %swap3A_407 : i32 to index
        %swap3A_409 = arith.index_cast %mul3A_406 : i32 to index
        %swap3A_410 = tpu.vector_load %arg8[%swap3A_408, %swap3A_409] {strides = array<i32>} : memref<32x256xf32, #tpu.memory_space<vmem>>, vector<16xf32>,
        tpu.vector_store %arg8[%swap3A_408, %swap3A_409], %gather3A_239 {strides = array<i32>} : memref<32x256xf32, #tpu.memory_space<vmem>>, vector<16xf32>,
        %mul3A_411 = arith.constant 16 : i32
        %mul3A_412 = arith.muli %scan3A_145, %mul3A_411 : i32
        %swap3A_413 = arith.constant 22 : i32
        %swap3A_414 = arith.index_cast %swap3A_413 : i32 to index
        %swap3A_415 = arith.index_cast %mul3A_412 : i32 to index
        %swap3A_416 = tpu.vector_load %arg8[%swap3A_414, %swap3A_415] {strides = array<i32>} : memref<32x256xf32, #tpu.memory_space<vmem>>, vector<16xf32>,
        tpu.vector_store %arg8[%swap3A_414, %swap3A_415], %gather3A_243 {strides = array<i32>} : memref<32x256xf32, #tpu.memory_space<vmem>>, vector<16xf32>,
        %mul3A_417 = arith.constant 16 : i32
        %mul3A_418 = arith.muli %scan3A_145, %mul3A_417 : i32
        %swap3A_419 = arith.constant 23 : i32
        %swap3A_420 = arith.index_cast %swap3A_419 : i32 to index
        %swap3A_421 = arith.index_cast %mul3A_418 : i32 to index
        %swap3A_422 = tpu.vector_load %arg8[%swap3A_420, %swap3A_421] {strides = array<i32>} : memref<32x256xf32, #tpu.memory_space<vmem>>, vector<16xf32>,
        tpu.vector_store %arg8[%swap3A_420, %swap3A_421], %gather3A_247 {strides = array<i32>} : memref<32x256xf32, #tpu.memory_space<vmem>>, vector<16xf32>,
        %mul3A_423 = arith.constant 16 : i32
        %mul3A_424 = arith.muli %scan3A_145, %mul3A_423 : i32
        %swap3A_425 = arith.constant 24 : i32
        %swap3A_426 = arith.index_cast %swap3A_425 : i32 to index
        %swap3A_427 = arith.index_cast %mul3A_424 : i32 to index
        %swap3A_428 = tpu.vector_load %arg8[%swap3A_426, %swap3A_427] {strides = array<i32>} : memref<32x256xf32, #tpu.memory_space<vmem>>, vector<16xf32>,
        tpu.vector_store %arg8[%swap3A_426, %swap3A_427], %gather3A_251 {strides = array<i32>} : memref<32x256xf32, #tpu.memory_space<vmem>>, vector<16xf32>,
        %mul3A_429 = arith.constant 16 : i32
        %mul3A_430 = arith.muli %scan3A_145, %mul3A_429 : i32
        %swap3A_431 = arith.constant 25 : i32
        %swap3A_432 = arith.index_cast %swap3A_431 : i32 to index
        %swap3A_433 = arith.index_cast %mul3A_430 : i32 to index
        %swap3A_434 = tpu.vector_load %arg8[%swap3A_432, %swap3A_433] {strides = array<i32>} : memref<32x256xf32, #tpu.memory_space<vmem>>, vector<16xf32>,
        tpu.vector_store %arg8[%swap3A_432, %swap3A_433], %gather3A_255 {strides = array<i32>} : memref<32x256xf32, #tpu.memory_space<vmem>>, vector<16xf32>,
        %mul3A_435 = arith.constant 16 : i32
        %mul3A_436 = arith.muli %scan3A_145, %mul3A_435 : i32
        %swap3A_437 = arith.constant 26 : i32
        %swap3A_438 = arith.index_cast %swap3A_437 : i32 to index
        %swap3A_439 = arith.index_cast %mul3A_436 : i32 to index
        %swap3A_440 = tpu.vector_load %arg8[%swap3A_438, %swap3A_439] {strides = array<i32>} : memref<32x256xf32, #tpu.memory_space<vmem>>, vector<16xf32>,
        tpu.vector_store %arg8[%swap3A_438, %swap3A_439], %gather3A_259 {strides = array<i32>} : memref<32x256xf32, #tpu.memory_space<vmem>>, vector<16xf32>,
        %mul3A_441 = arith.constant 16 : i32
        %mul3A_442 = arith.muli %scan3A_145, %mul3A_441 : i32
        %swap3A_443 = arith.constant 27 : i32
        %swap3A_444 = arith.index_cast %swap3A_443 : i32 to index
        %swap3A_445 = arith.index_cast %mul3A_442 : i32 to index
        %swap3A_446 = tpu.vector_load %arg8[%swap3A_444, %swap3A_445] {strides = array<i32>} : memref<32x256xf32, #tpu.memory_space<vmem>>, vector<16xf32>,
        tpu.vector_store %arg8[%swap3A_444, %swap3A_445], %gather3A_263 {strides = array<i32>} : memref<32x256xf32, #tpu.memory_space<vmem>>, vector<16xf32>,
        %mul3A_447 = arith.constant 16 : i32
        %mul3A_448 = arith.muli %scan3A_145, %mul3A_447 : i32
        %swap3A_449 = arith.constant 28 : i32
        %swap3A_450 = arith.index_cast %swap3A_449 : i32 to index
        %swap3A_451 = arith.index_cast %mul3A_448 : i32 to index
        %swap3A_452 = tpu.vector_load %arg8[%swap3A_450, %swap3A_451] {strides = array<i32>} : memref<32x256xf32, #tpu.memory_space<vmem>>, vector<16xf32>,
        tpu.vector_store %arg8[%swap3A_450, %swap3A_451], %gather3A_267 {strides = array<i32>} : memref<32x256xf32, #tpu.memory_space<vmem>>, vector<16xf32>,
        %mul3A_453 = arith.constant 16 : i32
        %mul3A_454 = arith.muli %scan3A_145, %mul3A_453 : i32
        %swap3A_455 = arith.constant 29 : i32
        %swap3A_456 = arith.index_cast %swap3A_455 : i32 to index
        %swap3A_457 = arith.index_cast %mul3A_454 : i32 to index
        %swap3A_458 = tpu.vector_load %arg8[%swap3A_456, %swap3A_457] {strides = array<i32>} : memref<32x256xf32, #tpu.memory_space<vmem>>, vector<16xf32>,
        tpu.vector_store %arg8[%swap3A_456, %swap3A_457], %gather3A_271 {strides = array<i32>} : memref<32x256xf32, #tpu.memory_space<vmem>>, vector<16xf32>,
        %mul3A_459 = arith.constant 16 : i32
        %mul3A_460 = arith.muli %scan3A_145, %mul3A_459 : i32
        %swap3A_461 = arith.constant 30 : i32
        %swap3A_462 = arith.index_cast %swap3A_461 : i32 to index
        %swap3A_463 = arith.index_cast %mul3A_460 : i32 to index
        %swap3A_464 = tpu.vector_load %arg8[%swap3A_462, %swap3A_463] {strides = array<i32>} : memref<32x256xf32, #tpu.memory_space<vmem>>, vector<16xf32>,
        tpu.vector_store %arg8[%swap3A_462, %swap3A_463], %gather3A_275 {strides = array<i32>} : memref<32x256xf32, #tpu.memory_space<vmem>>, vector<16xf32>,
        %mul3A_465 = arith.constant 16 : i32
        %mul3A_466 = arith.muli %scan3A_145, %mul3A_465 : i32
        %swap3A_467 = arith.constant 31 : i32
        %swap3A_468 = arith.index_cast %swap3A_467 : i32 to index
        %swap3A_469 = arith.index_cast %mul3A_466 : i32 to index
        %swap3A_470 = tpu.vector_load %arg8[%swap3A_468, %swap3A_469] {strides = array<i32>} : memref<32x256xf32, #tpu.memory_space<vmem>>, vector<16xf32>,
        tpu.vector_store %arg8[%swap3A_468, %swap3A_469], %gather3A_279 {strides = array<i32>} : memref<32x256xf32, #tpu.memory_space<vmem>>, vector<16xf32>,
        %scan3A_471 = arith.constant 0 : i32
        scf.yield %scan3A_471 : i32
      }
      %scan3A_115 = arith.constant 16 : i32
      %add3A_116 = arith.constant 0 : i32
      %add3A_117 = arith.addi %mul3A_2, %add3A_116 : i32
      %dma_start3A_118 = arith.constant 0 : i32
      %dma_start3A_119 = tpu.memref_slice %arg4[%add3A_106, %dma_start3A_118, %add3A_117] : memref<200x32x16384xf32, #tpu.memory_space<hbm>> -> memref<1x32x256xf32, #tpu.memory_space<hbm>>
      %dma_start3A_120 = tpu.memref_squeeze %dma_start3A_119 : memref<1x32x256xf32, #tpu.memory_space<hbm>> -> memref<32x256xf32, #tpu.memory_space<hbm>>
      %dma_start3A_121 = arith.constant 0 : i32
      %dma_start3A_122 = tpu.memref_slice %arg4[%add3A_106, %dma_start3A_121, %add3A_117] : memref<200x32x16384xf32, #tpu.memory_space<hbm>> -> memref<1x32x256xf32, #tpu.memory_space<hbm>>
      %dma_start3A_123 = tpu.memref_squeeze %dma_start3A_122 : memref<1x32x256xf32, #tpu.memory_space<hbm>> -> memref<32x256xf32, #tpu.memory_space<hbm>>
      tpu.enqueue_dma source(%arg8 : memref<32x256xf32, #tpu.memory_space<vmem>>) target(%dma_start3A_123 : memref<32x256xf32, #tpu.memory_space<hbm>>) target_semaphore(%arg12 : memref<!tpu.dma_semaphore, #tpu.memory_space<semaphore_mem>>)
      %gt3A_124 = arith.constant 0 : i32
      %gt3A_125 = arith.cmpi sgt, %scan3A_103, %gt3A_124 : i32
      %convert_element_type3A_126 = arith.extui %gt3A_125 : i1 to i32
      %cond3A_127 = arith.constant 0 : i32
      %cond3A_128 = arith.cmpi ne, %convert_element_type3A_126, %cond3A_127 : i32
      scf.if %cond3A_128 {
        %dma_wait3A_145 = arith.constant 0 : i32
        %dma_wait3A_146 = arith.constant 0 : i32
        %dma_wait3A_147 = arith.constant 0 : i32
        %dma_wait3A_148 = tpu.memref_slice %arg4[%dma_wait3A_145, %dma_wait3A_146, %dma_wait3A_147] : memref<200x32x16384xf32, #tpu.memory_space<hbm>> -> memref<1x32x256xf32, #tpu.memory_space<hbm>>
        %dma_wait3A_149 = tpu.memref_squeeze %dma_wait3A_148 : memref<1x32x256xf32, #tpu.memory_space<hbm>> -> memref<32x256xf32, #tpu.memory_space<hbm>>
        %dma_wait3A_150 = arith.constant 0 : i32
        %dma_wait3A_151 = arith.constant 0 : i32
        %dma_wait3A_152 = tpu.memref_slice %arg4[%dma_wait3A_145, %dma_wait3A_150, %dma_wait3A_151] : memref<200x32x16384xf32, #tpu.memory_space<hbm>> -> memref<1x32x256xf32, #tpu.memory_space<hbm>>
        %dma_wait3A_153 = tpu.memref_squeeze %dma_wait3A_152 : memref<1x32x256xf32, #tpu.memory_space<hbm>> -> memref<32x256xf32, #tpu.memory_space<hbm>>
        tpu.wait_dma2 semaphore(%arg13 : memref<!tpu.dma_semaphore, #tpu.memory_space<semaphore_mem>>) src(%arg9 : memref<32x256xf32, #tpu.memory_space<vmem>>) dst(%dma_wait3A_153 : memref<32x256xf32, #tpu.memory_space<hbm>>)
      } else {
      }
      %scan3A_129 = arith.constant 0 : i32
      %scan3A_130 = arith.constant 0 : i32
      %scan3A_131 = arith.constant 16 : i32
      %scan3A_132 = arith.addi %scan3A_130, %scan3A_131 : i32
      %scan3A_133 = arith.constant 1 : i32
      %scan3A_134 = scf.for %scan3A_145 = %scan3A_130 to %scan3A_132 step %scan3A_133 iter_args(%scan3A_146 = %scan3A_129) -> (i32)  : i32 {
        %mul3A_147 = arith.constant 16 : i32
        %mul3A_148 = arith.muli %scan3A_145, %mul3A_147 : i32
        %add3A_149 = arith.constant 256 : i32
        %add3A_150 = arith.addi %add3A_149, %mul3A_148 : i32
        %multiple_of3A = tpu.assume_multiple %add3A_150, 16 : i32
        %get3A = arith.index_cast %scan3A_103 : i32 to index
        %get3A_151 = arith.index_cast %multiple_of3A : i32 to index
        %get3A_152 = tpu.vector_load %arg6[%get3A, %get3A_151] {strides = array<i32>} : memref<40x512xi32, #tpu.memory_space<vmem>>, vector<16xi32>,
        %add3A_153 = arith.constant 0 : i32
        %add3A_154 = vector.broadcast %add3A_153 : i32 to vector<16xi32>
        %add3A_155 = arith.addi %get3A_152, %add3A_154 : vector<16xi32>
        %gather3A = tpu.vector_load_idx %arg5[%add3A_155] : memref<32000xf32, #tpu.memory_space<vmem>>[vector<16xi32>], vector<16xf32>,
        %add3A_156 = arith.constant 1000 : i32
        %add3A_157 = vector.broadcast %add3A_156 : i32 to vector<16xi32>
        %add3A_158 = arith.addi %get3A_152, %add3A_157 : vector<16xi32>
        %gather3A_159 = tpu.vector_load_idx %arg5[%add3A_158] : memref<32000xf32, #tpu.memory_space<vmem>>[vector<16xi32>], vector<16xf32>,
        %add3A_160 = arith.constant 2000 : i32
        %add3A_161 = vector.broadcast %add3A_160 : i32 to vector<16xi32>
        %add3A_162 = arith.addi %get3A_152, %add3A_161 : vector<16xi32>
        %gather3A_163 = tpu.vector_load_idx %arg5[%add3A_162] : memref<32000xf32, #tpu.memory_space<vmem>>[vector<16xi32>], vector<16xf32>,
        %add3A_164 = arith.constant 3000 : i32
        %add3A_165 = vector.broadcast %add3A_164 : i32 to vector<16xi32>
        %add3A_166 = arith.addi %get3A_152, %add3A_165 : vector<16xi32>
        %gather3A_167 = tpu.vector_load_idx %arg5[%add3A_166] : memref<32000xf32, #tpu.memory_space<vmem>>[vector<16xi32>], vector<16xf32>,
        %add3A_168 = arith.constant 4000 : i32
        %add3A_169 = vector.broadcast %add3A_168 : i32 to vector<16xi32>
        %add3A_170 = arith.addi %get3A_152, %add3A_169 : vector<16xi32>
        %gather3A_171 = tpu.vector_load_idx %arg5[%add3A_170] : memref<32000xf32, #tpu.memory_space<vmem>>[vector<16xi32>], vector<16xf32>,
        %add3A_172 = arith.constant 5000 : i32
        %add3A_173 = vector.broadcast %add3A_172 : i32 to vector<16xi32>
        %add3A_174 = arith.addi %get3A_152, %add3A_173 : vector<16xi32>
        %gather3A_175 = tpu.vector_load_idx %arg5[%add3A_174] : memref<32000xf32, #tpu.memory_space<vmem>>[vector<16xi32>], vector<16xf32>,
        %add3A_176 = arith.constant 6000 : i32
        %add3A_177 = vector.broadcast %add3A_176 : i32 to vector<16xi32>
        %add3A_178 = arith.addi %get3A_152, %add3A_177 : vector<16xi32>
        %gather3A_179 = tpu.vector_load_idx %arg5[%add3A_178] : memref<32000xf32, #tpu.memory_space<vmem>>[vector<16xi32>], vector<16xf32>,
        %add3A_180 = arith.constant 7000 : i32
        %add3A_181 = vector.broadcast %add3A_180 : i32 to vector<16xi32>
        %add3A_182 = arith.addi %get3A_152, %add3A_181 : vector<16xi32>
        %gather3A_183 = tpu.vector_load_idx %arg5[%add3A_182] : memref<32000xf32, #tpu.memory_space<vmem>>[vector<16xi32>], vector<16xf32>,
        %add3A_184 = arith.constant 8000 : i32
        %add3A_185 = vector.broadcast %add3A_184 : i32 to vector<16xi32>
        %add3A_186 = arith.addi %get3A_152, %add3A_185 : vector<16xi32>
        %gather3A_187 = tpu.vector_load_idx %arg5[%add3A_186] : memref<32000xf32, #tpu.memory_space<vmem>>[vector<16xi32>], vector<16xf32>,
        %add3A_188 = arith.constant 9000 : i32
        %add3A_189 = vector.broadcast %add3A_188 : i32 to vector<16xi32>
        %add3A_190 = arith.addi %get3A_152, %add3A_189 : vector<16xi32>
        %gather3A_191 = tpu.vector_load_idx %arg5[%add3A_190] : memref<32000xf32, #tpu.memory_space<vmem>>[vector<16xi32>], vector<16xf32>,
        %add3A_192 = arith.constant 10000 : i32
        %add3A_193 = vector.broadcast %add3A_192 : i32 to vector<16xi32>
        %add3A_194 = arith.addi %get3A_152, %add3A_193 : vector<16xi32>
        %gather3A_195 = tpu.vector_load_idx %arg5[%add3A_194] : memref<32000xf32, #tpu.memory_space<vmem>>[vector<16xi32>], vector<16xf32>,
        %add3A_196 = arith.constant 11000 : i32
        %add3A_197 = vector.broadcast %add3A_196 : i32 to vector<16xi32>
        %add3A_198 = arith.addi %get3A_152, %add3A_197 : vector<16xi32>
        %gather3A_199 = tpu.vector_load_idx %arg5[%add3A_198] : memref<32000xf32, #tpu.memory_space<vmem>>[vector<16xi32>], vector<16xf32>,
        %add3A_200 = arith.constant 12000 : i32
        %add3A_201 = vector.broadcast %add3A_200 : i32 to vector<16xi32>
        %add3A_202 = arith.addi %get3A_152, %add3A_201 : vector<16xi32>
        %gather3A_203 = tpu.vector_load_idx %arg5[%add3A_202] : memref<32000xf32, #tpu.memory_space<vmem>>[vector<16xi32>], vector<16xf32>,
        %add3A_204 = arith.constant 13000 : i32
        %add3A_205 = vector.broadcast %add3A_204 : i32 to vector<16xi32>
        %add3A_206 = arith.addi %get3A_152, %add3A_205 : vector<16xi32>
        %gather3A_207 = tpu.vector_load_idx %arg5[%add3A_206] : memref<32000xf32, #tpu.memory_space<vmem>>[vector<16xi32>], vector<16xf32>,
        %add3A_208 = arith.constant 14000 : i32
        %add3A_209 = vector.broadcast %add3A_208 : i32 to vector<16xi32>
        %add3A_210 = arith.addi %get3A_152, %add3A_209 : vector<16xi32>
        %gather3A_211 = tpu.vector_load_idx %arg5[%add3A_210] : memref<32000xf32, #tpu.memory_space<vmem>>[vector<16xi32>], vector<16xf32>,
        %add3A_212 = arith.constant 15000 : i32
        %add3A_213 = vector.broadcast %add3A_212 : i32 to vector<16xi32>
        %add3A_214 = arith.addi %get3A_152, %add3A_213 : vector<16xi32>
        %gather3A_215 = tpu.vector_load_idx %arg5[%add3A_214] : memref<32000xf32, #tpu.memory_space<vmem>>[vector<16xi32>], vector<16xf32>,
        %add3A_216 = arith.constant 16000 : i32
        %add3A_217 = vector.broadcast %add3A_216 : i32 to vector<16xi32>
        %add3A_218 = arith.addi %get3A_152, %add3A_217 : vector<16xi32>
        %gather3A_219 = tpu.vector_load_idx %arg5[%add3A_218] : memref<32000xf32, #tpu.memory_space<vmem>>[vector<16xi32>], vector<16xf32>,
        %add3A_220 = arith.constant 17000 : i32
        %add3A_221 = vector.broadcast %add3A_220 : i32 to vector<16xi32>
        %add3A_222 = arith.addi %get3A_152, %add3A_221 : vector<16xi32>
        %gather3A_223 = tpu.vector_load_idx %arg5[%add3A_222] : memref<32000xf32, #tpu.memory_space<vmem>>[vector<16xi32>], vector<16xf32>,
        %add3A_224 = arith.constant 18000 : i32
        %add3A_225 = vector.broadcast %add3A_224 : i32 to vector<16xi32>
        %add3A_226 = arith.addi %get3A_152, %add3A_225 : vector<16xi32>
        %gather3A_227 = tpu.vector_load_idx %arg5[%add3A_226] : memref<32000xf32, #tpu.memory_space<vmem>>[vector<16xi32>], vector<16xf32>,
        %add3A_228 = arith.constant 19000 : i32
        %add3A_229 = vector.broadcast %add3A_228 : i32 to vector<16xi32>
        %add3A_230 = arith.addi %get3A_152, %add3A_229 : vector<16xi32>
        %gather3A_231 = tpu.vector_load_idx %arg5[%add3A_230] : memref<32000xf32, #tpu.memory_space<vmem>>[vector<16xi32>], vector<16xf32>,
        %add3A_232 = arith.constant 20000 : i32
        %add3A_233 = vector.broadcast %add3A_232 : i32 to vector<16xi32>
        %add3A_234 = arith.addi %get3A_152, %add3A_233 : vector<16xi32>
        %gather3A_235 = tpu.vector_load_idx %arg5[%add3A_234] : memref<32000xf32, #tpu.memory_space<vmem>>[vector<16xi32>], vector<16xf32>,
        %add3A_236 = arith.constant 21000 : i32
        %add3A_237 = vector.broadcast %add3A_236 : i32 to vector<16xi32>
        %add3A_238 = arith.addi %get3A_152, %add3A_237 : vector<16xi32>
        %gather3A_239 = tpu.vector_load_idx %arg5[%add3A_238] : memref<32000xf32, #tpu.memory_space<vmem>>[vector<16xi32>], vector<16xf32>,
        %add3A_240 = arith.constant 22000 : i32
        %add3A_241 = vector.broadcast %add3A_240 : i32 to vector<16xi32>
        %add3A_242 = arith.addi %get3A_152, %add3A_241 : vector<16xi32>
        %gather3A_243 = tpu.vector_load_idx %arg5[%add3A_242] : memref<32000xf32, #tpu.memory_space<vmem>>[vector<16xi32>], vector<16xf32>,
        %add3A_244 = arith.constant 23000 : i32
        %add3A_245 = vector.broadcast %add3A_244 : i32 to vector<16xi32>
        %add3A_246 = arith.addi %get3A_152, %add3A_245 : vector<16xi32>
        %gather3A_247 = tpu.vector_load_idx %arg5[%add3A_246] : memref<32000xf32, #tpu.memory_space<vmem>>[vector<16xi32>], vector<16xf32>,
        %add3A_248 = arith.constant 24000 : i32
        %add3A_249 = vector.broadcast %add3A_248 : i32 to vector<16xi32>
        %add3A_250 = arith.addi %get3A_152, %add3A_249 : vector<16xi32>
        %gather3A_251 = tpu.vector_load_idx %arg5[%add3A_250] : memref<32000xf32, #tpu.memory_space<vmem>>[vector<16xi32>], vector<16xf32>,
        %add3A_252 = arith.constant 25000 : i32
        %add3A_253 = vector.broadcast %add3A_252 : i32 to vector<16xi32>
        %add3A_254 = arith.addi %get3A_152, %add3A_253 : vector<16xi32>
        %gather3A_255 = tpu.vector_load_idx %arg5[%add3A_254] : memref<32000xf32, #tpu.memory_space<vmem>>[vector<16xi32>], vector<16xf32>,
        %add3A_256 = arith.constant 26000 : i32
        %add3A_257 = vector.broadcast %add3A_256 : i32 to vector<16xi32>
        %add3A_258 = arith.addi %get3A_152, %add3A_257 : vector<16xi32>
        %gather3A_259 = tpu.vector_load_idx %arg5[%add3A_258] : memref<32000xf32, #tpu.memory_space<vmem>>[vector<16xi32>], vector<16xf32>,
        %add3A_260 = arith.constant 27000 : i32
        %add3A_261 = vector.broadcast %add3A_260 : i32 to vector<16xi32>
        %add3A_262 = arith.addi %get3A_152, %add3A_261 : vector<16xi32>
        %gather3A_263 = tpu.vector_load_idx %arg5[%add3A_262] : memref<32000xf32, #tpu.memory_space<vmem>>[vector<16xi32>], vector<16xf32>,
        %add3A_264 = arith.constant 28000 : i32
        %add3A_265 = vector.broadcast %add3A_264 : i32 to vector<16xi32>
        %add3A_266 = arith.addi %get3A_152, %add3A_265 : vector<16xi32>
        %gather3A_267 = tpu.vector_load_idx %arg5[%add3A_266] : memref<32000xf32, #tpu.memory_space<vmem>>[vector<16xi32>], vector<16xf32>,
        %add3A_268 = arith.constant 29000 : i32
        %add3A_269 = vector.broadcast %add3A_268 : i32 to vector<16xi32>
        %add3A_270 = arith.addi %get3A_152, %add3A_269 : vector<16xi32>
        %gather3A_271 = tpu.vector_load_idx %arg5[%add3A_270] : memref<32000xf32, #tpu.memory_space<vmem>>[vector<16xi32>], vector<16xf32>,
        %add3A_272 = arith.constant 30000 : i32
        %add3A_273 = vector.broadcast %add3A_272 : i32 to vector<16xi32>
        %add3A_274 = arith.addi %get3A_152, %add3A_273 : vector<16xi32>
        %gather3A_275 = tpu.vector_load_idx %arg5[%add3A_274] : memref<32000xf32, #tpu.memory_space<vmem>>[vector<16xi32>], vector<16xf32>,
        %add3A_276 = arith.constant 31000 : i32
        %add3A_277 = vector.broadcast %add3A_276 : i32 to vector<16xi32>
        %add3A_278 = arith.addi %get3A_152, %add3A_277 : vector<16xi32>
        %gather3A_279 = tpu.vector_load_idx %arg5[%add3A_278] : memref<32000xf32, #tpu.memory_space<vmem>>[vector<16xi32>], vector<16xf32>,
        %mul3A_280 = arith.constant 16 : i32
        %mul3A_281 = arith.muli %scan3A_145, %mul3A_280 : i32
        %swap3A = arith.constant 0 : i32
        %swap3A_282 = arith.index_cast %swap3A : i32 to index
        %swap3A_283 = arith.index_cast %mul3A_281 : i32 to index
        %swap3A_284 = tpu.vector_load %arg9[%swap3A_282, %swap3A_283] {strides = array<i32>} : memref<32x256xf32, #tpu.memory_space<vmem>>, vector<16xf32>,
        tpu.vector_store %arg9[%swap3A_282, %swap3A_283], %gather3A {strides = array<i32>} : memref<32x256xf32, #tpu.memory_space<vmem>>, vector<16xf32>,
        %mul3A_285 = arith.constant 16 : i32
        %mul3A_286 = arith.muli %scan3A_145, %mul3A_285 : i32
        %swap3A_287 = arith.constant 1 : i32
        %swap3A_288 = arith.index_cast %swap3A_287 : i32 to index
        %swap3A_289 = arith.index_cast %mul3A_286 : i32 to index
        %swap3A_290 = tpu.vector_load %arg9[%swap3A_288, %swap3A_289] {strides = array<i32>} : memref<32x256xf32, #tpu.memory_space<vmem>>, vector<16xf32>,
        tpu.vector_store %arg9[%swap3A_288, %swap3A_289], %gather3A_159 {strides = array<i32>} : memref<32x256xf32, #tpu.memory_space<vmem>>, vector<16xf32>,
        %mul3A_291 = arith.constant 16 : i32
        %mul3A_292 = arith.muli %scan3A_145, %mul3A_291 : i32
        %swap3A_293 = arith.constant 2 : i32
        %swap3A_294 = arith.index_cast %swap3A_293 : i32 to index
        %swap3A_295 = arith.index_cast %mul3A_292 : i32 to index
        %swap3A_296 = tpu.vector_load %arg9[%swap3A_294, %swap3A_295] {strides = array<i32>} : memref<32x256xf32, #tpu.memory_space<vmem>>, vector<16xf32>,
        tpu.vector_store %arg9[%swap3A_294, %swap3A_295], %gather3A_163 {strides = array<i32>} : memref<32x256xf32, #tpu.memory_space<vmem>>, vector<16xf32>,
        %mul3A_297 = arith.constant 16 : i32
        %mul3A_298 = arith.muli %scan3A_145, %mul3A_297 : i32
        %swap3A_299 = arith.constant 3 : i32
        %swap3A_300 = arith.index_cast %swap3A_299 : i32 to index
        %swap3A_301 = arith.index_cast %mul3A_298 : i32 to index
        %swap3A_302 = tpu.vector_load %arg9[%swap3A_300, %swap3A_301] {strides = array<i32>} : memref<32x256xf32, #tpu.memory_space<vmem>>, vector<16xf32>,
        tpu.vector_store %arg9[%swap3A_300, %swap3A_301], %gather3A_167 {strides = array<i32>} : memref<32x256xf32, #tpu.memory_space<vmem>>, vector<16xf32>,
        %mul3A_303 = arith.constant 16 : i32
        %mul3A_304 = arith.muli %scan3A_145, %mul3A_303 : i32
        %swap3A_305 = arith.constant 4 : i32
        %swap3A_306 = arith.index_cast %swap3A_305 : i32 to index
        %swap3A_307 = arith.index_cast %mul3A_304 : i32 to index
        %swap3A_308 = tpu.vector_load %arg9[%swap3A_306, %swap3A_307] {strides = array<i32>} : memref<32x256xf32, #tpu.memory_space<vmem>>, vector<16xf32>,
        tpu.vector_store %arg9[%swap3A_306, %swap3A_307], %gather3A_171 {strides = array<i32>} : memref<32x256xf32, #tpu.memory_space<vmem>>, vector<16xf32>,
        %mul3A_309 = arith.constant 16 : i32
        %mul3A_310 = arith.muli %scan3A_145, %mul3A_309 : i32
        %swap3A_311 = arith.constant 5 : i32
        %swap3A_312 = arith.index_cast %swap3A_311 : i32 to index
        %swap3A_313 = arith.index_cast %mul3A_310 : i32 to index
        %swap3A_314 = tpu.vector_load %arg9[%swap3A_312, %swap3A_313] {strides = array<i32>} : memref<32x256xf32, #tpu.memory_space<vmem>>, vector<16xf32>,
        tpu.vector_store %arg9[%swap3A_312, %swap3A_313], %gather3A_175 {strides = array<i32>} : memref<32x256xf32, #tpu.memory_space<vmem>>, vector<16xf32>,
        %mul3A_315 = arith.constant 16 : i32
        %mul3A_316 = arith.muli %scan3A_145, %mul3A_315 : i32
        %swap3A_317 = arith.constant 6 : i32
        %swap3A_318 = arith.index_cast %swap3A_317 : i32 to index
        %swap3A_319 = arith.index_cast %mul3A_316 : i32 to index
        %swap3A_320 = tpu.vector_load %arg9[%swap3A_318, %swap3A_319] {strides = array<i32>} : memref<32x256xf32, #tpu.memory_space<vmem>>, vector<16xf32>,
        tpu.vector_store %arg9[%swap3A_318, %swap3A_319], %gather3A_179 {strides = array<i32>} : memref<32x256xf32, #tpu.memory_space<vmem>>, vector<16xf32>,
        %mul3A_321 = arith.constant 16 : i32
        %mul3A_322 = arith.muli %scan3A_145, %mul3A_321 : i32
        %swap3A_323 = arith.constant 7 : i32
        %swap3A_324 = arith.index_cast %swap3A_323 : i32 to index
        %swap3A_325 = arith.index_cast %mul3A_322 : i32 to index
        %swap3A_326 = tpu.vector_load %arg9[%swap3A_324, %swap3A_325] {strides = array<i32>} : memref<32x256xf32, #tpu.memory_space<vmem>>, vector<16xf32>,
        tpu.vector_store %arg9[%swap3A_324, %swap3A_325], %gather3A_183 {strides = array<i32>} : memref<32x256xf32, #tpu.memory_space<vmem>>, vector<16xf32>,
        %mul3A_327 = arith.constant 16 : i32
        %mul3A_328 = arith.muli %scan3A_145, %mul3A_327 : i32
        %swap3A_329 = arith.constant 8 : i32
        %swap3A_330 = arith.index_cast %swap3A_329 : i32 to index
        %swap3A_331 = arith.index_cast %mul3A_328 : i32 to index
        %swap3A_332 = tpu.vector_load %arg9[%swap3A_330, %swap3A_331] {strides = array<i32>} : memref<32x256xf32, #tpu.memory_space<vmem>>, vector<16xf32>,
        tpu.vector_store %arg9[%swap3A_330, %swap3A_331], %gather3A_187 {strides = array<i32>} : memref<32x256xf32, #tpu.memory_space<vmem>>, vector<16xf32>,
        %mul3A_333 = arith.constant 16 : i32
        %mul3A_334 = arith.muli %scan3A_145, %mul3A_333 : i32
        %swap3A_335 = arith.constant 9 : i32
        %swap3A_336 = arith.index_cast %swap3A_335 : i32 to index
        %swap3A_337 = arith.index_cast %mul3A_334 : i32 to index
        %swap3A_338 = tpu.vector_load %arg9[%swap3A_336, %swap3A_337] {strides = array<i32>} : memref<32x256xf32, #tpu.memory_space<vmem>>, vector<16xf32>,
        tpu.vector_store %arg9[%swap3A_336, %swap3A_337], %gather3A_191 {strides = array<i32>} : memref<32x256xf32, #tpu.memory_space<vmem>>, vector<16xf32>,
        %mul3A_339 = arith.constant 16 : i32
        %mul3A_340 = arith.muli %scan3A_145, %mul3A_339 : i32
        %swap3A_341 = arith.constant 10 : i32
        %swap3A_342 = arith.index_cast %swap3A_341 : i32 to index
        %swap3A_343 = arith.index_cast %mul3A_340 : i32 to index
        %swap3A_344 = tpu.vector_load %arg9[%swap3A_342, %swap3A_343] {strides = array<i32>} : memref<32x256xf32, #tpu.memory_space<vmem>>, vector<16xf32>,
        tpu.vector_store %arg9[%swap3A_342, %swap3A_343], %gather3A_195 {strides = array<i32>} : memref<32x256xf32, #tpu.memory_space<vmem>>, vector<16xf32>,
        %mul3A_345 = arith.constant 16 : i32
        %mul3A_346 = arith.muli %scan3A_145, %mul3A_345 : i32
        %swap3A_347 = arith.constant 11 : i32
        %swap3A_348 = arith.index_cast %swap3A_347 : i32 to index
        %swap3A_349 = arith.index_cast %mul3A_346 : i32 to index
        %swap3A_350 = tpu.vector_load %arg9[%swap3A_348, %swap3A_349] {strides = array<i32>} : memref<32x256xf32, #tpu.memory_space<vmem>>, vector<16xf32>,
        tpu.vector_store %arg9[%swap3A_348, %swap3A_349], %gather3A_199 {strides = array<i32>} : memref<32x256xf32, #tpu.memory_space<vmem>>, vector<16xf32>,
        %mul3A_351 = arith.constant 16 : i32
        %mul3A_352 = arith.muli %scan3A_145, %mul3A_351 : i32
        %swap3A_353 = arith.constant 12 : i32
        %swap3A_354 = arith.index_cast %swap3A_353 : i32 to index
        %swap3A_355 = arith.index_cast %mul3A_352 : i32 to index
        %swap3A_356 = tpu.vector_load %arg9[%swap3A_354, %swap3A_355] {strides = array<i32>} : memref<32x256xf32, #tpu.memory_space<vmem>>, vector<16xf32>,
        tpu.vector_store %arg9[%swap3A_354, %swap3A_355], %gather3A_203 {strides = array<i32>} : memref<32x256xf32, #tpu.memory_space<vmem>>, vector<16xf32>,
        %mul3A_357 = arith.constant 16 : i32
        %mul3A_358 = arith.muli %scan3A_145, %mul3A_357 : i32
        %swap3A_359 = arith.constant 13 : i32
        %swap3A_360 = arith.index_cast %swap3A_359 : i32 to index
        %swap3A_361 = arith.index_cast %mul3A_358 : i32 to index
        %swap3A_362 = tpu.vector_load %arg9[%swap3A_360, %swap3A_361] {strides = array<i32>} : memref<32x256xf32, #tpu.memory_space<vmem>>, vector<16xf32>,
        tpu.vector_store %arg9[%swap3A_360, %swap3A_361], %gather3A_207 {strides = array<i32>} : memref<32x256xf32, #tpu.memory_space<vmem>>, vector<16xf32>,
        %mul3A_363 = arith.constant 16 : i32
        %mul3A_364 = arith.muli %scan3A_145, %mul3A_363 : i32
        %swap3A_365 = arith.constant 14 : i32
        %swap3A_366 = arith.index_cast %swap3A_365 : i32 to index
        %swap3A_367 = arith.index_cast %mul3A_364 : i32 to index
        %swap3A_368 = tpu.vector_load %arg9[%swap3A_366, %swap3A_367] {strides = array<i32>} : memref<32x256xf32, #tpu.memory_space<vmem>>, vector<16xf32>,
        tpu.vector_store %arg9[%swap3A_366, %swap3A_367], %gather3A_211 {strides = array<i32>} : memref<32x256xf32, #tpu.memory_space<vmem>>, vector<16xf32>,
        %mul3A_369 = arith.constant 16 : i32
        %mul3A_370 = arith.muli %scan3A_145, %mul3A_369 : i32
        %swap3A_371 = arith.constant 15 : i32
        %swap3A_372 = arith.index_cast %swap3A_371 : i32 to index
        %swap3A_373 = arith.index_cast %mul3A_370 : i32 to index
        %swap3A_374 = tpu.vector_load %arg9[%swap3A_372, %swap3A_373] {strides = array<i32>} : memref<32x256xf32, #tpu.memory_space<vmem>>, vector<16xf32>,
        tpu.vector_store %arg9[%swap3A_372, %swap3A_373], %gather3A_215 {strides = array<i32>} : memref<32x256xf32, #tpu.memory_space<vmem>>, vector<16xf32>,
        %mul3A_375 = arith.constant 16 : i32
        %mul3A_376 = arith.muli %scan3A_145, %mul3A_375 : i32
        %swap3A_377 = arith.constant 16 : i32
        %swap3A_378 = arith.index_cast %swap3A_377 : i32 to index
        %swap3A_379 = arith.index_cast %mul3A_376 : i32 to index
        %swap3A_380 = tpu.vector_load %arg9[%swap3A_378, %swap3A_379] {strides = array<i32>} : memref<32x256xf32, #tpu.memory_space<vmem>>, vector<16xf32>,
        tpu.vector_store %arg9[%swap3A_378, %swap3A_379], %gather3A_219 {strides = array<i32>} : memref<32x256xf32, #tpu.memory_space<vmem>>, vector<16xf32>,
        %mul3A_381 = arith.constant 16 : i32
        %mul3A_382 = arith.muli %scan3A_145, %mul3A_381 : i32
        %swap3A_383 = arith.constant 17 : i32
        %swap3A_384 = arith.index_cast %swap3A_383 : i32 to index
        %swap3A_385 = arith.index_cast %mul3A_382 : i32 to index
        %swap3A_386 = tpu.vector_load %arg9[%swap3A_384, %swap3A_385] {strides = array<i32>} : memref<32x256xf32, #tpu.memory_space<vmem>>, vector<16xf32>,
        tpu.vector_store %arg9[%swap3A_384, %swap3A_385], %gather3A_223 {strides = array<i32>} : memref<32x256xf32, #tpu.memory_space<vmem>>, vector<16xf32>,
        %mul3A_387 = arith.constant 16 : i32
        %mul3A_388 = arith.muli %scan3A_145, %mul3A_387 : i32
        %swap3A_389 = arith.constant 18 : i32
        %swap3A_390 = arith.index_cast %swap3A_389 : i32 to index
        %swap3A_391 = arith.index_cast %mul3A_388 : i32 to index
        %swap3A_392 = tpu.vector_load %arg9[%swap3A_390, %swap3A_391] {strides = array<i32>} : memref<32x256xf32, #tpu.memory_space<vmem>>, vector<16xf32>,
        tpu.vector_store %arg9[%swap3A_390, %swap3A_391], %gather3A_227 {strides = array<i32>} : memref<32x256xf32, #tpu.memory_space<vmem>>, vector<16xf32>,
        %mul3A_393 = arith.constant 16 : i32
        %mul3A_394 = arith.muli %scan3A_145, %mul3A_393 : i32
        %swap3A_395 = arith.constant 19 : i32
        %swap3A_396 = arith.index_cast %swap3A_395 : i32 to index
        %swap3A_397 = arith.index_cast %mul3A_394 : i32 to index
        %swap3A_398 = tpu.vector_load %arg9[%swap3A_396, %swap3A_397] {strides = array<i32>} : memref<32x256xf32, #tpu.memory_space<vmem>>, vector<16xf32>,
        tpu.vector_store %arg9[%swap3A_396, %swap3A_397], %gather3A_231 {strides = array<i32>} : memref<32x256xf32, #tpu.memory_space<vmem>>, vector<16xf32>,
        %mul3A_399 = arith.constant 16 : i32
        %mul3A_400 = arith.muli %scan3A_145, %mul3A_399 : i32
        %swap3A_401 = arith.constant 20 : i32
        %swap3A_402 = arith.index_cast %swap3A_401 : i32 to index
        %swap3A_403 = arith.index_cast %mul3A_400 : i32 to index
        %swap3A_404 = tpu.vector_load %arg9[%swap3A_402, %swap3A_403] {strides = array<i32>} : memref<32x256xf32, #tpu.memory_space<vmem>>, vector<16xf32>,
        tpu.vector_store %arg9[%swap3A_402, %swap3A_403], %gather3A_235 {strides = array<i32>} : memref<32x256xf32, #tpu.memory_space<vmem>>, vector<16xf32>,
        %mul3A_405 = arith.constant 16 : i32
        %mul3A_406 = arith.muli %scan3A_145, %mul3A_405 : i32
        %swap3A_407 = arith.constant 21 : i32
        %swap3A_408 = arith.index_cast %swap3A_407 : i32 to index
        %swap3A_409 = arith.index_cast %mul3A_406 : i32 to index
        %swap3A_410 = tpu.vector_load %arg9[%swap3A_408, %swap3A_409] {strides = array<i32>} : memref<32x256xf32, #tpu.memory_space<vmem>>, vector<16xf32>,
        tpu.vector_store %arg9[%swap3A_408, %swap3A_409], %gather3A_239 {strides = array<i32>} : memref<32x256xf32, #tpu.memory_space<vmem>>, vector<16xf32>,
        %mul3A_411 = arith.constant 16 : i32
        %mul3A_412 = arith.muli %scan3A_145, %mul3A_411 : i32
        %swap3A_413 = arith.constant 22 : i32
        %swap3A_414 = arith.index_cast %swap3A_413 : i32 to index
        %swap3A_415 = arith.index_cast %mul3A_412 : i32 to index
        %swap3A_416 = tpu.vector_load %arg9[%swap3A_414, %swap3A_415] {strides = array<i32>} : memref<32x256xf32, #tpu.memory_space<vmem>>, vector<16xf32>,
        tpu.vector_store %arg9[%swap3A_414, %swap3A_415], %gather3A_243 {strides = array<i32>} : memref<32x256xf32, #tpu.memory_space<vmem>>, vector<16xf32>,
        %mul3A_417 = arith.constant 16 : i32
        %mul3A_418 = arith.muli %scan3A_145, %mul3A_417 : i32
        %swap3A_419 = arith.constant 23 : i32
        %swap3A_420 = arith.index_cast %swap3A_419 : i32 to index
        %swap3A_421 = arith.index_cast %mul3A_418 : i32 to index
        %swap3A_422 = tpu.vector_load %arg9[%swap3A_420, %swap3A_421] {strides = array<i32>} : memref<32x256xf32, #tpu.memory_space<vmem>>, vector<16xf32>,
        tpu.vector_store %arg9[%swap3A_420, %swap3A_421], %gather3A_247 {strides = array<i32>} : memref<32x256xf32, #tpu.memory_space<vmem>>, vector<16xf32>,
        %mul3A_423 = arith.constant 16 : i32
        %mul3A_424 = arith.muli %scan3A_145, %mul3A_423 : i32
        %swap3A_425 = arith.constant 24 : i32
        %swap3A_426 = arith.index_cast %swap3A_425 : i32 to index
        %swap3A_427 = arith.index_cast %mul3A_424 : i32 to index
        %swap3A_428 = tpu.vector_load %arg9[%swap3A_426, %swap3A_427] {strides = array<i32>} : memref<32x256xf32, #tpu.memory_space<vmem>>, vector<16xf32>,
        tpu.vector_store %arg9[%swap3A_426, %swap3A_427], %gather3A_251 {strides = array<i32>} : memref<32x256xf32, #tpu.memory_space<vmem>>, vector<16xf32>,
        %mul3A_429 = arith.constant 16 : i32
        %mul3A_430 = arith.muli %scan3A_145, %mul3A_429 : i32
        %swap3A_431 = arith.constant 25 : i32
        %swap3A_432 = arith.index_cast %swap3A_431 : i32 to index
        %swap3A_433 = arith.index_cast %mul3A_430 : i32 to index
        %swap3A_434 = tpu.vector_load %arg9[%swap3A_432, %swap3A_433] {strides = array<i32>} : memref<32x256xf32, #tpu.memory_space<vmem>>, vector<16xf32>,
        tpu.vector_store %arg9[%swap3A_432, %swap3A_433], %gather3A_255 {strides = array<i32>} : memref<32x256xf32, #tpu.memory_space<vmem>>, vector<16xf32>,
        %mul3A_435 = arith.constant 16 : i32
        %mul3A_436 = arith.muli %scan3A_145, %mul3A_435 : i32
        %swap3A_437 = arith.constant 26 : i32
        %swap3A_438 = arith.index_cast %swap3A_437 : i32 to index
        %swap3A_439 = arith.index_cast %mul3A_436 : i32 to index
        %swap3A_440 = tpu.vector_load %arg9[%swap3A_438, %swap3A_439] {strides = array<i32>} : memref<32x256xf32, #tpu.memory_space<vmem>>, vector<16xf32>,
        tpu.vector_store %arg9[%swap3A_438, %swap3A_439], %gather3A_259 {strides = array<i32>} : memref<32x256xf32, #tpu.memory_space<vmem>>, vector<16xf32>,
        %mul3A_441 = arith.constant 16 : i32
        %mul3A_442 = arith.muli %scan3A_145, %mul3A_441 : i32
        %swap3A_443 = arith.constant 27 : i32
        %swap3A_444 = arith.index_cast %swap3A_443 : i32 to index
        %swap3A_445 = arith.index_cast %mul3A_442 : i32 to index
        %swap3A_446 = tpu.vector_load %arg9[%swap3A_444, %swap3A_445] {strides = array<i32>} : memref<32x256xf32, #tpu.memory_space<vmem>>, vector<16xf32>,
        tpu.vector_store %arg9[%swap3A_444, %swap3A_445], %gather3A_263 {strides = array<i32>} : memref<32x256xf32, #tpu.memory_space<vmem>>, vector<16xf32>,
        %mul3A_447 = arith.constant 16 : i32
        %mul3A_448 = arith.muli %scan3A_145, %mul3A_447 : i32
        %swap3A_449 = arith.constant 28 : i32
        %swap3A_450 = arith.index_cast %swap3A_449 : i32 to index
        %swap3A_451 = arith.index_cast %mul3A_448 : i32 to index
        %swap3A_452 = tpu.vector_load %arg9[%swap3A_450, %swap3A_451] {strides = array<i32>} : memref<32x256xf32, #tpu.memory_space<vmem>>, vector<16xf32>,
        tpu.vector_store %arg9[%swap3A_450, %swap3A_451], %gather3A_267 {strides = array<i32>} : memref<32x256xf32, #tpu.memory_space<vmem>>, vector<16xf32>,
        %mul3A_453 = arith.constant 16 : i32
        %mul3A_454 = arith.muli %scan3A_145, %mul3A_453 : i32
        %swap3A_455 = arith.constant 29 : i32
        %swap3A_456 = arith.index_cast %swap3A_455 : i32 to index
        %swap3A_457 = arith.index_cast %mul3A_454 : i32 to index
        %swap3A_458 = tpu.vector_load %arg9[%swap3A_456, %swap3A_457] {strides = array<i32>} : memref<32x256xf32, #tpu.memory_space<vmem>>, vector<16xf32>,
        tpu.vector_store %arg9[%swap3A_456, %swap3A_457], %gather3A_271 {strides = array<i32>} : memref<32x256xf32, #tpu.memory_space<vmem>>, vector<16xf32>,
        %mul3A_459 = arith.constant 16 : i32
        %mul3A_460 = arith.muli %scan3A_145, %mul3A_459 : i32
        %swap3A_461 = arith.constant 30 : i32
        %swap3A_462 = arith.index_cast %swap3A_461 : i32 to index
        %swap3A_463 = arith.index_cast %mul3A_460 : i32 to index
        %swap3A_464 = tpu.vector_load %arg9[%swap3A_462, %swap3A_463] {strides = array<i32>} : memref<32x256xf32, #tpu.memory_space<vmem>>, vector<16xf32>,
        tpu.vector_store %arg9[%swap3A_462, %swap3A_463], %gather3A_275 {strides = array<i32>} : memref<32x256xf32, #tpu.memory_space<vmem>>, vector<16xf32>,
        %mul3A_465 = arith.constant 16 : i32
        %mul3A_466 = arith.muli %scan3A_145, %mul3A_465 : i32
        %swap3A_467 = arith.constant 31 : i32
        %swap3A_468 = arith.index_cast %swap3A_467 : i32 to index
        %swap3A_469 = arith.index_cast %mul3A_466 : i32 to index
        %swap3A_470 = tpu.vector_load %arg9[%swap3A_468, %swap3A_469] {strides = array<i32>} : memref<32x256xf32, #tpu.memory_space<vmem>>, vector<16xf32>,
        tpu.vector_store %arg9[%swap3A_468, %swap3A_469], %gather3A_279 {strides = array<i32>} : memref<32x256xf32, #tpu.memory_space<vmem>>, vector<16xf32>,
        %scan3A_471 = arith.constant 0 : i32
        scf.yield %scan3A_471 : i32
      }
      %scan3A_135 = arith.constant 16 : i32
      %add3A_136 = arith.constant 256 : i32
      %add3A_137 = arith.addi %mul3A_2, %add3A_136 : i32
      %dma_start3A_138 = arith.constant 0 : i32
      %dma_start3A_139 = tpu.memref_slice %arg4[%add3A_106, %dma_start3A_138, %add3A_137] : memref<200x32x16384xf32, #tpu.memory_space<hbm>> -> memref<1x32x256xf32, #tpu.memory_space<hbm>>
      %dma_start3A_140 = tpu.memref_squeeze %dma_start3A_139 : memref<1x32x256xf32, #tpu.memory_space<hbm>> -> memref<32x256xf32, #tpu.memory_space<hbm>>
      %dma_start3A_141 = arith.constant 0 : i32
      %dma_start3A_142 = tpu.memref_slice %arg4[%add3A_106, %dma_start3A_141, %add3A_137] : memref<200x32x16384xf32, #tpu.memory_space<hbm>> -> memref<1x32x256xf32, #tpu.memory_space<hbm>>
      %dma_start3A_143 = tpu.memref_squeeze %dma_start3A_142 : memref<1x32x256xf32, #tpu.memory_space<hbm>> -> memref<32x256xf32, #tpu.memory_space<hbm>>
      tpu.enqueue_dma source(%arg9 : memref<32x256xf32, #tpu.memory_space<vmem>>) target(%dma_start3A_143 : memref<32x256xf32, #tpu.memory_space<hbm>>) target_semaphore(%arg13 : memref<!tpu.dma_semaphore, #tpu.memory_space<semaphore_mem>>)
      %scan3A_144 = arith.constant 0 : i32
      scf.yield %scan3A_144 : i32
    }
    %scan3A_20 = arith.constant 40 : i32
    %dma_start3A_21 = arith.constant 80 : i32
    %dma_start3A_22 = tpu.memref_slice %arg3[%dma_start3A_21, %mul3A_2] : memref<200x16384xi32, #tpu.memory_space<hbm>> -> memref<40x512xi32, #tpu.memory_space<hbm>>
    %dma_start3A_23 = arith.constant 80 : i32
    %dma_start3A_24 = tpu.memref_slice %arg3[%dma_start3A_23, %mul3A_2] : memref<200x16384xi32, #tpu.memory_space<hbm>> -> memref<40x512xi32, #tpu.memory_space<hbm>>
    tpu.enqueue_dma source(%dma_start3A_24 : memref<40x512xi32, #tpu.memory_space<hbm>>) target(%arg6 : memref<40x512xi32, #tpu.memory_space<vmem>>) target_semaphore(%arg10 : memref<!tpu.dma_semaphore, #tpu.memory_space<semaphore_mem>>)
    %dma_wait3A_25 = arith.constant 0 : i32
    %dma_wait3A_26 = arith.constant 0 : i32
    %dma_wait3A_27 = tpu.memref_slice %arg3[%dma_wait3A_25, %dma_wait3A_26] : memref<200x16384xi32, #tpu.memory_space<hbm>> -> memref<40x512xi32, #tpu.memory_space<hbm>>
    %dma_wait3A_28 = arith.constant 0 : i32
    %dma_wait3A_29 = arith.constant 0 : i32
    %dma_wait3A_30 = tpu.memref_slice %arg3[%dma_wait3A_28, %dma_wait3A_29] : memref<200x16384xi32, #tpu.memory_space<hbm>> -> memref<40x512xi32, #tpu.memory_space<hbm>>
    tpu.wait_dma2 semaphore(%arg11 : memref<!tpu.dma_semaphore, #tpu.memory_space<semaphore_mem>>) src(%dma_wait3A_30 : memref<40x512xi32, #tpu.memory_space<hbm>>) dst(%arg7 : memref<40x512xi32, #tpu.memory_space<vmem>>)
    %scan3A_31 = arith.constant 0 : i32
    %scan3A_32 = arith.constant 0 : i32
    %scan3A_33 = arith.constant 40 : i32
    %scan3A_34 = arith.addi %scan3A_32, %scan3A_33 : i32
    %scan3A_35 = arith.constant 1 : i32
    %scan3A_36 = scf.for %scan3A_103 = %scan3A_32 to %scan3A_34 step %scan3A_35 iter_args(%scan3A_104 = %scan3A_31) -> (i32)  : i32 {
      %add3A_105 = arith.constant 40 : i32
      %add3A_106 = arith.addi %add3A_105, %scan3A_103 : i32
      %dma_wait3A_107 = arith.constant 0 : i32
      %dma_wait3A_108 = arith.constant 0 : i32
      %dma_wait3A_109 = arith.constant 0 : i32
      %dma_wait3A_110 = tpu.memref_slice %arg4[%dma_wait3A_107, %dma_wait3A_108, %dma_wait3A_109] : memref<200x32x16384xf32, #tpu.memory_space<hbm>> -> memref<1x32x256xf32, #tpu.memory_space<hbm>>
      %dma_wait3A_111 = tpu.memref_squeeze %dma_wait3A_110 : memref<1x32x256xf32, #tpu.memory_space<hbm>> -> memref<32x256xf32, #tpu.memory_space<hbm>>
      %dma_wait3A_112 = arith.constant 0 : i32
      %dma_wait3A_113 = arith.constant 0 : i32
      %dma_wait3A_114 = tpu.memref_slice %arg4[%dma_wait3A_107, %dma_wait3A_112, %dma_wait3A_113] : memref<200x32x16384xf32, #tpu.memory_space<hbm>> -> memref<1x32x256xf32, #tpu.memory_space<hbm>>
      %dma_wait3A_115 = tpu.memref_squeeze %dma_wait3A_114 : memref<1x32x256xf32, #tpu.memory_space<hbm>> -> memref<32x256xf32, #tpu.memory_space<hbm>>
      tpu.wait_dma2 semaphore(%arg12 : memref<!tpu.dma_semaphore, #tpu.memory_space<semaphore_mem>>) src(%arg8 : memref<32x256xf32, #tpu.memory_space<vmem>>) dst(%dma_wait3A_115 : memref<32x256xf32, #tpu.memory_space<hbm>>)
      %scan3A_116 = arith.constant 0 : i32
      %scan3A_117 = arith.constant 0 : i32
      %scan3A_118 = arith.constant 16 : i32
      %scan3A_119 = arith.addi %scan3A_117, %scan3A_118 : i32
      %scan3A_120 = arith.constant 1 : i32
      %scan3A_121 = scf.for %scan3A_156 = %scan3A_117 to %scan3A_119 step %scan3A_120 iter_args(%scan3A_157 = %scan3A_116) -> (i32)  : i32 {
        %mul3A_158 = arith.constant 16 : i32
        %mul3A_159 = arith.muli %scan3A_156, %mul3A_158 : i32
        %add3A_160 = arith.constant 0 : i32
        %add3A_161 = arith.addi %add3A_160, %mul3A_159 : i32
        %multiple_of3A = tpu.assume_multiple %add3A_161, 16 : i32
        %get3A = arith.index_cast %scan3A_103 : i32 to index
        %get3A_162 = arith.index_cast %multiple_of3A : i32 to index
        %get3A_163 = tpu.vector_load %arg7[%get3A, %get3A_162] {strides = array<i32>} : memref<40x512xi32, #tpu.memory_space<vmem>>, vector<16xi32>,
        %add3A_164 = arith.constant 0 : i32
        %add3A_165 = vector.broadcast %add3A_164 : i32 to vector<16xi32>
        %add3A_166 = arith.addi %get3A_163, %add3A_165 : vector<16xi32>
        %gather3A = tpu.vector_load_idx %arg5[%add3A_166] : memref<32000xf32, #tpu.memory_space<vmem>>[vector<16xi32>], vector<16xf32>,
        %add3A_167 = arith.constant 1000 : i32
        %add3A_168 = vector.broadcast %add3A_167 : i32 to vector<16xi32>
        %add3A_169 = arith.addi %get3A_163, %add3A_168 : vector<16xi32>
        %gather3A_170 = tpu.vector_load_idx %arg5[%add3A_169] : memref<32000xf32, #tpu.memory_space<vmem>>[vector<16xi32>], vector<16xf32>,
        %add3A_171 = arith.constant 2000 : i32
        %add3A_172 = vector.broadcast %add3A_171 : i32 to vector<16xi32>
        %add3A_173 = arith.addi %get3A_163, %add3A_172 : vector<16xi32>
        %gather3A_174 = tpu.vector_load_idx %arg5[%add3A_173] : memref<32000xf32, #tpu.memory_space<vmem>>[vector<16xi32>], vector<16xf32>,
        %add3A_175 = arith.constant 3000 : i32
        %add3A_176 = vector.broadcast %add3A_175 : i32 to vector<16xi32>
        %add3A_177 = arith.addi %get3A_163, %add3A_176 : vector<16xi32>
        %gather3A_178 = tpu.vector_load_idx %arg5[%add3A_177] : memref<32000xf32, #tpu.memory_space<vmem>>[vector<16xi32>], vector<16xf32>,
        %add3A_179 = arith.constant 4000 : i32
        %add3A_180 = vector.broadcast %add3A_179 : i32 to vector<16xi32>
        %add3A_181 = arith.addi %get3A_163, %add3A_180 : vector<16xi32>
        %gather3A_182 = tpu.vector_load_idx %arg5[%add3A_181] : memref<32000xf32, #tpu.memory_space<vmem>>[vector<16xi32>], vector<16xf32>,
        %add3A_183 = arith.constant 5000 : i32
        %add3A_184 = vector.broadcast %add3A_183 : i32 to vector<16xi32>
        %add3A_185 = arith.addi %get3A_163, %add3A_184 : vector<16xi32>
        %gather3A_186 = tpu.vector_load_idx %arg5[%add3A_185] : memref<32000xf32, #tpu.memory_space<vmem>>[vector<16xi32>], vector<16xf32>,
        %add3A_187 = arith.constant 6000 : i32
        %add3A_188 = vector.broadcast %add3A_187 : i32 to vector<16xi32>
        %add3A_189 = arith.addi %get3A_163, %add3A_188 : vector<16xi32>
        %gather3A_190 = tpu.vector_load_idx %arg5[%add3A_189] : memref<32000xf32, #tpu.memory_space<vmem>>[vector<16xi32>], vector<16xf32>,
        %add3A_191 = arith.constant 7000 : i32
        %add3A_192 = vector.broadcast %add3A_191 : i32 to vector<16xi32>
        %add3A_193 = arith.addi %get3A_163, %add3A_192 : vector<16xi32>
        %gather3A_194 = tpu.vector_load_idx %arg5[%add3A_193] : memref<32000xf32, #tpu.memory_space<vmem>>[vector<16xi32>], vector<16xf32>,
        %add3A_195 = arith.constant 8000 : i32
        %add3A_196 = vector.broadcast %add3A_195 : i32 to vector<16xi32>
        %add3A_197 = arith.addi %get3A_163, %add3A_196 : vector<16xi32>
        %gather3A_198 = tpu.vector_load_idx %arg5[%add3A_197] : memref<32000xf32, #tpu.memory_space<vmem>>[vector<16xi32>], vector<16xf32>,
        %add3A_199 = arith.constant 9000 : i32
        %add3A_200 = vector.broadcast %add3A_199 : i32 to vector<16xi32>
        %add3A_201 = arith.addi %get3A_163, %add3A_200 : vector<16xi32>
        %gather3A_202 = tpu.vector_load_idx %arg5[%add3A_201] : memref<32000xf32, #tpu.memory_space<vmem>>[vector<16xi32>], vector<16xf32>,
        %add3A_203 = arith.constant 10000 : i32
        %add3A_204 = vector.broadcast %add3A_203 : i32 to vector<16xi32>
        %add3A_205 = arith.addi %get3A_163, %add3A_204 : vector<16xi32>
        %gather3A_206 = tpu.vector_load_idx %arg5[%add3A_205] : memref<32000xf32, #tpu.memory_space<vmem>>[vector<16xi32>], vector<16xf32>,
        %add3A_207 = arith.constant 11000 : i32
        %add3A_208 = vector.broadcast %add3A_207 : i32 to vector<16xi32>
        %add3A_209 = arith.addi %get3A_163, %add3A_208 : vector<16xi32>
        %gather3A_210 = tpu.vector_load_idx %arg5[%add3A_209] : memref<32000xf32, #tpu.memory_space<vmem>>[vector<16xi32>], vector<16xf32>,
        %add3A_211 = arith.constant 12000 : i32
        %add3A_212 = vector.broadcast %add3A_211 : i32 to vector<16xi32>
        %add3A_213 = arith.addi %get3A_163, %add3A_212 : vector<16xi32>
        %gather3A_214 = tpu.vector_load_idx %arg5[%add3A_213] : memref<32000xf32, #tpu.memory_space<vmem>>[vector<16xi32>], vector<16xf32>,
        %add3A_215 = arith.constant 13000 : i32
        %add3A_216 = vector.broadcast %add3A_215 : i32 to vector<16xi32>
        %add3A_217 = arith.addi %get3A_163, %add3A_216 : vector<16xi32>
        %gather3A_218 = tpu.vector_load_idx %arg5[%add3A_217] : memref<32000xf32, #tpu.memory_space<vmem>>[vector<16xi32>], vector<16xf32>,
        %add3A_219 = arith.constant 14000 : i32
        %add3A_220 = vector.broadcast %add3A_219 : i32 to vector<16xi32>
        %add3A_221 = arith.addi %get3A_163, %add3A_220 : vector<16xi32>
        %gather3A_222 = tpu.vector_load_idx %arg5[%add3A_221] : memref<32000xf32, #tpu.memory_space<vmem>>[vector<16xi32>], vector<16xf32>,
        %add3A_223 = arith.constant 15000 : i32
        %add3A_224 = vector.broadcast %add3A_223 : i32 to vector<16xi32>
        %add3A_225 = arith.addi %get3A_163, %add3A_224 : vector<16xi32>
        %gather3A_226 = tpu.vector_load_idx %arg5[%add3A_225] : memref<32000xf32, #tpu.memory_space<vmem>>[vector<16xi32>], vector<16xf32>,
        %add3A_227 = arith.constant 16000 : i32
        %add3A_228 = vector.broadcast %add3A_227 : i32 to vector<16xi32>
        %add3A_229 = arith.addi %get3A_163, %add3A_228 : vector<16xi32>
        %gather3A_230 = tpu.vector_load_idx %arg5[%add3A_229] : memref<32000xf32, #tpu.memory_space<vmem>>[vector<16xi32>], vector<16xf32>,
        %add3A_231 = arith.constant 17000 : i32
        %add3A_232 = vector.broadcast %add3A_231 : i32 to vector<16xi32>
        %add3A_233 = arith.addi %get3A_163, %add3A_232 : vector<16xi32>
        %gather3A_234 = tpu.vector_load_idx %arg5[%add3A_233] : memref<32000xf32, #tpu.memory_space<vmem>>[vector<16xi32>], vector<16xf32>,
        %add3A_235 = arith.constant 18000 : i32
        %add3A_236 = vector.broadcast %add3A_235 : i32 to vector<16xi32>
        %add3A_237 = arith.addi %get3A_163, %add3A_236 : vector<16xi32>
        %gather3A_238 = tpu.vector_load_idx %arg5[%add3A_237] : memref<32000xf32, #tpu.memory_space<vmem>>[vector<16xi32>], vector<16xf32>,
        %add3A_239 = arith.constant 19000 : i32
        %add3A_240 = vector.broadcast %add3A_239 : i32 to vector<16xi32>
        %add3A_241 = arith.addi %get3A_163, %add3A_240 : vector<16xi32>
        %gather3A_242 = tpu.vector_load_idx %arg5[%add3A_241] : memref<32000xf32, #tpu.memory_space<vmem>>[vector<16xi32>], vector<16xf32>,
        %add3A_243 = arith.constant 20000 : i32
        %add3A_244 = vector.broadcast %add3A_243 : i32 to vector<16xi32>
        %add3A_245 = arith.addi %get3A_163, %add3A_244 : vector<16xi32>
        %gather3A_246 = tpu.vector_load_idx %arg5[%add3A_245] : memref<32000xf32, #tpu.memory_space<vmem>>[vector<16xi32>], vector<16xf32>,
        %add3A_247 = arith.constant 21000 : i32
        %add3A_248 = vector.broadcast %add3A_247 : i32 to vector<16xi32>
        %add3A_249 = arith.addi %get3A_163, %add3A_248 : vector<16xi32>
        %gather3A_250 = tpu.vector_load_idx %arg5[%add3A_249] : memref<32000xf32, #tpu.memory_space<vmem>>[vector<16xi32>], vector<16xf32>,
        %add3A_251 = arith.constant 22000 : i32
        %add3A_252 = vector.broadcast %add3A_251 : i32 to vector<16xi32>
        %add3A_253 = arith.addi %get3A_163, %add3A_252 : vector<16xi32>
        %gather3A_254 = tpu.vector_load_idx %arg5[%add3A_253] : memref<32000xf32, #tpu.memory_space<vmem>>[vector<16xi32>], vector<16xf32>,
        %add3A_255 = arith.constant 23000 : i32
        %add3A_256 = vector.broadcast %add3A_255 : i32 to vector<16xi32>
        %add3A_257 = arith.addi %get3A_163, %add3A_256 : vector<16xi32>
        %gather3A_258 = tpu.vector_load_idx %arg5[%add3A_257] : memref<32000xf32, #tpu.memory_space<vmem>>[vector<16xi32>], vector<16xf32>,
        %add3A_259 = arith.constant 24000 : i32
        %add3A_260 = vector.broadcast %add3A_259 : i32 to vector<16xi32>
        %add3A_261 = arith.addi %get3A_163, %add3A_260 : vector<16xi32>
        %gather3A_262 = tpu.vector_load_idx %arg5[%add3A_261] : memref<32000xf32, #tpu.memory_space<vmem>>[vector<16xi32>], vector<16xf32>,
        %add3A_263 = arith.constant 25000 : i32
        %add3A_264 = vector.broadcast %add3A_263 : i32 to vector<16xi32>
        %add3A_265 = arith.addi %get3A_163, %add3A_264 : vector<16xi32>
        %gather3A_266 = tpu.vector_load_idx %arg5[%add3A_265] : memref<32000xf32, #tpu.memory_space<vmem>>[vector<16xi32>], vector<16xf32>,
        %add3A_267 = arith.constant 26000 : i32
        %add3A_268 = vector.broadcast %add3A_267 : i32 to vector<16xi32>
        %add3A_269 = arith.addi %get3A_163, %add3A_268 : vector<16xi32>
        %gather3A_270 = tpu.vector_load_idx %arg5[%add3A_269] : memref<32000xf32, #tpu.memory_space<vmem>>[vector<16xi32>], vector<16xf32>,
        %add3A_271 = arith.constant 27000 : i32
        %add3A_272 = vector.broadcast %add3A_271 : i32 to vector<16xi32>
        %add3A_273 = arith.addi %get3A_163, %add3A_272 : vector<16xi32>
        %gather3A_274 = tpu.vector_load_idx %arg5[%add3A_273] : memref<32000xf32, #tpu.memory_space<vmem>>[vector<16xi32>], vector<16xf32>,
        %add3A_275 = arith.constant 28000 : i32
        %add3A_276 = vector.broadcast %add3A_275 : i32 to vector<16xi32>
        %add3A_277 = arith.addi %get3A_163, %add3A_276 : vector<16xi32>
        %gather3A_278 = tpu.vector_load_idx %arg5[%add3A_277] : memref<32000xf32, #tpu.memory_space<vmem>>[vector<16xi32>], vector<16xf32>,
        %add3A_279 = arith.constant 29000 : i32
        %add3A_280 = vector.broadcast %add3A_279 : i32 to vector<16xi32>
        %add3A_281 = arith.addi %get3A_163, %add3A_280 : vector<16xi32>
        %gather3A_282 = tpu.vector_load_idx %arg5[%add3A_281] : memref<32000xf32, #tpu.memory_space<vmem>>[vector<16xi32>], vector<16xf32>,
        %add3A_283 = arith.constant 30000 : i32
        %add3A_284 = vector.broadcast %add3A_283 : i32 to vector<16xi32>
        %add3A_285 = arith.addi %get3A_163, %add3A_284 : vector<16xi32>
        %gather3A_286 = tpu.vector_load_idx %arg5[%add3A_285] : memref<32000xf32, #tpu.memory_space<vmem>>[vector<16xi32>], vector<16xf32>,
        %add3A_287 = arith.constant 31000 : i32
        %add3A_288 = vector.broadcast %add3A_287 : i32 to vector<16xi32>
        %add3A_289 = arith.addi %get3A_163, %add3A_288 : vector<16xi32>
        %gather3A_290 = tpu.vector_load_idx %arg5[%add3A_289] : memref<32000xf32, #tpu.memory_space<vmem>>[vector<16xi32>], vector<16xf32>,
        %mul3A_291 = arith.constant 16 : i32
        %mul3A_292 = arith.muli %scan3A_156, %mul3A_291 : i32
        %swap3A = arith.constant 0 : i32
        %swap3A_293 = arith.index_cast %swap3A : i32 to index
        %swap3A_294 = arith.index_cast %mul3A_292 : i32 to index
        %swap3A_295 = tpu.vector_load %arg8[%swap3A_293, %swap3A_294] {strides = array<i32>} : memref<32x256xf32, #tpu.memory_space<vmem>>, vector<16xf32>,
        tpu.vector_store %arg8[%swap3A_293, %swap3A_294], %gather3A {strides = array<i32>} : memref<32x256xf32, #tpu.memory_space<vmem>>, vector<16xf32>,
        %mul3A_296 = arith.constant 16 : i32
        %mul3A_297 = arith.muli %scan3A_156, %mul3A_296 : i32
        %swap3A_298 = arith.constant 1 : i32
        %swap3A_299 = arith.index_cast %swap3A_298 : i32 to index
        %swap3A_300 = arith.index_cast %mul3A_297 : i32 to index
        %swap3A_301 = tpu.vector_load %arg8[%swap3A_299, %swap3A_300] {strides = array<i32>} : memref<32x256xf32, #tpu.memory_space<vmem>>, vector<16xf32>,
        tpu.vector_store %arg8[%swap3A_299, %swap3A_300], %gather3A_170 {strides = array<i32>} : memref<32x256xf32, #tpu.memory_space<vmem>>, vector<16xf32>,
        %mul3A_302 = arith.constant 16 : i32
        %mul3A_303 = arith.muli %scan3A_156, %mul3A_302 : i32
        %swap3A_304 = arith.constant 2 : i32
        %swap3A_305 = arith.index_cast %swap3A_304 : i32 to index
        %swap3A_306 = arith.index_cast %mul3A_303 : i32 to index
        %swap3A_307 = tpu.vector_load %arg8[%swap3A_305, %swap3A_306] {strides = array<i32>} : memref<32x256xf32, #tpu.memory_space<vmem>>, vector<16xf32>,
        tpu.vector_store %arg8[%swap3A_305, %swap3A_306], %gather3A_174 {strides = array<i32>} : memref<32x256xf32, #tpu.memory_space<vmem>>, vector<16xf32>,
        %mul3A_308 = arith.constant 16 : i32
        %mul3A_309 = arith.muli %scan3A_156, %mul3A_308 : i32
        %swap3A_310 = arith.constant 3 : i32
        %swap3A_311 = arith.index_cast %swap3A_310 : i32 to index
        %swap3A_312 = arith.index_cast %mul3A_309 : i32 to index
        %swap3A_313 = tpu.vector_load %arg8[%swap3A_311, %swap3A_312] {strides = array<i32>} : memref<32x256xf32, #tpu.memory_space<vmem>>, vector<16xf32>,
        tpu.vector_store %arg8[%swap3A_311, %swap3A_312], %gather3A_178 {strides = array<i32>} : memref<32x256xf32, #tpu.memory_space<vmem>>, vector<16xf32>,
        %mul3A_314 = arith.constant 16 : i32
        %mul3A_315 = arith.muli %scan3A_156, %mul3A_314 : i32
        %swap3A_316 = arith.constant 4 : i32
        %swap3A_317 = arith.index_cast %swap3A_316 : i32 to index
        %swap3A_318 = arith.index_cast %mul3A_315 : i32 to index
        %swap3A_319 = tpu.vector_load %arg8[%swap3A_317, %swap3A_318] {strides = array<i32>} : memref<32x256xf32, #tpu.memory_space<vmem>>, vector<16xf32>,
        tpu.vector_store %arg8[%swap3A_317, %swap3A_318], %gather3A_182 {strides = array<i32>} : memref<32x256xf32, #tpu.memory_space<vmem>>, vector<16xf32>,
        %mul3A_320 = arith.constant 16 : i32
        %mul3A_321 = arith.muli %scan3A_156, %mul3A_320 : i32
        %swap3A_322 = arith.constant 5 : i32
        %swap3A_323 = arith.index_cast %swap3A_322 : i32 to index
        %swap3A_324 = arith.index_cast %mul3A_321 : i32 to index
        %swap3A_325 = tpu.vector_load %arg8[%swap3A_323, %swap3A_324] {strides = array<i32>} : memref<32x256xf32, #tpu.memory_space<vmem>>, vector<16xf32>,
        tpu.vector_store %arg8[%swap3A_323, %swap3A_324], %gather3A_186 {strides = array<i32>} : memref<32x256xf32, #tpu.memory_space<vmem>>, vector<16xf32>,
        %mul3A_326 = arith.constant 16 : i32
        %mul3A_327 = arith.muli %scan3A_156, %mul3A_326 : i32
        %swap3A_328 = arith.constant 6 : i32
        %swap3A_329 = arith.index_cast %swap3A_328 : i32 to index
        %swap3A_330 = arith.index_cast %mul3A_327 : i32 to index
        %swap3A_331 = tpu.vector_load %arg8[%swap3A_329, %swap3A_330] {strides = array<i32>} : memref<32x256xf32, #tpu.memory_space<vmem>>, vector<16xf32>,
        tpu.vector_store %arg8[%swap3A_329, %swap3A_330], %gather3A_190 {strides = array<i32>} : memref<32x256xf32, #tpu.memory_space<vmem>>, vector<16xf32>,
        %mul3A_332 = arith.constant 16 : i32
        %mul3A_333 = arith.muli %scan3A_156, %mul3A_332 : i32
        %swap3A_334 = arith.constant 7 : i32
        %swap3A_335 = arith.index_cast %swap3A_334 : i32 to index
        %swap3A_336 = arith.index_cast %mul3A_333 : i32 to index
        %swap3A_337 = tpu.vector_load %arg8[%swap3A_335, %swap3A_336] {strides = array<i32>} : memref<32x256xf32, #tpu.memory_space<vmem>>, vector<16xf32>,
        tpu.vector_store %arg8[%swap3A_335, %swap3A_336], %gather3A_194 {strides = array<i32>} : memref<32x256xf32, #tpu.memory_space<vmem>>, vector<16xf32>,
        %mul3A_338 = arith.constant 16 : i32
        %mul3A_339 = arith.muli %scan3A_156, %mul3A_338 : i32
        %swap3A_340 = arith.constant 8 : i32
        %swap3A_341 = arith.index_cast %swap3A_340 : i32 to index
        %swap3A_342 = arith.index_cast %mul3A_339 : i32 to index
        %swap3A_343 = tpu.vector_load %arg8[%swap3A_341, %swap3A_342] {strides = array<i32>} : memref<32x256xf32, #tpu.memory_space<vmem>>, vector<16xf32>,
        tpu.vector_store %arg8[%swap3A_341, %swap3A_342], %gather3A_198 {strides = array<i32>} : memref<32x256xf32, #tpu.memory_space<vmem>>, vector<16xf32>,
        %mul3A_344 = arith.constant 16 : i32
        %mul3A_345 = arith.muli %scan3A_156, %mul3A_344 : i32
        %swap3A_346 = arith.constant 9 : i32
        %swap3A_347 = arith.index_cast %swap3A_346 : i32 to index
        %swap3A_348 = arith.index_cast %mul3A_345 : i32 to index
        %swap3A_349 = tpu.vector_load %arg8[%swap3A_347, %swap3A_348] {strides = array<i32>} : memref<32x256xf32, #tpu.memory_space<vmem>>, vector<16xf32>,
        tpu.vector_store %arg8[%swap3A_347, %swap3A_348], %gather3A_202 {strides = array<i32>} : memref<32x256xf32, #tpu.memory_space<vmem>>, vector<16xf32>,
        %mul3A_350 = arith.constant 16 : i32
        %mul3A_351 = arith.muli %scan3A_156, %mul3A_350 : i32
        %swap3A_352 = arith.constant 10 : i32
        %swap3A_353 = arith.index_cast %swap3A_352 : i32 to index
        %swap3A_354 = arith.index_cast %mul3A_351 : i32 to index
        %swap3A_355 = tpu.vector_load %arg8[%swap3A_353, %swap3A_354] {strides = array<i32>} : memref<32x256xf32, #tpu.memory_space<vmem>>, vector<16xf32>,
        tpu.vector_store %arg8[%swap3A_353, %swap3A_354], %gather3A_206 {strides = array<i32>} : memref<32x256xf32, #tpu.memory_space<vmem>>, vector<16xf32>,
        %mul3A_356 = arith.constant 16 : i32
        %mul3A_357 = arith.muli %scan3A_156, %mul3A_356 : i32
        %swap3A_358 = arith.constant 11 : i32
        %swap3A_359 = arith.index_cast %swap3A_358 : i32 to index
        %swap3A_360 = arith.index_cast %mul3A_357 : i32 to index
        %swap3A_361 = tpu.vector_load %arg8[%swap3A_359, %swap3A_360] {strides = array<i32>} : memref<32x256xf32, #tpu.memory_space<vmem>>, vector<16xf32>,
        tpu.vector_store %arg8[%swap3A_359, %swap3A_360], %gather3A_210 {strides = array<i32>} : memref<32x256xf32, #tpu.memory_space<vmem>>, vector<16xf32>,
        %mul3A_362 = arith.constant 16 : i32
        %mul3A_363 = arith.muli %scan3A_156, %mul3A_362 : i32
        %swap3A_364 = arith.constant 12 : i32
        %swap3A_365 = arith.index_cast %swap3A_364 : i32 to index
        %swap3A_366 = arith.index_cast %mul3A_363 : i32 to index
        %swap3A_367 = tpu.vector_load %arg8[%swap3A_365, %swap3A_366] {strides = array<i32>} : memref<32x256xf32, #tpu.memory_space<vmem>>, vector<16xf32>,
        tpu.vector_store %arg8[%swap3A_365, %swap3A_366], %gather3A_214 {strides = array<i32>} : memref<32x256xf32, #tpu.memory_space<vmem>>, vector<16xf32>,
        %mul3A_368 = arith.constant 16 : i32
        %mul3A_369 = arith.muli %scan3A_156, %mul3A_368 : i32
        %swap3A_370 = arith.constant 13 : i32
        %swap3A_371 = arith.index_cast %swap3A_370 : i32 to index
        %swap3A_372 = arith.index_cast %mul3A_369 : i32 to index
        %swap3A_373 = tpu.vector_load %arg8[%swap3A_371, %swap3A_372] {strides = array<i32>} : memref<32x256xf32, #tpu.memory_space<vmem>>, vector<16xf32>,
        tpu.vector_store %arg8[%swap3A_371, %swap3A_372], %gather3A_218 {strides = array<i32>} : memref<32x256xf32, #tpu.memory_space<vmem>>, vector<16xf32>,
        %mul3A_374 = arith.constant 16 : i32
        %mul3A_375 = arith.muli %scan3A_156, %mul3A_374 : i32
        %swap3A_376 = arith.constant 14 : i32
        %swap3A_377 = arith.index_cast %swap3A_376 : i32 to index
        %swap3A_378 = arith.index_cast %mul3A_375 : i32 to index
        %swap3A_379 = tpu.vector_load %arg8[%swap3A_377, %swap3A_378] {strides = array<i32>} : memref<32x256xf32, #tpu.memory_space<vmem>>, vector<16xf32>,
        tpu.vector_store %arg8[%swap3A_377, %swap3A_378], %gather3A_222 {strides = array<i32>} : memref<32x256xf32, #tpu.memory_space<vmem>>, vector<16xf32>,
        %mul3A_380 = arith.constant 16 : i32
        %mul3A_381 = arith.muli %scan3A_156, %mul3A_380 : i32
        %swap3A_382 = arith.constant 15 : i32
        %swap3A_383 = arith.index_cast %swap3A_382 : i32 to index
        %swap3A_384 = arith.index_cast %mul3A_381 : i32 to index
        %swap3A_385 = tpu.vector_load %arg8[%swap3A_383, %swap3A_384] {strides = array<i32>} : memref<32x256xf32, #tpu.memory_space<vmem>>, vector<16xf32>,
        tpu.vector_store %arg8[%swap3A_383, %swap3A_384], %gather3A_226 {strides = array<i32>} : memref<32x256xf32, #tpu.memory_space<vmem>>, vector<16xf32>,
        %mul3A_386 = arith.constant 16 : i32
        %mul3A_387 = arith.muli %scan3A_156, %mul3A_386 : i32
        %swap3A_388 = arith.constant 16 : i32
        %swap3A_389 = arith.index_cast %swap3A_388 : i32 to index
        %swap3A_390 = arith.index_cast %mul3A_387 : i32 to index
        %swap3A_391 = tpu.vector_load %arg8[%swap3A_389, %swap3A_390] {strides = array<i32>} : memref<32x256xf32, #tpu.memory_space<vmem>>, vector<16xf32>,
        tpu.vector_store %arg8[%swap3A_389, %swap3A_390], %gather3A_230 {strides = array<i32>} : memref<32x256xf32, #tpu.memory_space<vmem>>, vector<16xf32>,
        %mul3A_392 = arith.constant 16 : i32
        %mul3A_393 = arith.muli %scan3A_156, %mul3A_392 : i32
        %swap3A_394 = arith.constant 17 : i32
        %swap3A_395 = arith.index_cast %swap3A_394 : i32 to index
        %swap3A_396 = arith.index_cast %mul3A_393 : i32 to index
        %swap3A_397 = tpu.vector_load %arg8[%swap3A_395, %swap3A_396] {strides = array<i32>} : memref<32x256xf32, #tpu.memory_space<vmem>>, vector<16xf32>,
        tpu.vector_store %arg8[%swap3A_395, %swap3A_396], %gather3A_234 {strides = array<i32>} : memref<32x256xf32, #tpu.memory_space<vmem>>, vector<16xf32>,
        %mul3A_398 = arith.constant 16 : i32
        %mul3A_399 = arith.muli %scan3A_156, %mul3A_398 : i32
        %swap3A_400 = arith.constant 18 : i32
        %swap3A_401 = arith.index_cast %swap3A_400 : i32 to index
        %swap3A_402 = arith.index_cast %mul3A_399 : i32 to index
        %swap3A_403 = tpu.vector_load %arg8[%swap3A_401, %swap3A_402] {strides = array<i32>} : memref<32x256xf32, #tpu.memory_space<vmem>>, vector<16xf32>,
        tpu.vector_store %arg8[%swap3A_401, %swap3A_402], %gather3A_238 {strides = array<i32>} : memref<32x256xf32, #tpu.memory_space<vmem>>, vector<16xf32>,
        %mul3A_404 = arith.constant 16 : i32
        %mul3A_405 = arith.muli %scan3A_156, %mul3A_404 : i32
        %swap3A_406 = arith.constant 19 : i32
        %swap3A_407 = arith.index_cast %swap3A_406 : i32 to index
        %swap3A_408 = arith.index_cast %mul3A_405 : i32 to index
        %swap3A_409 = tpu.vector_load %arg8[%swap3A_407, %swap3A_408] {strides = array<i32>} : memref<32x256xf32, #tpu.memory_space<vmem>>, vector<16xf32>,
        tpu.vector_store %arg8[%swap3A_407, %swap3A_408], %gather3A_242 {strides = array<i32>} : memref<32x256xf32, #tpu.memory_space<vmem>>, vector<16xf32>,
        %mul3A_410 = arith.constant 16 : i32
        %mul3A_411 = arith.muli %scan3A_156, %mul3A_410 : i32
        %swap3A_412 = arith.constant 20 : i32
        %swap3A_413 = arith.index_cast %swap3A_412 : i32 to index
        %swap3A_414 = arith.index_cast %mul3A_411 : i32 to index
        %swap3A_415 = tpu.vector_load %arg8[%swap3A_413, %swap3A_414] {strides = array<i32>} : memref<32x256xf32, #tpu.memory_space<vmem>>, vector<16xf32>,
        tpu.vector_store %arg8[%swap3A_413, %swap3A_414], %gather3A_246 {strides = array<i32>} : memref<32x256xf32, #tpu.memory_space<vmem>>, vector<16xf32>,
        %mul3A_416 = arith.constant 16 : i32
        %mul3A_417 = arith.muli %scan3A_156, %mul3A_416 : i32
        %swap3A_418 = arith.constant 21 : i32
        %swap3A_419 = arith.index_cast %swap3A_418 : i32 to index
        %swap3A_420 = arith.index_cast %mul3A_417 : i32 to index
        %swap3A_421 = tpu.vector_load %arg8[%swap3A_419, %swap3A_420] {strides = array<i32>} : memref<32x256xf32, #tpu.memory_space<vmem>>, vector<16xf32>,
        tpu.vector_store %arg8[%swap3A_419, %swap3A_420], %gather3A_250 {strides = array<i32>} : memref<32x256xf32, #tpu.memory_space<vmem>>, vector<16xf32>,
        %mul3A_422 = arith.constant 16 : i32
        %mul3A_423 = arith.muli %scan3A_156, %mul3A_422 : i32
        %swap3A_424 = arith.constant 22 : i32
        %swap3A_425 = arith.index_cast %swap3A_424 : i32 to index
        %swap3A_426 = arith.index_cast %mul3A_423 : i32 to index
        %swap3A_427 = tpu.vector_load %arg8[%swap3A_425, %swap3A_426] {strides = array<i32>} : memref<32x256xf32, #tpu.memory_space<vmem>>, vector<16xf32>,
        tpu.vector_store %arg8[%swap3A_425, %swap3A_426], %gather3A_254 {strides = array<i32>} : memref<32x256xf32, #tpu.memory_space<vmem>>, vector<16xf32>,
        %mul3A_428 = arith.constant 16 : i32
        %mul3A_429 = arith.muli %scan3A_156, %mul3A_428 : i32
        %swap3A_430 = arith.constant 23 : i32
        %swap3A_431 = arith.index_cast %swap3A_430 : i32 to index
        %swap3A_432 = arith.index_cast %mul3A_429 : i32 to index
        %swap3A_433 = tpu.vector_load %arg8[%swap3A_431, %swap3A_432] {strides = array<i32>} : memref<32x256xf32, #tpu.memory_space<vmem>>, vector<16xf32>,
        tpu.vector_store %arg8[%swap3A_431, %swap3A_432], %gather3A_258 {strides = array<i32>} : memref<32x256xf32, #tpu.memory_space<vmem>>, vector<16xf32>,
        %mul3A_434 = arith.constant 16 : i32
        %mul3A_435 = arith.muli %scan3A_156, %mul3A_434 : i32
        %swap3A_436 = arith.constant 24 : i32
        %swap3A_437 = arith.index_cast %swap3A_436 : i32 to index
        %swap3A_438 = arith.index_cast %mul3A_435 : i32 to index
        %swap3A_439 = tpu.vector_load %arg8[%swap3A_437, %swap3A_438] {strides = array<i32>} : memref<32x256xf32, #tpu.memory_space<vmem>>, vector<16xf32>,
        tpu.vector_store %arg8[%swap3A_437, %swap3A_438], %gather3A_262 {strides = array<i32>} : memref<32x256xf32, #tpu.memory_space<vmem>>, vector<16xf32>,
        %mul3A_440 = arith.constant 16 : i32
        %mul3A_441 = arith.muli %scan3A_156, %mul3A_440 : i32
        %swap3A_442 = arith.constant 25 : i32
        %swap3A_443 = arith.index_cast %swap3A_442 : i32 to index
        %swap3A_444 = arith.index_cast %mul3A_441 : i32 to index
        %swap3A_445 = tpu.vector_load %arg8[%swap3A_443, %swap3A_444] {strides = array<i32>} : memref<32x256xf32, #tpu.memory_space<vmem>>, vector<16xf32>,
        tpu.vector_store %arg8[%swap3A_443, %swap3A_444], %gather3A_266 {strides = array<i32>} : memref<32x256xf32, #tpu.memory_space<vmem>>, vector<16xf32>,
        %mul3A_446 = arith.constant 16 : i32
        %mul3A_447 = arith.muli %scan3A_156, %mul3A_446 : i32
        %swap3A_448 = arith.constant 26 : i32
        %swap3A_449 = arith.index_cast %swap3A_448 : i32 to index
        %swap3A_450 = arith.index_cast %mul3A_447 : i32 to index
        %swap3A_451 = tpu.vector_load %arg8[%swap3A_449, %swap3A_450] {strides = array<i32>} : memref<32x256xf32, #tpu.memory_space<vmem>>, vector<16xf32>,
        tpu.vector_store %arg8[%swap3A_449, %swap3A_450], %gather3A_270 {strides = array<i32>} : memref<32x256xf32, #tpu.memory_space<vmem>>, vector<16xf32>,
        %mul3A_452 = arith.constant 16 : i32
        %mul3A_453 = arith.muli %scan3A_156, %mul3A_452 : i32
        %swap3A_454 = arith.constant 27 : i32
        %swap3A_455 = arith.index_cast %swap3A_454 : i32 to index
        %swap3A_456 = arith.index_cast %mul3A_453 : i32 to index
        %swap3A_457 = tpu.vector_load %arg8[%swap3A_455, %swap3A_456] {strides = array<i32>} : memref<32x256xf32, #tpu.memory_space<vmem>>, vector<16xf32>,
        tpu.vector_store %arg8[%swap3A_455, %swap3A_456], %gather3A_274 {strides = array<i32>} : memref<32x256xf32, #tpu.memory_space<vmem>>, vector<16xf32>,
        %mul3A_458 = arith.constant 16 : i32
        %mul3A_459 = arith.muli %scan3A_156, %mul3A_458 : i32
        %swap3A_460 = arith.constant 28 : i32
        %swap3A_461 = arith.index_cast %swap3A_460 : i32 to index
        %swap3A_462 = arith.index_cast %mul3A_459 : i32 to index
        %swap3A_463 = tpu.vector_load %arg8[%swap3A_461, %swap3A_462] {strides = array<i32>} : memref<32x256xf32, #tpu.memory_space<vmem>>, vector<16xf32>,
        tpu.vector_store %arg8[%swap3A_461, %swap3A_462], %gather3A_278 {strides = array<i32>} : memref<32x256xf32, #tpu.memory_space<vmem>>, vector<16xf32>,
        %mul3A_464 = arith.constant 16 : i32
        %mul3A_465 = arith.muli %scan3A_156, %mul3A_464 : i32
        %swap3A_466 = arith.constant 29 : i32
        %swap3A_467 = arith.index_cast %swap3A_466 : i32 to index
        %swap3A_468 = arith.index_cast %mul3A_465 : i32 to index
        %swap3A_469 = tpu.vector_load %arg8[%swap3A_467, %swap3A_468] {strides = array<i32>} : memref<32x256xf32, #tpu.memory_space<vmem>>, vector<16xf32>,
        tpu.vector_store %arg8[%swap3A_467, %swap3A_468], %gather3A_282 {strides = array<i32>} : memref<32x256xf32, #tpu.memory_space<vmem>>, vector<16xf32>,
        %mul3A_470 = arith.constant 16 : i32
        %mul3A_471 = arith.muli %scan3A_156, %mul3A_470 : i32
        %swap3A_472 = arith.constant 30 : i32
        %swap3A_473 = arith.index_cast %swap3A_472 : i32 to index
        %swap3A_474 = arith.index_cast %mul3A_471 : i32 to index
        %swap3A_475 = tpu.vector_load %arg8[%swap3A_473, %swap3A_474] {strides = array<i32>} : memref<32x256xf32, #tpu.memory_space<vmem>>, vector<16xf32>,
        tpu.vector_store %arg8[%swap3A_473, %swap3A_474], %gather3A_286 {strides = array<i32>} : memref<32x256xf32, #tpu.memory_space<vmem>>, vector<16xf32>,
        %mul3A_476 = arith.constant 16 : i32
        %mul3A_477 = arith.muli %scan3A_156, %mul3A_476 : i32
        %swap3A_478 = arith.constant 31 : i32
        %swap3A_479 = arith.index_cast %swap3A_478 : i32 to index
        %swap3A_480 = arith.index_cast %mul3A_477 : i32 to index
        %swap3A_481 = tpu.vector_load %arg8[%swap3A_479, %swap3A_480] {strides = array<i32>} : memref<32x256xf32, #tpu.memory_space<vmem>>, vector<16xf32>,
        tpu.vector_store %arg8[%swap3A_479, %swap3A_480], %gather3A_290 {strides = array<i32>} : memref<32x256xf32, #tpu.memory_space<vmem>>, vector<16xf32>,
        %scan3A_482 = arith.constant 0 : i32
        scf.yield %scan3A_482 : i32
      }
      %scan3A_122 = arith.constant 16 : i32
      %add3A_123 = arith.constant 0 : i32
      %add3A_124 = arith.addi %mul3A_2, %add3A_123 : i32
      %dma_start3A_125 = arith.constant 0 : i32
      %dma_start3A_126 = tpu.memref_slice %arg4[%add3A_106, %dma_start3A_125, %add3A_124] : memref<200x32x16384xf32, #tpu.memory_space<hbm>> -> memref<1x32x256xf32, #tpu.memory_space<hbm>>
      %dma_start3A_127 = tpu.memref_squeeze %dma_start3A_126 : memref<1x32x256xf32, #tpu.memory_space<hbm>> -> memref<32x256xf32, #tpu.memory_space<hbm>>
      %dma_start3A_128 = arith.constant 0 : i32
      %dma_start3A_129 = tpu.memref_slice %arg4[%add3A_106, %dma_start3A_128, %add3A_124] : memref<200x32x16384xf32, #tpu.memory_space<hbm>> -> memref<1x32x256xf32, #tpu.memory_space<hbm>>
      %dma_start3A_130 = tpu.memref_squeeze %dma_start3A_129 : memref<1x32x256xf32, #tpu.memory_space<hbm>> -> memref<32x256xf32, #tpu.memory_space<hbm>>
      tpu.enqueue_dma source(%arg8 : memref<32x256xf32, #tpu.memory_space<vmem>>) target(%dma_start3A_130 : memref<32x256xf32, #tpu.memory_space<hbm>>) target_semaphore(%arg12 : memref<!tpu.dma_semaphore, #tpu.memory_space<semaphore_mem>>)
      %dma_wait3A_131 = arith.constant 0 : i32
      %dma_wait3A_132 = arith.constant 0 : i32
      %dma_wait3A_133 = arith.constant 0 : i32
      %dma_wait3A_134 = tpu.memref_slice %arg4[%dma_wait3A_131, %dma_wait3A_132, %dma_wait3A_133] : memref<200x32x16384xf32, #tpu.memory_space<hbm>> -> memref<1x32x256xf32, #tpu.memory_space<hbm>>
      %dma_wait3A_135 = tpu.memref_squeeze %dma_wait3A_134 : memref<1x32x256xf32, #tpu.memory_space<hbm>> -> memref<32x256xf32, #tpu.memory_space<hbm>>
      %dma_wait3A_136 = arith.constant 0 : i32
      %dma_wait3A_137 = arith.constant 0 : i32
      %dma_wait3A_138 = tpu.memref_slice %arg4[%dma_wait3A_131, %dma_wait3A_136, %dma_wait3A_137] : memref<200x32x16384xf32, #tpu.memory_space<hbm>> -> memref<1x32x256xf32, #tpu.memory_space<hbm>>
      %dma_wait3A_139 = tpu.memref_squeeze %dma_wait3A_138 : memref<1x32x256xf32, #tpu.memory_space<hbm>> -> memref<32x256xf32, #tpu.memory_space<hbm>>
      tpu.wait_dma2 semaphore(%arg13 : memref<!tpu.dma_semaphore, #tpu.memory_space<semaphore_mem>>) src(%arg9 : memref<32x256xf32, #tpu.memory_space<vmem>>) dst(%dma_wait3A_139 : memref<32x256xf32, #tpu.memory_space<hbm>>)
      %scan3A_140 = arith.constant 0 : i32
      %scan3A_141 = arith.constant 0 : i32
      %scan3A_142 = arith.constant 16 : i32
      %scan3A_143 = arith.addi %scan3A_141, %scan3A_142 : i32
      %scan3A_144 = arith.constant 1 : i32
      %scan3A_145 = scf.for %scan3A_156 = %scan3A_141 to %scan3A_143 step %scan3A_144 iter_args(%scan3A_157 = %scan3A_140) -> (i32)  : i32 {
        %mul3A_158 = arith.constant 16 : i32
        %mul3A_159 = arith.muli %scan3A_156, %mul3A_158 : i32
        %add3A_160 = arith.constant 256 : i32
        %add3A_161 = arith.addi %add3A_160, %mul3A_159 : i32
        %multiple_of3A = tpu.assume_multiple %add3A_161, 16 : i32
        %get3A = arith.index_cast %scan3A_103 : i32 to index
        %get3A_162 = arith.index_cast %multiple_of3A : i32 to index
        %get3A_163 = tpu.vector_load %arg7[%get3A, %get3A_162] {strides = array<i32>} : memref<40x512xi32, #tpu.memory_space<vmem>>, vector<16xi32>,
        %add3A_164 = arith.constant 0 : i32
        %add3A_165 = vector.broadcast %add3A_164 : i32 to vector<16xi32>
        %add3A_166 = arith.addi %get3A_163, %add3A_165 : vector<16xi32>
        %gather3A = tpu.vector_load_idx %arg5[%add3A_166] : memref<32000xf32, #tpu.memory_space<vmem>>[vector<16xi32>], vector<16xf32>,
        %add3A_167 = arith.constant 1000 : i32
        %add3A_168 = vector.broadcast %add3A_167 : i32 to vector<16xi32>
        %add3A_169 = arith.addi %get3A_163, %add3A_168 : vector<16xi32>
        %gather3A_170 = tpu.vector_load_idx %arg5[%add3A_169] : memref<32000xf32, #tpu.memory_space<vmem>>[vector<16xi32>], vector<16xf32>,
        %add3A_171 = arith.constant 2000 : i32
        %add3A_172 = vector.broadcast %add3A_171 : i32 to vector<16xi32>
        %add3A_173 = arith.addi %get3A_163, %add3A_172 : vector<16xi32>
        %gather3A_174 = tpu.vector_load_idx %arg5[%add3A_173] : memref<32000xf32, #tpu.memory_space<vmem>>[vector<16xi32>], vector<16xf32>,
        %add3A_175 = arith.constant 3000 : i32
        %add3A_176 = vector.broadcast %add3A_175 : i32 to vector<16xi32>
        %add3A_177 = arith.addi %get3A_163, %add3A_176 : vector<16xi32>
        %gather3A_178 = tpu.vector_load_idx %arg5[%add3A_177] : memref<32000xf32, #tpu.memory_space<vmem>>[vector<16xi32>], vector<16xf32>,
        %add3A_179 = arith.constant 4000 : i32
        %add3A_180 = vector.broadcast %add3A_179 : i32 to vector<16xi32>
        %add3A_181 = arith.addi %get3A_163, %add3A_180 : vector<16xi32>
        %gather3A_182 = tpu.vector_load_idx %arg5[%add3A_181] : memref<32000xf32, #tpu.memory_space<vmem>>[vector<16xi32>], vector<16xf32>,
        %add3A_183 = arith.constant 5000 : i32
        %add3A_184 = vector.broadcast %add3A_183 : i32 to vector<16xi32>
        %add3A_185 = arith.addi %get3A_163, %add3A_184 : vector<16xi32>
        %gather3A_186 = tpu.vector_load_idx %arg5[%add3A_185] : memref<32000xf32, #tpu.memory_space<vmem>>[vector<16xi32>], vector<16xf32>,
        %add3A_187 = arith.constant 6000 : i32
        %add3A_188 = vector.broadcast %add3A_187 : i32 to vector<16xi32>
        %add3A_189 = arith.addi %get3A_163, %add3A_188 : vector<16xi32>
        %gather3A_190 = tpu.vector_load_idx %arg5[%add3A_189] : memref<32000xf32, #tpu.memory_space<vmem>>[vector<16xi32>], vector<16xf32>,
        %add3A_191 = arith.constant 7000 : i32
        %add3A_192 = vector.broadcast %add3A_191 : i32 to vector<16xi32>
        %add3A_193 = arith.addi %get3A_163, %add3A_192 : vector<16xi32>
        %gather3A_194 = tpu.vector_load_idx %arg5[%add3A_193] : memref<32000xf32, #tpu.memory_space<vmem>>[vector<16xi32>], vector<16xf32>,
        %add3A_195 = arith.constant 8000 : i32
        %add3A_196 = vector.broadcast %add3A_195 : i32 to vector<16xi32>
        %add3A_197 = arith.addi %get3A_163, %add3A_196 : vector<16xi32>
        %gather3A_198 = tpu.vector_load_idx %arg5[%add3A_197] : memref<32000xf32, #tpu.memory_space<vmem>>[vector<16xi32>], vector<16xf32>,
        %add3A_199 = arith.constant 9000 : i32
        %add3A_200 = vector.broadcast %add3A_199 : i32 to vector<16xi32>
        %add3A_201 = arith.addi %get3A_163, %add3A_200 : vector<16xi32>
        %gather3A_202 = tpu.vector_load_idx %arg5[%add3A_201] : memref<32000xf32, #tpu.memory_space<vmem>>[vector<16xi32>], vector<16xf32>,
        %add3A_203 = arith.constant 10000 : i32
        %add3A_204 = vector.broadcast %add3A_203 : i32 to vector<16xi32>
        %add3A_205 = arith.addi %get3A_163, %add3A_204 : vector<16xi32>
        %gather3A_206 = tpu.vector_load_idx %arg5[%add3A_205] : memref<32000xf32, #tpu.memory_space<vmem>>[vector<16xi32>], vector<16xf32>,
        %add3A_207 = arith.constant 11000 : i32
        %add3A_208 = vector.broadcast %add3A_207 : i32 to vector<16xi32>
        %add3A_209 = arith.addi %get3A_163, %add3A_208 : vector<16xi32>
        %gather3A_210 = tpu.vector_load_idx %arg5[%add3A_209] : memref<32000xf32, #tpu.memory_space<vmem>>[vector<16xi32>], vector<16xf32>,
        %add3A_211 = arith.constant 12000 : i32
        %add3A_212 = vector.broadcast %add3A_211 : i32 to vector<16xi32>
        %add3A_213 = arith.addi %get3A_163, %add3A_212 : vector<16xi32>
        %gather3A_214 = tpu.vector_load_idx %arg5[%add3A_213] : memref<32000xf32, #tpu.memory_space<vmem>>[vector<16xi32>], vector<16xf32>,
        %add3A_215 = arith.constant 13000 : i32
        %add3A_216 = vector.broadcast %add3A_215 : i32 to vector<16xi32>
        %add3A_217 = arith.addi %get3A_163, %add3A_216 : vector<16xi32>
        %gather3A_218 = tpu.vector_load_idx %arg5[%add3A_217] : memref<32000xf32, #tpu.memory_space<vmem>>[vector<16xi32>], vector<16xf32>,
        %add3A_219 = arith.constant 14000 : i32
        %add3A_220 = vector.broadcast %add3A_219 : i32 to vector<16xi32>
        %add3A_221 = arith.addi %get3A_163, %add3A_220 : vector<16xi32>
        %gather3A_222 = tpu.vector_load_idx %arg5[%add3A_221] : memref<32000xf32, #tpu.memory_space<vmem>>[vector<16xi32>], vector<16xf32>,
        %add3A_223 = arith.constant 15000 : i32
        %add3A_224 = vector.broadcast %add3A_223 : i32 to vector<16xi32>
        %add3A_225 = arith.addi %get3A_163, %add3A_224 : vector<16xi32>
        %gather3A_226 = tpu.vector_load_idx %arg5[%add3A_225] : memref<32000xf32, #tpu.memory_space<vmem>>[vector<16xi32>], vector<16xf32>,
        %add3A_227 = arith.constant 16000 : i32
        %add3A_228 = vector.broadcast %add3A_227 : i32 to vector<16xi32>
        %add3A_229 = arith.addi %get3A_163, %add3A_228 : vector<16xi32>
        %gather3A_230 = tpu.vector_load_idx %arg5[%add3A_229] : memref<32000xf32, #tpu.memory_space<vmem>>[vector<16xi32>], vector<16xf32>,
        %add3A_231 = arith.constant 17000 : i32
        %add3A_232 = vector.broadcast %add3A_231 : i32 to vector<16xi32>
        %add3A_233 = arith.addi %get3A_163, %add3A_232 : vector<16xi32>
        %gather3A_234 = tpu.vector_load_idx %arg5[%add3A_233] : memref<32000xf32, #tpu.memory_space<vmem>>[vector<16xi32>], vector<16xf32>,
        %add3A_235 = arith.constant 18000 : i32
        %add3A_236 = vector.broadcast %add3A_235 : i32 to vector<16xi32>
        %add3A_237 = arith.addi %get3A_163, %add3A_236 : vector<16xi32>
        %gather3A_238 = tpu.vector_load_idx %arg5[%add3A_237] : memref<32000xf32, #tpu.memory_space<vmem>>[vector<16xi32>], vector<16xf32>,
        %add3A_239 = arith.constant 19000 : i32
        %add3A_240 = vector.broadcast %add3A_239 : i32 to vector<16xi32>
        %add3A_241 = arith.addi %get3A_163, %add3A_240 : vector<16xi32>
        %gather3A_242 = tpu.vector_load_idx %arg5[%add3A_241] : memref<32000xf32, #tpu.memory_space<vmem>>[vector<16xi32>], vector<16xf32>,
        %add3A_243 = arith.constant 20000 : i32
        %add3A_244 = vector.broadcast %add3A_243 : i32 to vector<16xi32>
        %add3A_245 = arith.addi %get3A_163, %add3A_244 : vector<16xi32>
        %gather3A_246 = tpu.vector_load_idx %arg5[%add3A_245] : memref<32000xf32, #tpu.memory_space<vmem>>[vector<16xi32>], vector<16xf32>,
        %add3A_247 = arith.constant 21000 : i32
        %add3A_248 = vector.broadcast %add3A_247 : i32 to vector<16xi32>
        %add3A_249 = arith.addi %get3A_163, %add3A_248 : vector<16xi32>
        %gather3A_250 = tpu.vector_load_idx %arg5[%add3A_249] : memref<32000xf32, #tpu.memory_space<vmem>>[vector<16xi32>], vector<16xf32>,
        %add3A_251 = arith.constant 22000 : i32
        %add3A_252 = vector.broadcast %add3A_251 : i32 to vector<16xi32>
        %add3A_253 = arith.addi %get3A_163, %add3A_252 : vector<16xi32>
        %gather3A_254 = tpu.vector_load_idx %arg5[%add3A_253] : memref<32000xf32, #tpu.memory_space<vmem>>[vector<16xi32>], vector<16xf32>,
        %add3A_255 = arith.constant 23000 : i32
        %add3A_256 = vector.broadcast %add3A_255 : i32 to vector<16xi32>
        %add3A_257 = arith.addi %get3A_163, %add3A_256 : vector<16xi32>
        %gather3A_258 = tpu.vector_load_idx %arg5[%add3A_257] : memref<32000xf32, #tpu.memory_space<vmem>>[vector<16xi32>], vector<16xf32>,
        %add3A_259 = arith.constant 24000 : i32
        %add3A_260 = vector.broadcast %add3A_259 : i32 to vector<16xi32>
        %add3A_261 = arith.addi %get3A_163, %add3A_260 : vector<16xi32>
        %gather3A_262 = tpu.vector_load_idx %arg5[%add3A_261] : memref<32000xf32, #tpu.memory_space<vmem>>[vector<16xi32>], vector<16xf32>,
        %add3A_263 = arith.constant 25000 : i32
        %add3A_264 = vector.broadcast %add3A_263 : i32 to vector<16xi32>
        %add3A_265 = arith.addi %get3A_163, %add3A_264 : vector<16xi32>
        %gather3A_266 = tpu.vector_load_idx %arg5[%add3A_265] : memref<32000xf32, #tpu.memory_space<vmem>>[vector<16xi32>], vector<16xf32>,
        %add3A_267 = arith.constant 26000 : i32
        %add3A_268 = vector.broadcast %add3A_267 : i32 to vector<16xi32>
        %add3A_269 = arith.addi %get3A_163, %add3A_268 : vector<16xi32>
        %gather3A_270 = tpu.vector_load_idx %arg5[%add3A_269] : memref<32000xf32, #tpu.memory_space<vmem>>[vector<16xi32>], vector<16xf32>,
        %add3A_271 = arith.constant 27000 : i32
        %add3A_272 = vector.broadcast %add3A_271 : i32 to vector<16xi32>
        %add3A_273 = arith.addi %get3A_163, %add3A_272 : vector<16xi32>
        %gather3A_274 = tpu.vector_load_idx %arg5[%add3A_273] : memref<32000xf32, #tpu.memory_space<vmem>>[vector<16xi32>], vector<16xf32>,
        %add3A_275 = arith.constant 28000 : i32
        %add3A_276 = vector.broadcast %add3A_275 : i32 to vector<16xi32>
        %add3A_277 = arith.addi %get3A_163, %add3A_276 : vector<16xi32>
        %gather3A_278 = tpu.vector_load_idx %arg5[%add3A_277] : memref<32000xf32, #tpu.memory_space<vmem>>[vector<16xi32>], vector<16xf32>,
        %add3A_279 = arith.constant 29000 : i32
        %add3A_280 = vector.broadcast %add3A_279 : i32 to vector<16xi32>
        %add3A_281 = arith.addi %get3A_163, %add3A_280 : vector<16xi32>
        %gather3A_282 = tpu.vector_load_idx %arg5[%add3A_281] : memref<32000xf32, #tpu.memory_space<vmem>>[vector<16xi32>], vector<16xf32>,
        %add3A_283 = arith.constant 30000 : i32
        %add3A_284 = vector.broadcast %add3A_283 : i32 to vector<16xi32>
        %add3A_285 = arith.addi %get3A_163, %add3A_284 : vector<16xi32>
        %gather3A_286 = tpu.vector_load_idx %arg5[%add3A_285] : memref<32000xf32, #tpu.memory_space<vmem>>[vector<16xi32>], vector<16xf32>,
        %add3A_287 = arith.constant 31000 : i32
        %add3A_288 = vector.broadcast %add3A_287 : i32 to vector<16xi32>
        %add3A_289 = arith.addi %get3A_163, %add3A_288 : vector<16xi32>
        %gather3A_290 = tpu.vector_load_idx %arg5[%add3A_289] : memref<32000xf32, #tpu.memory_space<vmem>>[vector<16xi32>], vector<16xf32>,
        %mul3A_291 = arith.constant 16 : i32
        %mul3A_292 = arith.muli %scan3A_156, %mul3A_291 : i32
        %swap3A = arith.constant 0 : i32
        %swap3A_293 = arith.index_cast %swap3A : i32 to index
        %swap3A_294 = arith.index_cast %mul3A_292 : i32 to index
        %swap3A_295 = tpu.vector_load %arg9[%swap3A_293, %swap3A_294] {strides = array<i32>} : memref<32x256xf32, #tpu.memory_space<vmem>>, vector<16xf32>,
        tpu.vector_store %arg9[%swap3A_293, %swap3A_294], %gather3A {strides = array<i32>} : memref<32x256xf32, #tpu.memory_space<vmem>>, vector<16xf32>,
        %mul3A_296 = arith.constant 16 : i32
        %mul3A_297 = arith.muli %scan3A_156, %mul3A_296 : i32
        %swap3A_298 = arith.constant 1 : i32
        %swap3A_299 = arith.index_cast %swap3A_298 : i32 to index
        %swap3A_300 = arith.index_cast %mul3A_297 : i32 to index
        %swap3A_301 = tpu.vector_load %arg9[%swap3A_299, %swap3A_300] {strides = array<i32>} : memref<32x256xf32, #tpu.memory_space<vmem>>, vector<16xf32>,
        tpu.vector_store %arg9[%swap3A_299, %swap3A_300], %gather3A_170 {strides = array<i32>} : memref<32x256xf32, #tpu.memory_space<vmem>>, vector<16xf32>,
        %mul3A_302 = arith.constant 16 : i32
        %mul3A_303 = arith.muli %scan3A_156, %mul3A_302 : i32
        %swap3A_304 = arith.constant 2 : i32
        %swap3A_305 = arith.index_cast %swap3A_304 : i32 to index
        %swap3A_306 = arith.index_cast %mul3A_303 : i32 to index
        %swap3A_307 = tpu.vector_load %arg9[%swap3A_305, %swap3A_306] {strides = array<i32>} : memref<32x256xf32, #tpu.memory_space<vmem>>, vector<16xf32>,
        tpu.vector_store %arg9[%swap3A_305, %swap3A_306], %gather3A_174 {strides = array<i32>} : memref<32x256xf32, #tpu.memory_space<vmem>>, vector<16xf32>,
        %mul3A_308 = arith.constant 16 : i32
        %mul3A_309 = arith.muli %scan3A_156, %mul3A_308 : i32
        %swap3A_310 = arith.constant 3 : i32
        %swap3A_311 = arith.index_cast %swap3A_310 : i32 to index
        %swap3A_312 = arith.index_cast %mul3A_309 : i32 to index
        %swap3A_313 = tpu.vector_load %arg9[%swap3A_311, %swap3A_312] {strides = array<i32>} : memref<32x256xf32, #tpu.memory_space<vmem>>, vector<16xf32>,
        tpu.vector_store %arg9[%swap3A_311, %swap3A_312], %gather3A_178 {strides = array<i32>} : memref<32x256xf32, #tpu.memory_space<vmem>>, vector<16xf32>,
        %mul3A_314 = arith.constant 16 : i32
        %mul3A_315 = arith.muli %scan3A_156, %mul3A_314 : i32
        %swap3A_316 = arith.constant 4 : i32
        %swap3A_317 = arith.index_cast %swap3A_316 : i32 to index
        %swap3A_318 = arith.index_cast %mul3A_315 : i32 to index
        %swap3A_319 = tpu.vector_load %arg9[%swap3A_317, %swap3A_318] {strides = array<i32>} : memref<32x256xf32, #tpu.memory_space<vmem>>, vector<16xf32>,
        tpu.vector_store %arg9[%swap3A_317, %swap3A_318], %gather3A_182 {strides = array<i32>} : memref<32x256xf32, #tpu.memory_space<vmem>>, vector<16xf32>,
        %mul3A_320 = arith.constant 16 : i32
        %mul3A_321 = arith.muli %scan3A_156, %mul3A_320 : i32
        %swap3A_322 = arith.constant 5 : i32
        %swap3A_323 = arith.index_cast %swap3A_322 : i32 to index
        %swap3A_324 = arith.index_cast %mul3A_321 : i32 to index
        %swap3A_325 = tpu.vector_load %arg9[%swap3A_323, %swap3A_324] {strides = array<i32>} : memref<32x256xf32, #tpu.memory_space<vmem>>, vector<16xf32>,
        tpu.vector_store %arg9[%swap3A_323, %swap3A_324], %gather3A_186 {strides = array<i32>} : memref<32x256xf32, #tpu.memory_space<vmem>>, vector<16xf32>,
        %mul3A_326 = arith.constant 16 : i32
        %mul3A_327 = arith.muli %scan3A_156, %mul3A_326 : i32
        %swap3A_328 = arith.constant 6 : i32
        %swap3A_329 = arith.index_cast %swap3A_328 : i32 to index
        %swap3A_330 = arith.index_cast %mul3A_327 : i32 to index
        %swap3A_331 = tpu.vector_load %arg9[%swap3A_329, %swap3A_330] {strides = array<i32>} : memref<32x256xf32, #tpu.memory_space<vmem>>, vector<16xf32>,
        tpu.vector_store %arg9[%swap3A_329, %swap3A_330], %gather3A_190 {strides = array<i32>} : memref<32x256xf32, #tpu.memory_space<vmem>>, vector<16xf32>,
        %mul3A_332 = arith.constant 16 : i32
        %mul3A_333 = arith.muli %scan3A_156, %mul3A_332 : i32
        %swap3A_334 = arith.constant 7 : i32
        %swap3A_335 = arith.index_cast %swap3A_334 : i32 to index
        %swap3A_336 = arith.index_cast %mul3A_333 : i32 to index
        %swap3A_337 = tpu.vector_load %arg9[%swap3A_335, %swap3A_336] {strides = array<i32>} : memref<32x256xf32, #tpu.memory_space<vmem>>, vector<16xf32>,
        tpu.vector_store %arg9[%swap3A_335, %swap3A_336], %gather3A_194 {strides = array<i32>} : memref<32x256xf32, #tpu.memory_space<vmem>>, vector<16xf32>,
        %mul3A_338 = arith.constant 16 : i32
        %mul3A_339 = arith.muli %scan3A_156, %mul3A_338 : i32
        %swap3A_340 = arith.constant 8 : i32
        %swap3A_341 = arith.index_cast %swap3A_340 : i32 to index
        %swap3A_342 = arith.index_cast %mul3A_339 : i32 to index
        %swap3A_343 = tpu.vector_load %arg9[%swap3A_341, %swap3A_342] {strides = array<i32>} : memref<32x256xf32, #tpu.memory_space<vmem>>, vector<16xf32>,
        tpu.vector_store %arg9[%swap3A_341, %swap3A_342], %gather3A_198 {strides = array<i32>} : memref<32x256xf32, #tpu.memory_space<vmem>>, vector<16xf32>,
        %mul3A_344 = arith.constant 16 : i32
        %mul3A_345 = arith.muli %scan3A_156, %mul3A_344 : i32
        %swap3A_346 = arith.constant 9 : i32
        %swap3A_347 = arith.index_cast %swap3A_346 : i32 to index
        %swap3A_348 = arith.index_cast %mul3A_345 : i32 to index
        %swap3A_349 = tpu.vector_load %arg9[%swap3A_347, %swap3A_348] {strides = array<i32>} : memref<32x256xf32, #tpu.memory_space<vmem>>, vector<16xf32>,
        tpu.vector_store %arg9[%swap3A_347, %swap3A_348], %gather3A_202 {strides = array<i32>} : memref<32x256xf32, #tpu.memory_space<vmem>>, vector<16xf32>,
        %mul3A_350 = arith.constant 16 : i32
        %mul3A_351 = arith.muli %scan3A_156, %mul3A_350 : i32
        %swap3A_352 = arith.constant 10 : i32
        %swap3A_353 = arith.index_cast %swap3A_352 : i32 to index
        %swap3A_354 = arith.index_cast %mul3A_351 : i32 to index
        %swap3A_355 = tpu.vector_load %arg9[%swap3A_353, %swap3A_354] {strides = array<i32>} : memref<32x256xf32, #tpu.memory_space<vmem>>, vector<16xf32>,
        tpu.vector_store %arg9[%swap3A_353, %swap3A_354], %gather3A_206 {strides = array<i32>} : memref<32x256xf32, #tpu.memory_space<vmem>>, vector<16xf32>,
        %mul3A_356 = arith.constant 16 : i32
        %mul3A_357 = arith.muli %scan3A_156, %mul3A_356 : i32
        %swap3A_358 = arith.constant 11 : i32
        %swap3A_359 = arith.index_cast %swap3A_358 : i32 to index
        %swap3A_360 = arith.index_cast %mul3A_357 : i32 to index
        %swap3A_361 = tpu.vector_load %arg9[%swap3A_359, %swap3A_360] {strides = array<i32>} : memref<32x256xf32, #tpu.memory_space<vmem>>, vector<16xf32>,
        tpu.vector_store %arg9[%swap3A_359, %swap3A_360], %gather3A_210 {strides = array<i32>} : memref<32x256xf32, #tpu.memory_space<vmem>>, vector<16xf32>,
        %mul3A_362 = arith.constant 16 : i32
        %mul3A_363 = arith.muli %scan3A_156, %mul3A_362 : i32
        %swap3A_364 = arith.constant 12 : i32
        %swap3A_365 = arith.index_cast %swap3A_364 : i32 to index
        %swap3A_366 = arith.index_cast %mul3A_363 : i32 to index
        %swap3A_367 = tpu.vector_load %arg9[%swap3A_365, %swap3A_366] {strides = array<i32>} : memref<32x256xf32, #tpu.memory_space<vmem>>, vector<16xf32>,
        tpu.vector_store %arg9[%swap3A_365, %swap3A_366], %gather3A_214 {strides = array<i32>} : memref<32x256xf32, #tpu.memory_space<vmem>>, vector<16xf32>,
        %mul3A_368 = arith.constant 16 : i32
        %mul3A_369 = arith.muli %scan3A_156, %mul3A_368 : i32
        %swap3A_370 = arith.constant 13 : i32
        %swap3A_371 = arith.index_cast %swap3A_370 : i32 to index
        %swap3A_372 = arith.index_cast %mul3A_369 : i32 to index
        %swap3A_373 = tpu.vector_load %arg9[%swap3A_371, %swap3A_372] {strides = array<i32>} : memref<32x256xf32, #tpu.memory_space<vmem>>, vector<16xf32>,
        tpu.vector_store %arg9[%swap3A_371, %swap3A_372], %gather3A_218 {strides = array<i32>} : memref<32x256xf32, #tpu.memory_space<vmem>>, vector<16xf32>,
        %mul3A_374 = arith.constant 16 : i32
        %mul3A_375 = arith.muli %scan3A_156, %mul3A_374 : i32
        %swap3A_376 = arith.constant 14 : i32
        %swap3A_377 = arith.index_cast %swap3A_376 : i32 to index
        %swap3A_378 = arith.index_cast %mul3A_375 : i32 to index
        %swap3A_379 = tpu.vector_load %arg9[%swap3A_377, %swap3A_378] {strides = array<i32>} : memref<32x256xf32, #tpu.memory_space<vmem>>, vector<16xf32>,
        tpu.vector_store %arg9[%swap3A_377, %swap3A_378], %gather3A_222 {strides = array<i32>} : memref<32x256xf32, #tpu.memory_space<vmem>>, vector<16xf32>,
        %mul3A_380 = arith.constant 16 : i32
        %mul3A_381 = arith.muli %scan3A_156, %mul3A_380 : i32
        %swap3A_382 = arith.constant 15 : i32
        %swap3A_383 = arith.index_cast %swap3A_382 : i32 to index
        %swap3A_384 = arith.index_cast %mul3A_381 : i32 to index
        %swap3A_385 = tpu.vector_load %arg9[%swap3A_383, %swap3A_384] {strides = array<i32>} : memref<32x256xf32, #tpu.memory_space<vmem>>, vector<16xf32>,
        tpu.vector_store %arg9[%swap3A_383, %swap3A_384], %gather3A_226 {strides = array<i32>} : memref<32x256xf32, #tpu.memory_space<vmem>>, vector<16xf32>,
        %mul3A_386 = arith.constant 16 : i32
        %mul3A_387 = arith.muli %scan3A_156, %mul3A_386 : i32
        %swap3A_388 = arith.constant 16 : i32
        %swap3A_389 = arith.index_cast %swap3A_388 : i32 to index
        %swap3A_390 = arith.index_cast %mul3A_387 : i32 to index
        %swap3A_391 = tpu.vector_load %arg9[%swap3A_389, %swap3A_390] {strides = array<i32>} : memref<32x256xf32, #tpu.memory_space<vmem>>, vector<16xf32>,
        tpu.vector_store %arg9[%swap3A_389, %swap3A_390], %gather3A_230 {strides = array<i32>} : memref<32x256xf32, #tpu.memory_space<vmem>>, vector<16xf32>,
        %mul3A_392 = arith.constant 16 : i32
        %mul3A_393 = arith.muli %scan3A_156, %mul3A_392 : i32
        %swap3A_394 = arith.constant 17 : i32
        %swap3A_395 = arith.index_cast %swap3A_394 : i32 to index
        %swap3A_396 = arith.index_cast %mul3A_393 : i32 to index
        %swap3A_397 = tpu.vector_load %arg9[%swap3A_395, %swap3A_396] {strides = array<i32>} : memref<32x256xf32, #tpu.memory_space<vmem>>, vector<16xf32>,
        tpu.vector_store %arg9[%swap3A_395, %swap3A_396], %gather3A_234 {strides = array<i32>} : memref<32x256xf32, #tpu.memory_space<vmem>>, vector<16xf32>,
        %mul3A_398 = arith.constant 16 : i32
        %mul3A_399 = arith.muli %scan3A_156, %mul3A_398 : i32
        %swap3A_400 = arith.constant 18 : i32
        %swap3A_401 = arith.index_cast %swap3A_400 : i32 to index
        %swap3A_402 = arith.index_cast %mul3A_399 : i32 to index
        %swap3A_403 = tpu.vector_load %arg9[%swap3A_401, %swap3A_402] {strides = array<i32>} : memref<32x256xf32, #tpu.memory_space<vmem>>, vector<16xf32>,
        tpu.vector_store %arg9[%swap3A_401, %swap3A_402], %gather3A_238 {strides = array<i32>} : memref<32x256xf32, #tpu.memory_space<vmem>>, vector<16xf32>,
        %mul3A_404 = arith.constant 16 : i32
        %mul3A_405 = arith.muli %scan3A_156, %mul3A_404 : i32
        %swap3A_406 = arith.constant 19 : i32
        %swap3A_407 = arith.index_cast %swap3A_406 : i32 to index
        %swap3A_408 = arith.index_cast %mul3A_405 : i32 to index
        %swap3A_409 = tpu.vector_load %arg9[%swap3A_407, %swap3A_408] {strides = array<i32>} : memref<32x256xf32, #tpu.memory_space<vmem>>, vector<16xf32>,
        tpu.vector_store %arg9[%swap3A_407, %swap3A_408], %gather3A_242 {strides = array<i32>} : memref<32x256xf32, #tpu.memory_space<vmem>>, vector<16xf32>,
        %mul3A_410 = arith.constant 16 : i32
        %mul3A_411 = arith.muli %scan3A_156, %mul3A_410 : i32
        %swap3A_412 = arith.constant 20 : i32
        %swap3A_413 = arith.index_cast %swap3A_412 : i32 to index
        %swap3A_414 = arith.index_cast %mul3A_411 : i32 to index
        %swap3A_415 = tpu.vector_load %arg9[%swap3A_413, %swap3A_414] {strides = array<i32>} : memref<32x256xf32, #tpu.memory_space<vmem>>, vector<16xf32>,
        tpu.vector_store %arg9[%swap3A_413, %swap3A_414], %gather3A_246 {strides = array<i32>} : memref<32x256xf32, #tpu.memory_space<vmem>>, vector<16xf32>,
        %mul3A_416 = arith.constant 16 : i32
        %mul3A_417 = arith.muli %scan3A_156, %mul3A_416 : i32
        %swap3A_418 = arith.constant 21 : i32
        %swap3A_419 = arith.index_cast %swap3A_418 : i32 to index
        %swap3A_420 = arith.index_cast %mul3A_417 : i32 to index
        %swap3A_421 = tpu.vector_load %arg9[%swap3A_419, %swap3A_420] {strides = array<i32>} : memref<32x256xf32, #tpu.memory_space<vmem>>, vector<16xf32>,
        tpu.vector_store %arg9[%swap3A_419, %swap3A_420], %gather3A_250 {strides = array<i32>} : memref<32x256xf32, #tpu.memory_space<vmem>>, vector<16xf32>,
        %mul3A_422 = arith.constant 16 : i32
        %mul3A_423 = arith.muli %scan3A_156, %mul3A_422 : i32
        %swap3A_424 = arith.constant 22 : i32
        %swap3A_425 = arith.index_cast %swap3A_424 : i32 to index
        %swap3A_426 = arith.index_cast %mul3A_423 : i32 to index
        %swap3A_427 = tpu.vector_load %arg9[%swap3A_425, %swap3A_426] {strides = array<i32>} : memref<32x256xf32, #tpu.memory_space<vmem>>, vector<16xf32>,
        tpu.vector_store %arg9[%swap3A_425, %swap3A_426], %gather3A_254 {strides = array<i32>} : memref<32x256xf32, #tpu.memory_space<vmem>>, vector<16xf32>,
        %mul3A_428 = arith.constant 16 : i32
        %mul3A_429 = arith.muli %scan3A_156, %mul3A_428 : i32
        %swap3A_430 = arith.constant 23 : i32
        %swap3A_431 = arith.index_cast %swap3A_430 : i32 to index
        %swap3A_432 = arith.index_cast %mul3A_429 : i32 to index
        %swap3A_433 = tpu.vector_load %arg9[%swap3A_431, %swap3A_432] {strides = array<i32>} : memref<32x256xf32, #tpu.memory_space<vmem>>, vector<16xf32>,
        tpu.vector_store %arg9[%swap3A_431, %swap3A_432], %gather3A_258 {strides = array<i32>} : memref<32x256xf32, #tpu.memory_space<vmem>>, vector<16xf32>,
        %mul3A_434 = arith.constant 16 : i32
        %mul3A_435 = arith.muli %scan3A_156, %mul3A_434 : i32
        %swap3A_436 = arith.constant 24 : i32
        %swap3A_437 = arith.index_cast %swap3A_436 : i32 to index
        %swap3A_438 = arith.index_cast %mul3A_435 : i32 to index
        %swap3A_439 = tpu.vector_load %arg9[%swap3A_437, %swap3A_438] {strides = array<i32>} : memref<32x256xf32, #tpu.memory_space<vmem>>, vector<16xf32>,
        tpu.vector_store %arg9[%swap3A_437, %swap3A_438], %gather3A_262 {strides = array<i32>} : memref<32x256xf32, #tpu.memory_space<vmem>>, vector<16xf32>,
        %mul3A_440 = arith.constant 16 : i32
        %mul3A_441 = arith.muli %scan3A_156, %mul3A_440 : i32
        %swap3A_442 = arith.constant 25 : i32
        %swap3A_443 = arith.index_cast %swap3A_442 : i32 to index
        %swap3A_444 = arith.index_cast %mul3A_441 : i32 to index
        %swap3A_445 = tpu.vector_load %arg9[%swap3A_443, %swap3A_444] {strides = array<i32>} : memref<32x256xf32, #tpu.memory_space<vmem>>, vector<16xf32>,
        tpu.vector_store %arg9[%swap3A_443, %swap3A_444], %gather3A_266 {strides = array<i32>} : memref<32x256xf32, #tpu.memory_space<vmem>>, vector<16xf32>,
        %mul3A_446 = arith.constant 16 : i32
        %mul3A_447 = arith.muli %scan3A_156, %mul3A_446 : i32
        %swap3A_448 = arith.constant 26 : i32
        %swap3A_449 = arith.index_cast %swap3A_448 : i32 to index
        %swap3A_450 = arith.index_cast %mul3A_447 : i32 to index
        %swap3A_451 = tpu.vector_load %arg9[%swap3A_449, %swap3A_450] {strides = array<i32>} : memref<32x256xf32, #tpu.memory_space<vmem>>, vector<16xf32>,
        tpu.vector_store %arg9[%swap3A_449, %swap3A_450], %gather3A_270 {strides = array<i32>} : memref<32x256xf32, #tpu.memory_space<vmem>>, vector<16xf32>,
        %mul3A_452 = arith.constant 16 : i32
        %mul3A_453 = arith.muli %scan3A_156, %mul3A_452 : i32
        %swap3A_454 = arith.constant 27 : i32
        %swap3A_455 = arith.index_cast %swap3A_454 : i32 to index
        %swap3A_456 = arith.index_cast %mul3A_453 : i32 to index
        %swap3A_457 = tpu.vector_load %arg9[%swap3A_455, %swap3A_456] {strides = array<i32>} : memref<32x256xf32, #tpu.memory_space<vmem>>, vector<16xf32>,
        tpu.vector_store %arg9[%swap3A_455, %swap3A_456], %gather3A_274 {strides = array<i32>} : memref<32x256xf32, #tpu.memory_space<vmem>>, vector<16xf32>,
        %mul3A_458 = arith.constant 16 : i32
        %mul3A_459 = arith.muli %scan3A_156, %mul3A_458 : i32
        %swap3A_460 = arith.constant 28 : i32
        %swap3A_461 = arith.index_cast %swap3A_460 : i32 to index
        %swap3A_462 = arith.index_cast %mul3A_459 : i32 to index
        %swap3A_463 = tpu.vector_load %arg9[%swap3A_461, %swap3A_462] {strides = array<i32>} : memref<32x256xf32, #tpu.memory_space<vmem>>, vector<16xf32>,
        tpu.vector_store %arg9[%swap3A_461, %swap3A_462], %gather3A_278 {strides = array<i32>} : memref<32x256xf32, #tpu.memory_space<vmem>>, vector<16xf32>,
        %mul3A_464 = arith.constant 16 : i32
        %mul3A_465 = arith.muli %scan3A_156, %mul3A_464 : i32
        %swap3A_466 = arith.constant 29 : i32
        %swap3A_467 = arith.index_cast %swap3A_466 : i32 to index
        %swap3A_468 = arith.index_cast %mul3A_465 : i32 to index
        %swap3A_469 = tpu.vector_load %arg9[%swap3A_467, %swap3A_468] {strides = array<i32>} : memref<32x256xf32, #tpu.memory_space<vmem>>, vector<16xf32>,
        tpu.vector_store %arg9[%swap3A_467, %swap3A_468], %gather3A_282 {strides = array<i32>} : memref<32x256xf32, #tpu.memory_space<vmem>>, vector<16xf32>,
        %mul3A_470 = arith.constant 16 : i32
        %mul3A_471 = arith.muli %scan3A_156, %mul3A_470 : i32
        %swap3A_472 = arith.constant 30 : i32
        %swap3A_473 = arith.index_cast %swap3A_472 : i32 to index
        %swap3A_474 = arith.index_cast %mul3A_471 : i32 to index
        %swap3A_475 = tpu.vector_load %arg9[%swap3A_473, %swap3A_474] {strides = array<i32>} : memref<32x256xf32, #tpu.memory_space<vmem>>, vector<16xf32>,
        tpu.vector_store %arg9[%swap3A_473, %swap3A_474], %gather3A_286 {strides = array<i32>} : memref<32x256xf32, #tpu.memory_space<vmem>>, vector<16xf32>,
        %mul3A_476 = arith.constant 16 : i32
        %mul3A_477 = arith.muli %scan3A_156, %mul3A_476 : i32
        %swap3A_478 = arith.constant 31 : i32
        %swap3A_479 = arith.index_cast %swap3A_478 : i32 to index
        %swap3A_480 = arith.index_cast %mul3A_477 : i32 to index
        %swap3A_481 = tpu.vector_load %arg9[%swap3A_479, %swap3A_480] {strides = array<i32>} : memref<32x256xf32, #tpu.memory_space<vmem>>, vector<16xf32>,
        tpu.vector_store %arg9[%swap3A_479, %swap3A_480], %gather3A_290 {strides = array<i32>} : memref<32x256xf32, #tpu.memory_space<vmem>>, vector<16xf32>,
        %scan3A_482 = arith.constant 0 : i32
        scf.yield %scan3A_482 : i32
      }
      %scan3A_146 = arith.constant 16 : i32
      %add3A_147 = arith.constant 256 : i32
      %add3A_148 = arith.addi %mul3A_2, %add3A_147 : i32
      %dma_start3A_149 = arith.constant 0 : i32
      %dma_start3A_150 = tpu.memref_slice %arg4[%add3A_106, %dma_start3A_149, %add3A_148] : memref<200x32x16384xf32, #tpu.memory_space<hbm>> -> memref<1x32x256xf32, #tpu.memory_space<hbm>>
      %dma_start3A_151 = tpu.memref_squeeze %dma_start3A_150 : memref<1x32x256xf32, #tpu.memory_space<hbm>> -> memref<32x256xf32, #tpu.memory_space<hbm>>
      %dma_start3A_152 = arith.constant 0 : i32
      %dma_start3A_153 = tpu.memref_slice %arg4[%add3A_106, %dma_start3A_152, %add3A_148] : memref<200x32x16384xf32, #tpu.memory_space<hbm>> -> memref<1x32x256xf32, #tpu.memory_space<hbm>>
      %dma_start3A_154 = tpu.memref_squeeze %dma_start3A_153 : memref<1x32x256xf32, #tpu.memory_space<hbm>> -> memref<32x256xf32, #tpu.memory_space<hbm>>
      tpu.enqueue_dma source(%arg9 : memref<32x256xf32, #tpu.memory_space<vmem>>) target(%dma_start3A_154 : memref<32x256xf32, #tpu.memory_space<hbm>>) target_semaphore(%arg13 : memref<!tpu.dma_semaphore, #tpu.memory_space<semaphore_mem>>)
      %scan3A_155 = arith.constant 0 : i32
      scf.yield %scan3A_155 : i32
    }
    %scan3A_37 = arith.constant 40 : i32
    %dma_start3A_38 = arith.constant 120 : i32
    %dma_start3A_39 = tpu.memref_slice %arg3[%dma_start3A_38, %mul3A_2] : memref<200x16384xi32, #tpu.memory_space<hbm>> -> memref<40x512xi32, #tpu.memory_space<hbm>>
    %dma_start3A_40 = arith.constant 120 : i32
    %dma_start3A_41 = tpu.memref_slice %arg3[%dma_start3A_40, %mul3A_2] : memref<200x16384xi32, #tpu.memory_space<hbm>> -> memref<40x512xi32, #tpu.memory_space<hbm>>
    tpu.enqueue_dma source(%dma_start3A_41 : memref<40x512xi32, #tpu.memory_space<hbm>>) target(%arg7 : memref<40x512xi32, #tpu.memory_space<vmem>>) target_semaphore(%arg11 : memref<!tpu.dma_semaphore, #tpu.memory_space<semaphore_mem>>)
    %dma_wait3A_42 = arith.constant 0 : i32
    %dma_wait3A_43 = arith.constant 0 : i32
    %dma_wait3A_44 = tpu.memref_slice %arg3[%dma_wait3A_42, %dma_wait3A_43] : memref<200x16384xi32, #tpu.memory_space<hbm>> -> memref<40x512xi32, #tpu.memory_space<hbm>>
    %dma_wait3A_45 = arith.constant 0 : i32
    %dma_wait3A_46 = arith.constant 0 : i32
    %dma_wait3A_47 = tpu.memref_slice %arg3[%dma_wait3A_45, %dma_wait3A_46] : memref<200x16384xi32, #tpu.memory_space<hbm>> -> memref<40x512xi32, #tpu.memory_space<hbm>>
    tpu.wait_dma2 semaphore(%arg10 : memref<!tpu.dma_semaphore, #tpu.memory_space<semaphore_mem>>) src(%dma_wait3A_47 : memref<40x512xi32, #tpu.memory_space<hbm>>) dst(%arg6 : memref<40x512xi32, #tpu.memory_space<vmem>>)
    %scan3A_48 = arith.constant 0 : i32
    %scan3A_49 = arith.constant 0 : i32
    %scan3A_50 = arith.constant 40 : i32
    %scan3A_51 = arith.addi %scan3A_49, %scan3A_50 : i32
    %scan3A_52 = arith.constant 1 : i32
    %scan3A_53 = scf.for %scan3A_103 = %scan3A_49 to %scan3A_51 step %scan3A_52 iter_args(%scan3A_104 = %scan3A_48) -> (i32)  : i32 {
      %add3A_105 = arith.constant 80 : i32
      %add3A_106 = arith.addi %add3A_105, %scan3A_103 : i32
      %dma_wait3A_107 = arith.constant 0 : i32
      %dma_wait3A_108 = arith.constant 0 : i32
      %dma_wait3A_109 = arith.constant 0 : i32
      %dma_wait3A_110 = tpu.memref_slice %arg4[%dma_wait3A_107, %dma_wait3A_108, %dma_wait3A_109] : memref<200x32x16384xf32, #tpu.memory_space<hbm>> -> memref<1x32x256xf32, #tpu.memory_space<hbm>>
      %dma_wait3A_111 = tpu.memref_squeeze %dma_wait3A_110 : memref<1x32x256xf32, #tpu.memory_space<hbm>> -> memref<32x256xf32, #tpu.memory_space<hbm>>
      %dma_wait3A_112 = arith.constant 0 : i32
      %dma_wait3A_113 = arith.constant 0 : i32
      %dma_wait3A_114 = tpu.memref_slice %arg4[%dma_wait3A_107, %dma_wait3A_112, %dma_wait3A_113] : memref<200x32x16384xf32, #tpu.memory_space<hbm>> -> memref<1x32x256xf32, #tpu.memory_space<hbm>>
      %dma_wait3A_115 = tpu.memref_squeeze %dma_wait3A_114 : memref<1x32x256xf32, #tpu.memory_space<hbm>> -> memref<32x256xf32, #tpu.memory_space<hbm>>
      tpu.wait_dma2 semaphore(%arg12 : memref<!tpu.dma_semaphore, #tpu.memory_space<semaphore_mem>>) src(%arg8 : memref<32x256xf32, #tpu.memory_space<vmem>>) dst(%dma_wait3A_115 : memref<32x256xf32, #tpu.memory_space<hbm>>)
      %scan3A_116 = arith.constant 0 : i32
      %scan3A_117 = arith.constant 0 : i32
      %scan3A_118 = arith.constant 16 : i32
      %scan3A_119 = arith.addi %scan3A_117, %scan3A_118 : i32
      %scan3A_120 = arith.constant 1 : i32
      %scan3A_121 = scf.for %scan3A_156 = %scan3A_117 to %scan3A_119 step %scan3A_120 iter_args(%scan3A_157 = %scan3A_116) -> (i32)  : i32 {
        %mul3A_158 = arith.constant 16 : i32
        %mul3A_159 = arith.muli %scan3A_156, %mul3A_158 : i32
        %add3A_160 = arith.constant 0 : i32
        %add3A_161 = arith.addi %add3A_160, %mul3A_159 : i32
        %multiple_of3A = tpu.assume_multiple %add3A_161, 16 : i32
        %get3A = arith.index_cast %scan3A_103 : i32 to index
        %get3A_162 = arith.index_cast %multiple_of3A : i32 to index
        %get3A_163 = tpu.vector_load %arg6[%get3A, %get3A_162] {strides = array<i32>} : memref<40x512xi32, #tpu.memory_space<vmem>>, vector<16xi32>,
        %add3A_164 = arith.constant 0 : i32
        %add3A_165 = vector.broadcast %add3A_164 : i32 to vector<16xi32>
        %add3A_166 = arith.addi %get3A_163, %add3A_165 : vector<16xi32>
        %gather3A = tpu.vector_load_idx %arg5[%add3A_166] : memref<32000xf32, #tpu.memory_space<vmem>>[vector<16xi32>], vector<16xf32>,
        %add3A_167 = arith.constant 1000 : i32
        %add3A_168 = vector.broadcast %add3A_167 : i32 to vector<16xi32>
        %add3A_169 = arith.addi %get3A_163, %add3A_168 : vector<16xi32>
        %gather3A_170 = tpu.vector_load_idx %arg5[%add3A_169] : memref<32000xf32, #tpu.memory_space<vmem>>[vector<16xi32>], vector<16xf32>,
        %add3A_171 = arith.constant 2000 : i32
        %add3A_172 = vector.broadcast %add3A_171 : i32 to vector<16xi32>
        %add3A_173 = arith.addi %get3A_163, %add3A_172 : vector<16xi32>
        %gather3A_174 = tpu.vector_load_idx %arg5[%add3A_173] : memref<32000xf32, #tpu.memory_space<vmem>>[vector<16xi32>], vector<16xf32>,
        %add3A_175 = arith.constant 3000 : i32
        %add3A_176 = vector.broadcast %add3A_175 : i32 to vector<16xi32>
        %add3A_177 = arith.addi %get3A_163, %add3A_176 : vector<16xi32>
        %gather3A_178 = tpu.vector_load_idx %arg5[%add3A_177] : memref<32000xf32, #tpu.memory_space<vmem>>[vector<16xi32>], vector<16xf32>,
        %add3A_179 = arith.constant 4000 : i32
        %add3A_180 = vector.broadcast %add3A_179 : i32 to vector<16xi32>
        %add3A_181 = arith.addi %get3A_163, %add3A_180 : vector<16xi32>
        %gather3A_182 = tpu.vector_load_idx %arg5[%add3A_181] : memref<32000xf32, #tpu.memory_space<vmem>>[vector<16xi32>], vector<16xf32>,
        %add3A_183 = arith.constant 5000 : i32
        %add3A_184 = vector.broadcast %add3A_183 : i32 to vector<16xi32>
        %add3A_185 = arith.addi %get3A_163, %add3A_184 : vector<16xi32>
        %gather3A_186 = tpu.vector_load_idx %arg5[%add3A_185] : memref<32000xf32, #tpu.memory_space<vmem>>[vector<16xi32>], vector<16xf32>,
        %add3A_187 = arith.constant 6000 : i32
        %add3A_188 = vector.broadcast %add3A_187 : i32 to vector<16xi32>
        %add3A_189 = arith.addi %get3A_163, %add3A_188 : vector<16xi32>
        %gather3A_190 = tpu.vector_load_idx %arg5[%add3A_189] : memref<32000xf32, #tpu.memory_space<vmem>>[vector<16xi32>], vector<16xf32>,
        %add3A_191 = arith.constant 7000 : i32
        %add3A_192 = vector.broadcast %add3A_191 : i32 to vector<16xi32>
        %add3A_193 = arith.addi %get3A_163, %add3A_192 : vector<16xi32>
        %gather3A_194 = tpu.vector_load_idx %arg5[%add3A_193] : memref<32000xf32, #tpu.memory_space<vmem>>[vector<16xi32>], vector<16xf32>,
        %add3A_195 = arith.constant 8000 : i32
        %add3A_196 = vector.broadcast %add3A_195 : i32 to vector<16xi32>
        %add3A_197 = arith.addi %get3A_163, %add3A_196 : vector<16xi32>
        %gather3A_198 = tpu.vector_load_idx %arg5[%add3A_197] : memref<32000xf32, #tpu.memory_space<vmem>>[vector<16xi32>], vector<16xf32>,
        %add3A_199 = arith.constant 9000 : i32
        %add3A_200 = vector.broadcast %add3A_199 : i32 to vector<16xi32>
        %add3A_201 = arith.addi %get3A_163, %add3A_200 : vector<16xi32>
        %gather3A_202 = tpu.vector_load_idx %arg5[%add3A_201] : memref<32000xf32, #tpu.memory_space<vmem>>[vector<16xi32>], vector<16xf32>,
        %add3A_203 = arith.constant 10000 : i32
        %add3A_204 = vector.broadcast %add3A_203 : i32 to vector<16xi32>
        %add3A_205 = arith.addi %get3A_163, %add3A_204 : vector<16xi32>
        %gather3A_206 = tpu.vector_load_idx %arg5[%add3A_205] : memref<32000xf32, #tpu.memory_space<vmem>>[vector<16xi32>], vector<16xf32>,
        %add3A_207 = arith.constant 11000 : i32
        %add3A_208 = vector.broadcast %add3A_207 : i32 to vector<16xi32>
        %add3A_209 = arith.addi %get3A_163, %add3A_208 : vector<16xi32>
        %gather3A_210 = tpu.vector_load_idx %arg5[%add3A_209] : memref<32000xf32, #tpu.memory_space<vmem>>[vector<16xi32>], vector<16xf32>,
        %add3A_211 = arith.constant 12000 : i32
        %add3A_212 = vector.broadcast %add3A_211 : i32 to vector<16xi32>
        %add3A_213 = arith.addi %get3A_163, %add3A_212 : vector<16xi32>
        %gather3A_214 = tpu.vector_load_idx %arg5[%add3A_213] : memref<32000xf32, #tpu.memory_space<vmem>>[vector<16xi32>], vector<16xf32>,
        %add3A_215 = arith.constant 13000 : i32
        %add3A_216 = vector.broadcast %add3A_215 : i32 to vector<16xi32>
        %add3A_217 = arith.addi %get3A_163, %add3A_216 : vector<16xi32>
        %gather3A_218 = tpu.vector_load_idx %arg5[%add3A_217] : memref<32000xf32, #tpu.memory_space<vmem>>[vector<16xi32>], vector<16xf32>,
        %add3A_219 = arith.constant 14000 : i32
        %add3A_220 = vector.broadcast %add3A_219 : i32 to vector<16xi32>
        %add3A_221 = arith.addi %get3A_163, %add3A_220 : vector<16xi32>
        %gather3A_222 = tpu.vector_load_idx %arg5[%add3A_221] : memref<32000xf32, #tpu.memory_space<vmem>>[vector<16xi32>], vector<16xf32>,
        %add3A_223 = arith.constant 15000 : i32
        %add3A_224 = vector.broadcast %add3A_223 : i32 to vector<16xi32>
        %add3A_225 = arith.addi %get3A_163, %add3A_224 : vector<16xi32>
        %gather3A_226 = tpu.vector_load_idx %arg5[%add3A_225] : memref<32000xf32, #tpu.memory_space<vmem>>[vector<16xi32>], vector<16xf32>,
        %add3A_227 = arith.constant 16000 : i32
        %add3A_228 = vector.broadcast %add3A_227 : i32 to vector<16xi32>
        %add3A_229 = arith.addi %get3A_163, %add3A_228 : vector<16xi32>
        %gather3A_230 = tpu.vector_load_idx %arg5[%add3A_229] : memref<32000xf32, #tpu.memory_space<vmem>>[vector<16xi32>], vector<16xf32>,
        %add3A_231 = arith.constant 17000 : i32
        %add3A_232 = vector.broadcast %add3A_231 : i32 to vector<16xi32>
        %add3A_233 = arith.addi %get3A_163, %add3A_232 : vector<16xi32>
        %gather3A_234 = tpu.vector_load_idx %arg5[%add3A_233] : memref<32000xf32, #tpu.memory_space<vmem>>[vector<16xi32>], vector<16xf32>,
        %add3A_235 = arith.constant 18000 : i32
        %add3A_236 = vector.broadcast %add3A_235 : i32 to vector<16xi32>
        %add3A_237 = arith.addi %get3A_163, %add3A_236 : vector<16xi32>
        %gather3A_238 = tpu.vector_load_idx %arg5[%add3A_237] : memref<32000xf32, #tpu.memory_space<vmem>>[vector<16xi32>], vector<16xf32>,
        %add3A_239 = arith.constant 19000 : i32
        %add3A_240 = vector.broadcast %add3A_239 : i32 to vector<16xi32>
        %add3A_241 = arith.addi %get3A_163, %add3A_240 : vector<16xi32>
        %gather3A_242 = tpu.vector_load_idx %arg5[%add3A_241] : memref<32000xf32, #tpu.memory_space<vmem>>[vector<16xi32>], vector<16xf32>,
        %add3A_243 = arith.constant 20000 : i32
        %add3A_244 = vector.broadcast %add3A_243 : i32 to vector<16xi32>
        %add3A_245 = arith.addi %get3A_163, %add3A_244 : vector<16xi32>
        %gather3A_246 = tpu.vector_load_idx %arg5[%add3A_245] : memref<32000xf32, #tpu.memory_space<vmem>>[vector<16xi32>], vector<16xf32>,
        %add3A_247 = arith.constant 21000 : i32
        %add3A_248 = vector.broadcast %add3A_247 : i32 to vector<16xi32>
        %add3A_249 = arith.addi %get3A_163, %add3A_248 : vector<16xi32>
        %gather3A_250 = tpu.vector_load_idx %arg5[%add3A_249] : memref<32000xf32, #tpu.memory_space<vmem>>[vector<16xi32>], vector<16xf32>,
        %add3A_251 = arith.constant 22000 : i32
        %add3A_252 = vector.broadcast %add3A_251 : i32 to vector<16xi32>
        %add3A_253 = arith.addi %get3A_163, %add3A_252 : vector<16xi32>
        %gather3A_254 = tpu.vector_load_idx %arg5[%add3A_253] : memref<32000xf32, #tpu.memory_space<vmem>>[vector<16xi32>], vector<16xf32>,
        %add3A_255 = arith.constant 23000 : i32
        %add3A_256 = vector.broadcast %add3A_255 : i32 to vector<16xi32>
        %add3A_257 = arith.addi %get3A_163, %add3A_256 : vector<16xi32>
        %gather3A_258 = tpu.vector_load_idx %arg5[%add3A_257] : memref<32000xf32, #tpu.memory_space<vmem>>[vector<16xi32>], vector<16xf32>,
        %add3A_259 = arith.constant 24000 : i32
        %add3A_260 = vector.broadcast %add3A_259 : i32 to vector<16xi32>
        %add3A_261 = arith.addi %get3A_163, %add3A_260 : vector<16xi32>
        %gather3A_262 = tpu.vector_load_idx %arg5[%add3A_261] : memref<32000xf32, #tpu.memory_space<vmem>>[vector<16xi32>], vector<16xf32>,
        %add3A_263 = arith.constant 25000 : i32
        %add3A_264 = vector.broadcast %add3A_263 : i32 to vector<16xi32>
        %add3A_265 = arith.addi %get3A_163, %add3A_264 : vector<16xi32>
        %gather3A_266 = tpu.vector_load_idx %arg5[%add3A_265] : memref<32000xf32, #tpu.memory_space<vmem>>[vector<16xi32>], vector<16xf32>,
        %add3A_267 = arith.constant 26000 : i32
        %add3A_268 = vector.broadcast %add3A_267 : i32 to vector<16xi32>
        %add3A_269 = arith.addi %get3A_163, %add3A_268 : vector<16xi32>
        %gather3A_270 = tpu.vector_load_idx %arg5[%add3A_269] : memref<32000xf32, #tpu.memory_space<vmem>>[vector<16xi32>], vector<16xf32>,
        %add3A_271 = arith.constant 27000 : i32
        %add3A_272 = vector.broadcast %add3A_271 : i32 to vector<16xi32>
        %add3A_273 = arith.addi %get3A_163, %add3A_272 : vector<16xi32>
        %gather3A_274 = tpu.vector_load_idx %arg5[%add3A_273] : memref<32000xf32, #tpu.memory_space<vmem>>[vector<16xi32>], vector<16xf32>,
        %add3A_275 = arith.constant 28000 : i32
        %add3A_276 = vector.broadcast %add3A_275 : i32 to vector<16xi32>
        %add3A_277 = arith.addi %get3A_163, %add3A_276 : vector<16xi32>
        %gather3A_278 = tpu.vector_load_idx %arg5[%add3A_277] : memref<32000xf32, #tpu.memory_space<vmem>>[vector<16xi32>], vector<16xf32>,
        %add3A_279 = arith.constant 29000 : i32
        %add3A_280 = vector.broadcast %add3A_279 : i32 to vector<16xi32>
        %add3A_281 = arith.addi %get3A_163, %add3A_280 : vector<16xi32>
        %gather3A_282 = tpu.vector_load_idx %arg5[%add3A_281] : memref<32000xf32, #tpu.memory_space<vmem>>[vector<16xi32>], vector<16xf32>,
        %add3A_283 = arith.constant 30000 : i32
        %add3A_284 = vector.broadcast %add3A_283 : i32 to vector<16xi32>
        %add3A_285 = arith.addi %get3A_163, %add3A_284 : vector<16xi32>
        %gather3A_286 = tpu.vector_load_idx %arg5[%add3A_285] : memref<32000xf32, #tpu.memory_space<vmem>>[vector<16xi32>], vector<16xf32>,
        %add3A_287 = arith.constant 31000 : i32
        %add3A_288 = vector.broadcast %add3A_287 : i32 to vector<16xi32>
        %add3A_289 = arith.addi %get3A_163, %add3A_288 : vector<16xi32>
        %gather3A_290 = tpu.vector_load_idx %arg5[%add3A_289] : memref<32000xf32, #tpu.memory_space<vmem>>[vector<16xi32>], vector<16xf32>,
        %mul3A_291 = arith.constant 16 : i32
        %mul3A_292 = arith.muli %scan3A_156, %mul3A_291 : i32
        %swap3A = arith.constant 0 : i32
        %swap3A_293 = arith.index_cast %swap3A : i32 to index
        %swap3A_294 = arith.index_cast %mul3A_292 : i32 to index
        %swap3A_295 = tpu.vector_load %arg8[%swap3A_293, %swap3A_294] {strides = array<i32>} : memref<32x256xf32, #tpu.memory_space<vmem>>, vector<16xf32>,
        tpu.vector_store %arg8[%swap3A_293, %swap3A_294], %gather3A {strides = array<i32>} : memref<32x256xf32, #tpu.memory_space<vmem>>, vector<16xf32>,
        %mul3A_296 = arith.constant 16 : i32
        %mul3A_297 = arith.muli %scan3A_156, %mul3A_296 : i32
        %swap3A_298 = arith.constant 1 : i32
        %swap3A_299 = arith.index_cast %swap3A_298 : i32 to index
        %swap3A_300 = arith.index_cast %mul3A_297 : i32 to index
        %swap3A_301 = tpu.vector_load %arg8[%swap3A_299, %swap3A_300] {strides = array<i32>} : memref<32x256xf32, #tpu.memory_space<vmem>>, vector<16xf32>,
        tpu.vector_store %arg8[%swap3A_299, %swap3A_300], %gather3A_170 {strides = array<i32>} : memref<32x256xf32, #tpu.memory_space<vmem>>, vector<16xf32>,
        %mul3A_302 = arith.constant 16 : i32
        %mul3A_303 = arith.muli %scan3A_156, %mul3A_302 : i32
        %swap3A_304 = arith.constant 2 : i32
        %swap3A_305 = arith.index_cast %swap3A_304 : i32 to index
        %swap3A_306 = arith.index_cast %mul3A_303 : i32 to index
        %swap3A_307 = tpu.vector_load %arg8[%swap3A_305, %swap3A_306] {strides = array<i32>} : memref<32x256xf32, #tpu.memory_space<vmem>>, vector<16xf32>,
        tpu.vector_store %arg8[%swap3A_305, %swap3A_306], %gather3A_174 {strides = array<i32>} : memref<32x256xf32, #tpu.memory_space<vmem>>, vector<16xf32>,
        %mul3A_308 = arith.constant 16 : i32
        %mul3A_309 = arith.muli %scan3A_156, %mul3A_308 : i32
        %swap3A_310 = arith.constant 3 : i32
        %swap3A_311 = arith.index_cast %swap3A_310 : i32 to index
        %swap3A_312 = arith.index_cast %mul3A_309 : i32 to index
        %swap3A_313 = tpu.vector_load %arg8[%swap3A_311, %swap3A_312] {strides = array<i32>} : memref<32x256xf32, #tpu.memory_space<vmem>>, vector<16xf32>,
        tpu.vector_store %arg8[%swap3A_311, %swap3A_312], %gather3A_178 {strides = array<i32>} : memref<32x256xf32, #tpu.memory_space<vmem>>, vector<16xf32>,
        %mul3A_314 = arith.constant 16 : i32
        %mul3A_315 = arith.muli %scan3A_156, %mul3A_314 : i32
        %swap3A_316 = arith.constant 4 : i32
        %swap3A_317 = arith.index_cast %swap3A_316 : i32 to index
        %swap3A_318 = arith.index_cast %mul3A_315 : i32 to index
        %swap3A_319 = tpu.vector_load %arg8[%swap3A_317, %swap3A_318] {strides = array<i32>} : memref<32x256xf32, #tpu.memory_space<vmem>>, vector<16xf32>,
        tpu.vector_store %arg8[%swap3A_317, %swap3A_318], %gather3A_182 {strides = array<i32>} : memref<32x256xf32, #tpu.memory_space<vmem>>, vector<16xf32>,
        %mul3A_320 = arith.constant 16 : i32
        %mul3A_321 = arith.muli %scan3A_156, %mul3A_320 : i32
        %swap3A_322 = arith.constant 5 : i32
        %swap3A_323 = arith.index_cast %swap3A_322 : i32 to index
        %swap3A_324 = arith.index_cast %mul3A_321 : i32 to index
        %swap3A_325 = tpu.vector_load %arg8[%swap3A_323, %swap3A_324] {strides = array<i32>} : memref<32x256xf32, #tpu.memory_space<vmem>>, vector<16xf32>,
        tpu.vector_store %arg8[%swap3A_323, %swap3A_324], %gather3A_186 {strides = array<i32>} : memref<32x256xf32, #tpu.memory_space<vmem>>, vector<16xf32>,
        %mul3A_326 = arith.constant 16 : i32
        %mul3A_327 = arith.muli %scan3A_156, %mul3A_326 : i32
        %swap3A_328 = arith.constant 6 : i32
        %swap3A_329 = arith.index_cast %swap3A_328 : i32 to index
        %swap3A_330 = arith.index_cast %mul3A_327 : i32 to index
        %swap3A_331 = tpu.vector_load %arg8[%swap3A_329, %swap3A_330] {strides = array<i32>} : memref<32x256xf32, #tpu.memory_space<vmem>>, vector<16xf32>,
        tpu.vector_store %arg8[%swap3A_329, %swap3A_330], %gather3A_190 {strides = array<i32>} : memref<32x256xf32, #tpu.memory_space<vmem>>, vector<16xf32>,
        %mul3A_332 = arith.constant 16 : i32
        %mul3A_333 = arith.muli %scan3A_156, %mul3A_332 : i32
        %swap3A_334 = arith.constant 7 : i32
        %swap3A_335 = arith.index_cast %swap3A_334 : i32 to index
        %swap3A_336 = arith.index_cast %mul3A_333 : i32 to index
        %swap3A_337 = tpu.vector_load %arg8[%swap3A_335, %swap3A_336] {strides = array<i32>} : memref<32x256xf32, #tpu.memory_space<vmem>>, vector<16xf32>,
        tpu.vector_store %arg8[%swap3A_335, %swap3A_336], %gather3A_194 {strides = array<i32>} : memref<32x256xf32, #tpu.memory_space<vmem>>, vector<16xf32>,
        %mul3A_338 = arith.constant 16 : i32
        %mul3A_339 = arith.muli %scan3A_156, %mul3A_338 : i32
        %swap3A_340 = arith.constant 8 : i32
        %swap3A_341 = arith.index_cast %swap3A_340 : i32 to index
        %swap3A_342 = arith.index_cast %mul3A_339 : i32 to index
        %swap3A_343 = tpu.vector_load %arg8[%swap3A_341, %swap3A_342] {strides = array<i32>} : memref<32x256xf32, #tpu.memory_space<vmem>>, vector<16xf32>,
        tpu.vector_store %arg8[%swap3A_341, %swap3A_342], %gather3A_198 {strides = array<i32>} : memref<32x256xf32, #tpu.memory_space<vmem>>, vector<16xf32>,
        %mul3A_344 = arith.constant 16 : i32
        %mul3A_345 = arith.muli %scan3A_156, %mul3A_344 : i32
        %swap3A_346 = arith.constant 9 : i32
        %swap3A_347 = arith.index_cast %swap3A_346 : i32 to index
        %swap3A_348 = arith.index_cast %mul3A_345 : i32 to index
        %swap3A_349 = tpu.vector_load %arg8[%swap3A_347, %swap3A_348] {strides = array<i32>} : memref<32x256xf32, #tpu.memory_space<vmem>>, vector<16xf32>,
        tpu.vector_store %arg8[%swap3A_347, %swap3A_348], %gather3A_202 {strides = array<i32>} : memref<32x256xf32, #tpu.memory_space<vmem>>, vector<16xf32>,
        %mul3A_350 = arith.constant 16 : i32
        %mul3A_351 = arith.muli %scan3A_156, %mul3A_350 : i32
        %swap3A_352 = arith.constant 10 : i32
        %swap3A_353 = arith.index_cast %swap3A_352 : i32 to index
        %swap3A_354 = arith.index_cast %mul3A_351 : i32 to index
        %swap3A_355 = tpu.vector_load %arg8[%swap3A_353, %swap3A_354] {strides = array<i32>} : memref<32x256xf32, #tpu.memory_space<vmem>>, vector<16xf32>,
        tpu.vector_store %arg8[%swap3A_353, %swap3A_354], %gather3A_206 {strides = array<i32>} : memref<32x256xf32, #tpu.memory_space<vmem>>, vector<16xf32>,
        %mul3A_356 = arith.constant 16 : i32
        %mul3A_357 = arith.muli %scan3A_156, %mul3A_356 : i32
        %swap3A_358 = arith.constant 11 : i32
        %swap3A_359 = arith.index_cast %swap3A_358 : i32 to index
        %swap3A_360 = arith.index_cast %mul3A_357 : i32 to index
        %swap3A_361 = tpu.vector_load %arg8[%swap3A_359, %swap3A_360] {strides = array<i32>} : memref<32x256xf32, #tpu.memory_space<vmem>>, vector<16xf32>,
        tpu.vector_store %arg8[%swap3A_359, %swap3A_360], %gather3A_210 {strides = array<i32>} : memref<32x256xf32, #tpu.memory_space<vmem>>, vector<16xf32>,
        %mul3A_362 = arith.constant 16 : i32
        %mul3A_363 = arith.muli %scan3A_156, %mul3A_362 : i32
        %swap3A_364 = arith.constant 12 : i32
        %swap3A_365 = arith.index_cast %swap3A_364 : i32 to index
        %swap3A_366 = arith.index_cast %mul3A_363 : i32 to index
        %swap3A_367 = tpu.vector_load %arg8[%swap3A_365, %swap3A_366] {strides = array<i32>} : memref<32x256xf32, #tpu.memory_space<vmem>>, vector<16xf32>,
        tpu.vector_store %arg8[%swap3A_365, %swap3A_366], %gather3A_214 {strides = array<i32>} : memref<32x256xf32, #tpu.memory_space<vmem>>, vector<16xf32>,
        %mul3A_368 = arith.constant 16 : i32
        %mul3A_369 = arith.muli %scan3A_156, %mul3A_368 : i32
        %swap3A_370 = arith.constant 13 : i32
        %swap3A_371 = arith.index_cast %swap3A_370 : i32 to index
        %swap3A_372 = arith.index_cast %mul3A_369 : i32 to index
        %swap3A_373 = tpu.vector_load %arg8[%swap3A_371, %swap3A_372] {strides = array<i32>} : memref<32x256xf32, #tpu.memory_space<vmem>>, vector<16xf32>,
        tpu.vector_store %arg8[%swap3A_371, %swap3A_372], %gather3A_218 {strides = array<i32>} : memref<32x256xf32, #tpu.memory_space<vmem>>, vector<16xf32>,
        %mul3A_374 = arith.constant 16 : i32
        %mul3A_375 = arith.muli %scan3A_156, %mul3A_374 : i32
        %swap3A_376 = arith.constant 14 : i32
        %swap3A_377 = arith.index_cast %swap3A_376 : i32 to index
        %swap3A_378 = arith.index_cast %mul3A_375 : i32 to index
        %swap3A_379 = tpu.vector_load %arg8[%swap3A_377, %swap3A_378] {strides = array<i32>} : memref<32x256xf32, #tpu.memory_space<vmem>>, vector<16xf32>,
        tpu.vector_store %arg8[%swap3A_377, %swap3A_378], %gather3A_222 {strides = array<i32>} : memref<32x256xf32, #tpu.memory_space<vmem>>, vector<16xf32>,
        %mul3A_380 = arith.constant 16 : i32
        %mul3A_381 = arith.muli %scan3A_156, %mul3A_380 : i32
        %swap3A_382 = arith.constant 15 : i32
        %swap3A_383 = arith.index_cast %swap3A_382 : i32 to index
        %swap3A_384 = arith.index_cast %mul3A_381 : i32 to index
        %swap3A_385 = tpu.vector_load %arg8[%swap3A_383, %swap3A_384] {strides = array<i32>} : memref<32x256xf32, #tpu.memory_space<vmem>>, vector<16xf32>,
        tpu.vector_store %arg8[%swap3A_383, %swap3A_384], %gather3A_226 {strides = array<i32>} : memref<32x256xf32, #tpu.memory_space<vmem>>, vector<16xf32>,
        %mul3A_386 = arith.constant 16 : i32
        %mul3A_387 = arith.muli %scan3A_156, %mul3A_386 : i32
        %swap3A_388 = arith.constant 16 : i32
        %swap3A_389 = arith.index_cast %swap3A_388 : i32 to index
        %swap3A_390 = arith.index_cast %mul3A_387 : i32 to index
        %swap3A_391 = tpu.vector_load %arg8[%swap3A_389, %swap3A_390] {strides = array<i32>} : memref<32x256xf32, #tpu.memory_space<vmem>>, vector<16xf32>,
        tpu.vector_store %arg8[%swap3A_389, %swap3A_390], %gather3A_230 {strides = array<i32>} : memref<32x256xf32, #tpu.memory_space<vmem>>, vector<16xf32>,
        %mul3A_392 = arith.constant 16 : i32
        %mul3A_393 = arith.muli %scan3A_156, %mul3A_392 : i32
        %swap3A_394 = arith.constant 17 : i32
        %swap3A_395 = arith.index_cast %swap3A_394 : i32 to index
        %swap3A_396 = arith.index_cast %mul3A_393 : i32 to index
        %swap3A_397 = tpu.vector_load %arg8[%swap3A_395, %swap3A_396] {strides = array<i32>} : memref<32x256xf32, #tpu.memory_space<vmem>>, vector<16xf32>,
        tpu.vector_store %arg8[%swap3A_395, %swap3A_396], %gather3A_234 {strides = array<i32>} : memref<32x256xf32, #tpu.memory_space<vmem>>, vector<16xf32>,
        %mul3A_398 = arith.constant 16 : i32
        %mul3A_399 = arith.muli %scan3A_156, %mul3A_398 : i32
        %swap3A_400 = arith.constant 18 : i32
        %swap3A_401 = arith.index_cast %swap3A_400 : i32 to index
        %swap3A_402 = arith.index_cast %mul3A_399 : i32 to index
        %swap3A_403 = tpu.vector_load %arg8[%swap3A_401, %swap3A_402] {strides = array<i32>} : memref<32x256xf32, #tpu.memory_space<vmem>>, vector<16xf32>,
        tpu.vector_store %arg8[%swap3A_401, %swap3A_402], %gather3A_238 {strides = array<i32>} : memref<32x256xf32, #tpu.memory_space<vmem>>, vector<16xf32>,
        %mul3A_404 = arith.constant 16 : i32
        %mul3A_405 = arith.muli %scan3A_156, %mul3A_404 : i32
        %swap3A_406 = arith.constant 19 : i32
        %swap3A_407 = arith.index_cast %swap3A_406 : i32 to index
        %swap3A_408 = arith.index_cast %mul3A_405 : i32 to index
        %swap3A_409 = tpu.vector_load %arg8[%swap3A_407, %swap3A_408] {strides = array<i32>} : memref<32x256xf32, #tpu.memory_space<vmem>>, vector<16xf32>,
        tpu.vector_store %arg8[%swap3A_407, %swap3A_408], %gather3A_242 {strides = array<i32>} : memref<32x256xf32, #tpu.memory_space<vmem>>, vector<16xf32>,
        %mul3A_410 = arith.constant 16 : i32
        %mul3A_411 = arith.muli %scan3A_156, %mul3A_410 : i32
        %swap3A_412 = arith.constant 20 : i32
        %swap3A_413 = arith.index_cast %swap3A_412 : i32 to index
        %swap3A_414 = arith.index_cast %mul3A_411 : i32 to index
        %swap3A_415 = tpu.vector_load %arg8[%swap3A_413, %swap3A_414] {strides = array<i32>} : memref<32x256xf32, #tpu.memory_space<vmem>>, vector<16xf32>,
        tpu.vector_store %arg8[%swap3A_413, %swap3A_414], %gather3A_246 {strides = array<i32>} : memref<32x256xf32, #tpu.memory_space<vmem>>, vector<16xf32>,
        %mul3A_416 = arith.constant 16 : i32
        %mul3A_417 = arith.muli %scan3A_156, %mul3A_416 : i32
        %swap3A_418 = arith.constant 21 : i32
        %swap3A_419 = arith.index_cast %swap3A_418 : i32 to index
        %swap3A_420 = arith.index_cast %mul3A_417 : i32 to index
        %swap3A_421 = tpu.vector_load %arg8[%swap3A_419, %swap3A_420] {strides = array<i32>} : memref<32x256xf32, #tpu.memory_space<vmem>>, vector<16xf32>,
        tpu.vector_store %arg8[%swap3A_419, %swap3A_420], %gather3A_250 {strides = array<i32>} : memref<32x256xf32, #tpu.memory_space<vmem>>, vector<16xf32>,
        %mul3A_422 = arith.constant 16 : i32
        %mul3A_423 = arith.muli %scan3A_156, %mul3A_422 : i32
        %swap3A_424 = arith.constant 22 : i32
        %swap3A_425 = arith.index_cast %swap3A_424 : i32 to index
        %swap3A_426 = arith.index_cast %mul3A_423 : i32 to index
        %swap3A_427 = tpu.vector_load %arg8[%swap3A_425, %swap3A_426] {strides = array<i32>} : memref<32x256xf32, #tpu.memory_space<vmem>>, vector<16xf32>,
        tpu.vector_store %arg8[%swap3A_425, %swap3A_426], %gather3A_254 {strides = array<i32>} : memref<32x256xf32, #tpu.memory_space<vmem>>, vector<16xf32>,
        %mul3A_428 = arith.constant 16 : i32
        %mul3A_429 = arith.muli %scan3A_156, %mul3A_428 : i32
        %swap3A_430 = arith.constant 23 : i32
        %swap3A_431 = arith.index_cast %swap3A_430 : i32 to index
        %swap3A_432 = arith.index_cast %mul3A_429 : i32 to index
        %swap3A_433 = tpu.vector_load %arg8[%swap3A_431, %swap3A_432] {strides = array<i32>} : memref<32x256xf32, #tpu.memory_space<vmem>>, vector<16xf32>,
        tpu.vector_store %arg8[%swap3A_431, %swap3A_432], %gather3A_258 {strides = array<i32>} : memref<32x256xf32, #tpu.memory_space<vmem>>, vector<16xf32>,
        %mul3A_434 = arith.constant 16 : i32
        %mul3A_435 = arith.muli %scan3A_156, %mul3A_434 : i32
        %swap3A_436 = arith.constant 24 : i32
        %swap3A_437 = arith.index_cast %swap3A_436 : i32 to index
        %swap3A_438 = arith.index_cast %mul3A_435 : i32 to index
        %swap3A_439 = tpu.vector_load %arg8[%swap3A_437, %swap3A_438] {strides = array<i32>} : memref<32x256xf32, #tpu.memory_space<vmem>>, vector<16xf32>,
        tpu.vector_store %arg8[%swap3A_437, %swap3A_438], %gather3A_262 {strides = array<i32>} : memref<32x256xf32, #tpu.memory_space<vmem>>, vector<16xf32>,
        %mul3A_440 = arith.constant 16 : i32
        %mul3A_441 = arith.muli %scan3A_156, %mul3A_440 : i32
        %swap3A_442 = arith.constant 25 : i32
        %swap3A_443 = arith.index_cast %swap3A_442 : i32 to index
        %swap3A_444 = arith.index_cast %mul3A_441 : i32 to index
        %swap3A_445 = tpu.vector_load %arg8[%swap3A_443, %swap3A_444] {strides = array<i32>} : memref<32x256xf32, #tpu.memory_space<vmem>>, vector<16xf32>,
        tpu.vector_store %arg8[%swap3A_443, %swap3A_444], %gather3A_266 {strides = array<i32>} : memref<32x256xf32, #tpu.memory_space<vmem>>, vector<16xf32>,
        %mul3A_446 = arith.constant 16 : i32
        %mul3A_447 = arith.muli %scan3A_156, %mul3A_446 : i32
        %swap3A_448 = arith.constant 26 : i32
        %swap3A_449 = arith.index_cast %swap3A_448 : i32 to index
        %swap3A_450 = arith.index_cast %mul3A_447 : i32 to index
        %swap3A_451 = tpu.vector_load %arg8[%swap3A_449, %swap3A_450] {strides = array<i32>} : memref<32x256xf32, #tpu.memory_space<vmem>>, vector<16xf32>,
        tpu.vector_store %arg8[%swap3A_449, %swap3A_450], %gather3A_270 {strides = array<i32>} : memref<32x256xf32, #tpu.memory_space<vmem>>, vector<16xf32>,
        %mul3A_452 = arith.constant 16 : i32
        %mul3A_453 = arith.muli %scan3A_156, %mul3A_452 : i32
        %swap3A_454 = arith.constant 27 : i32
        %swap3A_455 = arith.index_cast %swap3A_454 : i32 to index
        %swap3A_456 = arith.index_cast %mul3A_453 : i32 to index
        %swap3A_457 = tpu.vector_load %arg8[%swap3A_455, %swap3A_456] {strides = array<i32>} : memref<32x256xf32, #tpu.memory_space<vmem>>, vector<16xf32>,
        tpu.vector_store %arg8[%swap3A_455, %swap3A_456], %gather3A_274 {strides = array<i32>} : memref<32x256xf32, #tpu.memory_space<vmem>>, vector<16xf32>,
        %mul3A_458 = arith.constant 16 : i32
        %mul3A_459 = arith.muli %scan3A_156, %mul3A_458 : i32
        %swap3A_460 = arith.constant 28 : i32
        %swap3A_461 = arith.index_cast %swap3A_460 : i32 to index
        %swap3A_462 = arith.index_cast %mul3A_459 : i32 to index
        %swap3A_463 = tpu.vector_load %arg8[%swap3A_461, %swap3A_462] {strides = array<i32>} : memref<32x256xf32, #tpu.memory_space<vmem>>, vector<16xf32>,
        tpu.vector_store %arg8[%swap3A_461, %swap3A_462], %gather3A_278 {strides = array<i32>} : memref<32x256xf32, #tpu.memory_space<vmem>>, vector<16xf32>,
        %mul3A_464 = arith.constant 16 : i32
        %mul3A_465 = arith.muli %scan3A_156, %mul3A_464 : i32
        %swap3A_466 = arith.constant 29 : i32
        %swap3A_467 = arith.index_cast %swap3A_466 : i32 to index
        %swap3A_468 = arith.index_cast %mul3A_465 : i32 to index
        %swap3A_469 = tpu.vector_load %arg8[%swap3A_467, %swap3A_468] {strides = array<i32>} : memref<32x256xf32, #tpu.memory_space<vmem>>, vector<16xf32>,
        tpu.vector_store %arg8[%swap3A_467, %swap3A_468], %gather3A_282 {strides = array<i32>} : memref<32x256xf32, #tpu.memory_space<vmem>>, vector<16xf32>,
        %mul3A_470 = arith.constant 16 : i32
        %mul3A_471 = arith.muli %scan3A_156, %mul3A_470 : i32
        %swap3A_472 = arith.constant 30 : i32
        %swap3A_473 = arith.index_cast %swap3A_472 : i32 to index
        %swap3A_474 = arith.index_cast %mul3A_471 : i32 to index
        %swap3A_475 = tpu.vector_load %arg8[%swap3A_473, %swap3A_474] {strides = array<i32>} : memref<32x256xf32, #tpu.memory_space<vmem>>, vector<16xf32>,
        tpu.vector_store %arg8[%swap3A_473, %swap3A_474], %gather3A_286 {strides = array<i32>} : memref<32x256xf32, #tpu.memory_space<vmem>>, vector<16xf32>,
        %mul3A_476 = arith.constant 16 : i32
        %mul3A_477 = arith.muli %scan3A_156, %mul3A_476 : i32
        %swap3A_478 = arith.constant 31 : i32
        %swap3A_479 = arith.index_cast %swap3A_478 : i32 to index
        %swap3A_480 = arith.index_cast %mul3A_477 : i32 to index
        %swap3A_481 = tpu.vector_load %arg8[%swap3A_479, %swap3A_480] {strides = array<i32>} : memref<32x256xf32, #tpu.memory_space<vmem>>, vector<16xf32>,
        tpu.vector_store %arg8[%swap3A_479, %swap3A_480], %gather3A_290 {strides = array<i32>} : memref<32x256xf32, #tpu.memory_space<vmem>>, vector<16xf32>,
        %scan3A_482 = arith.constant 0 : i32
        scf.yield %scan3A_482 : i32
      }
      %scan3A_122 = arith.constant 16 : i32
      %add3A_123 = arith.constant 0 : i32
      %add3A_124 = arith.addi %mul3A_2, %add3A_123 : i32
      %dma_start3A_125 = arith.constant 0 : i32
      %dma_start3A_126 = tpu.memref_slice %arg4[%add3A_106, %dma_start3A_125, %add3A_124] : memref<200x32x16384xf32, #tpu.memory_space<hbm>> -> memref<1x32x256xf32, #tpu.memory_space<hbm>>
      %dma_start3A_127 = tpu.memref_squeeze %dma_start3A_126 : memref<1x32x256xf32, #tpu.memory_space<hbm>> -> memref<32x256xf32, #tpu.memory_space<hbm>>
      %dma_start3A_128 = arith.constant 0 : i32
      %dma_start3A_129 = tpu.memref_slice %arg4[%add3A_106, %dma_start3A_128, %add3A_124] : memref<200x32x16384xf32, #tpu.memory_space<hbm>> -> memref<1x32x256xf32, #tpu.memory_space<hbm>>
      %dma_start3A_130 = tpu.memref_squeeze %dma_start3A_129 : memref<1x32x256xf32, #tpu.memory_space<hbm>> -> memref<32x256xf32, #tpu.memory_space<hbm>>
      tpu.enqueue_dma source(%arg8 : memref<32x256xf32, #tpu.memory_space<vmem>>) target(%dma_start3A_130 : memref<32x256xf32, #tpu.memory_space<hbm>>) target_semaphore(%arg12 : memref<!tpu.dma_semaphore, #tpu.memory_space<semaphore_mem>>)
      %dma_wait3A_131 = arith.constant 0 : i32
      %dma_wait3A_132 = arith.constant 0 : i32
      %dma_wait3A_133 = arith.constant 0 : i32
      %dma_wait3A_134 = tpu.memref_slice %arg4[%dma_wait3A_131, %dma_wait3A_132, %dma_wait3A_133] : memref<200x32x16384xf32, #tpu.memory_space<hbm>> -> memref<1x32x256xf32, #tpu.memory_space<hbm>>
      %dma_wait3A_135 = tpu.memref_squeeze %dma_wait3A_134 : memref<1x32x256xf32, #tpu.memory_space<hbm>> -> memref<32x256xf32, #tpu.memory_space<hbm>>
      %dma_wait3A_136 = arith.constant 0 : i32
      %dma_wait3A_137 = arith.constant 0 : i32
      %dma_wait3A_138 = tpu.memref_slice %arg4[%dma_wait3A_131, %dma_wait3A_136, %dma_wait3A_137] : memref<200x32x16384xf32, #tpu.memory_space<hbm>> -> memref<1x32x256xf32, #tpu.memory_space<hbm>>
      %dma_wait3A_139 = tpu.memref_squeeze %dma_wait3A_138 : memref<1x32x256xf32, #tpu.memory_space<hbm>> -> memref<32x256xf32, #tpu.memory_space<hbm>>
      tpu.wait_dma2 semaphore(%arg13 : memref<!tpu.dma_semaphore, #tpu.memory_space<semaphore_mem>>) src(%arg9 : memref<32x256xf32, #tpu.memory_space<vmem>>) dst(%dma_wait3A_139 : memref<32x256xf32, #tpu.memory_space<hbm>>)
      %scan3A_140 = arith.constant 0 : i32
      %scan3A_141 = arith.constant 0 : i32
      %scan3A_142 = arith.constant 16 : i32
      %scan3A_143 = arith.addi %scan3A_141, %scan3A_142 : i32
      %scan3A_144 = arith.constant 1 : i32
      %scan3A_145 = scf.for %scan3A_156 = %scan3A_141 to %scan3A_143 step %scan3A_144 iter_args(%scan3A_157 = %scan3A_140) -> (i32)  : i32 {
        %mul3A_158 = arith.constant 16 : i32
        %mul3A_159 = arith.muli %scan3A_156, %mul3A_158 : i32
        %add3A_160 = arith.constant 256 : i32
        %add3A_161 = arith.addi %add3A_160, %mul3A_159 : i32
        %multiple_of3A = tpu.assume_multiple %add3A_161, 16 : i32
        %get3A = arith.index_cast %scan3A_103 : i32 to index
        %get3A_162 = arith.index_cast %multiple_of3A : i32 to index
        %get3A_163 = tpu.vector_load %arg6[%get3A, %get3A_162] {strides = array<i32>} : memref<40x512xi32, #tpu.memory_space<vmem>>, vector<16xi32>,
        %add3A_164 = arith.constant 0 : i32
        %add3A_165 = vector.broadcast %add3A_164 : i32 to vector<16xi32>
        %add3A_166 = arith.addi %get3A_163, %add3A_165 : vector<16xi32>
        %gather3A = tpu.vector_load_idx %arg5[%add3A_166] : memref<32000xf32, #tpu.memory_space<vmem>>[vector<16xi32>], vector<16xf32>,
        %add3A_167 = arith.constant 1000 : i32
        %add3A_168 = vector.broadcast %add3A_167 : i32 to vector<16xi32>
        %add3A_169 = arith.addi %get3A_163, %add3A_168 : vector<16xi32>
        %gather3A_170 = tpu.vector_load_idx %arg5[%add3A_169] : memref<32000xf32, #tpu.memory_space<vmem>>[vector<16xi32>], vector<16xf32>,
        %add3A_171 = arith.constant 2000 : i32
        %add3A_172 = vector.broadcast %add3A_171 : i32 to vector<16xi32>
        %add3A_173 = arith.addi %get3A_163, %add3A_172 : vector<16xi32>
        %gather3A_174 = tpu.vector_load_idx %arg5[%add3A_173] : memref<32000xf32, #tpu.memory_space<vmem>>[vector<16xi32>], vector<16xf32>,
        %add3A_175 = arith.constant 3000 : i32
        %add3A_176 = vector.broadcast %add3A_175 : i32 to vector<16xi32>
        %add3A_177 = arith.addi %get3A_163, %add3A_176 : vector<16xi32>
        %gather3A_178 = tpu.vector_load_idx %arg5[%add3A_177] : memref<32000xf32, #tpu.memory_space<vmem>>[vector<16xi32>], vector<16xf32>,
        %add3A_179 = arith.constant 4000 : i32
        %add3A_180 = vector.broadcast %add3A_179 : i32 to vector<16xi32>
        %add3A_181 = arith.addi %get3A_163, %add3A_180 : vector<16xi32>
        %gather3A_182 = tpu.vector_load_idx %arg5[%add3A_181] : memref<32000xf32, #tpu.memory_space<vmem>>[vector<16xi32>], vector<16xf32>,
        %add3A_183 = arith.constant 5000 : i32
        %add3A_184 = vector.broadcast %add3A_183 : i32 to vector<16xi32>
        %add3A_185 = arith.addi %get3A_163, %add3A_184 : vector<16xi32>
        %gather3A_186 = tpu.vector_load_idx %arg5[%add3A_185] : memref<32000xf32, #tpu.memory_space<vmem>>[vector<16xi32>], vector<16xf32>,
        %add3A_187 = arith.constant 6000 : i32
        %add3A_188 = vector.broadcast %add3A_187 : i32 to vector<16xi32>
        %add3A_189 = arith.addi %get3A_163, %add3A_188 : vector<16xi32>
        %gather3A_190 = tpu.vector_load_idx %arg5[%add3A_189] : memref<32000xf32, #tpu.memory_space<vmem>>[vector<16xi32>], vector<16xf32>,
        %add3A_191 = arith.constant 7000 : i32
        %add3A_192 = vector.broadcast %add3A_191 : i32 to vector<16xi32>
        %add3A_193 = arith.addi %get3A_163, %add3A_192 : vector<16xi32>
        %gather3A_194 = tpu.vector_load_idx %arg5[%add3A_193] : memref<32000xf32, #tpu.memory_space<vmem>>[vector<16xi32>], vector<16xf32>,
        %add3A_195 = arith.constant 8000 : i32
        %add3A_196 = vector.broadcast %add3A_195 : i32 to vector<16xi32>
        %add3A_197 = arith.addi %get3A_163, %add3A_196 : vector<16xi32>
        %gather3A_198 = tpu.vector_load_idx %arg5[%add3A_197] : memref<32000xf32, #tpu.memory_space<vmem>>[vector<16xi32>], vector<16xf32>,
        %add3A_199 = arith.constant 9000 : i32
        %add3A_200 = vector.broadcast %add3A_199 : i32 to vector<16xi32>
        %add3A_201 = arith.addi %get3A_163, %add3A_200 : vector<16xi32>
        %gather3A_202 = tpu.vector_load_idx %arg5[%add3A_201] : memref<32000xf32, #tpu.memory_space<vmem>>[vector<16xi32>], vector<16xf32>,
        %add3A_203 = arith.constant 10000 : i32
        %add3A_204 = vector.broadcast %add3A_203 : i32 to vector<16xi32>
        %add3A_205 = arith.addi %get3A_163, %add3A_204 : vector<16xi32>
        %gather3A_206 = tpu.vector_load_idx %arg5[%add3A_205] : memref<32000xf32, #tpu.memory_space<vmem>>[vector<16xi32>], vector<16xf32>,
        %add3A_207 = arith.constant 11000 : i32
        %add3A_208 = vector.broadcast %add3A_207 : i32 to vector<16xi32>
        %add3A_209 = arith.addi %get3A_163, %add3A_208 : vector<16xi32>
        %gather3A_210 = tpu.vector_load_idx %arg5[%add3A_209] : memref<32000xf32, #tpu.memory_space<vmem>>[vector<16xi32>], vector<16xf32>,
        %add3A_211 = arith.constant 12000 : i32
        %add3A_212 = vector.broadcast %add3A_211 : i32 to vector<16xi32>
        %add3A_213 = arith.addi %get3A_163, %add3A_212 : vector<16xi32>
        %gather3A_214 = tpu.vector_load_idx %arg5[%add3A_213] : memref<32000xf32, #tpu.memory_space<vmem>>[vector<16xi32>], vector<16xf32>,
        %add3A_215 = arith.constant 13000 : i32
        %add3A_216 = vector.broadcast %add3A_215 : i32 to vector<16xi32>
        %add3A_217 = arith.addi %get3A_163, %add3A_216 : vector<16xi32>
        %gather3A_218 = tpu.vector_load_idx %arg5[%add3A_217] : memref<32000xf32, #tpu.memory_space<vmem>>[vector<16xi32>], vector<16xf32>,
        %add3A_219 = arith.constant 14000 : i32
        %add3A_220 = vector.broadcast %add3A_219 : i32 to vector<16xi32>
        %add3A_221 = arith.addi %get3A_163, %add3A_220 : vector<16xi32>
        %gather3A_222 = tpu.vector_load_idx %arg5[%add3A_221] : memref<32000xf32, #tpu.memory_space<vmem>>[vector<16xi32>], vector<16xf32>,
        %add3A_223 = arith.constant 15000 : i32
        %add3A_224 = vector.broadcast %add3A_223 : i32 to vector<16xi32>
        %add3A_225 = arith.addi %get3A_163, %add3A_224 : vector<16xi32>
        %gather3A_226 = tpu.vector_load_idx %arg5[%add3A_225] : memref<32000xf32, #tpu.memory_space<vmem>>[vector<16xi32>], vector<16xf32>,
        %add3A_227 = arith.constant 16000 : i32
        %add3A_228 = vector.broadcast %add3A_227 : i32 to vector<16xi32>
        %add3A_229 = arith.addi %get3A_163, %add3A_228 : vector<16xi32>
        %gather3A_230 = tpu.vector_load_idx %arg5[%add3A_229] : memref<32000xf32, #tpu.memory_space<vmem>>[vector<16xi32>], vector<16xf32>,
        %add3A_231 = arith.constant 17000 : i32
        %add3A_232 = vector.broadcast %add3A_231 : i32 to vector<16xi32>
        %add3A_233 = arith.addi %get3A_163, %add3A_232 : vector<16xi32>
        %gather3A_234 = tpu.vector_load_idx %arg5[%add3A_233] : memref<32000xf32, #tpu.memory_space<vmem>>[vector<16xi32>], vector<16xf32>,
        %add3A_235 = arith.constant 18000 : i32
        %add3A_236 = vector.broadcast %add3A_235 : i32 to vector<16xi32>
        %add3A_237 = arith.addi %get3A_163, %add3A_236 : vector<16xi32>
        %gather3A_238 = tpu.vector_load_idx %arg5[%add3A_237] : memref<32000xf32, #tpu.memory_space<vmem>>[vector<16xi32>], vector<16xf32>,
        %add3A_239 = arith.constant 19000 : i32
        %add3A_240 = vector.broadcast %add3A_239 : i32 to vector<16xi32>
        %add3A_241 = arith.addi %get3A_163, %add3A_240 : vector<16xi32>
        %gather3A_242 = tpu.vector_load_idx %arg5[%add3A_241] : memref<32000xf32, #tpu.memory_space<vmem>>[vector<16xi32>], vector<16xf32>,
        %add3A_243 = arith.constant 20000 : i32
        %add3A_244 = vector.broadcast %add3A_243 : i32 to vector<16xi32>
        %add3A_245 = arith.addi %get3A_163, %add3A_244 : vector<16xi32>
        %gather3A_246 = tpu.vector_load_idx %arg5[%add3A_245] : memref<32000xf32, #tpu.memory_space<vmem>>[vector<16xi32>], vector<16xf32>,
        %add3A_247 = arith.constant 21000 : i32
        %add3A_248 = vector.broadcast %add3A_247 : i32 to vector<16xi32>
        %add3A_249 = arith.addi %get3A_163, %add3A_248 : vector<16xi32>
        %gather3A_250 = tpu.vector_load_idx %arg5[%add3A_249] : memref<32000xf32, #tpu.memory_space<vmem>>[vector<16xi32>], vector<16xf32>,
        %add3A_251 = arith.constant 22000 : i32
        %add3A_252 = vector.broadcast %add3A_251 : i32 to vector<16xi32>
        %add3A_253 = arith.addi %get3A_163, %add3A_252 : vector<16xi32>
        %gather3A_254 = tpu.vector_load_idx %arg5[%add3A_253] : memref<32000xf32, #tpu.memory_space<vmem>>[vector<16xi32>], vector<16xf32>,
        %add3A_255 = arith.constant 23000 : i32
        %add3A_256 = vector.broadcast %add3A_255 : i32 to vector<16xi32>
        %add3A_257 = arith.addi %get3A_163, %add3A_256 : vector<16xi32>
        %gather3A_258 = tpu.vector_load_idx %arg5[%add3A_257] : memref<32000xf32, #tpu.memory_space<vmem>>[vector<16xi32>], vector<16xf32>,
        %add3A_259 = arith.constant 24000 : i32
        %add3A_260 = vector.broadcast %add3A_259 : i32 to vector<16xi32>
        %add3A_261 = arith.addi %get3A_163, %add3A_260 : vector<16xi32>
        %gather3A_262 = tpu.vector_load_idx %arg5[%add3A_261] : memref<32000xf32, #tpu.memory_space<vmem>>[vector<16xi32>], vector<16xf32>,
        %add3A_263 = arith.constant 25000 : i32
        %add3A_264 = vector.broadcast %add3A_263 : i32 to vector<16xi32>
        %add3A_265 = arith.addi %get3A_163, %add3A_264 : vector<16xi32>
        %gather3A_266 = tpu.vector_load_idx %arg5[%add3A_265] : memref<32000xf32, #tpu.memory_space<vmem>>[vector<16xi32>], vector<16xf32>,
        %add3A_267 = arith.constant 26000 : i32
        %add3A_268 = vector.broadcast %add3A_267 : i32 to vector<16xi32>
        %add3A_269 = arith.addi %get3A_163, %add3A_268 : vector<16xi32>
        %gather3A_270 = tpu.vector_load_idx %arg5[%add3A_269] : memref<32000xf32, #tpu.memory_space<vmem>>[vector<16xi32>], vector<16xf32>,
        %add3A_271 = arith.constant 27000 : i32
        %add3A_272 = vector.broadcast %add3A_271 : i32 to vector<16xi32>
        %add3A_273 = arith.addi %get3A_163, %add3A_272 : vector<16xi32>
        %gather3A_274 = tpu.vector_load_idx %arg5[%add3A_273] : memref<32000xf32, #tpu.memory_space<vmem>>[vector<16xi32>], vector<16xf32>,
        %add3A_275 = arith.constant 28000 : i32
        %add3A_276 = vector.broadcast %add3A_275 : i32 to vector<16xi32>
        %add3A_277 = arith.addi %get3A_163, %add3A_276 : vector<16xi32>
        %gather3A_278 = tpu.vector_load_idx %arg5[%add3A_277] : memref<32000xf32, #tpu.memory_space<vmem>>[vector<16xi32>], vector<16xf32>,
        %add3A_279 = arith.constant 29000 : i32
        %add3A_280 = vector.broadcast %add3A_279 : i32 to vector<16xi32>
        %add3A_281 = arith.addi %get3A_163, %add3A_280 : vector<16xi32>
        %gather3A_282 = tpu.vector_load_idx %arg5[%add3A_281] : memref<32000xf32, #tpu.memory_space<vmem>>[vector<16xi32>], vector<16xf32>,
        %add3A_283 = arith.constant 30000 : i32
        %add3A_284 = vector.broadcast %add3A_283 : i32 to vector<16xi32>
        %add3A_285 = arith.addi %get3A_163, %add3A_284 : vector<16xi32>
        %gather3A_286 = tpu.vector_load_idx %arg5[%add3A_285] : memref<32000xf32, #tpu.memory_space<vmem>>[vector<16xi32>], vector<16xf32>,
        %add3A_287 = arith.constant 31000 : i32
        %add3A_288 = vector.broadcast %add3A_287 : i32 to vector<16xi32>
        %add3A_289 = arith.addi %get3A_163, %add3A_288 : vector<16xi32>
        %gather3A_290 = tpu.vector_load_idx %arg5[%add3A_289] : memref<32000xf32, #tpu.memory_space<vmem>>[vector<16xi32>], vector<16xf32>,
        %mul3A_291 = arith.constant 16 : i32
        %mul3A_292 = arith.muli %scan3A_156, %mul3A_291 : i32
        %swap3A = arith.constant 0 : i32
        %swap3A_293 = arith.index_cast %swap3A : i32 to index
        %swap3A_294 = arith.index_cast %mul3A_292 : i32 to index
        %swap3A_295 = tpu.vector_load %arg9[%swap3A_293, %swap3A_294] {strides = array<i32>} : memref<32x256xf32, #tpu.memory_space<vmem>>, vector<16xf32>,
        tpu.vector_store %arg9[%swap3A_293, %swap3A_294], %gather3A {strides = array<i32>} : memref<32x256xf32, #tpu.memory_space<vmem>>, vector<16xf32>,
        %mul3A_296 = arith.constant 16 : i32
        %mul3A_297 = arith.muli %scan3A_156, %mul3A_296 : i32
        %swap3A_298 = arith.constant 1 : i32
        %swap3A_299 = arith.index_cast %swap3A_298 : i32 to index
        %swap3A_300 = arith.index_cast %mul3A_297 : i32 to index
        %swap3A_301 = tpu.vector_load %arg9[%swap3A_299, %swap3A_300] {strides = array<i32>} : memref<32x256xf32, #tpu.memory_space<vmem>>, vector<16xf32>,
        tpu.vector_store %arg9[%swap3A_299, %swap3A_300], %gather3A_170 {strides = array<i32>} : memref<32x256xf32, #tpu.memory_space<vmem>>, vector<16xf32>,
        %mul3A_302 = arith.constant 16 : i32
        %mul3A_303 = arith.muli %scan3A_156, %mul3A_302 : i32
        %swap3A_304 = arith.constant 2 : i32
        %swap3A_305 = arith.index_cast %swap3A_304 : i32 to index
        %swap3A_306 = arith.index_cast %mul3A_303 : i32 to index
        %swap3A_307 = tpu.vector_load %arg9[%swap3A_305, %swap3A_306] {strides = array<i32>} : memref<32x256xf32, #tpu.memory_space<vmem>>, vector<16xf32>,
        tpu.vector_store %arg9[%swap3A_305, %swap3A_306], %gather3A_174 {strides = array<i32>} : memref<32x256xf32, #tpu.memory_space<vmem>>, vector<16xf32>,
        %mul3A_308 = arith.constant 16 : i32
        %mul3A_309 = arith.muli %scan3A_156, %mul3A_308 : i32
        %swap3A_310 = arith.constant 3 : i32
        %swap3A_311 = arith.index_cast %swap3A_310 : i32 to index
        %swap3A_312 = arith.index_cast %mul3A_309 : i32 to index
        %swap3A_313 = tpu.vector_load %arg9[%swap3A_311, %swap3A_312] {strides = array<i32>} : memref<32x256xf32, #tpu.memory_space<vmem>>, vector<16xf32>,
        tpu.vector_store %arg9[%swap3A_311, %swap3A_312], %gather3A_178 {strides = array<i32>} : memref<32x256xf32, #tpu.memory_space<vmem>>, vector<16xf32>,
        %mul3A_314 = arith.constant 16 : i32
        %mul3A_315 = arith.muli %scan3A_156, %mul3A_314 : i32
        %swap3A_316 = arith.constant 4 : i32
        %swap3A_317 = arith.index_cast %swap3A_316 : i32 to index
        %swap3A_318 = arith.index_cast %mul3A_315 : i32 to index
        %swap3A_319 = tpu.vector_load %arg9[%swap3A_317, %swap3A_318] {strides = array<i32>} : memref<32x256xf32, #tpu.memory_space<vmem>>, vector<16xf32>,
        tpu.vector_store %arg9[%swap3A_317, %swap3A_318], %gather3A_182 {strides = array<i32>} : memref<32x256xf32, #tpu.memory_space<vmem>>, vector<16xf32>,
        %mul3A_320 = arith.constant 16 : i32
        %mul3A_321 = arith.muli %scan3A_156, %mul3A_320 : i32
        %swap3A_322 = arith.constant 5 : i32
        %swap3A_323 = arith.index_cast %swap3A_322 : i32 to index
        %swap3A_324 = arith.index_cast %mul3A_321 : i32 to index
        %swap3A_325 = tpu.vector_load %arg9[%swap3A_323, %swap3A_324] {strides = array<i32>} : memref<32x256xf32, #tpu.memory_space<vmem>>, vector<16xf32>,
        tpu.vector_store %arg9[%swap3A_323, %swap3A_324], %gather3A_186 {strides = array<i32>} : memref<32x256xf32, #tpu.memory_space<vmem>>, vector<16xf32>,
        %mul3A_326 = arith.constant 16 : i32
        %mul3A_327 = arith.muli %scan3A_156, %mul3A_326 : i32
        %swap3A_328 = arith.constant 6 : i32
        %swap3A_329 = arith.index_cast %swap3A_328 : i32 to index
        %swap3A_330 = arith.index_cast %mul3A_327 : i32 to index
        %swap3A_331 = tpu.vector_load %arg9[%swap3A_329, %swap3A_330] {strides = array<i32>} : memref<32x256xf32, #tpu.memory_space<vmem>>, vector<16xf32>,
        tpu.vector_store %arg9[%swap3A_329, %swap3A_330], %gather3A_190 {strides = array<i32>} : memref<32x256xf32, #tpu.memory_space<vmem>>, vector<16xf32>,
        %mul3A_332 = arith.constant 16 : i32
        %mul3A_333 = arith.muli %scan3A_156, %mul3A_332 : i32
        %swap3A_334 = arith.constant 7 : i32
        %swap3A_335 = arith.index_cast %swap3A_334 : i32 to index
        %swap3A_336 = arith.index_cast %mul3A_333 : i32 to index
        %swap3A_337 = tpu.vector_load %arg9[%swap3A_335, %swap3A_336] {strides = array<i32>} : memref<32x256xf32, #tpu.memory_space<vmem>>, vector<16xf32>,
        tpu.vector_store %arg9[%swap3A_335, %swap3A_336], %gather3A_194 {strides = array<i32>} : memref<32x256xf32, #tpu.memory_space<vmem>>, vector<16xf32>,
        %mul3A_338 = arith.constant 16 : i32
        %mul3A_339 = arith.muli %scan3A_156, %mul3A_338 : i32
        %swap3A_340 = arith.constant 8 : i32
        %swap3A_341 = arith.index_cast %swap3A_340 : i32 to index
        %swap3A_342 = arith.index_cast %mul3A_339 : i32 to index
        %swap3A_343 = tpu.vector_load %arg9[%swap3A_341, %swap3A_342] {strides = array<i32>} : memref<32x256xf32, #tpu.memory_space<vmem>>, vector<16xf32>,
        tpu.vector_store %arg9[%swap3A_341, %swap3A_342], %gather3A_198 {strides = array<i32>} : memref<32x256xf32, #tpu.memory_space<vmem>>, vector<16xf32>,
        %mul3A_344 = arith.constant 16 : i32
        %mul3A_345 = arith.muli %scan3A_156, %mul3A_344 : i32
        %swap3A_346 = arith.constant 9 : i32
        %swap3A_347 = arith.index_cast %swap3A_346 : i32 to index
        %swap3A_348 = arith.index_cast %mul3A_345 : i32 to index
        %swap3A_349 = tpu.vector_load %arg9[%swap3A_347, %swap3A_348] {strides = array<i32>} : memref<32x256xf32, #tpu.memory_space<vmem>>, vector<16xf32>,
        tpu.vector_store %arg9[%swap3A_347, %swap3A_348], %gather3A_202 {strides = array<i32>} : memref<32x256xf32, #tpu.memory_space<vmem>>, vector<16xf32>,
        %mul3A_350 = arith.constant 16 : i32
        %mul3A_351 = arith.muli %scan3A_156, %mul3A_350 : i32
        %swap3A_352 = arith.constant 10 : i32
        %swap3A_353 = arith.index_cast %swap3A_352 : i32 to index
        %swap3A_354 = arith.index_cast %mul3A_351 : i32 to index
        %swap3A_355 = tpu.vector_load %arg9[%swap3A_353, %swap3A_354] {strides = array<i32>} : memref<32x256xf32, #tpu.memory_space<vmem>>, vector<16xf32>,
        tpu.vector_store %arg9[%swap3A_353, %swap3A_354], %gather3A_206 {strides = array<i32>} : memref<32x256xf32, #tpu.memory_space<vmem>>, vector<16xf32>,
        %mul3A_356 = arith.constant 16 : i32
        %mul3A_357 = arith.muli %scan3A_156, %mul3A_356 : i32
        %swap3A_358 = arith.constant 11 : i32
        %swap3A_359 = arith.index_cast %swap3A_358 : i32 to index
        %swap3A_360 = arith.index_cast %mul3A_357 : i32 to index
        %swap3A_361 = tpu.vector_load %arg9[%swap3A_359, %swap3A_360] {strides = array<i32>} : memref<32x256xf32, #tpu.memory_space<vmem>>, vector<16xf32>,
        tpu.vector_store %arg9[%swap3A_359, %swap3A_360], %gather3A_210 {strides = array<i32>} : memref<32x256xf32, #tpu.memory_space<vmem>>, vector<16xf32>,
        %mul3A_362 = arith.constant 16 : i32
        %mul3A_363 = arith.muli %scan3A_156, %mul3A_362 : i32
        %swap3A_364 = arith.constant 12 : i32
        %swap3A_365 = arith.index_cast %swap3A_364 : i32 to index
        %swap3A_366 = arith.index_cast %mul3A_363 : i32 to index
        %swap3A_367 = tpu.vector_load %arg9[%swap3A_365, %swap3A_366] {strides = array<i32>} : memref<32x256xf32, #tpu.memory_space<vmem>>, vector<16xf32>,
        tpu.vector_store %arg9[%swap3A_365, %swap3A_366], %gather3A_214 {strides = array<i32>} : memref<32x256xf32, #tpu.memory_space<vmem>>, vector<16xf32>,
        %mul3A_368 = arith.constant 16 : i32
        %mul3A_369 = arith.muli %scan3A_156, %mul3A_368 : i32
        %swap3A_370 = arith.constant 13 : i32
        %swap3A_371 = arith.index_cast %swap3A_370 : i32 to index
        %swap3A_372 = arith.index_cast %mul3A_369 : i32 to index
        %swap3A_373 = tpu.vector_load %arg9[%swap3A_371, %swap3A_372] {strides = array<i32>} : memref<32x256xf32, #tpu.memory_space<vmem>>, vector<16xf32>,
        tpu.vector_store %arg9[%swap3A_371, %swap3A_372], %gather3A_218 {strides = array<i32>} : memref<32x256xf32, #tpu.memory_space<vmem>>, vector<16xf32>,
        %mul3A_374 = arith.constant 16 : i32
        %mul3A_375 = arith.muli %scan3A_156, %mul3A_374 : i32
        %swap3A_376 = arith.constant 14 : i32
        %swap3A_377 = arith.index_cast %swap3A_376 : i32 to index
        %swap3A_378 = arith.index_cast %mul3A_375 : i32 to index
        %swap3A_379 = tpu.vector_load %arg9[%swap3A_377, %swap3A_378] {strides = array<i32>} : memref<32x256xf32, #tpu.memory_space<vmem>>, vector<16xf32>,
        tpu.vector_store %arg9[%swap3A_377, %swap3A_378], %gather3A_222 {strides = array<i32>} : memref<32x256xf32, #tpu.memory_space<vmem>>, vector<16xf32>,
        %mul3A_380 = arith.constant 16 : i32
        %mul3A_381 = arith.muli %scan3A_156, %mul3A_380 : i32
        %swap3A_382 = arith.constant 15 : i32
        %swap3A_383 = arith.index_cast %swap3A_382 : i32 to index
        %swap3A_384 = arith.index_cast %mul3A_381 : i32 to index
        %swap3A_385 = tpu.vector_load %arg9[%swap3A_383, %swap3A_384] {strides = array<i32>} : memref<32x256xf32, #tpu.memory_space<vmem>>, vector<16xf32>,
        tpu.vector_store %arg9[%swap3A_383, %swap3A_384], %gather3A_226 {strides = array<i32>} : memref<32x256xf32, #tpu.memory_space<vmem>>, vector<16xf32>,
        %mul3A_386 = arith.constant 16 : i32
        %mul3A_387 = arith.muli %scan3A_156, %mul3A_386 : i32
        %swap3A_388 = arith.constant 16 : i32
        %swap3A_389 = arith.index_cast %swap3A_388 : i32 to index
        %swap3A_390 = arith.index_cast %mul3A_387 : i32 to index
        %swap3A_391 = tpu.vector_load %arg9[%swap3A_389, %swap3A_390] {strides = array<i32>} : memref<32x256xf32, #tpu.memory_space<vmem>>, vector<16xf32>,
        tpu.vector_store %arg9[%swap3A_389, %swap3A_390], %gather3A_230 {strides = array<i32>} : memref<32x256xf32, #tpu.memory_space<vmem>>, vector<16xf32>,
        %mul3A_392 = arith.constant 16 : i32
        %mul3A_393 = arith.muli %scan3A_156, %mul3A_392 : i32
        %swap3A_394 = arith.constant 17 : i32
        %swap3A_395 = arith.index_cast %swap3A_394 : i32 to index
        %swap3A_396 = arith.index_cast %mul3A_393 : i32 to index
        %swap3A_397 = tpu.vector_load %arg9[%swap3A_395, %swap3A_396] {strides = array<i32>} : memref<32x256xf32, #tpu.memory_space<vmem>>, vector<16xf32>,
        tpu.vector_store %arg9[%swap3A_395, %swap3A_396], %gather3A_234 {strides = array<i32>} : memref<32x256xf32, #tpu.memory_space<vmem>>, vector<16xf32>,
        %mul3A_398 = arith.constant 16 : i32
        %mul3A_399 = arith.muli %scan3A_156, %mul3A_398 : i32
        %swap3A_400 = arith.constant 18 : i32
        %swap3A_401 = arith.index_cast %swap3A_400 : i32 to index
        %swap3A_402 = arith.index_cast %mul3A_399 : i32 to index
        %swap3A_403 = tpu.vector_load %arg9[%swap3A_401, %swap3A_402] {strides = array<i32>} : memref<32x256xf32, #tpu.memory_space<vmem>>, vector<16xf32>,
        tpu.vector_store %arg9[%swap3A_401, %swap3A_402], %gather3A_238 {strides = array<i32>} : memref<32x256xf32, #tpu.memory_space<vmem>>, vector<16xf32>,
        %mul3A_404 = arith.constant 16 : i32
        %mul3A_405 = arith.muli %scan3A_156, %mul3A_404 : i32
        %swap3A_406 = arith.constant 19 : i32
        %swap3A_407 = arith.index_cast %swap3A_406 : i32 to index
        %swap3A_408 = arith.index_cast %mul3A_405 : i32 to index
        %swap3A_409 = tpu.vector_load %arg9[%swap3A_407, %swap3A_408] {strides = array<i32>} : memref<32x256xf32, #tpu.memory_space<vmem>>, vector<16xf32>,
        tpu.vector_store %arg9[%swap3A_407, %swap3A_408], %gather3A_242 {strides = array<i32>} : memref<32x256xf32, #tpu.memory_space<vmem>>, vector<16xf32>,
        %mul3A_410 = arith.constant 16 : i32
        %mul3A_411 = arith.muli %scan3A_156, %mul3A_410 : i32
        %swap3A_412 = arith.constant 20 : i32
        %swap3A_413 = arith.index_cast %swap3A_412 : i32 to index
        %swap3A_414 = arith.index_cast %mul3A_411 : i32 to index
        %swap3A_415 = tpu.vector_load %arg9[%swap3A_413, %swap3A_414] {strides = array<i32>} : memref<32x256xf32, #tpu.memory_space<vmem>>, vector<16xf32>,
        tpu.vector_store %arg9[%swap3A_413, %swap3A_414], %gather3A_246 {strides = array<i32>} : memref<32x256xf32, #tpu.memory_space<vmem>>, vector<16xf32>,
        %mul3A_416 = arith.constant 16 : i32
        %mul3A_417 = arith.muli %scan3A_156, %mul3A_416 : i32
        %swap3A_418 = arith.constant 21 : i32
        %swap3A_419 = arith.index_cast %swap3A_418 : i32 to index
        %swap3A_420 = arith.index_cast %mul3A_417 : i32 to index
        %swap3A_421 = tpu.vector_load %arg9[%swap3A_419, %swap3A_420] {strides = array<i32>} : memref<32x256xf32, #tpu.memory_space<vmem>>, vector<16xf32>,
        tpu.vector_store %arg9[%swap3A_419, %swap3A_420], %gather3A_250 {strides = array<i32>} : memref<32x256xf32, #tpu.memory_space<vmem>>, vector<16xf32>,
        %mul3A_422 = arith.constant 16 : i32
        %mul3A_423 = arith.muli %scan3A_156, %mul3A_422 : i32
        %swap3A_424 = arith.constant 22 : i32
        %swap3A_425 = arith.index_cast %swap3A_424 : i32 to index
        %swap3A_426 = arith.index_cast %mul3A_423 : i32 to index
        %swap3A_427 = tpu.vector_load %arg9[%swap3A_425, %swap3A_426] {strides = array<i32>} : memref<32x256xf32, #tpu.memory_space<vmem>>, vector<16xf32>,
        tpu.vector_store %arg9[%swap3A_425, %swap3A_426], %gather3A_254 {strides = array<i32>} : memref<32x256xf32, #tpu.memory_space<vmem>>, vector<16xf32>,
        %mul3A_428 = arith.constant 16 : i32
        %mul3A_429 = arith.muli %scan3A_156, %mul3A_428 : i32
        %swap3A_430 = arith.constant 23 : i32
        %swap3A_431 = arith.index_cast %swap3A_430 : i32 to index
        %swap3A_432 = arith.index_cast %mul3A_429 : i32 to index
        %swap3A_433 = tpu.vector_load %arg9[%swap3A_431, %swap3A_432] {strides = array<i32>} : memref<32x256xf32, #tpu.memory_space<vmem>>, vector<16xf32>,
        tpu.vector_store %arg9[%swap3A_431, %swap3A_432], %gather3A_258 {strides = array<i32>} : memref<32x256xf32, #tpu.memory_space<vmem>>, vector<16xf32>,
        %mul3A_434 = arith.constant 16 : i32
        %mul3A_435 = arith.muli %scan3A_156, %mul3A_434 : i32
        %swap3A_436 = arith.constant 24 : i32
        %swap3A_437 = arith.index_cast %swap3A_436 : i32 to index
        %swap3A_438 = arith.index_cast %mul3A_435 : i32 to index
        %swap3A_439 = tpu.vector_load %arg9[%swap3A_437, %swap3A_438] {strides = array<i32>} : memref<32x256xf32, #tpu.memory_space<vmem>>, vector<16xf32>,
        tpu.vector_store %arg9[%swap3A_437, %swap3A_438], %gather3A_262 {strides = array<i32>} : memref<32x256xf32, #tpu.memory_space<vmem>>, vector<16xf32>,
        %mul3A_440 = arith.constant 16 : i32
        %mul3A_441 = arith.muli %scan3A_156, %mul3A_440 : i32
        %swap3A_442 = arith.constant 25 : i32
        %swap3A_443 = arith.index_cast %swap3A_442 : i32 to index
        %swap3A_444 = arith.index_cast %mul3A_441 : i32 to index
        %swap3A_445 = tpu.vector_load %arg9[%swap3A_443, %swap3A_444] {strides = array<i32>} : memref<32x256xf32, #tpu.memory_space<vmem>>, vector<16xf32>,
        tpu.vector_store %arg9[%swap3A_443, %swap3A_444], %gather3A_266 {strides = array<i32>} : memref<32x256xf32, #tpu.memory_space<vmem>>, vector<16xf32>,
        %mul3A_446 = arith.constant 16 : i32
        %mul3A_447 = arith.muli %scan3A_156, %mul3A_446 : i32
        %swap3A_448 = arith.constant 26 : i32
        %swap3A_449 = arith.index_cast %swap3A_448 : i32 to index
        %swap3A_450 = arith.index_cast %mul3A_447 : i32 to index
        %swap3A_451 = tpu.vector_load %arg9[%swap3A_449, %swap3A_450] {strides = array<i32>} : memref<32x256xf32, #tpu.memory_space<vmem>>, vector<16xf32>,
        tpu.vector_store %arg9[%swap3A_449, %swap3A_450], %gather3A_270 {strides = array<i32>} : memref<32x256xf32, #tpu.memory_space<vmem>>, vector<16xf32>,
        %mul3A_452 = arith.constant 16 : i32
        %mul3A_453 = arith.muli %scan3A_156, %mul3A_452 : i32
        %swap3A_454 = arith.constant 27 : i32
        %swap3A_455 = arith.index_cast %swap3A_454 : i32 to index
        %swap3A_456 = arith.index_cast %mul3A_453 : i32 to index
        %swap3A_457 = tpu.vector_load %arg9[%swap3A_455, %swap3A_456] {strides = array<i32>} : memref<32x256xf32, #tpu.memory_space<vmem>>, vector<16xf32>,
        tpu.vector_store %arg9[%swap3A_455, %swap3A_456], %gather3A_274 {strides = array<i32>} : memref<32x256xf32, #tpu.memory_space<vmem>>, vector<16xf32>,
        %mul3A_458 = arith.constant 16 : i32
        %mul3A_459 = arith.muli %scan3A_156, %mul3A_458 : i32
        %swap3A_460 = arith.constant 28 : i32
        %swap3A_461 = arith.index_cast %swap3A_460 : i32 to index
        %swap3A_462 = arith.index_cast %mul3A_459 : i32 to index
        %swap3A_463 = tpu.vector_load %arg9[%swap3A_461, %swap3A_462] {strides = array<i32>} : memref<32x256xf32, #tpu.memory_space<vmem>>, vector<16xf32>,
        tpu.vector_store %arg9[%swap3A_461, %swap3A_462], %gather3A_278 {strides = array<i32>} : memref<32x256xf32, #tpu.memory_space<vmem>>, vector<16xf32>,
        %mul3A_464 = arith.constant 16 : i32
        %mul3A_465 = arith.muli %scan3A_156, %mul3A_464 : i32
        %swap3A_466 = arith.constant 29 : i32
        %swap3A_467 = arith.index_cast %swap3A_466 : i32 to index
        %swap3A_468 = arith.index_cast %mul3A_465 : i32 to index
        %swap3A_469 = tpu.vector_load %arg9[%swap3A_467, %swap3A_468] {strides = array<i32>} : memref<32x256xf32, #tpu.memory_space<vmem>>, vector<16xf32>,
        tpu.vector_store %arg9[%swap3A_467, %swap3A_468], %gather3A_282 {strides = array<i32>} : memref<32x256xf32, #tpu.memory_space<vmem>>, vector<16xf32>,
        %mul3A_470 = arith.constant 16 : i32
        %mul3A_471 = arith.muli %scan3A_156, %mul3A_470 : i32
        %swap3A_472 = arith.constant 30 : i32
        %swap3A_473 = arith.index_cast %swap3A_472 : i32 to index
        %swap3A_474 = arith.index_cast %mul3A_471 : i32 to index
        %swap3A_475 = tpu.vector_load %arg9[%swap3A_473, %swap3A_474] {strides = array<i32>} : memref<32x256xf32, #tpu.memory_space<vmem>>, vector<16xf32>,
        tpu.vector_store %arg9[%swap3A_473, %swap3A_474], %gather3A_286 {strides = array<i32>} : memref<32x256xf32, #tpu.memory_space<vmem>>, vector<16xf32>,
        %mul3A_476 = arith.constant 16 : i32
        %mul3A_477 = arith.muli %scan3A_156, %mul3A_476 : i32
        %swap3A_478 = arith.constant 31 : i32
        %swap3A_479 = arith.index_cast %swap3A_478 : i32 to index
        %swap3A_480 = arith.index_cast %mul3A_477 : i32 to index
        %swap3A_481 = tpu.vector_load %arg9[%swap3A_479, %swap3A_480] {strides = array<i32>} : memref<32x256xf32, #tpu.memory_space<vmem>>, vector<16xf32>,
        tpu.vector_store %arg9[%swap3A_479, %swap3A_480], %gather3A_290 {strides = array<i32>} : memref<32x256xf32, #tpu.memory_space<vmem>>, vector<16xf32>,
        %scan3A_482 = arith.constant 0 : i32
        scf.yield %scan3A_482 : i32
      }
      %scan3A_146 = arith.constant 16 : i32
      %add3A_147 = arith.constant 256 : i32
      %add3A_148 = arith.addi %mul3A_2, %add3A_147 : i32
      %dma_start3A_149 = arith.constant 0 : i32
      %dma_start3A_150 = tpu.memref_slice %arg4[%add3A_106, %dma_start3A_149, %add3A_148] : memref<200x32x16384xf32, #tpu.memory_space<hbm>> -> memref<1x32x256xf32, #tpu.memory_space<hbm>>
      %dma_start3A_151 = tpu.memref_squeeze %dma_start3A_150 : memref<1x32x256xf32, #tpu.memory_space<hbm>> -> memref<32x256xf32, #tpu.memory_space<hbm>>
      %dma_start3A_152 = arith.constant 0 : i32
      %dma_start3A_153 = tpu.memref_slice %arg4[%add3A_106, %dma_start3A_152, %add3A_148] : memref<200x32x16384xf32, #tpu.memory_space<hbm>> -> memref<1x32x256xf32, #tpu.memory_space<hbm>>
      %dma_start3A_154 = tpu.memref_squeeze %dma_start3A_153 : memref<1x32x256xf32, #tpu.memory_space<hbm>> -> memref<32x256xf32, #tpu.memory_space<hbm>>
      tpu.enqueue_dma source(%arg9 : memref<32x256xf32, #tpu.memory_space<vmem>>) target(%dma_start3A_154 : memref<32x256xf32, #tpu.memory_space<hbm>>) target_semaphore(%arg13 : memref<!tpu.dma_semaphore, #tpu.memory_space<semaphore_mem>>)
      %scan3A_155 = arith.constant 0 : i32
      scf.yield %scan3A_155 : i32
    }
    %scan3A_54 = arith.constant 40 : i32
    %dma_start3A_55 = arith.constant 160 : i32
    %dma_start3A_56 = tpu.memref_slice %arg3[%dma_start3A_55, %mul3A_2] : memref<200x16384xi32, #tpu.memory_space<hbm>> -> memref<40x512xi32, #tpu.memory_space<hbm>>
    %dma_start3A_57 = arith.constant 160 : i32
    %dma_start3A_58 = tpu.memref_slice %arg3[%dma_start3A_57, %mul3A_2] : memref<200x16384xi32, #tpu.memory_space<hbm>> -> memref<40x512xi32, #tpu.memory_space<hbm>>
    tpu.enqueue_dma source(%dma_start3A_58 : memref<40x512xi32, #tpu.memory_space<hbm>>) target(%arg6 : memref<40x512xi32, #tpu.memory_space<vmem>>) target_semaphore(%arg10 : memref<!tpu.dma_semaphore, #tpu.memory_space<semaphore_mem>>)
    %dma_wait3A_59 = arith.constant 0 : i32
    %dma_wait3A_60 = arith.constant 0 : i32
    %dma_wait3A_61 = tpu.memref_slice %arg3[%dma_wait3A_59, %dma_wait3A_60] : memref<200x16384xi32, #tpu.memory_space<hbm>> -> memref<40x512xi32, #tpu.memory_space<hbm>>
    %dma_wait3A_62 = arith.constant 0 : i32
    %dma_wait3A_63 = arith.constant 0 : i32
    %dma_wait3A_64 = tpu.memref_slice %arg3[%dma_wait3A_62, %dma_wait3A_63] : memref<200x16384xi32, #tpu.memory_space<hbm>> -> memref<40x512xi32, #tpu.memory_space<hbm>>
    tpu.wait_dma2 semaphore(%arg11 : memref<!tpu.dma_semaphore, #tpu.memory_space<semaphore_mem>>) src(%dma_wait3A_64 : memref<40x512xi32, #tpu.memory_space<hbm>>) dst(%arg7 : memref<40x512xi32, #tpu.memory_space<vmem>>)
    %scan3A_65 = arith.constant 0 : i32
    %scan3A_66 = arith.constant 0 : i32
    %scan3A_67 = arith.constant 40 : i32
    %scan3A_68 = arith.addi %scan3A_66, %scan3A_67 : i32
    %scan3A_69 = arith.constant 1 : i32
    %scan3A_70 = scf.for %scan3A_103 = %scan3A_66 to %scan3A_68 step %scan3A_69 iter_args(%scan3A_104 = %scan3A_65) -> (i32)  : i32 {
      %add3A_105 = arith.constant 120 : i32
      %add3A_106 = arith.addi %add3A_105, %scan3A_103 : i32
      %dma_wait3A_107 = arith.constant 0 : i32
      %dma_wait3A_108 = arith.constant 0 : i32
      %dma_wait3A_109 = arith.constant 0 : i32
      %dma_wait3A_110 = tpu.memref_slice %arg4[%dma_wait3A_107, %dma_wait3A_108, %dma_wait3A_109] : memref<200x32x16384xf32, #tpu.memory_space<hbm>> -> memref<1x32x256xf32, #tpu.memory_space<hbm>>
      %dma_wait3A_111 = tpu.memref_squeeze %dma_wait3A_110 : memref<1x32x256xf32, #tpu.memory_space<hbm>> -> memref<32x256xf32, #tpu.memory_space<hbm>>
      %dma_wait3A_112 = arith.constant 0 : i32
      %dma_wait3A_113 = arith.constant 0 : i32
      %dma_wait3A_114 = tpu.memref_slice %arg4[%dma_wait3A_107, %dma_wait3A_112, %dma_wait3A_113] : memref<200x32x16384xf32, #tpu.memory_space<hbm>> -> memref<1x32x256xf32, #tpu.memory_space<hbm>>
      %dma_wait3A_115 = tpu.memref_squeeze %dma_wait3A_114 : memref<1x32x256xf32, #tpu.memory_space<hbm>> -> memref<32x256xf32, #tpu.memory_space<hbm>>
      tpu.wait_dma2 semaphore(%arg12 : memref<!tpu.dma_semaphore, #tpu.memory_space<semaphore_mem>>) src(%arg8 : memref<32x256xf32, #tpu.memory_space<vmem>>) dst(%dma_wait3A_115 : memref<32x256xf32, #tpu.memory_space<hbm>>)
      %scan3A_116 = arith.constant 0 : i32
      %scan3A_117 = arith.constant 0 : i32
      %scan3A_118 = arith.constant 16 : i32
      %scan3A_119 = arith.addi %scan3A_117, %scan3A_118 : i32
      %scan3A_120 = arith.constant 1 : i32
      %scan3A_121 = scf.for %scan3A_156 = %scan3A_117 to %scan3A_119 step %scan3A_120 iter_args(%scan3A_157 = %scan3A_116) -> (i32)  : i32 {
        %mul3A_158 = arith.constant 16 : i32
        %mul3A_159 = arith.muli %scan3A_156, %mul3A_158 : i32
        %add3A_160 = arith.constant 0 : i32
        %add3A_161 = arith.addi %add3A_160, %mul3A_159 : i32
        %multiple_of3A = tpu.assume_multiple %add3A_161, 16 : i32
        %get3A = arith.index_cast %scan3A_103 : i32 to index
        %get3A_162 = arith.index_cast %multiple_of3A : i32 to index
        %get3A_163 = tpu.vector_load %arg7[%get3A, %get3A_162] {strides = array<i32>} : memref<40x512xi32, #tpu.memory_space<vmem>>, vector<16xi32>,
        %add3A_164 = arith.constant 0 : i32
        %add3A_165 = vector.broadcast %add3A_164 : i32 to vector<16xi32>
        %add3A_166 = arith.addi %get3A_163, %add3A_165 : vector<16xi32>
        %gather3A = tpu.vector_load_idx %arg5[%add3A_166] : memref<32000xf32, #tpu.memory_space<vmem>>[vector<16xi32>], vector<16xf32>,
        %add3A_167 = arith.constant 1000 : i32
        %add3A_168 = vector.broadcast %add3A_167 : i32 to vector<16xi32>
        %add3A_169 = arith.addi %get3A_163, %add3A_168 : vector<16xi32>
        %gather3A_170 = tpu.vector_load_idx %arg5[%add3A_169] : memref<32000xf32, #tpu.memory_space<vmem>>[vector<16xi32>], vector<16xf32>,
        %add3A_171 = arith.constant 2000 : i32
        %add3A_172 = vector.broadcast %add3A_171 : i32 to vector<16xi32>
        %add3A_173 = arith.addi %get3A_163, %add3A_172 : vector<16xi32>
        %gather3A_174 = tpu.vector_load_idx %arg5[%add3A_173] : memref<32000xf32, #tpu.memory_space<vmem>>[vector<16xi32>], vector<16xf32>,
        %add3A_175 = arith.constant 3000 : i32
        %add3A_176 = vector.broadcast %add3A_175 : i32 to vector<16xi32>
        %add3A_177 = arith.addi %get3A_163, %add3A_176 : vector<16xi32>
        %gather3A_178 = tpu.vector_load_idx %arg5[%add3A_177] : memref<32000xf32, #tpu.memory_space<vmem>>[vector<16xi32>], vector<16xf32>,
        %add3A_179 = arith.constant 4000 : i32
        %add3A_180 = vector.broadcast %add3A_179 : i32 to vector<16xi32>
        %add3A_181 = arith.addi %get3A_163, %add3A_180 : vector<16xi32>
        %gather3A_182 = tpu.vector_load_idx %arg5[%add3A_181] : memref<32000xf32, #tpu.memory_space<vmem>>[vector<16xi32>], vector<16xf32>,
        %add3A_183 = arith.constant 5000 : i32
        %add3A_184 = vector.broadcast %add3A_183 : i32 to vector<16xi32>
        %add3A_185 = arith.addi %get3A_163, %add3A_184 : vector<16xi32>
        %gather3A_186 = tpu.vector_load_idx %arg5[%add3A_185] : memref<32000xf32, #tpu.memory_space<vmem>>[vector<16xi32>], vector<16xf32>,
        %add3A_187 = arith.constant 6000 : i32
        %add3A_188 = vector.broadcast %add3A_187 : i32 to vector<16xi32>
        %add3A_189 = arith.addi %get3A_163, %add3A_188 : vector<16xi32>
        %gather3A_190 = tpu.vector_load_idx %arg5[%add3A_189] : memref<32000xf32, #tpu.memory_space<vmem>>[vector<16xi32>], vector<16xf32>,
        %add3A_191 = arith.constant 7000 : i32
        %add3A_192 = vector.broadcast %add3A_191 : i32 to vector<16xi32>
        %add3A_193 = arith.addi %get3A_163, %add3A_192 : vector<16xi32>
        %gather3A_194 = tpu.vector_load_idx %arg5[%add3A_193] : memref<32000xf32, #tpu.memory_space<vmem>>[vector<16xi32>], vector<16xf32>,
        %add3A_195 = arith.constant 8000 : i32
        %add3A_196 = vector.broadcast %add3A_195 : i32 to vector<16xi32>
        %add3A_197 = arith.addi %get3A_163, %add3A_196 : vector<16xi32>
        %gather3A_198 = tpu.vector_load_idx %arg5[%add3A_197] : memref<32000xf32, #tpu.memory_space<vmem>>[vector<16xi32>], vector<16xf32>,
        %add3A_199 = arith.constant 9000 : i32
        %add3A_200 = vector.broadcast %add3A_199 : i32 to vector<16xi32>
        %add3A_201 = arith.addi %get3A_163, %add3A_200 : vector<16xi32>
        %gather3A_202 = tpu.vector_load_idx %arg5[%add3A_201] : memref<32000xf32, #tpu.memory_space<vmem>>[vector<16xi32>], vector<16xf32>,
        %add3A_203 = arith.constant 10000 : i32
        %add3A_204 = vector.broadcast %add3A_203 : i32 to vector<16xi32>
        %add3A_205 = arith.addi %get3A_163, %add3A_204 : vector<16xi32>
        %gather3A_206 = tpu.vector_load_idx %arg5[%add3A_205] : memref<32000xf32, #tpu.memory_space<vmem>>[vector<16xi32>], vector<16xf32>,
        %add3A_207 = arith.constant 11000 : i32
        %add3A_208 = vector.broadcast %add3A_207 : i32 to vector<16xi32>
        %add3A_209 = arith.addi %get3A_163, %add3A_208 : vector<16xi32>
        %gather3A_210 = tpu.vector_load_idx %arg5[%add3A_209] : memref<32000xf32, #tpu.memory_space<vmem>>[vector<16xi32>], vector<16xf32>,
        %add3A_211 = arith.constant 12000 : i32
        %add3A_212 = vector.broadcast %add3A_211 : i32 to vector<16xi32>
        %add3A_213 = arith.addi %get3A_163, %add3A_212 : vector<16xi32>
        %gather3A_214 = tpu.vector_load_idx %arg5[%add3A_213] : memref<32000xf32, #tpu.memory_space<vmem>>[vector<16xi32>], vector<16xf32>,
        %add3A_215 = arith.constant 13000 : i32
        %add3A_216 = vector.broadcast %add3A_215 : i32 to vector<16xi32>
        %add3A_217 = arith.addi %get3A_163, %add3A_216 : vector<16xi32>
        %gather3A_218 = tpu.vector_load_idx %arg5[%add3A_217] : memref<32000xf32, #tpu.memory_space<vmem>>[vector<16xi32>], vector<16xf32>,
        %add3A_219 = arith.constant 14000 : i32
        %add3A_220 = vector.broadcast %add3A_219 : i32 to vector<16xi32>
        %add3A_221 = arith.addi %get3A_163, %add3A_220 : vector<16xi32>
        %gather3A_222 = tpu.vector_load_idx %arg5[%add3A_221] : memref<32000xf32, #tpu.memory_space<vmem>>[vector<16xi32>], vector<16xf32>,
        %add3A_223 = arith.constant 15000 : i32
        %add3A_224 = vector.broadcast %add3A_223 : i32 to vector<16xi32>
        %add3A_225 = arith.addi %get3A_163, %add3A_224 : vector<16xi32>
        %gather3A_226 = tpu.vector_load_idx %arg5[%add3A_225] : memref<32000xf32, #tpu.memory_space<vmem>>[vector<16xi32>], vector<16xf32>,
        %add3A_227 = arith.constant 16000 : i32
        %add3A_228 = vector.broadcast %add3A_227 : i32 to vector<16xi32>
        %add3A_229 = arith.addi %get3A_163, %add3A_228 : vector<16xi32>
        %gather3A_230 = tpu.vector_load_idx %arg5[%add3A_229] : memref<32000xf32, #tpu.memory_space<vmem>>[vector<16xi32>], vector<16xf32>,
        %add3A_231 = arith.constant 17000 : i32
        %add3A_232 = vector.broadcast %add3A_231 : i32 to vector<16xi32>
        %add3A_233 = arith.addi %get3A_163, %add3A_232 : vector<16xi32>
        %gather3A_234 = tpu.vector_load_idx %arg5[%add3A_233] : memref<32000xf32, #tpu.memory_space<vmem>>[vector<16xi32>], vector<16xf32>,
        %add3A_235 = arith.constant 18000 : i32
        %add3A_236 = vector.broadcast %add3A_235 : i32 to vector<16xi32>
        %add3A_237 = arith.addi %get3A_163, %add3A_236 : vector<16xi32>
        %gather3A_238 = tpu.vector_load_idx %arg5[%add3A_237] : memref<32000xf32, #tpu.memory_space<vmem>>[vector<16xi32>], vector<16xf32>,
        %add3A_239 = arith.constant 19000 : i32
        %add3A_240 = vector.broadcast %add3A_239 : i32 to vector<16xi32>
        %add3A_241 = arith.addi %get3A_163, %add3A_240 : vector<16xi32>
        %gather3A_242 = tpu.vector_load_idx %arg5[%add3A_241] : memref<32000xf32, #tpu.memory_space<vmem>>[vector<16xi32>], vector<16xf32>,
        %add3A_243 = arith.constant 20000 : i32
        %add3A_244 = vector.broadcast %add3A_243 : i32 to vector<16xi32>
        %add3A_245 = arith.addi %get3A_163, %add3A_244 : vector<16xi32>
        %gather3A_246 = tpu.vector_load_idx %arg5[%add3A_245] : memref<32000xf32, #tpu.memory_space<vmem>>[vector<16xi32>], vector<16xf32>,
        %add3A_247 = arith.constant 21000 : i32
        %add3A_248 = vector.broadcast %add3A_247 : i32 to vector<16xi32>
        %add3A_249 = arith.addi %get3A_163, %add3A_248 : vector<16xi32>
        %gather3A_250 = tpu.vector_load_idx %arg5[%add3A_249] : memref<32000xf32, #tpu.memory_space<vmem>>[vector<16xi32>], vector<16xf32>,
        %add3A_251 = arith.constant 22000 : i32
        %add3A_252 = vector.broadcast %add3A_251 : i32 to vector<16xi32>
        %add3A_253 = arith.addi %get3A_163, %add3A_252 : vector<16xi32>
        %gather3A_254 = tpu.vector_load_idx %arg5[%add3A_253] : memref<32000xf32, #tpu.memory_space<vmem>>[vector<16xi32>], vector<16xf32>,
        %add3A_255 = arith.constant 23000 : i32
        %add3A_256 = vector.broadcast %add3A_255 : i32 to vector<16xi32>
        %add3A_257 = arith.addi %get3A_163, %add3A_256 : vector<16xi32>
        %gather3A_258 = tpu.vector_load_idx %arg5[%add3A_257] : memref<32000xf32, #tpu.memory_space<vmem>>[vector<16xi32>], vector<16xf32>,
        %add3A_259 = arith.constant 24000 : i32
        %add3A_260 = vector.broadcast %add3A_259 : i32 to vector<16xi32>
        %add3A_261 = arith.addi %get3A_163, %add3A_260 : vector<16xi32>
        %gather3A_262 = tpu.vector_load_idx %arg5[%add3A_261] : memref<32000xf32, #tpu.memory_space<vmem>>[vector<16xi32>], vector<16xf32>,
        %add3A_263 = arith.constant 25000 : i32
        %add3A_264 = vector.broadcast %add3A_263 : i32 to vector<16xi32>
        %add3A_265 = arith.addi %get3A_163, %add3A_264 : vector<16xi32>
        %gather3A_266 = tpu.vector_load_idx %arg5[%add3A_265] : memref<32000xf32, #tpu.memory_space<vmem>>[vector<16xi32>], vector<16xf32>,
        %add3A_267 = arith.constant 26000 : i32
        %add3A_268 = vector.broadcast %add3A_267 : i32 to vector<16xi32>
        %add3A_269 = arith.addi %get3A_163, %add3A_268 : vector<16xi32>
        %gather3A_270 = tpu.vector_load_idx %arg5[%add3A_269] : memref<32000xf32, #tpu.memory_space<vmem>>[vector<16xi32>], vector<16xf32>,
        %add3A_271 = arith.constant 27000 : i32
        %add3A_272 = vector.broadcast %add3A_271 : i32 to vector<16xi32>
        %add3A_273 = arith.addi %get3A_163, %add3A_272 : vector<16xi32>
        %gather3A_274 = tpu.vector_load_idx %arg5[%add3A_273] : memref<32000xf32, #tpu.memory_space<vmem>>[vector<16xi32>], vector<16xf32>,
        %add3A_275 = arith.constant 28000 : i32
        %add3A_276 = vector.broadcast %add3A_275 : i32 to vector<16xi32>
        %add3A_277 = arith.addi %get3A_163, %add3A_276 : vector<16xi32>
        %gather3A_278 = tpu.vector_load_idx %arg5[%add3A_277] : memref<32000xf32, #tpu.memory_space<vmem>>[vector<16xi32>], vector<16xf32>,
        %add3A_279 = arith.constant 29000 : i32
        %add3A_280 = vector.broadcast %add3A_279 : i32 to vector<16xi32>
        %add3A_281 = arith.addi %get3A_163, %add3A_280 : vector<16xi32>
        %gather3A_282 = tpu.vector_load_idx %arg5[%add3A_281] : memref<32000xf32, #tpu.memory_space<vmem>>[vector<16xi32>], vector<16xf32>,
        %add3A_283 = arith.constant 30000 : i32
        %add3A_284 = vector.broadcast %add3A_283 : i32 to vector<16xi32>
        %add3A_285 = arith.addi %get3A_163, %add3A_284 : vector<16xi32>
        %gather3A_286 = tpu.vector_load_idx %arg5[%add3A_285] : memref<32000xf32, #tpu.memory_space<vmem>>[vector<16xi32>], vector<16xf32>,
        %add3A_287 = arith.constant 31000 : i32
        %add3A_288 = vector.broadcast %add3A_287 : i32 to vector<16xi32>
        %add3A_289 = arith.addi %get3A_163, %add3A_288 : vector<16xi32>
        %gather3A_290 = tpu.vector_load_idx %arg5[%add3A_289] : memref<32000xf32, #tpu.memory_space<vmem>>[vector<16xi32>], vector<16xf32>,
        %mul3A_291 = arith.constant 16 : i32
        %mul3A_292 = arith.muli %scan3A_156, %mul3A_291 : i32
        %swap3A = arith.constant 0 : i32
        %swap3A_293 = arith.index_cast %swap3A : i32 to index
        %swap3A_294 = arith.index_cast %mul3A_292 : i32 to index
        %swap3A_295 = tpu.vector_load %arg8[%swap3A_293, %swap3A_294] {strides = array<i32>} : memref<32x256xf32, #tpu.memory_space<vmem>>, vector<16xf32>,
        tpu.vector_store %arg8[%swap3A_293, %swap3A_294], %gather3A {strides = array<i32>} : memref<32x256xf32, #tpu.memory_space<vmem>>, vector<16xf32>,
        %mul3A_296 = arith.constant 16 : i32
        %mul3A_297 = arith.muli %scan3A_156, %mul3A_296 : i32
        %swap3A_298 = arith.constant 1 : i32
        %swap3A_299 = arith.index_cast %swap3A_298 : i32 to index
        %swap3A_300 = arith.index_cast %mul3A_297 : i32 to index
        %swap3A_301 = tpu.vector_load %arg8[%swap3A_299, %swap3A_300] {strides = array<i32>} : memref<32x256xf32, #tpu.memory_space<vmem>>, vector<16xf32>,
        tpu.vector_store %arg8[%swap3A_299, %swap3A_300], %gather3A_170 {strides = array<i32>} : memref<32x256xf32, #tpu.memory_space<vmem>>, vector<16xf32>,
        %mul3A_302 = arith.constant 16 : i32
        %mul3A_303 = arith.muli %scan3A_156, %mul3A_302 : i32
        %swap3A_304 = arith.constant 2 : i32
        %swap3A_305 = arith.index_cast %swap3A_304 : i32 to index
        %swap3A_306 = arith.index_cast %mul3A_303 : i32 to index
        %swap3A_307 = tpu.vector_load %arg8[%swap3A_305, %swap3A_306] {strides = array<i32>} : memref<32x256xf32, #tpu.memory_space<vmem>>, vector<16xf32>,
        tpu.vector_store %arg8[%swap3A_305, %swap3A_306], %gather3A_174 {strides = array<i32>} : memref<32x256xf32, #tpu.memory_space<vmem>>, vector<16xf32>,
        %mul3A_308 = arith.constant 16 : i32
        %mul3A_309 = arith.muli %scan3A_156, %mul3A_308 : i32
        %swap3A_310 = arith.constant 3 : i32
        %swap3A_311 = arith.index_cast %swap3A_310 : i32 to index
        %swap3A_312 = arith.index_cast %mul3A_309 : i32 to index
        %swap3A_313 = tpu.vector_load %arg8[%swap3A_311, %swap3A_312] {strides = array<i32>} : memref<32x256xf32, #tpu.memory_space<vmem>>, vector<16xf32>,
        tpu.vector_store %arg8[%swap3A_311, %swap3A_312], %gather3A_178 {strides = array<i32>} : memref<32x256xf32, #tpu.memory_space<vmem>>, vector<16xf32>,
        %mul3A_314 = arith.constant 16 : i32
        %mul3A_315 = arith.muli %scan3A_156, %mul3A_314 : i32
        %swap3A_316 = arith.constant 4 : i32
        %swap3A_317 = arith.index_cast %swap3A_316 : i32 to index
        %swap3A_318 = arith.index_cast %mul3A_315 : i32 to index
        %swap3A_319 = tpu.vector_load %arg8[%swap3A_317, %swap3A_318] {strides = array<i32>} : memref<32x256xf32, #tpu.memory_space<vmem>>, vector<16xf32>,
        tpu.vector_store %arg8[%swap3A_317, %swap3A_318], %gather3A_182 {strides = array<i32>} : memref<32x256xf32, #tpu.memory_space<vmem>>, vector<16xf32>,
        %mul3A_320 = arith.constant 16 : i32
        %mul3A_321 = arith.muli %scan3A_156, %mul3A_320 : i32
        %swap3A_322 = arith.constant 5 : i32
        %swap3A_323 = arith.index_cast %swap3A_322 : i32 to index
        %swap3A_324 = arith.index_cast %mul3A_321 : i32 to index
        %swap3A_325 = tpu.vector_load %arg8[%swap3A_323, %swap3A_324] {strides = array<i32>} : memref<32x256xf32, #tpu.memory_space<vmem>>, vector<16xf32>,
        tpu.vector_store %arg8[%swap3A_323, %swap3A_324], %gather3A_186 {strides = array<i32>} : memref<32x256xf32, #tpu.memory_space<vmem>>, vector<16xf32>,
        %mul3A_326 = arith.constant 16 : i32
        %mul3A_327 = arith.muli %scan3A_156, %mul3A_326 : i32
        %swap3A_328 = arith.constant 6 : i32
        %swap3A_329 = arith.index_cast %swap3A_328 : i32 to index
        %swap3A_330 = arith.index_cast %mul3A_327 : i32 to index
        %swap3A_331 = tpu.vector_load %arg8[%swap3A_329, %swap3A_330] {strides = array<i32>} : memref<32x256xf32, #tpu.memory_space<vmem>>, vector<16xf32>,
        tpu.vector_store %arg8[%swap3A_329, %swap3A_330], %gather3A_190 {strides = array<i32>} : memref<32x256xf32, #tpu.memory_space<vmem>>, vector<16xf32>,
        %mul3A_332 = arith.constant 16 : i32
        %mul3A_333 = arith.muli %scan3A_156, %mul3A_332 : i32
        %swap3A_334 = arith.constant 7 : i32
        %swap3A_335 = arith.index_cast %swap3A_334 : i32 to index
        %swap3A_336 = arith.index_cast %mul3A_333 : i32 to index
        %swap3A_337 = tpu.vector_load %arg8[%swap3A_335, %swap3A_336] {strides = array<i32>} : memref<32x256xf32, #tpu.memory_space<vmem>>, vector<16xf32>,
        tpu.vector_store %arg8[%swap3A_335, %swap3A_336], %gather3A_194 {strides = array<i32>} : memref<32x256xf32, #tpu.memory_space<vmem>>, vector<16xf32>,
        %mul3A_338 = arith.constant 16 : i32
        %mul3A_339 = arith.muli %scan3A_156, %mul3A_338 : i32
        %swap3A_340 = arith.constant 8 : i32
        %swap3A_341 = arith.index_cast %swap3A_340 : i32 to index
        %swap3A_342 = arith.index_cast %mul3A_339 : i32 to index
        %swap3A_343 = tpu.vector_load %arg8[%swap3A_341, %swap3A_342] {strides = array<i32>} : memref<32x256xf32, #tpu.memory_space<vmem>>, vector<16xf32>,
        tpu.vector_store %arg8[%swap3A_341, %swap3A_342], %gather3A_198 {strides = array<i32>} : memref<32x256xf32, #tpu.memory_space<vmem>>, vector<16xf32>,
        %mul3A_344 = arith.constant 16 : i32
        %mul3A_345 = arith.muli %scan3A_156, %mul3A_344 : i32
        %swap3A_346 = arith.constant 9 : i32
        %swap3A_347 = arith.index_cast %swap3A_346 : i32 to index
        %swap3A_348 = arith.index_cast %mul3A_345 : i32 to index
        %swap3A_349 = tpu.vector_load %arg8[%swap3A_347, %swap3A_348] {strides = array<i32>} : memref<32x256xf32, #tpu.memory_space<vmem>>, vector<16xf32>,
        tpu.vector_store %arg8[%swap3A_347, %swap3A_348], %gather3A_202 {strides = array<i32>} : memref<32x256xf32, #tpu.memory_space<vmem>>, vector<16xf32>,
        %mul3A_350 = arith.constant 16 : i32
        %mul3A_351 = arith.muli %scan3A_156, %mul3A_350 : i32
        %swap3A_352 = arith.constant 10 : i32
        %swap3A_353 = arith.index_cast %swap3A_352 : i32 to index
        %swap3A_354 = arith.index_cast %mul3A_351 : i32 to index
        %swap3A_355 = tpu.vector_load %arg8[%swap3A_353, %swap3A_354] {strides = array<i32>} : memref<32x256xf32, #tpu.memory_space<vmem>>, vector<16xf32>,
        tpu.vector_store %arg8[%swap3A_353, %swap3A_354], %gather3A_206 {strides = array<i32>} : memref<32x256xf32, #tpu.memory_space<vmem>>, vector<16xf32>,
        %mul3A_356 = arith.constant 16 : i32
        %mul3A_357 = arith.muli %scan3A_156, %mul3A_356 : i32
        %swap3A_358 = arith.constant 11 : i32
        %swap3A_359 = arith.index_cast %swap3A_358 : i32 to index
        %swap3A_360 = arith.index_cast %mul3A_357 : i32 to index
        %swap3A_361 = tpu.vector_load %arg8[%swap3A_359, %swap3A_360] {strides = array<i32>} : memref<32x256xf32, #tpu.memory_space<vmem>>, vector<16xf32>,
        tpu.vector_store %arg8[%swap3A_359, %swap3A_360], %gather3A_210 {strides = array<i32>} : memref<32x256xf32, #tpu.memory_space<vmem>>, vector<16xf32>,
        %mul3A_362 = arith.constant 16 : i32
        %mul3A_363 = arith.muli %scan3A_156, %mul3A_362 : i32
        %swap3A_364 = arith.constant 12 : i32
        %swap3A_365 = arith.index_cast %swap3A_364 : i32 to index
        %swap3A_366 = arith.index_cast %mul3A_363 : i32 to index
        %swap3A_367 = tpu.vector_load %arg8[%swap3A_365, %swap3A_366] {strides = array<i32>} : memref<32x256xf32, #tpu.memory_space<vmem>>, vector<16xf32>,
        tpu.vector_store %arg8[%swap3A_365, %swap3A_366], %gather3A_214 {strides = array<i32>} : memref<32x256xf32, #tpu.memory_space<vmem>>, vector<16xf32>,
        %mul3A_368 = arith.constant 16 : i32
        %mul3A_369 = arith.muli %scan3A_156, %mul3A_368 : i32
        %swap3A_370 = arith.constant 13 : i32
        %swap3A_371 = arith.index_cast %swap3A_370 : i32 to index
        %swap3A_372 = arith.index_cast %mul3A_369 : i32 to index
        %swap3A_373 = tpu.vector_load %arg8[%swap3A_371, %swap3A_372] {strides = array<i32>} : memref<32x256xf32, #tpu.memory_space<vmem>>, vector<16xf32>,
        tpu.vector_store %arg8[%swap3A_371, %swap3A_372], %gather3A_218 {strides = array<i32>} : memref<32x256xf32, #tpu.memory_space<vmem>>, vector<16xf32>,
        %mul3A_374 = arith.constant 16 : i32
        %mul3A_375 = arith.muli %scan3A_156, %mul3A_374 : i32
        %swap3A_376 = arith.constant 14 : i32
        %swap3A_377 = arith.index_cast %swap3A_376 : i32 to index
        %swap3A_378 = arith.index_cast %mul3A_375 : i32 to index
        %swap3A_379 = tpu.vector_load %arg8[%swap3A_377, %swap3A_378] {strides = array<i32>} : memref<32x256xf32, #tpu.memory_space<vmem>>, vector<16xf32>,
        tpu.vector_store %arg8[%swap3A_377, %swap3A_378], %gather3A_222 {strides = array<i32>} : memref<32x256xf32, #tpu.memory_space<vmem>>, vector<16xf32>,
        %mul3A_380 = arith.constant 16 : i32
        %mul3A_381 = arith.muli %scan3A_156, %mul3A_380 : i32
        %swap3A_382 = arith.constant 15 : i32
        %swap3A_383 = arith.index_cast %swap3A_382 : i32 to index
        %swap3A_384 = arith.index_cast %mul3A_381 : i32 to index
        %swap3A_385 = tpu.vector_load %arg8[%swap3A_383, %swap3A_384] {strides = array<i32>} : memref<32x256xf32, #tpu.memory_space<vmem>>, vector<16xf32>,
        tpu.vector_store %arg8[%swap3A_383, %swap3A_384], %gather3A_226 {strides = array<i32>} : memref<32x256xf32, #tpu.memory_space<vmem>>, vector<16xf32>,
        %mul3A_386 = arith.constant 16 : i32
        %mul3A_387 = arith.muli %scan3A_156, %mul3A_386 : i32
        %swap3A_388 = arith.constant 16 : i32
        %swap3A_389 = arith.index_cast %swap3A_388 : i32 to index
        %swap3A_390 = arith.index_cast %mul3A_387 : i32 to index
        %swap3A_391 = tpu.vector_load %arg8[%swap3A_389, %swap3A_390] {strides = array<i32>} : memref<32x256xf32, #tpu.memory_space<vmem>>, vector<16xf32>,
        tpu.vector_store %arg8[%swap3A_389, %swap3A_390], %gather3A_230 {strides = array<i32>} : memref<32x256xf32, #tpu.memory_space<vmem>>, vector<16xf32>,
        %mul3A_392 = arith.constant 16 : i32
        %mul3A_393 = arith.muli %scan3A_156, %mul3A_392 : i32
        %swap3A_394 = arith.constant 17 : i32
        %swap3A_395 = arith.index_cast %swap3A_394 : i32 to index
        %swap3A_396 = arith.index_cast %mul3A_393 : i32 to index
        %swap3A_397 = tpu.vector_load %arg8[%swap3A_395, %swap3A_396] {strides = array<i32>} : memref<32x256xf32, #tpu.memory_space<vmem>>, vector<16xf32>,
        tpu.vector_store %arg8[%swap3A_395, %swap3A_396], %gather3A_234 {strides = array<i32>} : memref<32x256xf32, #tpu.memory_space<vmem>>, vector<16xf32>,
        %mul3A_398 = arith.constant 16 : i32
        %mul3A_399 = arith.muli %scan3A_156, %mul3A_398 : i32
        %swap3A_400 = arith.constant 18 : i32
        %swap3A_401 = arith.index_cast %swap3A_400 : i32 to index
        %swap3A_402 = arith.index_cast %mul3A_399 : i32 to index
        %swap3A_403 = tpu.vector_load %arg8[%swap3A_401, %swap3A_402] {strides = array<i32>} : memref<32x256xf32, #tpu.memory_space<vmem>>, vector<16xf32>,
        tpu.vector_store %arg8[%swap3A_401, %swap3A_402], %gather3A_238 {strides = array<i32>} : memref<32x256xf32, #tpu.memory_space<vmem>>, vector<16xf32>,
        %mul3A_404 = arith.constant 16 : i32
        %mul3A_405 = arith.muli %scan3A_156, %mul3A_404 : i32
        %swap3A_406 = arith.constant 19 : i32
        %swap3A_407 = arith.index_cast %swap3A_406 : i32 to index
        %swap3A_408 = arith.index_cast %mul3A_405 : i32 to index
        %swap3A_409 = tpu.vector_load %arg8[%swap3A_407, %swap3A_408] {strides = array<i32>} : memref<32x256xf32, #tpu.memory_space<vmem>>, vector<16xf32>,
        tpu.vector_store %arg8[%swap3A_407, %swap3A_408], %gather3A_242 {strides = array<i32>} : memref<32x256xf32, #tpu.memory_space<vmem>>, vector<16xf32>,
        %mul3A_410 = arith.constant 16 : i32
        %mul3A_411 = arith.muli %scan3A_156, %mul3A_410 : i32
        %swap3A_412 = arith.constant 20 : i32
        %swap3A_413 = arith.index_cast %swap3A_412 : i32 to index
        %swap3A_414 = arith.index_cast %mul3A_411 : i32 to index
        %swap3A_415 = tpu.vector_load %arg8[%swap3A_413, %swap3A_414] {strides = array<i32>} : memref<32x256xf32, #tpu.memory_space<vmem>>, vector<16xf32>,
        tpu.vector_store %arg8[%swap3A_413, %swap3A_414], %gather3A_246 {strides = array<i32>} : memref<32x256xf32, #tpu.memory_space<vmem>>, vector<16xf32>,
        %mul3A_416 = arith.constant 16 : i32
        %mul3A_417 = arith.muli %scan3A_156, %mul3A_416 : i32
        %swap3A_418 = arith.constant 21 : i32
        %swap3A_419 = arith.index_cast %swap3A_418 : i32 to index
        %swap3A_420 = arith.index_cast %mul3A_417 : i32 to index
        %swap3A_421 = tpu.vector_load %arg8[%swap3A_419, %swap3A_420] {strides = array<i32>} : memref<32x256xf32, #tpu.memory_space<vmem>>, vector<16xf32>,
        tpu.vector_store %arg8[%swap3A_419, %swap3A_420], %gather3A_250 {strides = array<i32>} : memref<32x256xf32, #tpu.memory_space<vmem>>, vector<16xf32>,
        %mul3A_422 = arith.constant 16 : i32
        %mul3A_423 = arith.muli %scan3A_156, %mul3A_422 : i32
        %swap3A_424 = arith.constant 22 : i32
        %swap3A_425 = arith.index_cast %swap3A_424 : i32 to index
        %swap3A_426 = arith.index_cast %mul3A_423 : i32 to index
        %swap3A_427 = tpu.vector_load %arg8[%swap3A_425, %swap3A_426] {strides = array<i32>} : memref<32x256xf32, #tpu.memory_space<vmem>>, vector<16xf32>,
        tpu.vector_store %arg8[%swap3A_425, %swap3A_426], %gather3A_254 {strides = array<i32>} : memref<32x256xf32, #tpu.memory_space<vmem>>, vector<16xf32>,
        %mul3A_428 = arith.constant 16 : i32
        %mul3A_429 = arith.muli %scan3A_156, %mul3A_428 : i32
        %swap3A_430 = arith.constant 23 : i32
        %swap3A_431 = arith.index_cast %swap3A_430 : i32 to index
        %swap3A_432 = arith.index_cast %mul3A_429 : i32 to index
        %swap3A_433 = tpu.vector_load %arg8[%swap3A_431, %swap3A_432] {strides = array<i32>} : memref<32x256xf32, #tpu.memory_space<vmem>>, vector<16xf32>,
        tpu.vector_store %arg8[%swap3A_431, %swap3A_432], %gather3A_258 {strides = array<i32>} : memref<32x256xf32, #tpu.memory_space<vmem>>, vector<16xf32>,
        %mul3A_434 = arith.constant 16 : i32
        %mul3A_435 = arith.muli %scan3A_156, %mul3A_434 : i32
        %swap3A_436 = arith.constant 24 : i32
        %swap3A_437 = arith.index_cast %swap3A_436 : i32 to index
        %swap3A_438 = arith.index_cast %mul3A_435 : i32 to index
        %swap3A_439 = tpu.vector_load %arg8[%swap3A_437, %swap3A_438] {strides = array<i32>} : memref<32x256xf32, #tpu.memory_space<vmem>>, vector<16xf32>,
        tpu.vector_store %arg8[%swap3A_437, %swap3A_438], %gather3A_262 {strides = array<i32>} : memref<32x256xf32, #tpu.memory_space<vmem>>, vector<16xf32>,
        %mul3A_440 = arith.constant 16 : i32
        %mul3A_441 = arith.muli %scan3A_156, %mul3A_440 : i32
        %swap3A_442 = arith.constant 25 : i32
        %swap3A_443 = arith.index_cast %swap3A_442 : i32 to index
        %swap3A_444 = arith.index_cast %mul3A_441 : i32 to index
        %swap3A_445 = tpu.vector_load %arg8[%swap3A_443, %swap3A_444] {strides = array<i32>} : memref<32x256xf32, #tpu.memory_space<vmem>>, vector<16xf32>,
        tpu.vector_store %arg8[%swap3A_443, %swap3A_444], %gather3A_266 {strides = array<i32>} : memref<32x256xf32, #tpu.memory_space<vmem>>, vector<16xf32>,
        %mul3A_446 = arith.constant 16 : i32
        %mul3A_447 = arith.muli %scan3A_156, %mul3A_446 : i32
        %swap3A_448 = arith.constant 26 : i32
        %swap3A_449 = arith.index_cast %swap3A_448 : i32 to index
        %swap3A_450 = arith.index_cast %mul3A_447 : i32 to index
        %swap3A_451 = tpu.vector_load %arg8[%swap3A_449, %swap3A_450] {strides = array<i32>} : memref<32x256xf32, #tpu.memory_space<vmem>>, vector<16xf32>,
        tpu.vector_store %arg8[%swap3A_449, %swap3A_450], %gather3A_270 {strides = array<i32>} : memref<32x256xf32, #tpu.memory_space<vmem>>, vector<16xf32>,
        %mul3A_452 = arith.constant 16 : i32
        %mul3A_453 = arith.muli %scan3A_156, %mul3A_452 : i32
        %swap3A_454 = arith.constant 27 : i32
        %swap3A_455 = arith.index_cast %swap3A_454 : i32 to index
        %swap3A_456 = arith.index_cast %mul3A_453 : i32 to index
        %swap3A_457 = tpu.vector_load %arg8[%swap3A_455, %swap3A_456] {strides = array<i32>} : memref<32x256xf32, #tpu.memory_space<vmem>>, vector<16xf32>,
        tpu.vector_store %arg8[%swap3A_455, %swap3A_456], %gather3A_274 {strides = array<i32>} : memref<32x256xf32, #tpu.memory_space<vmem>>, vector<16xf32>,
        %mul3A_458 = arith.constant 16 : i32
        %mul3A_459 = arith.muli %scan3A_156, %mul3A_458 : i32
        %swap3A_460 = arith.constant 28 : i32
        %swap3A_461 = arith.index_cast %swap3A_460 : i32 to index
        %swap3A_462 = arith.index_cast %mul3A_459 : i32 to index
        %swap3A_463 = tpu.vector_load %arg8[%swap3A_461, %swap3A_462] {strides = array<i32>} : memref<32x256xf32, #tpu.memory_space<vmem>>, vector<16xf32>,
        tpu.vector_store %arg8[%swap3A_461, %swap3A_462], %gather3A_278 {strides = array<i32>} : memref<32x256xf32, #tpu.memory_space<vmem>>, vector<16xf32>,
        %mul3A_464 = arith.constant 16 : i32
        %mul3A_465 = arith.muli %scan3A_156, %mul3A_464 : i32
        %swap3A_466 = arith.constant 29 : i32
        %swap3A_467 = arith.index_cast %swap3A_466 : i32 to index
        %swap3A_468 = arith.index_cast %mul3A_465 : i32 to index
        %swap3A_469 = tpu.vector_load %arg8[%swap3A_467, %swap3A_468] {strides = array<i32>} : memref<32x256xf32, #tpu.memory_space<vmem>>, vector<16xf32>,
        tpu.vector_store %arg8[%swap3A_467, %swap3A_468], %gather3A_282 {strides = array<i32>} : memref<32x256xf32, #tpu.memory_space<vmem>>, vector<16xf32>,
        %mul3A_470 = arith.constant 16 : i32
        %mul3A_471 = arith.muli %scan3A_156, %mul3A_470 : i32
        %swap3A_472 = arith.constant 30 : i32
        %swap3A_473 = arith.index_cast %swap3A_472 : i32 to index
        %swap3A_474 = arith.index_cast %mul3A_471 : i32 to index
        %swap3A_475 = tpu.vector_load %arg8[%swap3A_473, %swap3A_474] {strides = array<i32>} : memref<32x256xf32, #tpu.memory_space<vmem>>, vector<16xf32>,
        tpu.vector_store %arg8[%swap3A_473, %swap3A_474], %gather3A_286 {strides = array<i32>} : memref<32x256xf32, #tpu.memory_space<vmem>>, vector<16xf32>,
        %mul3A_476 = arith.constant 16 : i32
        %mul3A_477 = arith.muli %scan3A_156, %mul3A_476 : i32
        %swap3A_478 = arith.constant 31 : i32
        %swap3A_479 = arith.index_cast %swap3A_478 : i32 to index
        %swap3A_480 = arith.index_cast %mul3A_477 : i32 to index
        %swap3A_481 = tpu.vector_load %arg8[%swap3A_479, %swap3A_480] {strides = array<i32>} : memref<32x256xf32, #tpu.memory_space<vmem>>, vector<16xf32>,
        tpu.vector_store %arg8[%swap3A_479, %swap3A_480], %gather3A_290 {strides = array<i32>} : memref<32x256xf32, #tpu.memory_space<vmem>>, vector<16xf32>,
        %scan3A_482 = arith.constant 0 : i32
        scf.yield %scan3A_482 : i32
      }
      %scan3A_122 = arith.constant 16 : i32
      %add3A_123 = arith.constant 0 : i32
      %add3A_124 = arith.addi %mul3A_2, %add3A_123 : i32
      %dma_start3A_125 = arith.constant 0 : i32
      %dma_start3A_126 = tpu.memref_slice %arg4[%add3A_106, %dma_start3A_125, %add3A_124] : memref<200x32x16384xf32, #tpu.memory_space<hbm>> -> memref<1x32x256xf32, #tpu.memory_space<hbm>>
      %dma_start3A_127 = tpu.memref_squeeze %dma_start3A_126 : memref<1x32x256xf32, #tpu.memory_space<hbm>> -> memref<32x256xf32, #tpu.memory_space<hbm>>
      %dma_start3A_128 = arith.constant 0 : i32
      %dma_start3A_129 = tpu.memref_slice %arg4[%add3A_106, %dma_start3A_128, %add3A_124] : memref<200x32x16384xf32, #tpu.memory_space<hbm>> -> memref<1x32x256xf32, #tpu.memory_space<hbm>>
      %dma_start3A_130 = tpu.memref_squeeze %dma_start3A_129 : memref<1x32x256xf32, #tpu.memory_space<hbm>> -> memref<32x256xf32, #tpu.memory_space<hbm>>
      tpu.enqueue_dma source(%arg8 : memref<32x256xf32, #tpu.memory_space<vmem>>) target(%dma_start3A_130 : memref<32x256xf32, #tpu.memory_space<hbm>>) target_semaphore(%arg12 : memref<!tpu.dma_semaphore, #tpu.memory_space<semaphore_mem>>)
      %dma_wait3A_131 = arith.constant 0 : i32
      %dma_wait3A_132 = arith.constant 0 : i32
      %dma_wait3A_133 = arith.constant 0 : i32
      %dma_wait3A_134 = tpu.memref_slice %arg4[%dma_wait3A_131, %dma_wait3A_132, %dma_wait3A_133] : memref<200x32x16384xf32, #tpu.memory_space<hbm>> -> memref<1x32x256xf32, #tpu.memory_space<hbm>>
      %dma_wait3A_135 = tpu.memref_squeeze %dma_wait3A_134 : memref<1x32x256xf32, #tpu.memory_space<hbm>> -> memref<32x256xf32, #tpu.memory_space<hbm>>
      %dma_wait3A_136 = arith.constant 0 : i32
      %dma_wait3A_137 = arith.constant 0 : i32
      %dma_wait3A_138 = tpu.memref_slice %arg4[%dma_wait3A_131, %dma_wait3A_136, %dma_wait3A_137] : memref<200x32x16384xf32, #tpu.memory_space<hbm>> -> memref<1x32x256xf32, #tpu.memory_space<hbm>>
      %dma_wait3A_139 = tpu.memref_squeeze %dma_wait3A_138 : memref<1x32x256xf32, #tpu.memory_space<hbm>> -> memref<32x256xf32, #tpu.memory_space<hbm>>
      tpu.wait_dma2 semaphore(%arg13 : memref<!tpu.dma_semaphore, #tpu.memory_space<semaphore_mem>>) src(%arg9 : memref<32x256xf32, #tpu.memory_space<vmem>>) dst(%dma_wait3A_139 : memref<32x256xf32, #tpu.memory_space<hbm>>)
      %scan3A_140 = arith.constant 0 : i32
      %scan3A_141 = arith.constant 0 : i32
      %scan3A_142 = arith.constant 16 : i32
      %scan3A_143 = arith.addi %scan3A_141, %scan3A_142 : i32
      %scan3A_144 = arith.constant 1 : i32
      %scan3A_145 = scf.for %scan3A_156 = %scan3A_141 to %scan3A_143 step %scan3A_144 iter_args(%scan3A_157 = %scan3A_140) -> (i32)  : i32 {
        %mul3A_158 = arith.constant 16 : i32
        %mul3A_159 = arith.muli %scan3A_156, %mul3A_158 : i32
        %add3A_160 = arith.constant 256 : i32
        %add3A_161 = arith.addi %add3A_160, %mul3A_159 : i32
        %multiple_of3A = tpu.assume_multiple %add3A_161, 16 : i32
        %get3A = arith.index_cast %scan3A_103 : i32 to index
        %get3A_162 = arith.index_cast %multiple_of3A : i32 to index
        %get3A_163 = tpu.vector_load %arg7[%get3A, %get3A_162] {strides = array<i32>} : memref<40x512xi32, #tpu.memory_space<vmem>>, vector<16xi32>,
        %add3A_164 = arith.constant 0 : i32
        %add3A_165 = vector.broadcast %add3A_164 : i32 to vector<16xi32>
        %add3A_166 = arith.addi %get3A_163, %add3A_165 : vector<16xi32>
        %gather3A = tpu.vector_load_idx %arg5[%add3A_166] : memref<32000xf32, #tpu.memory_space<vmem>>[vector<16xi32>], vector<16xf32>,
        %add3A_167 = arith.constant 1000 : i32
        %add3A_168 = vector.broadcast %add3A_167 : i32 to vector<16xi32>
        %add3A_169 = arith.addi %get3A_163, %add3A_168 : vector<16xi32>
        %gather3A_170 = tpu.vector_load_idx %arg5[%add3A_169] : memref<32000xf32, #tpu.memory_space<vmem>>[vector<16xi32>], vector<16xf32>,
        %add3A_171 = arith.constant 2000 : i32
        %add3A_172 = vector.broadcast %add3A_171 : i32 to vector<16xi32>
        %add3A_173 = arith.addi %get3A_163, %add3A_172 : vector<16xi32>
        %gather3A_174 = tpu.vector_load_idx %arg5[%add3A_173] : memref<32000xf32, #tpu.memory_space<vmem>>[vector<16xi32>], vector<16xf32>,
        %add3A_175 = arith.constant 3000 : i32
        %add3A_176 = vector.broadcast %add3A_175 : i32 to vector<16xi32>
        %add3A_177 = arith.addi %get3A_163, %add3A_176 : vector<16xi32>
        %gather3A_178 = tpu.vector_load_idx %arg5[%add3A_177] : memref<32000xf32, #tpu.memory_space<vmem>>[vector<16xi32>], vector<16xf32>,
        %add3A_179 = arith.constant 4000 : i32
        %add3A_180 = vector.broadcast %add3A_179 : i32 to vector<16xi32>
        %add3A_181 = arith.addi %get3A_163, %add3A_180 : vector<16xi32>
        %gather3A_182 = tpu.vector_load_idx %arg5[%add3A_181] : memref<32000xf32, #tpu.memory_space<vmem>>[vector<16xi32>], vector<16xf32>,
        %add3A_183 = arith.constant 5000 : i32
        %add3A_184 = vector.broadcast %add3A_183 : i32 to vector<16xi32>
        %add3A_185 = arith.addi %get3A_163, %add3A_184 : vector<16xi32>
        %gather3A_186 = tpu.vector_load_idx %arg5[%add3A_185] : memref<32000xf32, #tpu.memory_space<vmem>>[vector<16xi32>], vector<16xf32>,
        %add3A_187 = arith.constant 6000 : i32
        %add3A_188 = vector.broadcast %add3A_187 : i32 to vector<16xi32>
        %add3A_189 = arith.addi %get3A_163, %add3A_188 : vector<16xi32>
        %gather3A_190 = tpu.vector_load_idx %arg5[%add3A_189] : memref<32000xf32, #tpu.memory_space<vmem>>[vector<16xi32>], vector<16xf32>,
        %add3A_191 = arith.constant 7000 : i32
        %add3A_192 = vector.broadcast %add3A_191 : i32 to vector<16xi32>
        %add3A_193 = arith.addi %get3A_163, %add3A_192 : vector<16xi32>
        %gather3A_194 = tpu.vector_load_idx %arg5[%add3A_193] : memref<32000xf32, #tpu.memory_space<vmem>>[vector<16xi32>], vector<16xf32>,
        %add3A_195 = arith.constant 8000 : i32
        %add3A_196 = vector.broadcast %add3A_195 : i32 to vector<16xi32>
        %add3A_197 = arith.addi %get3A_163, %add3A_196 : vector<16xi32>
        %gather3A_198 = tpu.vector_load_idx %arg5[%add3A_197] : memref<32000xf32, #tpu.memory_space<vmem>>[vector<16xi32>], vector<16xf32>,
        %add3A_199 = arith.constant 9000 : i32
        %add3A_200 = vector.broadcast %add3A_199 : i32 to vector<16xi32>
        %add3A_201 = arith.addi %get3A_163, %add3A_200 : vector<16xi32>
        %gather3A_202 = tpu.vector_load_idx %arg5[%add3A_201] : memref<32000xf32, #tpu.memory_space<vmem>>[vector<16xi32>], vector<16xf32>,
        %add3A_203 = arith.constant 10000 : i32
        %add3A_204 = vector.broadcast %add3A_203 : i32 to vector<16xi32>
        %add3A_205 = arith.addi %get3A_163, %add3A_204 : vector<16xi32>
        %gather3A_206 = tpu.vector_load_idx %arg5[%add3A_205] : memref<32000xf32, #tpu.memory_space<vmem>>[vector<16xi32>], vector<16xf32>,
        %add3A_207 = arith.constant 11000 : i32
        %add3A_208 = vector.broadcast %add3A_207 : i32 to vector<16xi32>
        %add3A_209 = arith.addi %get3A_163, %add3A_208 : vector<16xi32>
        %gather3A_210 = tpu.vector_load_idx %arg5[%add3A_209] : memref<32000xf32, #tpu.memory_space<vmem>>[vector<16xi32>], vector<16xf32>,
        %add3A_211 = arith.constant 12000 : i32
        %add3A_212 = vector.broadcast %add3A_211 : i32 to vector<16xi32>
        %add3A_213 = arith.addi %get3A_163, %add3A_212 : vector<16xi32>
        %gather3A_214 = tpu.vector_load_idx %arg5[%add3A_213] : memref<32000xf32, #tpu.memory_space<vmem>>[vector<16xi32>], vector<16xf32>,
        %add3A_215 = arith.constant 13000 : i32
        %add3A_216 = vector.broadcast %add3A_215 : i32 to vector<16xi32>
        %add3A_217 = arith.addi %get3A_163, %add3A_216 : vector<16xi32>
        %gather3A_218 = tpu.vector_load_idx %arg5[%add3A_217] : memref<32000xf32, #tpu.memory_space<vmem>>[vector<16xi32>], vector<16xf32>,
        %add3A_219 = arith.constant 14000 : i32
        %add3A_220 = vector.broadcast %add3A_219 : i32 to vector<16xi32>
        %add3A_221 = arith.addi %get3A_163, %add3A_220 : vector<16xi32>
        %gather3A_222 = tpu.vector_load_idx %arg5[%add3A_221] : memref<32000xf32, #tpu.memory_space<vmem>>[vector<16xi32>], vector<16xf32>,
        %add3A_223 = arith.constant 15000 : i32
        %add3A_224 = vector.broadcast %add3A_223 : i32 to vector<16xi32>
        %add3A_225 = arith.addi %get3A_163, %add3A_224 : vector<16xi32>
        %gather3A_226 = tpu.vector_load_idx %arg5[%add3A_225] : memref<32000xf32, #tpu.memory_space<vmem>>[vector<16xi32>], vector<16xf32>,
        %add3A_227 = arith.constant 16000 : i32
        %add3A_228 = vector.broadcast %add3A_227 : i32 to vector<16xi32>
        %add3A_229 = arith.addi %get3A_163, %add3A_228 : vector<16xi32>
        %gather3A_230 = tpu.vector_load_idx %arg5[%add3A_229] : memref<32000xf32, #tpu.memory_space<vmem>>[vector<16xi32>], vector<16xf32>,
        %add3A_231 = arith.constant 17000 : i32
        %add3A_232 = vector.broadcast %add3A_231 : i32 to vector<16xi32>
        %add3A_233 = arith.addi %get3A_163, %add3A_232 : vector<16xi32>
        %gather3A_234 = tpu.vector_load_idx %arg5[%add3A_233] : memref<32000xf32, #tpu.memory_space<vmem>>[vector<16xi32>], vector<16xf32>,
        %add3A_235 = arith.constant 18000 : i32
        %add3A_236 = vector.broadcast %add3A_235 : i32 to vector<16xi32>
        %add3A_237 = arith.addi %get3A_163, %add3A_236 : vector<16xi32>
        %gather3A_238 = tpu.vector_load_idx %arg5[%add3A_237] : memref<32000xf32, #tpu.memory_space<vmem>>[vector<16xi32>], vector<16xf32>,
        %add3A_239 = arith.constant 19000 : i32
        %add3A_240 = vector.broadcast %add3A_239 : i32 to vector<16xi32>
        %add3A_241 = arith.addi %get3A_163, %add3A_240 : vector<16xi32>
        %gather3A_242 = tpu.vector_load_idx %arg5[%add3A_241] : memref<32000xf32, #tpu.memory_space<vmem>>[vector<16xi32>], vector<16xf32>,
        %add3A_243 = arith.constant 20000 : i32
        %add3A_244 = vector.broadcast %add3A_243 : i32 to vector<16xi32>
        %add3A_245 = arith.addi %get3A_163, %add3A_244 : vector<16xi32>
        %gather3A_246 = tpu.vector_load_idx %arg5[%add3A_245] : memref<32000xf32, #tpu.memory_space<vmem>>[vector<16xi32>], vector<16xf32>,
        %add3A_247 = arith.constant 21000 : i32
        %add3A_248 = vector.broadcast %add3A_247 : i32 to vector<16xi32>
        %add3A_249 = arith.addi %get3A_163, %add3A_248 : vector<16xi32>
        %gather3A_250 = tpu.vector_load_idx %arg5[%add3A_249] : memref<32000xf32, #tpu.memory_space<vmem>>[vector<16xi32>], vector<16xf32>,
        %add3A_251 = arith.constant 22000 : i32
        %add3A_252 = vector.broadcast %add3A_251 : i32 to vector<16xi32>
        %add3A_253 = arith.addi %get3A_163, %add3A_252 : vector<16xi32>
        %gather3A_254 = tpu.vector_load_idx %arg5[%add3A_253] : memref<32000xf32, #tpu.memory_space<vmem>>[vector<16xi32>], vector<16xf32>,
        %add3A_255 = arith.constant 23000 : i32
        %add3A_256 = vector.broadcast %add3A_255 : i32 to vector<16xi32>
        %add3A_257 = arith.addi %get3A_163, %add3A_256 : vector<16xi32>
        %gather3A_258 = tpu.vector_load_idx %arg5[%add3A_257] : memref<32000xf32, #tpu.memory_space<vmem>>[vector<16xi32>], vector<16xf32>,
        %add3A_259 = arith.constant 24000 : i32
        %add3A_260 = vector.broadcast %add3A_259 : i32 to vector<16xi32>
        %add3A_261 = arith.addi %get3A_163, %add3A_260 : vector<16xi32>
        %gather3A_262 = tpu.vector_load_idx %arg5[%add3A_261] : memref<32000xf32, #tpu.memory_space<vmem>>[vector<16xi32>], vector<16xf32>,
        %add3A_263 = arith.constant 25000 : i32
        %add3A_264 = vector.broadcast %add3A_263 : i32 to vector<16xi32>
        %add3A_265 = arith.addi %get3A_163, %add3A_264 : vector<16xi32>
        %gather3A_266 = tpu.vector_load_idx %arg5[%add3A_265] : memref<32000xf32, #tpu.memory_space<vmem>>[vector<16xi32>], vector<16xf32>,
        %add3A_267 = arith.constant 26000 : i32
        %add3A_268 = vector.broadcast %add3A_267 : i32 to vector<16xi32>
        %add3A_269 = arith.addi %get3A_163, %add3A_268 : vector<16xi32>
        %gather3A_270 = tpu.vector_load_idx %arg5[%add3A_269] : memref<32000xf32, #tpu.memory_space<vmem>>[vector<16xi32>], vector<16xf32>,
        %add3A_271 = arith.constant 27000 : i32
        %add3A_272 = vector.broadcast %add3A_271 : i32 to vector<16xi32>
        %add3A_273 = arith.addi %get3A_163, %add3A_272 : vector<16xi32>
        %gather3A_274 = tpu.vector_load_idx %arg5[%add3A_273] : memref<32000xf32, #tpu.memory_space<vmem>>[vector<16xi32>], vector<16xf32>,
        %add3A_275 = arith.constant 28000 : i32
        %add3A_276 = vector.broadcast %add3A_275 : i32 to vector<16xi32>
        %add3A_277 = arith.addi %get3A_163, %add3A_276 : vector<16xi32>
        %gather3A_278 = tpu.vector_load_idx %arg5[%add3A_277] : memref<32000xf32, #tpu.memory_space<vmem>>[vector<16xi32>], vector<16xf32>,
        %add3A_279 = arith.constant 29000 : i32
        %add3A_280 = vector.broadcast %add3A_279 : i32 to vector<16xi32>
        %add3A_281 = arith.addi %get3A_163, %add3A_280 : vector<16xi32>
        %gather3A_282 = tpu.vector_load_idx %arg5[%add3A_281] : memref<32000xf32, #tpu.memory_space<vmem>>[vector<16xi32>], vector<16xf32>,
        %add3A_283 = arith.constant 30000 : i32
        %add3A_284 = vector.broadcast %add3A_283 : i32 to vector<16xi32>
        %add3A_285 = arith.addi %get3A_163, %add3A_284 : vector<16xi32>
        %gather3A_286 = tpu.vector_load_idx %arg5[%add3A_285] : memref<32000xf32, #tpu.memory_space<vmem>>[vector<16xi32>], vector<16xf32>,
        %add3A_287 = arith.constant 31000 : i32
        %add3A_288 = vector.broadcast %add3A_287 : i32 to vector<16xi32>
        %add3A_289 = arith.addi %get3A_163, %add3A_288 : vector<16xi32>
        %gather3A_290 = tpu.vector_load_idx %arg5[%add3A_289] : memref<32000xf32, #tpu.memory_space<vmem>>[vector<16xi32>], vector<16xf32>,
        %mul3A_291 = arith.constant 16 : i32
        %mul3A_292 = arith.muli %scan3A_156, %mul3A_291 : i32
        %swap3A = arith.constant 0 : i32
        %swap3A_293 = arith.index_cast %swap3A : i32 to index
        %swap3A_294 = arith.index_cast %mul3A_292 : i32 to index
        %swap3A_295 = tpu.vector_load %arg9[%swap3A_293, %swap3A_294] {strides = array<i32>} : memref<32x256xf32, #tpu.memory_space<vmem>>, vector<16xf32>,
        tpu.vector_store %arg9[%swap3A_293, %swap3A_294], %gather3A {strides = array<i32>} : memref<32x256xf32, #tpu.memory_space<vmem>>, vector<16xf32>,
        %mul3A_296 = arith.constant 16 : i32
        %mul3A_297 = arith.muli %scan3A_156, %mul3A_296 : i32
        %swap3A_298 = arith.constant 1 : i32
        %swap3A_299 = arith.index_cast %swap3A_298 : i32 to index
        %swap3A_300 = arith.index_cast %mul3A_297 : i32 to index
        %swap3A_301 = tpu.vector_load %arg9[%swap3A_299, %swap3A_300] {strides = array<i32>} : memref<32x256xf32, #tpu.memory_space<vmem>>, vector<16xf32>,
        tpu.vector_store %arg9[%swap3A_299, %swap3A_300], %gather3A_170 {strides = array<i32>} : memref<32x256xf32, #tpu.memory_space<vmem>>, vector<16xf32>,
        %mul3A_302 = arith.constant 16 : i32
        %mul3A_303 = arith.muli %scan3A_156, %mul3A_302 : i32
        %swap3A_304 = arith.constant 2 : i32
        %swap3A_305 = arith.index_cast %swap3A_304 : i32 to index
        %swap3A_306 = arith.index_cast %mul3A_303 : i32 to index
        %swap3A_307 = tpu.vector_load %arg9[%swap3A_305, %swap3A_306] {strides = array<i32>} : memref<32x256xf32, #tpu.memory_space<vmem>>, vector<16xf32>,
        tpu.vector_store %arg9[%swap3A_305, %swap3A_306], %gather3A_174 {strides = array<i32>} : memref<32x256xf32, #tpu.memory_space<vmem>>, vector<16xf32>,
        %mul3A_308 = arith.constant 16 : i32
        %mul3A_309 = arith.muli %scan3A_156, %mul3A_308 : i32
        %swap3A_310 = arith.constant 3 : i32
        %swap3A_311 = arith.index_cast %swap3A_310 : i32 to index
        %swap3A_312 = arith.index_cast %mul3A_309 : i32 to index
        %swap3A_313 = tpu.vector_load %arg9[%swap3A_311, %swap3A_312] {strides = array<i32>} : memref<32x256xf32, #tpu.memory_space<vmem>>, vector<16xf32>,
        tpu.vector_store %arg9[%swap3A_311, %swap3A_312], %gather3A_178 {strides = array<i32>} : memref<32x256xf32, #tpu.memory_space<vmem>>, vector<16xf32>,
        %mul3A_314 = arith.constant 16 : i32
        %mul3A_315 = arith.muli %scan3A_156, %mul3A_314 : i32
        %swap3A_316 = arith.constant 4 : i32
        %swap3A_317 = arith.index_cast %swap3A_316 : i32 to index
        %swap3A_318 = arith.index_cast %mul3A_315 : i32 to index
        %swap3A_319 = tpu.vector_load %arg9[%swap3A_317, %swap3A_318] {strides = array<i32>} : memref<32x256xf32, #tpu.memory_space<vmem>>, vector<16xf32>,
        tpu.vector_store %arg9[%swap3A_317, %swap3A_318], %gather3A_182 {strides = array<i32>} : memref<32x256xf32, #tpu.memory_space<vmem>>, vector<16xf32>,
        %mul3A_320 = arith.constant 16 : i32
        %mul3A_321 = arith.muli %scan3A_156, %mul3A_320 : i32
        %swap3A_322 = arith.constant 5 : i32
        %swap3A_323 = arith.index_cast %swap3A_322 : i32 to index
        %swap3A_324 = arith.index_cast %mul3A_321 : i32 to index
        %swap3A_325 = tpu.vector_load %arg9[%swap3A_323, %swap3A_324] {strides = array<i32>} : memref<32x256xf32, #tpu.memory_space<vmem>>, vector<16xf32>,
        tpu.vector_store %arg9[%swap3A_323, %swap3A_324], %gather3A_186 {strides = array<i32>} : memref<32x256xf32, #tpu.memory_space<vmem>>, vector<16xf32>,
        %mul3A_326 = arith.constant 16 : i32
        %mul3A_327 = arith.muli %scan3A_156, %mul3A_326 : i32
        %swap3A_328 = arith.constant 6 : i32
        %swap3A_329 = arith.index_cast %swap3A_328 : i32 to index
        %swap3A_330 = arith.index_cast %mul3A_327 : i32 to index
        %swap3A_331 = tpu.vector_load %arg9[%swap3A_329, %swap3A_330] {strides = array<i32>} : memref<32x256xf32, #tpu.memory_space<vmem>>, vector<16xf32>,
        tpu.vector_store %arg9[%swap3A_329, %swap3A_330], %gather3A_190 {strides = array<i32>} : memref<32x256xf32, #tpu.memory_space<vmem>>, vector<16xf32>,
        %mul3A_332 = arith.constant 16 : i32
        %mul3A_333 = arith.muli %scan3A_156, %mul3A_332 : i32
        %swap3A_334 = arith.constant 7 : i32
        %swap3A_335 = arith.index_cast %swap3A_334 : i32 to index
        %swap3A_336 = arith.index_cast %mul3A_333 : i32 to index
        %swap3A_337 = tpu.vector_load %arg9[%swap3A_335, %swap3A_336] {strides = array<i32>} : memref<32x256xf32, #tpu.memory_space<vmem>>, vector<16xf32>,
        tpu.vector_store %arg9[%swap3A_335, %swap3A_336], %gather3A_194 {strides = array<i32>} : memref<32x256xf32, #tpu.memory_space<vmem>>, vector<16xf32>,
        %mul3A_338 = arith.constant 16 : i32
        %mul3A_339 = arith.muli %scan3A_156, %mul3A_338 : i32
        %swap3A_340 = arith.constant 8 : i32
        %swap3A_341 = arith.index_cast %swap3A_340 : i32 to index
        %swap3A_342 = arith.index_cast %mul3A_339 : i32 to index
        %swap3A_343 = tpu.vector_load %arg9[%swap3A_341, %swap3A_342] {strides = array<i32>} : memref<32x256xf32, #tpu.memory_space<vmem>>, vector<16xf32>,
        tpu.vector_store %arg9[%swap3A_341, %swap3A_342], %gather3A_198 {strides = array<i32>} : memref<32x256xf32, #tpu.memory_space<vmem>>, vector<16xf32>,
        %mul3A_344 = arith.constant 16 : i32
        %mul3A_345 = arith.muli %scan3A_156, %mul3A_344 : i32
        %swap3A_346 = arith.constant 9 : i32
        %swap3A_347 = arith.index_cast %swap3A_346 : i32 to index
        %swap3A_348 = arith.index_cast %mul3A_345 : i32 to index
        %swap3A_349 = tpu.vector_load %arg9[%swap3A_347, %swap3A_348] {strides = array<i32>} : memref<32x256xf32, #tpu.memory_space<vmem>>, vector<16xf32>,
        tpu.vector_store %arg9[%swap3A_347, %swap3A_348], %gather3A_202 {strides = array<i32>} : memref<32x256xf32, #tpu.memory_space<vmem>>, vector<16xf32>,
        %mul3A_350 = arith.constant 16 : i32
        %mul3A_351 = arith.muli %scan3A_156, %mul3A_350 : i32
        %swap3A_352 = arith.constant 10 : i32
        %swap3A_353 = arith.index_cast %swap3A_352 : i32 to index
        %swap3A_354 = arith.index_cast %mul3A_351 : i32 to index
        %swap3A_355 = tpu.vector_load %arg9[%swap3A_353, %swap3A_354] {strides = array<i32>} : memref<32x256xf32, #tpu.memory_space<vmem>>, vector<16xf32>,
        tpu.vector_store %arg9[%swap3A_353, %swap3A_354], %gather3A_206 {strides = array<i32>} : memref<32x256xf32, #tpu.memory_space<vmem>>, vector<16xf32>,
        %mul3A_356 = arith.constant 16 : i32
        %mul3A_357 = arith.muli %scan3A_156, %mul3A_356 : i32
        %swap3A_358 = arith.constant 11 : i32
        %swap3A_359 = arith.index_cast %swap3A_358 : i32 to index
        %swap3A_360 = arith.index_cast %mul3A_357 : i32 to index
        %swap3A_361 = tpu.vector_load %arg9[%swap3A_359, %swap3A_360] {strides = array<i32>} : memref<32x256xf32, #tpu.memory_space<vmem>>, vector<16xf32>,
        tpu.vector_store %arg9[%swap3A_359, %swap3A_360], %gather3A_210 {strides = array<i32>} : memref<32x256xf32, #tpu.memory_space<vmem>>, vector<16xf32>,
        %mul3A_362 = arith.constant 16 : i32
        %mul3A_363 = arith.muli %scan3A_156, %mul3A_362 : i32
        %swap3A_364 = arith.constant 12 : i32
        %swap3A_365 = arith.index_cast %swap3A_364 : i32 to index
        %swap3A_366 = arith.index_cast %mul3A_363 : i32 to index
        %swap3A_367 = tpu.vector_load %arg9[%swap3A_365, %swap3A_366] {strides = array<i32>} : memref<32x256xf32, #tpu.memory_space<vmem>>, vector<16xf32>,
        tpu.vector_store %arg9[%swap3A_365, %swap3A_366], %gather3A_214 {strides = array<i32>} : memref<32x256xf32, #tpu.memory_space<vmem>>, vector<16xf32>,
        %mul3A_368 = arith.constant 16 : i32
        %mul3A_369 = arith.muli %scan3A_156, %mul3A_368 : i32
        %swap3A_370 = arith.constant 13 : i32
        %swap3A_371 = arith.index_cast %swap3A_370 : i32 to index
        %swap3A_372 = arith.index_cast %mul3A_369 : i32 to index
        %swap3A_373 = tpu.vector_load %arg9[%swap3A_371, %swap3A_372] {strides = array<i32>} : memref<32x256xf32, #tpu.memory_space<vmem>>, vector<16xf32>,
        tpu.vector_store %arg9[%swap3A_371, %swap3A_372], %gather3A_218 {strides = array<i32>} : memref<32x256xf32, #tpu.memory_space<vmem>>, vector<16xf32>,
        %mul3A_374 = arith.constant 16 : i32
        %mul3A_375 = arith.muli %scan3A_156, %mul3A_374 : i32
        %swap3A_376 = arith.constant 14 : i32
        %swap3A_377 = arith.index_cast %swap3A_376 : i32 to index
        %swap3A_378 = arith.index_cast %mul3A_375 : i32 to index
        %swap3A_379 = tpu.vector_load %arg9[%swap3A_377, %swap3A_378] {strides = array<i32>} : memref<32x256xf32, #tpu.memory_space<vmem>>, vector<16xf32>,
        tpu.vector_store %arg9[%swap3A_377, %swap3A_378], %gather3A_222 {strides = array<i32>} : memref<32x256xf32, #tpu.memory_space<vmem>>, vector<16xf32>,
        %mul3A_380 = arith.constant 16 : i32
        %mul3A_381 = arith.muli %scan3A_156, %mul3A_380 : i32
        %swap3A_382 = arith.constant 15 : i32
        %swap3A_383 = arith.index_cast %swap3A_382 : i32 to index
        %swap3A_384 = arith.index_cast %mul3A_381 : i32 to index
        %swap3A_385 = tpu.vector_load %arg9[%swap3A_383, %swap3A_384] {strides = array<i32>} : memref<32x256xf32, #tpu.memory_space<vmem>>, vector<16xf32>,
        tpu.vector_store %arg9[%swap3A_383, %swap3A_384], %gather3A_226 {strides = array<i32>} : memref<32x256xf32, #tpu.memory_space<vmem>>, vector<16xf32>,
        %mul3A_386 = arith.constant 16 : i32
        %mul3A_387 = arith.muli %scan3A_156, %mul3A_386 : i32
        %swap3A_388 = arith.constant 16 : i32
        %swap3A_389 = arith.index_cast %swap3A_388 : i32 to index
        %swap3A_390 = arith.index_cast %mul3A_387 : i32 to index
        %swap3A_391 = tpu.vector_load %arg9[%swap3A_389, %swap3A_390] {strides = array<i32>} : memref<32x256xf32, #tpu.memory_space<vmem>>, vector<16xf32>,
        tpu.vector_store %arg9[%swap3A_389, %swap3A_390], %gather3A_230 {strides = array<i32>} : memref<32x256xf32, #tpu.memory_space<vmem>>, vector<16xf32>,
        %mul3A_392 = arith.constant 16 : i32
        %mul3A_393 = arith.muli %scan3A_156, %mul3A_392 : i32
        %swap3A_394 = arith.constant 17 : i32
        %swap3A_395 = arith.index_cast %swap3A_394 : i32 to index
        %swap3A_396 = arith.index_cast %mul3A_393 : i32 to index
        %swap3A_397 = tpu.vector_load %arg9[%swap3A_395, %swap3A_396] {strides = array<i32>} : memref<32x256xf32, #tpu.memory_space<vmem>>, vector<16xf32>,
        tpu.vector_store %arg9[%swap3A_395, %swap3A_396], %gather3A_234 {strides = array<i32>} : memref<32x256xf32, #tpu.memory_space<vmem>>, vector<16xf32>,
        %mul3A_398 = arith.constant 16 : i32
        %mul3A_399 = arith.muli %scan3A_156, %mul3A_398 : i32
        %swap3A_400 = arith.constant 18 : i32
        %swap3A_401 = arith.index_cast %swap3A_400 : i32 to index
        %swap3A_402 = arith.index_cast %mul3A_399 : i32 to index
        %swap3A_403 = tpu.vector_load %arg9[%swap3A_401, %swap3A_402] {strides = array<i32>} : memref<32x256xf32, #tpu.memory_space<vmem>>, vector<16xf32>,
        tpu.vector_store %arg9[%swap3A_401, %swap3A_402], %gather3A_238 {strides = array<i32>} : memref<32x256xf32, #tpu.memory_space<vmem>>, vector<16xf32>,
        %mul3A_404 = arith.constant 16 : i32
        %mul3A_405 = arith.muli %scan3A_156, %mul3A_404 : i32
        %swap3A_406 = arith.constant 19 : i32
        %swap3A_407 = arith.index_cast %swap3A_406 : i32 to index
        %swap3A_408 = arith.index_cast %mul3A_405 : i32 to index
        %swap3A_409 = tpu.vector_load %arg9[%swap3A_407, %swap3A_408] {strides = array<i32>} : memref<32x256xf32, #tpu.memory_space<vmem>>, vector<16xf32>,
        tpu.vector_store %arg9[%swap3A_407, %swap3A_408], %gather3A_242 {strides = array<i32>} : memref<32x256xf32, #tpu.memory_space<vmem>>, vector<16xf32>,
        %mul3A_410 = arith.constant 16 : i32
        %mul3A_411 = arith.muli %scan3A_156, %mul3A_410 : i32
        %swap3A_412 = arith.constant 20 : i32
        %swap3A_413 = arith.index_cast %swap3A_412 : i32 to index
        %swap3A_414 = arith.index_cast %mul3A_411 : i32 to index
        %swap3A_415 = tpu.vector_load %arg9[%swap3A_413, %swap3A_414] {strides = array<i32>} : memref<32x256xf32, #tpu.memory_space<vmem>>, vector<16xf32>,
        tpu.vector_store %arg9[%swap3A_413, %swap3A_414], %gather3A_246 {strides = array<i32>} : memref<32x256xf32, #tpu.memory_space<vmem>>, vector<16xf32>,
        %mul3A_416 = arith.constant 16 : i32
        %mul3A_417 = arith.muli %scan3A_156, %mul3A_416 : i32
        %swap3A_418 = arith.constant 21 : i32
        %swap3A_419 = arith.index_cast %swap3A_418 : i32 to index
        %swap3A_420 = arith.index_cast %mul3A_417 : i32 to index
        %swap3A_421 = tpu.vector_load %arg9[%swap3A_419, %swap3A_420] {strides = array<i32>} : memref<32x256xf32, #tpu.memory_space<vmem>>, vector<16xf32>,
        tpu.vector_store %arg9[%swap3A_419, %swap3A_420], %gather3A_250 {strides = array<i32>} : memref<32x256xf32, #tpu.memory_space<vmem>>, vector<16xf32>,
        %mul3A_422 = arith.constant 16 : i32
        %mul3A_423 = arith.muli %scan3A_156, %mul3A_422 : i32
        %swap3A_424 = arith.constant 22 : i32
        %swap3A_425 = arith.index_cast %swap3A_424 : i32 to index
        %swap3A_426 = arith.index_cast %mul3A_423 : i32 to index
        %swap3A_427 = tpu.vector_load %arg9[%swap3A_425, %swap3A_426] {strides = array<i32>} : memref<32x256xf32, #tpu.memory_space<vmem>>, vector<16xf32>,
        tpu.vector_store %arg9[%swap3A_425, %swap3A_426], %gather3A_254 {strides = array<i32>} : memref<32x256xf32, #tpu.memory_space<vmem>>, vector<16xf32>,
        %mul3A_428 = arith.constant 16 : i32
        %mul3A_429 = arith.muli %scan3A_156, %mul3A_428 : i32
        %swap3A_430 = arith.constant 23 : i32
        %swap3A_431 = arith.index_cast %swap3A_430 : i32 to index
        %swap3A_432 = arith.index_cast %mul3A_429 : i32 to index
        %swap3A_433 = tpu.vector_load %arg9[%swap3A_431, %swap3A_432] {strides = array<i32>} : memref<32x256xf32, #tpu.memory_space<vmem>>, vector<16xf32>,
        tpu.vector_store %arg9[%swap3A_431, %swap3A_432], %gather3A_258 {strides = array<i32>} : memref<32x256xf32, #tpu.memory_space<vmem>>, vector<16xf32>,
        %mul3A_434 = arith.constant 16 : i32
        %mul3A_435 = arith.muli %scan3A_156, %mul3A_434 : i32
        %swap3A_436 = arith.constant 24 : i32
        %swap3A_437 = arith.index_cast %swap3A_436 : i32 to index
        %swap3A_438 = arith.index_cast %mul3A_435 : i32 to index
        %swap3A_439 = tpu.vector_load %arg9[%swap3A_437, %swap3A_438] {strides = array<i32>} : memref<32x256xf32, #tpu.memory_space<vmem>>, vector<16xf32>,
        tpu.vector_store %arg9[%swap3A_437, %swap3A_438], %gather3A_262 {strides = array<i32>} : memref<32x256xf32, #tpu.memory_space<vmem>>, vector<16xf32>,
        %mul3A_440 = arith.constant 16 : i32
        %mul3A_441 = arith.muli %scan3A_156, %mul3A_440 : i32
        %swap3A_442 = arith.constant 25 : i32
        %swap3A_443 = arith.index_cast %swap3A_442 : i32 to index
        %swap3A_444 = arith.index_cast %mul3A_441 : i32 to index
        %swap3A_445 = tpu.vector_load %arg9[%swap3A_443, %swap3A_444] {strides = array<i32>} : memref<32x256xf32, #tpu.memory_space<vmem>>, vector<16xf32>,
        tpu.vector_store %arg9[%swap3A_443, %swap3A_444], %gather3A_266 {strides = array<i32>} : memref<32x256xf32, #tpu.memory_space<vmem>>, vector<16xf32>,
        %mul3A_446 = arith.constant 16 : i32
        %mul3A_447 = arith.muli %scan3A_156, %mul3A_446 : i32
        %swap3A_448 = arith.constant 26 : i32
        %swap3A_449 = arith.index_cast %swap3A_448 : i32 to index
        %swap3A_450 = arith.index_cast %mul3A_447 : i32 to index
        %swap3A_451 = tpu.vector_load %arg9[%swap3A_449, %swap3A_450] {strides = array<i32>} : memref<32x256xf32, #tpu.memory_space<vmem>>, vector<16xf32>,
        tpu.vector_store %arg9[%swap3A_449, %swap3A_450], %gather3A_270 {strides = array<i32>} : memref<32x256xf32, #tpu.memory_space<vmem>>, vector<16xf32>,
        %mul3A_452 = arith.constant 16 : i32
        %mul3A_453 = arith.muli %scan3A_156, %mul3A_452 : i32
        %swap3A_454 = arith.constant 27 : i32
        %swap3A_455 = arith.index_cast %swap3A_454 : i32 to index
        %swap3A_456 = arith.index_cast %mul3A_453 : i32 to index
        %swap3A_457 = tpu.vector_load %arg9[%swap3A_455, %swap3A_456] {strides = array<i32>} : memref<32x256xf32, #tpu.memory_space<vmem>>, vector<16xf32>,
        tpu.vector_store %arg9[%swap3A_455, %swap3A_456], %gather3A_274 {strides = array<i32>} : memref<32x256xf32, #tpu.memory_space<vmem>>, vector<16xf32>,
        %mul3A_458 = arith.constant 16 : i32
        %mul3A_459 = arith.muli %scan3A_156, %mul3A_458 : i32
        %swap3A_460 = arith.constant 28 : i32
        %swap3A_461 = arith.index_cast %swap3A_460 : i32 to index
        %swap3A_462 = arith.index_cast %mul3A_459 : i32 to index
        %swap3A_463 = tpu.vector_load %arg9[%swap3A_461, %swap3A_462] {strides = array<i32>} : memref<32x256xf32, #tpu.memory_space<vmem>>, vector<16xf32>,
        tpu.vector_store %arg9[%swap3A_461, %swap3A_462], %gather3A_278 {strides = array<i32>} : memref<32x256xf32, #tpu.memory_space<vmem>>, vector<16xf32>,
        %mul3A_464 = arith.constant 16 : i32
        %mul3A_465 = arith.muli %scan3A_156, %mul3A_464 : i32
        %swap3A_466 = arith.constant 29 : i32
        %swap3A_467 = arith.index_cast %swap3A_466 : i32 to index
        %swap3A_468 = arith.index_cast %mul3A_465 : i32 to index
        %swap3A_469 = tpu.vector_load %arg9[%swap3A_467, %swap3A_468] {strides = array<i32>} : memref<32x256xf32, #tpu.memory_space<vmem>>, vector<16xf32>,
        tpu.vector_store %arg9[%swap3A_467, %swap3A_468], %gather3A_282 {strides = array<i32>} : memref<32x256xf32, #tpu.memory_space<vmem>>, vector<16xf32>,
        %mul3A_470 = arith.constant 16 : i32
        %mul3A_471 = arith.muli %scan3A_156, %mul3A_470 : i32
        %swap3A_472 = arith.constant 30 : i32
        %swap3A_473 = arith.index_cast %swap3A_472 : i32 to index
        %swap3A_474 = arith.index_cast %mul3A_471 : i32 to index
        %swap3A_475 = tpu.vector_load %arg9[%swap3A_473, %swap3A_474] {strides = array<i32>} : memref<32x256xf32, #tpu.memory_space<vmem>>, vector<16xf32>,
        tpu.vector_store %arg9[%swap3A_473, %swap3A_474], %gather3A_286 {strides = array<i32>} : memref<32x256xf32, #tpu.memory_space<vmem>>, vector<16xf32>,
        %mul3A_476 = arith.constant 16 : i32
        %mul3A_477 = arith.muli %scan3A_156, %mul3A_476 : i32
        %swap3A_478 = arith.constant 31 : i32
        %swap3A_479 = arith.index_cast %swap3A_478 : i32 to index
        %swap3A_480 = arith.index_cast %mul3A_477 : i32 to index
        %swap3A_481 = tpu.vector_load %arg9[%swap3A_479, %swap3A_480] {strides = array<i32>} : memref<32x256xf32, #tpu.memory_space<vmem>>, vector<16xf32>,
        tpu.vector_store %arg9[%swap3A_479, %swap3A_480], %gather3A_290 {strides = array<i32>} : memref<32x256xf32, #tpu.memory_space<vmem>>, vector<16xf32>,
        %scan3A_482 = arith.constant 0 : i32
        scf.yield %scan3A_482 : i32
      }
      %scan3A_146 = arith.constant 16 : i32
      %add3A_147 = arith.constant 256 : i32
      %add3A_148 = arith.addi %mul3A_2, %add3A_147 : i32
      %dma_start3A_149 = arith.constant 0 : i32
      %dma_start3A_150 = tpu.memref_slice %arg4[%add3A_106, %dma_start3A_149, %add3A_148] : memref<200x32x16384xf32, #tpu.memory_space<hbm>> -> memref<1x32x256xf32, #tpu.memory_space<hbm>>
      %dma_start3A_151 = tpu.memref_squeeze %dma_start3A_150 : memref<1x32x256xf32, #tpu.memory_space<hbm>> -> memref<32x256xf32, #tpu.memory_space<hbm>>
      %dma_start3A_152 = arith.constant 0 : i32
      %dma_start3A_153 = tpu.memref_slice %arg4[%add3A_106, %dma_start3A_152, %add3A_148] : memref<200x32x16384xf32, #tpu.memory_space<hbm>> -> memref<1x32x256xf32, #tpu.memory_space<hbm>>
      %dma_start3A_154 = tpu.memref_squeeze %dma_start3A_153 : memref<1x32x256xf32, #tpu.memory_space<hbm>> -> memref<32x256xf32, #tpu.memory_space<hbm>>
      tpu.enqueue_dma source(%arg9 : memref<32x256xf32, #tpu.memory_space<vmem>>) target(%dma_start3A_154 : memref<32x256xf32, #tpu.memory_space<hbm>>) target_semaphore(%arg13 : memref<!tpu.dma_semaphore, #tpu.memory_space<semaphore_mem>>)
      %scan3A_155 = arith.constant 0 : i32
      scf.yield %scan3A_155 : i32
    }
    %scan3A_71 = arith.constant 40 : i32
    %dma_wait3A_72 = arith.constant 0 : i32
    %dma_wait3A_73 = arith.constant 0 : i32
    %dma_wait3A_74 = tpu.memref_slice %arg3[%dma_wait3A_72, %dma_wait3A_73] : memref<200x16384xi32, #tpu.memory_space<hbm>> -> memref<40x512xi32, #tpu.memory_space<hbm>>
    %dma_wait3A_75 = arith.constant 0 : i32
    %dma_wait3A_76 = arith.constant 0 : i32
    %dma_wait3A_77 = tpu.memref_slice %arg3[%dma_wait3A_75, %dma_wait3A_76] : memref<200x16384xi32, #tpu.memory_space<hbm>> -> memref<40x512xi32, #tpu.memory_space<hbm>>
    tpu.wait_dma2 semaphore(%arg10 : memref<!tpu.dma_semaphore, #tpu.memory_space<semaphore_mem>>) src(%dma_wait3A_77 : memref<40x512xi32, #tpu.memory_space<hbm>>) dst(%arg6 : memref<40x512xi32, #tpu.memory_space<vmem>>)
    %scan3A_78 = arith.constant 0 : i32
    %scan3A_79 = arith.constant 0 : i32
    %scan3A_80 = arith.constant 40 : i32
    %scan3A_81 = arith.addi %scan3A_79, %scan3A_80 : i32
    %scan3A_82 = arith.constant 1 : i32
    %scan3A_83 = scf.for %scan3A_103 = %scan3A_79 to %scan3A_81 step %scan3A_82 iter_args(%scan3A_104 = %scan3A_78) -> (i32)  : i32 {
      %add3A_105 = arith.constant 160 : i32
      %add3A_106 = arith.addi %add3A_105, %scan3A_103 : i32
      %dma_wait3A_107 = arith.constant 0 : i32
      %dma_wait3A_108 = arith.constant 0 : i32
      %dma_wait3A_109 = arith.constant 0 : i32
      %dma_wait3A_110 = tpu.memref_slice %arg4[%dma_wait3A_107, %dma_wait3A_108, %dma_wait3A_109] : memref<200x32x16384xf32, #tpu.memory_space<hbm>> -> memref<1x32x256xf32, #tpu.memory_space<hbm>>
      %dma_wait3A_111 = tpu.memref_squeeze %dma_wait3A_110 : memref<1x32x256xf32, #tpu.memory_space<hbm>> -> memref<32x256xf32, #tpu.memory_space<hbm>>
      %dma_wait3A_112 = arith.constant 0 : i32
      %dma_wait3A_113 = arith.constant 0 : i32
      %dma_wait3A_114 = tpu.memref_slice %arg4[%dma_wait3A_107, %dma_wait3A_112, %dma_wait3A_113] : memref<200x32x16384xf32, #tpu.memory_space<hbm>> -> memref<1x32x256xf32, #tpu.memory_space<hbm>>
      %dma_wait3A_115 = tpu.memref_squeeze %dma_wait3A_114 : memref<1x32x256xf32, #tpu.memory_space<hbm>> -> memref<32x256xf32, #tpu.memory_space<hbm>>
      tpu.wait_dma2 semaphore(%arg12 : memref<!tpu.dma_semaphore, #tpu.memory_space<semaphore_mem>>) src(%arg8 : memref<32x256xf32, #tpu.memory_space<vmem>>) dst(%dma_wait3A_115 : memref<32x256xf32, #tpu.memory_space<hbm>>)
      %scan3A_116 = arith.constant 0 : i32
      %scan3A_117 = arith.constant 0 : i32
      %scan3A_118 = arith.constant 16 : i32
      %scan3A_119 = arith.addi %scan3A_117, %scan3A_118 : i32
      %scan3A_120 = arith.constant 1 : i32
      %scan3A_121 = scf.for %scan3A_156 = %scan3A_117 to %scan3A_119 step %scan3A_120 iter_args(%scan3A_157 = %scan3A_116) -> (i32)  : i32 {
        %mul3A_158 = arith.constant 16 : i32
        %mul3A_159 = arith.muli %scan3A_156, %mul3A_158 : i32
        %add3A_160 = arith.constant 0 : i32
        %add3A_161 = arith.addi %add3A_160, %mul3A_159 : i32
        %multiple_of3A = tpu.assume_multiple %add3A_161, 16 : i32
        %get3A = arith.index_cast %scan3A_103 : i32 to index
        %get3A_162 = arith.index_cast %multiple_of3A : i32 to index
        %get3A_163 = tpu.vector_load %arg6[%get3A, %get3A_162] {strides = array<i32>} : memref<40x512xi32, #tpu.memory_space<vmem>>, vector<16xi32>,
        %add3A_164 = arith.constant 0 : i32
        %add3A_165 = vector.broadcast %add3A_164 : i32 to vector<16xi32>
        %add3A_166 = arith.addi %get3A_163, %add3A_165 : vector<16xi32>
        %gather3A = tpu.vector_load_idx %arg5[%add3A_166] : memref<32000xf32, #tpu.memory_space<vmem>>[vector<16xi32>], vector<16xf32>,
        %add3A_167 = arith.constant 1000 : i32
        %add3A_168 = vector.broadcast %add3A_167 : i32 to vector<16xi32>
        %add3A_169 = arith.addi %get3A_163, %add3A_168 : vector<16xi32>
        %gather3A_170 = tpu.vector_load_idx %arg5[%add3A_169] : memref<32000xf32, #tpu.memory_space<vmem>>[vector<16xi32>], vector<16xf32>,
        %add3A_171 = arith.constant 2000 : i32
        %add3A_172 = vector.broadcast %add3A_171 : i32 to vector<16xi32>
        %add3A_173 = arith.addi %get3A_163, %add3A_172 : vector<16xi32>
        %gather3A_174 = tpu.vector_load_idx %arg5[%add3A_173] : memref<32000xf32, #tpu.memory_space<vmem>>[vector<16xi32>], vector<16xf32>,
        %add3A_175 = arith.constant 3000 : i32
        %add3A_176 = vector.broadcast %add3A_175 : i32 to vector<16xi32>
        %add3A_177 = arith.addi %get3A_163, %add3A_176 : vector<16xi32>
        %gather3A_178 = tpu.vector_load_idx %arg5[%add3A_177] : memref<32000xf32, #tpu.memory_space<vmem>>[vector<16xi32>], vector<16xf32>,
        %add3A_179 = arith.constant 4000 : i32
        %add3A_180 = vector.broadcast %add3A_179 : i32 to vector<16xi32>
        %add3A_181 = arith.addi %get3A_163, %add3A_180 : vector<16xi32>
        %gather3A_182 = tpu.vector_load_idx %arg5[%add3A_181] : memref<32000xf32, #tpu.memory_space<vmem>>[vector<16xi32>], vector<16xf32>,
        %add3A_183 = arith.constant 5000 : i32
        %add3A_184 = vector.broadcast %add3A_183 : i32 to vector<16xi32>
        %add3A_185 = arith.addi %get3A_163, %add3A_184 : vector<16xi32>
        %gather3A_186 = tpu.vector_load_idx %arg5[%add3A_185] : memref<32000xf32, #tpu.memory_space<vmem>>[vector<16xi32>], vector<16xf32>,
        %add3A_187 = arith.constant 6000 : i32
        %add3A_188 = vector.broadcast %add3A_187 : i32 to vector<16xi32>
        %add3A_189 = arith.addi %get3A_163, %add3A_188 : vector<16xi32>
        %gather3A_190 = tpu.vector_load_idx %arg5[%add3A_189] : memref<32000xf32, #tpu.memory_space<vmem>>[vector<16xi32>], vector<16xf32>,
        %add3A_191 = arith.constant 7000 : i32
        %add3A_192 = vector.broadcast %add3A_191 : i32 to vector<16xi32>
        %add3A_193 = arith.addi %get3A_163, %add3A_192 : vector<16xi32>
        %gather3A_194 = tpu.vector_load_idx %arg5[%add3A_193] : memref<32000xf32, #tpu.memory_space<vmem>>[vector<16xi32>], vector<16xf32>,
        %add3A_195 = arith.constant 8000 : i32
        %add3A_196 = vector.broadcast %add3A_195 : i32 to vector<16xi32>
        %add3A_197 = arith.addi %get3A_163, %add3A_196 : vector<16xi32>
        %gather3A_198 = tpu.vector_load_idx %arg5[%add3A_197] : memref<32000xf32, #tpu.memory_space<vmem>>[vector<16xi32>], vector<16xf32>,
        %add3A_199 = arith.constant 9000 : i32
        %add3A_200 = vector.broadcast %add3A_199 : i32 to vector<16xi32>
        %add3A_201 = arith.addi %get3A_163, %add3A_200 : vector<16xi32>
        %gather3A_202 = tpu.vector_load_idx %arg5[%add3A_201] : memref<32000xf32, #tpu.memory_space<vmem>>[vector<16xi32>], vector<16xf32>,
        %add3A_203 = arith.constant 10000 : i32
        %add3A_204 = vector.broadcast %add3A_203 : i32 to vector<16xi32>
        %add3A_205 = arith.addi %get3A_163, %add3A_204 : vector<16xi32>
        %gather3A_206 = tpu.vector_load_idx %arg5[%add3A_205] : memref<32000xf32, #tpu.memory_space<vmem>>[vector<16xi32>], vector<16xf32>,
        %add3A_207 = arith.constant 11000 : i32
        %add3A_208 = vector.broadcast %add3A_207 : i32 to vector<16xi32>
        %add3A_209 = arith.addi %get3A_163, %add3A_208 : vector<16xi32>
        %gather3A_210 = tpu.vector_load_idx %arg5[%add3A_209] : memref<32000xf32, #tpu.memory_space<vmem>>[vector<16xi32>], vector<16xf32>,
        %add3A_211 = arith.constant 12000 : i32
        %add3A_212 = vector.broadcast %add3A_211 : i32 to vector<16xi32>
        %add3A_213 = arith.addi %get3A_163, %add3A_212 : vector<16xi32>
        %gather3A_214 = tpu.vector_load_idx %arg5[%add3A_213] : memref<32000xf32, #tpu.memory_space<vmem>>[vector<16xi32>], vector<16xf32>,
        %add3A_215 = arith.constant 13000 : i32
        %add3A_216 = vector.broadcast %add3A_215 : i32 to vector<16xi32>
        %add3A_217 = arith.addi %get3A_163, %add3A_216 : vector<16xi32>
        %gather3A_218 = tpu.vector_load_idx %arg5[%add3A_217] : memref<32000xf32, #tpu.memory_space<vmem>>[vector<16xi32>], vector<16xf32>,
        %add3A_219 = arith.constant 14000 : i32
        %add3A_220 = vector.broadcast %add3A_219 : i32 to vector<16xi32>
        %add3A_221 = arith.addi %get3A_163, %add3A_220 : vector<16xi32>
        %gather3A_222 = tpu.vector_load_idx %arg5[%add3A_221] : memref<32000xf32, #tpu.memory_space<vmem>>[vector<16xi32>], vector<16xf32>,
        %add3A_223 = arith.constant 15000 : i32
        %add3A_224 = vector.broadcast %add3A_223 : i32 to vector<16xi32>
        %add3A_225 = arith.addi %get3A_163, %add3A_224 : vector<16xi32>
        %gather3A_226 = tpu.vector_load_idx %arg5[%add3A_225] : memref<32000xf32, #tpu.memory_space<vmem>>[vector<16xi32>], vector<16xf32>,
        %add3A_227 = arith.constant 16000 : i32
        %add3A_228 = vector.broadcast %add3A_227 : i32 to vector<16xi32>
        %add3A_229 = arith.addi %get3A_163, %add3A_228 : vector<16xi32>
        %gather3A_230 = tpu.vector_load_idx %arg5[%add3A_229] : memref<32000xf32, #tpu.memory_space<vmem>>[vector<16xi32>], vector<16xf32>,
        %add3A_231 = arith.constant 17000 : i32
        %add3A_232 = vector.broadcast %add3A_231 : i32 to vector<16xi32>
        %add3A_233 = arith.addi %get3A_163, %add3A_232 : vector<16xi32>
        %gather3A_234 = tpu.vector_load_idx %arg5[%add3A_233] : memref<32000xf32, #tpu.memory_space<vmem>>[vector<16xi32>], vector<16xf32>,
        %add3A_235 = arith.constant 18000 : i32
        %add3A_236 = vector.broadcast %add3A_235 : i32 to vector<16xi32>
        %add3A_237 = arith.addi %get3A_163, %add3A_236 : vector<16xi32>
        %gather3A_238 = tpu.vector_load_idx %arg5[%add3A_237] : memref<32000xf32, #tpu.memory_space<vmem>>[vector<16xi32>], vector<16xf32>,
        %add3A_239 = arith.constant 19000 : i32
        %add3A_240 = vector.broadcast %add3A_239 : i32 to vector<16xi32>
        %add3A_241 = arith.addi %get3A_163, %add3A_240 : vector<16xi32>
        %gather3A_242 = tpu.vector_load_idx %arg5[%add3A_241] : memref<32000xf32, #tpu.memory_space<vmem>>[vector<16xi32>], vector<16xf32>,
        %add3A_243 = arith.constant 20000 : i32
        %add3A_244 = vector.broadcast %add3A_243 : i32 to vector<16xi32>
        %add3A_245 = arith.addi %get3A_163, %add3A_244 : vector<16xi32>
        %gather3A_246 = tpu.vector_load_idx %arg5[%add3A_245] : memref<32000xf32, #tpu.memory_space<vmem>>[vector<16xi32>], vector<16xf32>,
        %add3A_247 = arith.constant 21000 : i32
        %add3A_248 = vector.broadcast %add3A_247 : i32 to vector<16xi32>
        %add3A_249 = arith.addi %get3A_163, %add3A_248 : vector<16xi32>
        %gather3A_250 = tpu.vector_load_idx %arg5[%add3A_249] : memref<32000xf32, #tpu.memory_space<vmem>>[vector<16xi32>], vector<16xf32>,
        %add3A_251 = arith.constant 22000 : i32
        %add3A_252 = vector.broadcast %add3A_251 : i32 to vector<16xi32>
        %add3A_253 = arith.addi %get3A_163, %add3A_252 : vector<16xi32>
        %gather3A_254 = tpu.vector_load_idx %arg5[%add3A_253] : memref<32000xf32, #tpu.memory_space<vmem>>[vector<16xi32>], vector<16xf32>,
        %add3A_255 = arith.constant 23000 : i32
        %add3A_256 = vector.broadcast %add3A_255 : i32 to vector<16xi32>
        %add3A_257 = arith.addi %get3A_163, %add3A_256 : vector<16xi32>
        %gather3A_258 = tpu.vector_load_idx %arg5[%add3A_257] : memref<32000xf32, #tpu.memory_space<vmem>>[vector<16xi32>], vector<16xf32>,
        %add3A_259 = arith.constant 24000 : i32
        %add3A_260 = vector.broadcast %add3A_259 : i32 to vector<16xi32>
        %add3A_261 = arith.addi %get3A_163, %add3A_260 : vector<16xi32>
        %gather3A_262 = tpu.vector_load_idx %arg5[%add3A_261] : memref<32000xf32, #tpu.memory_space<vmem>>[vector<16xi32>], vector<16xf32>,
        %add3A_263 = arith.constant 25000 : i32
        %add3A_264 = vector.broadcast %add3A_263 : i32 to vector<16xi32>
        %add3A_265 = arith.addi %get3A_163, %add3A_264 : vector<16xi32>
        %gather3A_266 = tpu.vector_load_idx %arg5[%add3A_265] : memref<32000xf32, #tpu.memory_space<vmem>>[vector<16xi32>], vector<16xf32>,
        %add3A_267 = arith.constant 26000 : i32
        %add3A_268 = vector.broadcast %add3A_267 : i32 to vector<16xi32>
        %add3A_269 = arith.addi %get3A_163, %add3A_268 : vector<16xi32>
        %gather3A_270 = tpu.vector_load_idx %arg5[%add3A_269] : memref<32000xf32, #tpu.memory_space<vmem>>[vector<16xi32>], vector<16xf32>,
        %add3A_271 = arith.constant 27000 : i32
        %add3A_272 = vector.broadcast %add3A_271 : i32 to vector<16xi32>
        %add3A_273 = arith.addi %get3A_163, %add3A_272 : vector<16xi32>
        %gather3A_274 = tpu.vector_load_idx %arg5[%add3A_273] : memref<32000xf32, #tpu.memory_space<vmem>>[vector<16xi32>], vector<16xf32>,
        %add3A_275 = arith.constant 28000 : i32
        %add3A_276 = vector.broadcast %add3A_275 : i32 to vector<16xi32>
        %add3A_277 = arith.addi %get3A_163, %add3A_276 : vector<16xi32>
        %gather3A_278 = tpu.vector_load_idx %arg5[%add3A_277] : memref<32000xf32, #tpu.memory_space<vmem>>[vector<16xi32>], vector<16xf32>,
        %add3A_279 = arith.constant 29000 : i32
        %add3A_280 = vector.broadcast %add3A_279 : i32 to vector<16xi32>
        %add3A_281 = arith.addi %get3A_163, %add3A_280 : vector<16xi32>
        %gather3A_282 = tpu.vector_load_idx %arg5[%add3A_281] : memref<32000xf32, #tpu.memory_space<vmem>>[vector<16xi32>], vector<16xf32>,
        %add3A_283 = arith.constant 30000 : i32
        %add3A_284 = vector.broadcast %add3A_283 : i32 to vector<16xi32>
        %add3A_285 = arith.addi %get3A_163, %add3A_284 : vector<16xi32>
        %gather3A_286 = tpu.vector_load_idx %arg5[%add3A_285] : memref<32000xf32, #tpu.memory_space<vmem>>[vector<16xi32>], vector<16xf32>,
        %add3A_287 = arith.constant 31000 : i32
        %add3A_288 = vector.broadcast %add3A_287 : i32 to vector<16xi32>
        %add3A_289 = arith.addi %get3A_163, %add3A_288 : vector<16xi32>
        %gather3A_290 = tpu.vector_load_idx %arg5[%add3A_289] : memref<32000xf32, #tpu.memory_space<vmem>>[vector<16xi32>], vector<16xf32>,
        %mul3A_291 = arith.constant 16 : i32
        %mul3A_292 = arith.muli %scan3A_156, %mul3A_291 : i32
        %swap3A = arith.constant 0 : i32
        %swap3A_293 = arith.index_cast %swap3A : i32 to index
        %swap3A_294 = arith.index_cast %mul3A_292 : i32 to index
        %swap3A_295 = tpu.vector_load %arg8[%swap3A_293, %swap3A_294] {strides = array<i32>} : memref<32x256xf32, #tpu.memory_space<vmem>>, vector<16xf32>,
        tpu.vector_store %arg8[%swap3A_293, %swap3A_294], %gather3A {strides = array<i32>} : memref<32x256xf32, #tpu.memory_space<vmem>>, vector<16xf32>,
        %mul3A_296 = arith.constant 16 : i32
        %mul3A_297 = arith.muli %scan3A_156, %mul3A_296 : i32
        %swap3A_298 = arith.constant 1 : i32
        %swap3A_299 = arith.index_cast %swap3A_298 : i32 to index
        %swap3A_300 = arith.index_cast %mul3A_297 : i32 to index
        %swap3A_301 = tpu.vector_load %arg8[%swap3A_299, %swap3A_300] {strides = array<i32>} : memref<32x256xf32, #tpu.memory_space<vmem>>, vector<16xf32>,
        tpu.vector_store %arg8[%swap3A_299, %swap3A_300], %gather3A_170 {strides = array<i32>} : memref<32x256xf32, #tpu.memory_space<vmem>>, vector<16xf32>,
        %mul3A_302 = arith.constant 16 : i32
        %mul3A_303 = arith.muli %scan3A_156, %mul3A_302 : i32
        %swap3A_304 = arith.constant 2 : i32
        %swap3A_305 = arith.index_cast %swap3A_304 : i32 to index
        %swap3A_306 = arith.index_cast %mul3A_303 : i32 to index
        %swap3A_307 = tpu.vector_load %arg8[%swap3A_305, %swap3A_306] {strides = array<i32>} : memref<32x256xf32, #tpu.memory_space<vmem>>, vector<16xf32>,
        tpu.vector_store %arg8[%swap3A_305, %swap3A_306], %gather3A_174 {strides = array<i32>} : memref<32x256xf32, #tpu.memory_space<vmem>>, vector<16xf32>,
        %mul3A_308 = arith.constant 16 : i32
        %mul3A_309 = arith.muli %scan3A_156, %mul3A_308 : i32
        %swap3A_310 = arith.constant 3 : i32
        %swap3A_311 = arith.index_cast %swap3A_310 : i32 to index
        %swap3A_312 = arith.index_cast %mul3A_309 : i32 to index
        %swap3A_313 = tpu.vector_load %arg8[%swap3A_311, %swap3A_312] {strides = array<i32>} : memref<32x256xf32, #tpu.memory_space<vmem>>, vector<16xf32>,
        tpu.vector_store %arg8[%swap3A_311, %swap3A_312], %gather3A_178 {strides = array<i32>} : memref<32x256xf32, #tpu.memory_space<vmem>>, vector<16xf32>,
        %mul3A_314 = arith.constant 16 : i32
        %mul3A_315 = arith.muli %scan3A_156, %mul3A_314 : i32
        %swap3A_316 = arith.constant 4 : i32
        %swap3A_317 = arith.index_cast %swap3A_316 : i32 to index
        %swap3A_318 = arith.index_cast %mul3A_315 : i32 to index
        %swap3A_319 = tpu.vector_load %arg8[%swap3A_317, %swap3A_318] {strides = array<i32>} : memref<32x256xf32, #tpu.memory_space<vmem>>, vector<16xf32>,
        tpu.vector_store %arg8[%swap3A_317, %swap3A_318], %gather3A_182 {strides = array<i32>} : memref<32x256xf32, #tpu.memory_space<vmem>>, vector<16xf32>,
        %mul3A_320 = arith.constant 16 : i32
        %mul3A_321 = arith.muli %scan3A_156, %mul3A_320 : i32
        %swap3A_322 = arith.constant 5 : i32
        %swap3A_323 = arith.index_cast %swap3A_322 : i32 to index
        %swap3A_324 = arith.index_cast %mul3A_321 : i32 to index
        %swap3A_325 = tpu.vector_load %arg8[%swap3A_323, %swap3A_324] {strides = array<i32>} : memref<32x256xf32, #tpu.memory_space<vmem>>, vector<16xf32>,
        tpu.vector_store %arg8[%swap3A_323, %swap3A_324], %gather3A_186 {strides = array<i32>} : memref<32x256xf32, #tpu.memory_space<vmem>>, vector<16xf32>,
        %mul3A_326 = arith.constant 16 : i32
        %mul3A_327 = arith.muli %scan3A_156, %mul3A_326 : i32
        %swap3A_328 = arith.constant 6 : i32
        %swap3A_329 = arith.index_cast %swap3A_328 : i32 to index
        %swap3A_330 = arith.index_cast %mul3A_327 : i32 to index
        %swap3A_331 = tpu.vector_load %arg8[%swap3A_329, %swap3A_330] {strides = array<i32>} : memref<32x256xf32, #tpu.memory_space<vmem>>, vector<16xf32>,
        tpu.vector_store %arg8[%swap3A_329, %swap3A_330], %gather3A_190 {strides = array<i32>} : memref<32x256xf32, #tpu.memory_space<vmem>>, vector<16xf32>,
        %mul3A_332 = arith.constant 16 : i32
        %mul3A_333 = arith.muli %scan3A_156, %mul3A_332 : i32
        %swap3A_334 = arith.constant 7 : i32
        %swap3A_335 = arith.index_cast %swap3A_334 : i32 to index
        %swap3A_336 = arith.index_cast %mul3A_333 : i32 to index
        %swap3A_337 = tpu.vector_load %arg8[%swap3A_335, %swap3A_336] {strides = array<i32>} : memref<32x256xf32, #tpu.memory_space<vmem>>, vector<16xf32>,
        tpu.vector_store %arg8[%swap3A_335, %swap3A_336], %gather3A_194 {strides = array<i32>} : memref<32x256xf32, #tpu.memory_space<vmem>>, vector<16xf32>,
        %mul3A_338 = arith.constant 16 : i32
        %mul3A_339 = arith.muli %scan3A_156, %mul3A_338 : i32
        %swap3A_340 = arith.constant 8 : i32
        %swap3A_341 = arith.index_cast %swap3A_340 : i32 to index
        %swap3A_342 = arith.index_cast %mul3A_339 : i32 to index
        %swap3A_343 = tpu.vector_load %arg8[%swap3A_341, %swap3A_342] {strides = array<i32>} : memref<32x256xf32, #tpu.memory_space<vmem>>, vector<16xf32>,
        tpu.vector_store %arg8[%swap3A_341, %swap3A_342], %gather3A_198 {strides = array<i32>} : memref<32x256xf32, #tpu.memory_space<vmem>>, vector<16xf32>,
        %mul3A_344 = arith.constant 16 : i32
        %mul3A_345 = arith.muli %scan3A_156, %mul3A_344 : i32
        %swap3A_346 = arith.constant 9 : i32
        %swap3A_347 = arith.index_cast %swap3A_346 : i32 to index
        %swap3A_348 = arith.index_cast %mul3A_345 : i32 to index
        %swap3A_349 = tpu.vector_load %arg8[%swap3A_347, %swap3A_348] {strides = array<i32>} : memref<32x256xf32, #tpu.memory_space<vmem>>, vector<16xf32>,
        tpu.vector_store %arg8[%swap3A_347, %swap3A_348], %gather3A_202 {strides = array<i32>} : memref<32x256xf32, #tpu.memory_space<vmem>>, vector<16xf32>,
        %mul3A_350 = arith.constant 16 : i32
        %mul3A_351 = arith.muli %scan3A_156, %mul3A_350 : i32
        %swap3A_352 = arith.constant 10 : i32
        %swap3A_353 = arith.index_cast %swap3A_352 : i32 to index
        %swap3A_354 = arith.index_cast %mul3A_351 : i32 to index
        %swap3A_355 = tpu.vector_load %arg8[%swap3A_353, %swap3A_354] {strides = array<i32>} : memref<32x256xf32, #tpu.memory_space<vmem>>, vector<16xf32>,
        tpu.vector_store %arg8[%swap3A_353, %swap3A_354], %gather3A_206 {strides = array<i32>} : memref<32x256xf32, #tpu.memory_space<vmem>>, vector<16xf32>,
        %mul3A_356 = arith.constant 16 : i32
        %mul3A_357 = arith.muli %scan3A_156, %mul3A_356 : i32
        %swap3A_358 = arith.constant 11 : i32
        %swap3A_359 = arith.index_cast %swap3A_358 : i32 to index
        %swap3A_360 = arith.index_cast %mul3A_357 : i32 to index
        %swap3A_361 = tpu.vector_load %arg8[%swap3A_359, %swap3A_360] {strides = array<i32>} : memref<32x256xf32, #tpu.memory_space<vmem>>, vector<16xf32>,
        tpu.vector_store %arg8[%swap3A_359, %swap3A_360], %gather3A_210 {strides = array<i32>} : memref<32x256xf32, #tpu.memory_space<vmem>>, vector<16xf32>,
        %mul3A_362 = arith.constant 16 : i32
        %mul3A_363 = arith.muli %scan3A_156, %mul3A_362 : i32
        %swap3A_364 = arith.constant 12 : i32
        %swap3A_365 = arith.index_cast %swap3A_364 : i32 to index
        %swap3A_366 = arith.index_cast %mul3A_363 : i32 to index
        %swap3A_367 = tpu.vector_load %arg8[%swap3A_365, %swap3A_366] {strides = array<i32>} : memref<32x256xf32, #tpu.memory_space<vmem>>, vector<16xf32>,
        tpu.vector_store %arg8[%swap3A_365, %swap3A_366], %gather3A_214 {strides = array<i32>} : memref<32x256xf32, #tpu.memory_space<vmem>>, vector<16xf32>,
        %mul3A_368 = arith.constant 16 : i32
        %mul3A_369 = arith.muli %scan3A_156, %mul3A_368 : i32
        %swap3A_370 = arith.constant 13 : i32
        %swap3A_371 = arith.index_cast %swap3A_370 : i32 to index
        %swap3A_372 = arith.index_cast %mul3A_369 : i32 to index
        %swap3A_373 = tpu.vector_load %arg8[%swap3A_371, %swap3A_372] {strides = array<i32>} : memref<32x256xf32, #tpu.memory_space<vmem>>, vector<16xf32>,
        tpu.vector_store %arg8[%swap3A_371, %swap3A_372], %gather3A_218 {strides = array<i32>} : memref<32x256xf32, #tpu.memory_space<vmem>>, vector<16xf32>,
        %mul3A_374 = arith.constant 16 : i32
        %mul3A_375 = arith.muli %scan3A_156, %mul3A_374 : i32
        %swap3A_376 = arith.constant 14 : i32
        %swap3A_377 = arith.index_cast %swap3A_376 : i32 to index
        %swap3A_378 = arith.index_cast %mul3A_375 : i32 to index
        %swap3A_379 = tpu.vector_load %arg8[%swap3A_377, %swap3A_378] {strides = array<i32>} : memref<32x256xf32, #tpu.memory_space<vmem>>, vector<16xf32>,
        tpu.vector_store %arg8[%swap3A_377, %swap3A_378], %gather3A_222 {strides = array<i32>} : memref<32x256xf32, #tpu.memory_space<vmem>>, vector<16xf32>,
        %mul3A_380 = arith.constant 16 : i32
        %mul3A_381 = arith.muli %scan3A_156, %mul3A_380 : i32
        %swap3A_382 = arith.constant 15 : i32
        %swap3A_383 = arith.index_cast %swap3A_382 : i32 to index
        %swap3A_384 = arith.index_cast %mul3A_381 : i32 to index
        %swap3A_385 = tpu.vector_load %arg8[%swap3A_383, %swap3A_384] {strides = array<i32>} : memref<32x256xf32, #tpu.memory_space<vmem>>, vector<16xf32>,
        tpu.vector_store %arg8[%swap3A_383, %swap3A_384], %gather3A_226 {strides = array<i32>} : memref<32x256xf32, #tpu.memory_space<vmem>>, vector<16xf32>,
        %mul3A_386 = arith.constant 16 : i32
        %mul3A_387 = arith.muli %scan3A_156, %mul3A_386 : i32
        %swap3A_388 = arith.constant 16 : i32
        %swap3A_389 = arith.index_cast %swap3A_388 : i32 to index
        %swap3A_390 = arith.index_cast %mul3A_387 : i32 to index
        %swap3A_391 = tpu.vector_load %arg8[%swap3A_389, %swap3A_390] {strides = array<i32>} : memref<32x256xf32, #tpu.memory_space<vmem>>, vector<16xf32>,
        tpu.vector_store %arg8[%swap3A_389, %swap3A_390], %gather3A_230 {strides = array<i32>} : memref<32x256xf32, #tpu.memory_space<vmem>>, vector<16xf32>,
        %mul3A_392 = arith.constant 16 : i32
        %mul3A_393 = arith.muli %scan3A_156, %mul3A_392 : i32
        %swap3A_394 = arith.constant 17 : i32
        %swap3A_395 = arith.index_cast %swap3A_394 : i32 to index
        %swap3A_396 = arith.index_cast %mul3A_393 : i32 to index
        %swap3A_397 = tpu.vector_load %arg8[%swap3A_395, %swap3A_396] {strides = array<i32>} : memref<32x256xf32, #tpu.memory_space<vmem>>, vector<16xf32>,
        tpu.vector_store %arg8[%swap3A_395, %swap3A_396], %gather3A_234 {strides = array<i32>} : memref<32x256xf32, #tpu.memory_space<vmem>>, vector<16xf32>,
        %mul3A_398 = arith.constant 16 : i32
        %mul3A_399 = arith.muli %scan3A_156, %mul3A_398 : i32
        %swap3A_400 = arith.constant 18 : i32
        %swap3A_401 = arith.index_cast %swap3A_400 : i32 to index
        %swap3A_402 = arith.index_cast %mul3A_399 : i32 to index
        %swap3A_403 = tpu.vector_load %arg8[%swap3A_401, %swap3A_402] {strides = array<i32>} : memref<32x256xf32, #tpu.memory_space<vmem>>, vector<16xf32>,
        tpu.vector_store %arg8[%swap3A_401, %swap3A_402], %gather3A_238 {strides = array<i32>} : memref<32x256xf32, #tpu.memory_space<vmem>>, vector<16xf32>,
        %mul3A_404 = arith.constant 16 : i32
        %mul3A_405 = arith.muli %scan3A_156, %mul3A_404 : i32
        %swap3A_406 = arith.constant 19 : i32
        %swap3A_407 = arith.index_cast %swap3A_406 : i32 to index
        %swap3A_408 = arith.index_cast %mul3A_405 : i32 to index
        %swap3A_409 = tpu.vector_load %arg8[%swap3A_407, %swap3A_408] {strides = array<i32>} : memref<32x256xf32, #tpu.memory_space<vmem>>, vector<16xf32>,
        tpu.vector_store %arg8[%swap3A_407, %swap3A_408], %gather3A_242 {strides = array<i32>} : memref<32x256xf32, #tpu.memory_space<vmem>>, vector<16xf32>,
        %mul3A_410 = arith.constant 16 : i32
        %mul3A_411 = arith.muli %scan3A_156, %mul3A_410 : i32
        %swap3A_412 = arith.constant 20 : i32
        %swap3A_413 = arith.index_cast %swap3A_412 : i32 to index
        %swap3A_414 = arith.index_cast %mul3A_411 : i32 to index
        %swap3A_415 = tpu.vector_load %arg8[%swap3A_413, %swap3A_414] {strides = array<i32>} : memref<32x256xf32, #tpu.memory_space<vmem>>, vector<16xf32>,
        tpu.vector_store %arg8[%swap3A_413, %swap3A_414], %gather3A_246 {strides = array<i32>} : memref<32x256xf32, #tpu.memory_space<vmem>>, vector<16xf32>,
        %mul3A_416 = arith.constant 16 : i32
        %mul3A_417 = arith.muli %scan3A_156, %mul3A_416 : i32
        %swap3A_418 = arith.constant 21 : i32
        %swap3A_419 = arith.index_cast %swap3A_418 : i32 to index
        %swap3A_420 = arith.index_cast %mul3A_417 : i32 to index
        %swap3A_421 = tpu.vector_load %arg8[%swap3A_419, %swap3A_420] {strides = array<i32>} : memref<32x256xf32, #tpu.memory_space<vmem>>, vector<16xf32>,
        tpu.vector_store %arg8[%swap3A_419, %swap3A_420], %gather3A_250 {strides = array<i32>} : memref<32x256xf32, #tpu.memory_space<vmem>>, vector<16xf32>,
        %mul3A_422 = arith.constant 16 : i32
        %mul3A_423 = arith.muli %scan3A_156, %mul3A_422 : i32
        %swap3A_424 = arith.constant 22 : i32
        %swap3A_425 = arith.index_cast %swap3A_424 : i32 to index
        %swap3A_426 = arith.index_cast %mul3A_423 : i32 to index
        %swap3A_427 = tpu.vector_load %arg8[%swap3A_425, %swap3A_426] {strides = array<i32>} : memref<32x256xf32, #tpu.memory_space<vmem>>, vector<16xf32>,
        tpu.vector_store %arg8[%swap3A_425, %swap3A_426], %gather3A_254 {strides = array<i32>} : memref<32x256xf32, #tpu.memory_space<vmem>>, vector<16xf32>,
        %mul3A_428 = arith.constant 16 : i32
        %mul3A_429 = arith.muli %scan3A_156, %mul3A_428 : i32
        %swap3A_430 = arith.constant 23 : i32
        %swap3A_431 = arith.index_cast %swap3A_430 : i32 to index
        %swap3A_432 = arith.index_cast %mul3A_429 : i32 to index
        %swap3A_433 = tpu.vector_load %arg8[%swap3A_431, %swap3A_432] {strides = array<i32>} : memref<32x256xf32, #tpu.memory_space<vmem>>, vector<16xf32>,
        tpu.vector_store %arg8[%swap3A_431, %swap3A_432], %gather3A_258 {strides = array<i32>} : memref<32x256xf32, #tpu.memory_space<vmem>>, vector<16xf32>,
        %mul3A_434 = arith.constant 16 : i32
        %mul3A_435 = arith.muli %scan3A_156, %mul3A_434 : i32
        %swap3A_436 = arith.constant 24 : i32
        %swap3A_437 = arith.index_cast %swap3A_436 : i32 to index
        %swap3A_438 = arith.index_cast %mul3A_435 : i32 to index
        %swap3A_439 = tpu.vector_load %arg8[%swap3A_437, %swap3A_438] {strides = array<i32>} : memref<32x256xf32, #tpu.memory_space<vmem>>, vector<16xf32>,
        tpu.vector_store %arg8[%swap3A_437, %swap3A_438], %gather3A_262 {strides = array<i32>} : memref<32x256xf32, #tpu.memory_space<vmem>>, vector<16xf32>,
        %mul3A_440 = arith.constant 16 : i32
        %mul3A_441 = arith.muli %scan3A_156, %mul3A_440 : i32
        %swap3A_442 = arith.constant 25 : i32
        %swap3A_443 = arith.index_cast %swap3A_442 : i32 to index
        %swap3A_444 = arith.index_cast %mul3A_441 : i32 to index
        %swap3A_445 = tpu.vector_load %arg8[%swap3A_443, %swap3A_444] {strides = array<i32>} : memref<32x256xf32, #tpu.memory_space<vmem>>, vector<16xf32>,
        tpu.vector_store %arg8[%swap3A_443, %swap3A_444], %gather3A_266 {strides = array<i32>} : memref<32x256xf32, #tpu.memory_space<vmem>>, vector<16xf32>,
        %mul3A_446 = arith.constant 16 : i32
        %mul3A_447 = arith.muli %scan3A_156, %mul3A_446 : i32
        %swap3A_448 = arith.constant 26 : i32
        %swap3A_449 = arith.index_cast %swap3A_448 : i32 to index
        %swap3A_450 = arith.index_cast %mul3A_447 : i32 to index
        %swap3A_451 = tpu.vector_load %arg8[%swap3A_449, %swap3A_450] {strides = array<i32>} : memref<32x256xf32, #tpu.memory_space<vmem>>, vector<16xf32>,
        tpu.vector_store %arg8[%swap3A_449, %swap3A_450], %gather3A_270 {strides = array<i32>} : memref<32x256xf32, #tpu.memory_space<vmem>>, vector<16xf32>,
        %mul3A_452 = arith.constant 16 : i32
        %mul3A_453 = arith.muli %scan3A_156, %mul3A_452 : i32
        %swap3A_454 = arith.constant 27 : i32
        %swap3A_455 = arith.index_cast %swap3A_454 : i32 to index
        %swap3A_456 = arith.index_cast %mul3A_453 : i32 to index
        %swap3A_457 = tpu.vector_load %arg8[%swap3A_455, %swap3A_456] {strides = array<i32>} : memref<32x256xf32, #tpu.memory_space<vmem>>, vector<16xf32>,
        tpu.vector_store %arg8[%swap3A_455, %swap3A_456], %gather3A_274 {strides = array<i32>} : memref<32x256xf32, #tpu.memory_space<vmem>>, vector<16xf32>,
        %mul3A_458 = arith.constant 16 : i32
        %mul3A_459 = arith.muli %scan3A_156, %mul3A_458 : i32
        %swap3A_460 = arith.constant 28 : i32
        %swap3A_461 = arith.index_cast %swap3A_460 : i32 to index
        %swap3A_462 = arith.index_cast %mul3A_459 : i32 to index
        %swap3A_463 = tpu.vector_load %arg8[%swap3A_461, %swap3A_462] {strides = array<i32>} : memref<32x256xf32, #tpu.memory_space<vmem>>, vector<16xf32>,
        tpu.vector_store %arg8[%swap3A_461, %swap3A_462], %gather3A_278 {strides = array<i32>} : memref<32x256xf32, #tpu.memory_space<vmem>>, vector<16xf32>,
        %mul3A_464 = arith.constant 16 : i32
        %mul3A_465 = arith.muli %scan3A_156, %mul3A_464 : i32
        %swap3A_466 = arith.constant 29 : i32
        %swap3A_467 = arith.index_cast %swap3A_466 : i32 to index
        %swap3A_468 = arith.index_cast %mul3A_465 : i32 to index
        %swap3A_469 = tpu.vector_load %arg8[%swap3A_467, %swap3A_468] {strides = array<i32>} : memref<32x256xf32, #tpu.memory_space<vmem>>, vector<16xf32>,
        tpu.vector_store %arg8[%swap3A_467, %swap3A_468], %gather3A_282 {strides = array<i32>} : memref<32x256xf32, #tpu.memory_space<vmem>>, vector<16xf32>,
        %mul3A_470 = arith.constant 16 : i32
        %mul3A_471 = arith.muli %scan3A_156, %mul3A_470 : i32
        %swap3A_472 = arith.constant 30 : i32
        %swap3A_473 = arith.index_cast %swap3A_472 : i32 to index
        %swap3A_474 = arith.index_cast %mul3A_471 : i32 to index
        %swap3A_475 = tpu.vector_load %arg8[%swap3A_473, %swap3A_474] {strides = array<i32>} : memref<32x256xf32, #tpu.memory_space<vmem>>, vector<16xf32>,
        tpu.vector_store %arg8[%swap3A_473, %swap3A_474], %gather3A_286 {strides = array<i32>} : memref<32x256xf32, #tpu.memory_space<vmem>>, vector<16xf32>,
        %mul3A_476 = arith.constant 16 : i32
        %mul3A_477 = arith.muli %scan3A_156, %mul3A_476 : i32
        %swap3A_478 = arith.constant 31 : i32
        %swap3A_479 = arith.index_cast %swap3A_478 : i32 to index
        %swap3A_480 = arith.index_cast %mul3A_477 : i32 to index
        %swap3A_481 = tpu.vector_load %arg8[%swap3A_479, %swap3A_480] {strides = array<i32>} : memref<32x256xf32, #tpu.memory_space<vmem>>, vector<16xf32>,
        tpu.vector_store %arg8[%swap3A_479, %swap3A_480], %gather3A_290 {strides = array<i32>} : memref<32x256xf32, #tpu.memory_space<vmem>>, vector<16xf32>,
        %scan3A_482 = arith.constant 0 : i32
        scf.yield %scan3A_482 : i32
      }
      %scan3A_122 = arith.constant 16 : i32
      %add3A_123 = arith.constant 0 : i32
      %add3A_124 = arith.addi %mul3A_2, %add3A_123 : i32
      %dma_start3A_125 = arith.constant 0 : i32
      %dma_start3A_126 = tpu.memref_slice %arg4[%add3A_106, %dma_start3A_125, %add3A_124] : memref<200x32x16384xf32, #tpu.memory_space<hbm>> -> memref<1x32x256xf32, #tpu.memory_space<hbm>>
      %dma_start3A_127 = tpu.memref_squeeze %dma_start3A_126 : memref<1x32x256xf32, #tpu.memory_space<hbm>> -> memref<32x256xf32, #tpu.memory_space<hbm>>
      %dma_start3A_128 = arith.constant 0 : i32
      %dma_start3A_129 = tpu.memref_slice %arg4[%add3A_106, %dma_start3A_128, %add3A_124] : memref<200x32x16384xf32, #tpu.memory_space<hbm>> -> memref<1x32x256xf32, #tpu.memory_space<hbm>>
      %dma_start3A_130 = tpu.memref_squeeze %dma_start3A_129 : memref<1x32x256xf32, #tpu.memory_space<hbm>> -> memref<32x256xf32, #tpu.memory_space<hbm>>
      tpu.enqueue_dma source(%arg8 : memref<32x256xf32, #tpu.memory_space<vmem>>) target(%dma_start3A_130 : memref<32x256xf32, #tpu.memory_space<hbm>>) target_semaphore(%arg12 : memref<!tpu.dma_semaphore, #tpu.memory_space<semaphore_mem>>)
      %dma_wait3A_131 = arith.constant 0 : i32
      %dma_wait3A_132 = arith.constant 0 : i32
      %dma_wait3A_133 = arith.constant 0 : i32
      %dma_wait3A_134 = tpu.memref_slice %arg4[%dma_wait3A_131, %dma_wait3A_132, %dma_wait3A_133] : memref<200x32x16384xf32, #tpu.memory_space<hbm>> -> memref<1x32x256xf32, #tpu.memory_space<hbm>>
      %dma_wait3A_135 = tpu.memref_squeeze %dma_wait3A_134 : memref<1x32x256xf32, #tpu.memory_space<hbm>> -> memref<32x256xf32, #tpu.memory_space<hbm>>
      %dma_wait3A_136 = arith.constant 0 : i32
      %dma_wait3A_137 = arith.constant 0 : i32
      %dma_wait3A_138 = tpu.memref_slice %arg4[%dma_wait3A_131, %dma_wait3A_136, %dma_wait3A_137] : memref<200x32x16384xf32, #tpu.memory_space<hbm>> -> memref<1x32x256xf32, #tpu.memory_space<hbm>>
      %dma_wait3A_139 = tpu.memref_squeeze %dma_wait3A_138 : memref<1x32x256xf32, #tpu.memory_space<hbm>> -> memref<32x256xf32, #tpu.memory_space<hbm>>
      tpu.wait_dma2 semaphore(%arg13 : memref<!tpu.dma_semaphore, #tpu.memory_space<semaphore_mem>>) src(%arg9 : memref<32x256xf32, #tpu.memory_space<vmem>>) dst(%dma_wait3A_139 : memref<32x256xf32, #tpu.memory_space<hbm>>)
      %scan3A_140 = arith.constant 0 : i32
      %scan3A_141 = arith.constant 0 : i32
      %scan3A_142 = arith.constant 16 : i32
      %scan3A_143 = arith.addi %scan3A_141, %scan3A_142 : i32
      %scan3A_144 = arith.constant 1 : i32
      %scan3A_145 = scf.for %scan3A_156 = %scan3A_141 to %scan3A_143 step %scan3A_144 iter_args(%scan3A_157 = %scan3A_140) -> (i32)  : i32 {
        %mul3A_158 = arith.constant 16 : i32
        %mul3A_159 = arith.muli %scan3A_156, %mul3A_158 : i32
        %add3A_160 = arith.constant 256 : i32
        %add3A_161 = arith.addi %add3A_160, %mul3A_159 : i32
        %multiple_of3A = tpu.assume_multiple %add3A_161, 16 : i32
        %get3A = arith.index_cast %scan3A_103 : i32 to index
        %get3A_162 = arith.index_cast %multiple_of3A : i32 to index
        %get3A_163 = tpu.vector_load %arg6[%get3A, %get3A_162] {strides = array<i32>} : memref<40x512xi32, #tpu.memory_space<vmem>>, vector<16xi32>,
        %add3A_164 = arith.constant 0 : i32
        %add3A_165 = vector.broadcast %add3A_164 : i32 to vector<16xi32>
        %add3A_166 = arith.addi %get3A_163, %add3A_165 : vector<16xi32>
        %gather3A = tpu.vector_load_idx %arg5[%add3A_166] : memref<32000xf32, #tpu.memory_space<vmem>>[vector<16xi32>], vector<16xf32>,
        %add3A_167 = arith.constant 1000 : i32
        %add3A_168 = vector.broadcast %add3A_167 : i32 to vector<16xi32>
        %add3A_169 = arith.addi %get3A_163, %add3A_168 : vector<16xi32>
        %gather3A_170 = tpu.vector_load_idx %arg5[%add3A_169] : memref<32000xf32, #tpu.memory_space<vmem>>[vector<16xi32>], vector<16xf32>,
        %add3A_171 = arith.constant 2000 : i32
        %add3A_172 = vector.broadcast %add3A_171 : i32 to vector<16xi32>
        %add3A_173 = arith.addi %get3A_163, %add3A_172 : vector<16xi32>
        %gather3A_174 = tpu.vector_load_idx %arg5[%add3A_173] : memref<32000xf32, #tpu.memory_space<vmem>>[vector<16xi32>], vector<16xf32>,
        %add3A_175 = arith.constant 3000 : i32
        %add3A_176 = vector.broadcast %add3A_175 : i32 to vector<16xi32>
        %add3A_177 = arith.addi %get3A_163, %add3A_176 : vector<16xi32>
        %gather3A_178 = tpu.vector_load_idx %arg5[%add3A_177] : memref<32000xf32, #tpu.memory_space<vmem>>[vector<16xi32>], vector<16xf32>,
        %add3A_179 = arith.constant 4000 : i32
        %add3A_180 = vector.broadcast %add3A_179 : i32 to vector<16xi32>
        %add3A_181 = arith.addi %get3A_163, %add3A_180 : vector<16xi32>
        %gather3A_182 = tpu.vector_load_idx %arg5[%add3A_181] : memref<32000xf32, #tpu.memory_space<vmem>>[vector<16xi32>], vector<16xf32>,
        %add3A_183 = arith.constant 5000 : i32
        %add3A_184 = vector.broadcast %add3A_183 : i32 to vector<16xi32>
        %add3A_185 = arith.addi %get3A_163, %add3A_184 : vector<16xi32>
        %gather3A_186 = tpu.vector_load_idx %arg5[%add3A_185] : memref<32000xf32, #tpu.memory_space<vmem>>[vector<16xi32>], vector<16xf32>,
        %add3A_187 = arith.constant 6000 : i32
        %add3A_188 = vector.broadcast %add3A_187 : i32 to vector<16xi32>
        %add3A_189 = arith.addi %get3A_163, %add3A_188 : vector<16xi32>
        %gather3A_190 = tpu.vector_load_idx %arg5[%add3A_189] : memref<32000xf32, #tpu.memory_space<vmem>>[vector<16xi32>], vector<16xf32>,
        %add3A_191 = arith.constant 7000 : i32
        %add3A_192 = vector.broadcast %add3A_191 : i32 to vector<16xi32>
        %add3A_193 = arith.addi %get3A_163, %add3A_192 : vector<16xi32>
        %gather3A_194 = tpu.vector_load_idx %arg5[%add3A_193] : memref<32000xf32, #tpu.memory_space<vmem>>[vector<16xi32>], vector<16xf32>,
        %add3A_195 = arith.constant 8000 : i32
        %add3A_196 = vector.broadcast %add3A_195 : i32 to vector<16xi32>
        %add3A_197 = arith.addi %get3A_163, %add3A_196 : vector<16xi32>
        %gather3A_198 = tpu.vector_load_idx %arg5[%add3A_197] : memref<32000xf32, #tpu.memory_space<vmem>>[vector<16xi32>], vector<16xf32>,
        %add3A_199 = arith.constant 9000 : i32
        %add3A_200 = vector.broadcast %add3A_199 : i32 to vector<16xi32>
        %add3A_201 = arith.addi %get3A_163, %add3A_200 : vector<16xi32>
        %gather3A_202 = tpu.vector_load_idx %arg5[%add3A_201] : memref<32000xf32, #tpu.memory_space<vmem>>[vector<16xi32>], vector<16xf32>,
        %add3A_203 = arith.constant 10000 : i32
        %add3A_204 = vector.broadcast %add3A_203 : i32 to vector<16xi32>
        %add3A_205 = arith.addi %get3A_163, %add3A_204 : vector<16xi32>
        %gather3A_206 = tpu.vector_load_idx %arg5[%add3A_205] : memref<32000xf32, #tpu.memory_space<vmem>>[vector<16xi32>], vector<16xf32>,
        %add3A_207 = arith.constant 11000 : i32
        %add3A_208 = vector.broadcast %add3A_207 : i32 to vector<16xi32>
        %add3A_209 = arith.addi %get3A_163, %add3A_208 : vector<16xi32>
        %gather3A_210 = tpu.vector_load_idx %arg5[%add3A_209] : memref<32000xf32, #tpu.memory_space<vmem>>[vector<16xi32>], vector<16xf32>,
        %add3A_211 = arith.constant 12000 : i32
        %add3A_212 = vector.broadcast %add3A_211 : i32 to vector<16xi32>
        %add3A_213 = arith.addi %get3A_163, %add3A_212 : vector<16xi32>
        %gather3A_214 = tpu.vector_load_idx %arg5[%add3A_213] : memref<32000xf32, #tpu.memory_space<vmem>>[vector<16xi32>], vector<16xf32>,
        %add3A_215 = arith.constant 13000 : i32
        %add3A_216 = vector.broadcast %add3A_215 : i32 to vector<16xi32>
        %add3A_217 = arith.addi %get3A_163, %add3A_216 : vector<16xi32>
        %gather3A_218 = tpu.vector_load_idx %arg5[%add3A_217] : memref<32000xf32, #tpu.memory_space<vmem>>[vector<16xi32>], vector<16xf32>,
        %add3A_219 = arith.constant 14000 : i32
        %add3A_220 = vector.broadcast %add3A_219 : i32 to vector<16xi32>
        %add3A_221 = arith.addi %get3A_163, %add3A_220 : vector<16xi32>
        %gather3A_222 = tpu.vector_load_idx %arg5[%add3A_221] : memref<32000xf32, #tpu.memory_space<vmem>>[vector<16xi32>], vector<16xf32>,
        %add3A_223 = arith.constant 15000 : i32
        %add3A_224 = vector.broadcast %add3A_223 : i32 to vector<16xi32>
        %add3A_225 = arith.addi %get3A_163, %add3A_224 : vector<16xi32>
        %gather3A_226 = tpu.vector_load_idx %arg5[%add3A_225] : memref<32000xf32, #tpu.memory_space<vmem>>[vector<16xi32>], vector<16xf32>,
        %add3A_227 = arith.constant 16000 : i32
        %add3A_228 = vector.broadcast %add3A_227 : i32 to vector<16xi32>
        %add3A_229 = arith.addi %get3A_163, %add3A_228 : vector<16xi32>
        %gather3A_230 = tpu.vector_load_idx %arg5[%add3A_229] : memref<32000xf32, #tpu.memory_space<vmem>>[vector<16xi32>], vector<16xf32>,
        %add3A_231 = arith.constant 17000 : i32
        %add3A_232 = vector.broadcast %add3A_231 : i32 to vector<16xi32>
        %add3A_233 = arith.addi %get3A_163, %add3A_232 : vector<16xi32>
        %gather3A_234 = tpu.vector_load_idx %arg5[%add3A_233] : memref<32000xf32, #tpu.memory_space<vmem>>[vector<16xi32>], vector<16xf32>,
        %add3A_235 = arith.constant 18000 : i32
        %add3A_236 = vector.broadcast %add3A_235 : i32 to vector<16xi32>
        %add3A_237 = arith.addi %get3A_163, %add3A_236 : vector<16xi32>
        %gather3A_238 = tpu.vector_load_idx %arg5[%add3A_237] : memref<32000xf32, #tpu.memory_space<vmem>>[vector<16xi32>], vector<16xf32>,
        %add3A_239 = arith.constant 19000 : i32
        %add3A_240 = vector.broadcast %add3A_239 : i32 to vector<16xi32>
        %add3A_241 = arith.addi %get3A_163, %add3A_240 : vector<16xi32>
        %gather3A_242 = tpu.vector_load_idx %arg5[%add3A_241] : memref<32000xf32, #tpu.memory_space<vmem>>[vector<16xi32>], vector<16xf32>,
        %add3A_243 = arith.constant 20000 : i32
        %add3A_244 = vector.broadcast %add3A_243 : i32 to vector<16xi32>
        %add3A_245 = arith.addi %get3A_163, %add3A_244 : vector<16xi32>
        %gather3A_246 = tpu.vector_load_idx %arg5[%add3A_245] : memref<32000xf32, #tpu.memory_space<vmem>>[vector<16xi32>], vector<16xf32>,
        %add3A_247 = arith.constant 21000 : i32
        %add3A_248 = vector.broadcast %add3A_247 : i32 to vector<16xi32>
        %add3A_249 = arith.addi %get3A_163, %add3A_248 : vector<16xi32>
        %gather3A_250 = tpu.vector_load_idx %arg5[%add3A_249] : memref<32000xf32, #tpu.memory_space<vmem>>[vector<16xi32>], vector<16xf32>,
        %add3A_251 = arith.constant 22000 : i32
        %add3A_252 = vector.broadcast %add3A_251 : i32 to vector<16xi32>
        %add3A_253 = arith.addi %get3A_163, %add3A_252 : vector<16xi32>
        %gather3A_254 = tpu.vector_load_idx %arg5[%add3A_253] : memref<32000xf32, #tpu.memory_space<vmem>>[vector<16xi32>], vector<16xf32>,
        %add3A_255 = arith.constant 23000 : i32
        %add3A_256 = vector.broadcast %add3A_255 : i32 to vector<16xi32>
        %add3A_257 = arith.addi %get3A_163, %add3A_256 : vector<16xi32>
        %gather3A_258 = tpu.vector_load_idx %arg5[%add3A_257] : memref<32000xf32, #tpu.memory_space<vmem>>[vector<16xi32>], vector<16xf32>,
        %add3A_259 = arith.constant 24000 : i32
        %add3A_260 = vector.broadcast %add3A_259 : i32 to vector<16xi32>
        %add3A_261 = arith.addi %get3A_163, %add3A_260 : vector<16xi32>
        %gather3A_262 = tpu.vector_load_idx %arg5[%add3A_261] : memref<32000xf32, #tpu.memory_space<vmem>>[vector<16xi32>], vector<16xf32>,
        %add3A_263 = arith.constant 25000 : i32
        %add3A_264 = vector.broadcast %add3A_263 : i32 to vector<16xi32>
        %add3A_265 = arith.addi %get3A_163, %add3A_264 : vector<16xi32>
        %gather3A_266 = tpu.vector_load_idx %arg5[%add3A_265] : memref<32000xf32, #tpu.memory_space<vmem>>[vector<16xi32>], vector<16xf32>,
        %add3A_267 = arith.constant 26000 : i32
        %add3A_268 = vector.broadcast %add3A_267 : i32 to vector<16xi32>
        %add3A_269 = arith.addi %get3A_163, %add3A_268 : vector<16xi32>
        %gather3A_270 = tpu.vector_load_idx %arg5[%add3A_269] : memref<32000xf32, #tpu.memory_space<vmem>>[vector<16xi32>], vector<16xf32>,
        %add3A_271 = arith.constant 27000 : i32
        %add3A_272 = vector.broadcast %add3A_271 : i32 to vector<16xi32>
        %add3A_273 = arith.addi %get3A_163, %add3A_272 : vector<16xi32>
        %gather3A_274 = tpu.vector_load_idx %arg5[%add3A_273] : memref<32000xf32, #tpu.memory_space<vmem>>[vector<16xi32>], vector<16xf32>,
        %add3A_275 = arith.constant 28000 : i32
        %add3A_276 = vector.broadcast %add3A_275 : i32 to vector<16xi32>
        %add3A_277 = arith.addi %get3A_163, %add3A_276 : vector<16xi32>
        %gather3A_278 = tpu.vector_load_idx %arg5[%add3A_277] : memref<32000xf32, #tpu.memory_space<vmem>>[vector<16xi32>], vector<16xf32>,
        %add3A_279 = arith.constant 29000 : i32
        %add3A_280 = vector.broadcast %add3A_279 : i32 to vector<16xi32>
        %add3A_281 = arith.addi %get3A_163, %add3A_280 : vector<16xi32>
        %gather3A_282 = tpu.vector_load_idx %arg5[%add3A_281] : memref<32000xf32, #tpu.memory_space<vmem>>[vector<16xi32>], vector<16xf32>,
        %add3A_283 = arith.constant 30000 : i32
        %add3A_284 = vector.broadcast %add3A_283 : i32 to vector<16xi32>
        %add3A_285 = arith.addi %get3A_163, %add3A_284 : vector<16xi32>
        %gather3A_286 = tpu.vector_load_idx %arg5[%add3A_285] : memref<32000xf32, #tpu.memory_space<vmem>>[vector<16xi32>], vector<16xf32>,
        %add3A_287 = arith.constant 31000 : i32
        %add3A_288 = vector.broadcast %add3A_287 : i32 to vector<16xi32>
        %add3A_289 = arith.addi %get3A_163, %add3A_288 : vector<16xi32>
        %gather3A_290 = tpu.vector_load_idx %arg5[%add3A_289] : memref<32000xf32, #tpu.memory_space<vmem>>[vector<16xi32>], vector<16xf32>,
        %mul3A_291 = arith.constant 16 : i32
        %mul3A_292 = arith.muli %scan3A_156, %mul3A_291 : i32
        %swap3A = arith.constant 0 : i32
        %swap3A_293 = arith.index_cast %swap3A : i32 to index
        %swap3A_294 = arith.index_cast %mul3A_292 : i32 to index
        %swap3A_295 = tpu.vector_load %arg9[%swap3A_293, %swap3A_294] {strides = array<i32>} : memref<32x256xf32, #tpu.memory_space<vmem>>, vector<16xf32>,
        tpu.vector_store %arg9[%swap3A_293, %swap3A_294], %gather3A {strides = array<i32>} : memref<32x256xf32, #tpu.memory_space<vmem>>, vector<16xf32>,
        %mul3A_296 = arith.constant 16 : i32
        %mul3A_297 = arith.muli %scan3A_156, %mul3A_296 : i32
        %swap3A_298 = arith.constant 1 : i32
        %swap3A_299 = arith.index_cast %swap3A_298 : i32 to index
        %swap3A_300 = arith.index_cast %mul3A_297 : i32 to index
        %swap3A_301 = tpu.vector_load %arg9[%swap3A_299, %swap3A_300] {strides = array<i32>} : memref<32x256xf32, #tpu.memory_space<vmem>>, vector<16xf32>,
        tpu.vector_store %arg9[%swap3A_299, %swap3A_300], %gather3A_170 {strides = array<i32>} : memref<32x256xf32, #tpu.memory_space<vmem>>, vector<16xf32>,
        %mul3A_302 = arith.constant 16 : i32
        %mul3A_303 = arith.muli %scan3A_156, %mul3A_302 : i32
        %swap3A_304 = arith.constant 2 : i32
        %swap3A_305 = arith.index_cast %swap3A_304 : i32 to index
        %swap3A_306 = arith.index_cast %mul3A_303 : i32 to index
        %swap3A_307 = tpu.vector_load %arg9[%swap3A_305, %swap3A_306] {strides = array<i32>} : memref<32x256xf32, #tpu.memory_space<vmem>>, vector<16xf32>,
        tpu.vector_store %arg9[%swap3A_305, %swap3A_306], %gather3A_174 {strides = array<i32>} : memref<32x256xf32, #tpu.memory_space<vmem>>, vector<16xf32>,
        %mul3A_308 = arith.constant 16 : i32
        %mul3A_309 = arith.muli %scan3A_156, %mul3A_308 : i32
        %swap3A_310 = arith.constant 3 : i32
        %swap3A_311 = arith.index_cast %swap3A_310 : i32 to index
        %swap3A_312 = arith.index_cast %mul3A_309 : i32 to index
        %swap3A_313 = tpu.vector_load %arg9[%swap3A_311, %swap3A_312] {strides = array<i32>} : memref<32x256xf32, #tpu.memory_space<vmem>>, vector<16xf32>,
        tpu.vector_store %arg9[%swap3A_311, %swap3A_312], %gather3A_178 {strides = array<i32>} : memref<32x256xf32, #tpu.memory_space<vmem>>, vector<16xf32>,
        %mul3A_314 = arith.constant 16 : i32
        %mul3A_315 = arith.muli %scan3A_156, %mul3A_314 : i32
        %swap3A_316 = arith.constant 4 : i32
        %swap3A_317 = arith.index_cast %swap3A_316 : i32 to index
        %swap3A_318 = arith.index_cast %mul3A_315 : i32 to index
        %swap3A_319 = tpu.vector_load %arg9[%swap3A_317, %swap3A_318] {strides = array<i32>} : memref<32x256xf32, #tpu.memory_space<vmem>>, vector<16xf32>,
        tpu.vector_store %arg9[%swap3A_317, %swap3A_318], %gather3A_182 {strides = array<i32>} : memref<32x256xf32, #tpu.memory_space<vmem>>, vector<16xf32>,
        %mul3A_320 = arith.constant 16 : i32
        %mul3A_321 = arith.muli %scan3A_156, %mul3A_320 : i32
        %swap3A_322 = arith.constant 5 : i32
        %swap3A_323 = arith.index_cast %swap3A_322 : i32 to index
        %swap3A_324 = arith.index_cast %mul3A_321 : i32 to index
        %swap3A_325 = tpu.vector_load %arg9[%swap3A_323, %swap3A_324] {strides = array<i32>} : memref<32x256xf32, #tpu.memory_space<vmem>>, vector<16xf32>,
        tpu.vector_store %arg9[%swap3A_323, %swap3A_324], %gather3A_186 {strides = array<i32>} : memref<32x256xf32, #tpu.memory_space<vmem>>, vector<16xf32>,
        %mul3A_326 = arith.constant 16 : i32
        %mul3A_327 = arith.muli %scan3A_156, %mul3A_326 : i32
        %swap3A_328 = arith.constant 6 : i32
        %swap3A_329 = arith.index_cast %swap3A_328 : i32 to index
        %swap3A_330 = arith.index_cast %mul3A_327 : i32 to index
        %swap3A_331 = tpu.vector_load %arg9[%swap3A_329, %swap3A_330] {strides = array<i32>} : memref<32x256xf32, #tpu.memory_space<vmem>>, vector<16xf32>,
        tpu.vector_store %arg9[%swap3A_329, %swap3A_330], %gather3A_190 {strides = array<i32>} : memref<32x256xf32, #tpu.memory_space<vmem>>, vector<16xf32>,
        %mul3A_332 = arith.constant 16 : i32
        %mul3A_333 = arith.muli %scan3A_156, %mul3A_332 : i32
        %swap3A_334 = arith.constant 7 : i32
        %swap3A_335 = arith.index_cast %swap3A_334 : i32 to index
        %swap3A_336 = arith.index_cast %mul3A_333 : i32 to index
        %swap3A_337 = tpu.vector_load %arg9[%swap3A_335, %swap3A_336] {strides = array<i32>} : memref<32x256xf32, #tpu.memory_space<vmem>>, vector<16xf32>,
        tpu.vector_store %arg9[%swap3A_335, %swap3A_336], %gather3A_194 {strides = array<i32>} : memref<32x256xf32, #tpu.memory_space<vmem>>, vector<16xf32>,
        %mul3A_338 = arith.constant 16 : i32
        %mul3A_339 = arith.muli %scan3A_156, %mul3A_338 : i32
        %swap3A_340 = arith.constant 8 : i32
        %swap3A_341 = arith.index_cast %swap3A_340 : i32 to index
        %swap3A_342 = arith.index_cast %mul3A_339 : i32 to index
        %swap3A_343 = tpu.vector_load %arg9[%swap3A_341, %swap3A_342] {strides = array<i32>} : memref<32x256xf32, #tpu.memory_space<vmem>>, vector<16xf32>,
        tpu.vector_store %arg9[%swap3A_341, %swap3A_342], %gather3A_198 {strides = array<i32>} : memref<32x256xf32, #tpu.memory_space<vmem>>, vector<16xf32>,
        %mul3A_344 = arith.constant 16 : i32
        %mul3A_345 = arith.muli %scan3A_156, %mul3A_344 : i32
        %swap3A_346 = arith.constant 9 : i32
        %swap3A_347 = arith.index_cast %swap3A_346 : i32 to index
        %swap3A_348 = arith.index_cast %mul3A_345 : i32 to index
        %swap3A_349 = tpu.vector_load %arg9[%swap3A_347, %swap3A_348] {strides = array<i32>} : memref<32x256xf32, #tpu.memory_space<vmem>>, vector<16xf32>,
        tpu.vector_store %arg9[%swap3A_347, %swap3A_348], %gather3A_202 {strides = array<i32>} : memref<32x256xf32, #tpu.memory_space<vmem>>, vector<16xf32>,
        %mul3A_350 = arith.constant 16 : i32
        %mul3A_351 = arith.muli %scan3A_156, %mul3A_350 : i32
        %swap3A_352 = arith.constant 10 : i32
        %swap3A_353 = arith.index_cast %swap3A_352 : i32 to index
        %swap3A_354 = arith.index_cast %mul3A_351 : i32 to index
        %swap3A_355 = tpu.vector_load %arg9[%swap3A_353, %swap3A_354] {strides = array<i32>} : memref<32x256xf32, #tpu.memory_space<vmem>>, vector<16xf32>,
        tpu.vector_store %arg9[%swap3A_353, %swap3A_354], %gather3A_206 {strides = array<i32>} : memref<32x256xf32, #tpu.memory_space<vmem>>, vector<16xf32>,
        %mul3A_356 = arith.constant 16 : i32
        %mul3A_357 = arith.muli %scan3A_156, %mul3A_356 : i32
        %swap3A_358 = arith.constant 11 : i32
        %swap3A_359 = arith.index_cast %swap3A_358 : i32 to index
        %swap3A_360 = arith.index_cast %mul3A_357 : i32 to index
        %swap3A_361 = tpu.vector_load %arg9[%swap3A_359, %swap3A_360] {strides = array<i32>} : memref<32x256xf32, #tpu.memory_space<vmem>>, vector<16xf32>,
        tpu.vector_store %arg9[%swap3A_359, %swap3A_360], %gather3A_210 {strides = array<i32>} : memref<32x256xf32, #tpu.memory_space<vmem>>, vector<16xf32>,
        %mul3A_362 = arith.constant 16 : i32
        %mul3A_363 = arith.muli %scan3A_156, %mul3A_362 : i32
        %swap3A_364 = arith.constant 12 : i32
        %swap3A_365 = arith.index_cast %swap3A_364 : i32 to index
        %swap3A_366 = arith.index_cast %mul3A_363 : i32 to index
        %swap3A_367 = tpu.vector_load %arg9[%swap3A_365, %swap3A_366] {strides = array<i32>} : memref<32x256xf32, #tpu.memory_space<vmem>>, vector<16xf32>,
        tpu.vector_store %arg9[%swap3A_365, %swap3A_366], %gather3A_214 {strides = array<i32>} : memref<32x256xf32, #tpu.memory_space<vmem>>, vector<16xf32>,
        %mul3A_368 = arith.constant 16 : i32
        %mul3A_369 = arith.muli %scan3A_156, %mul3A_368 : i32
        %swap3A_370 = arith.constant 13 : i32
        %swap3A_371 = arith.index_cast %swap3A_370 : i32 to index
        %swap3A_372 = arith.index_cast %mul3A_369 : i32 to index
        %swap3A_373 = tpu.vector_load %arg9[%swap3A_371, %swap3A_372] {strides = array<i32>} : memref<32x256xf32, #tpu.memory_space<vmem>>, vector<16xf32>,
        tpu.vector_store %arg9[%swap3A_371, %swap3A_372], %gather3A_218 {strides = array<i32>} : memref<32x256xf32, #tpu.memory_space<vmem>>, vector<16xf32>,
        %mul3A_374 = arith.constant 16 : i32
        %mul3A_375 = arith.muli %scan3A_156, %mul3A_374 : i32
        %swap3A_376 = arith.constant 14 : i32
        %swap3A_377 = arith.index_cast %swap3A_376 : i32 to index
        %swap3A_378 = arith.index_cast %mul3A_375 : i32 to index
        %swap3A_379 = tpu.vector_load %arg9[%swap3A_377, %swap3A_378] {strides = array<i32>} : memref<32x256xf32, #tpu.memory_space<vmem>>, vector<16xf32>,
        tpu.vector_store %arg9[%swap3A_377, %swap3A_378], %gather3A_222 {strides = array<i32>} : memref<32x256xf32, #tpu.memory_space<vmem>>, vector<16xf32>,
        %mul3A_380 = arith.constant 16 : i32
        %mul3A_381 = arith.muli %scan3A_156, %mul3A_380 : i32
        %swap3A_382 = arith.constant 15 : i32
        %swap3A_383 = arith.index_cast %swap3A_382 : i32 to index
        %swap3A_384 = arith.index_cast %mul3A_381 : i32 to index
        %swap3A_385 = tpu.vector_load %arg9[%swap3A_383, %swap3A_384] {strides = array<i32>} : memref<32x256xf32, #tpu.memory_space<vmem>>, vector<16xf32>,
        tpu.vector_store %arg9[%swap3A_383, %swap3A_384], %gather3A_226 {strides = array<i32>} : memref<32x256xf32, #tpu.memory_space<vmem>>, vector<16xf32>,
        %mul3A_386 = arith.constant 16 : i32
        %mul3A_387 = arith.muli %scan3A_156, %mul3A_386 : i32
        %swap3A_388 = arith.constant 16 : i32
        %swap3A_389 = arith.index_cast %swap3A_388 : i32 to index
        %swap3A_390 = arith.index_cast %mul3A_387 : i32 to index
        %swap3A_391 = tpu.vector_load %arg9[%swap3A_389, %swap3A_390] {strides = array<i32>} : memref<32x256xf32, #tpu.memory_space<vmem>>, vector<16xf32>,
        tpu.vector_store %arg9[%swap3A_389, %swap3A_390], %gather3A_230 {strides = array<i32>} : memref<32x256xf32, #tpu.memory_space<vmem>>, vector<16xf32>,
        %mul3A_392 = arith.constant 16 : i32
        %mul3A_393 = arith.muli %scan3A_156, %mul3A_392 : i32
        %swap3A_394 = arith.constant 17 : i32
        %swap3A_395 = arith.index_cast %swap3A_394 : i32 to index
        %swap3A_396 = arith.index_cast %mul3A_393 : i32 to index
        %swap3A_397 = tpu.vector_load %arg9[%swap3A_395, %swap3A_396] {strides = array<i32>} : memref<32x256xf32, #tpu.memory_space<vmem>>, vector<16xf32>,
        tpu.vector_store %arg9[%swap3A_395, %swap3A_396], %gather3A_234 {strides = array<i32>} : memref<32x256xf32, #tpu.memory_space<vmem>>, vector<16xf32>,
        %mul3A_398 = arith.constant 16 : i32
        %mul3A_399 = arith.muli %scan3A_156, %mul3A_398 : i32
        %swap3A_400 = arith.constant 18 : i32
        %swap3A_401 = arith.index_cast %swap3A_400 : i32 to index
        %swap3A_402 = arith.index_cast %mul3A_399 : i32 to index
        %swap3A_403 = tpu.vector_load %arg9[%swap3A_401, %swap3A_402] {strides = array<i32>} : memref<32x256xf32, #tpu.memory_space<vmem>>, vector<16xf32>,
        tpu.vector_store %arg9[%swap3A_401, %swap3A_402], %gather3A_238 {strides = array<i32>} : memref<32x256xf32, #tpu.memory_space<vmem>>, vector<16xf32>,
        %mul3A_404 = arith.constant 16 : i32
        %mul3A_405 = arith.muli %scan3A_156, %mul3A_404 : i32
        %swap3A_406 = arith.constant 19 : i32
        %swap3A_407 = arith.index_cast %swap3A_406 : i32 to index
        %swap3A_408 = arith.index_cast %mul3A_405 : i32 to index
        %swap3A_409 = tpu.vector_load %arg9[%swap3A_407, %swap3A_408] {strides = array<i32>} : memref<32x256xf32, #tpu.memory_space<vmem>>, vector<16xf32>,
        tpu.vector_store %arg9[%swap3A_407, %swap3A_408], %gather3A_242 {strides = array<i32>} : memref<32x256xf32, #tpu.memory_space<vmem>>, vector<16xf32>,
        %mul3A_410 = arith.constant 16 : i32
        %mul3A_411 = arith.muli %scan3A_156, %mul3A_410 : i32
        %swap3A_412 = arith.constant 20 : i32
        %swap3A_413 = arith.index_cast %swap3A_412 : i32 to index
        %swap3A_414 = arith.index_cast %mul3A_411 : i32 to index
        %swap3A_415 = tpu.vector_load %arg9[%swap3A_413, %swap3A_414] {strides = array<i32>} : memref<32x256xf32, #tpu.memory_space<vmem>>, vector<16xf32>,
        tpu.vector_store %arg9[%swap3A_413, %swap3A_414], %gather3A_246 {strides = array<i32>} : memref<32x256xf32, #tpu.memory_space<vmem>>, vector<16xf32>,
        %mul3A_416 = arith.constant 16 : i32
        %mul3A_417 = arith.muli %scan3A_156, %mul3A_416 : i32
        %swap3A_418 = arith.constant 21 : i32
        %swap3A_419 = arith.index_cast %swap3A_418 : i32 to index
        %swap3A_420 = arith.index_cast %mul3A_417 : i32 to index
        %swap3A_421 = tpu.vector_load %arg9[%swap3A_419, %swap3A_420] {strides = array<i32>} : memref<32x256xf32, #tpu.memory_space<vmem>>, vector<16xf32>,
        tpu.vector_store %arg9[%swap3A_419, %swap3A_420], %gather3A_250 {strides = array<i32>} : memref<32x256xf32, #tpu.memory_space<vmem>>, vector<16xf32>,
        %mul3A_422 = arith.constant 16 : i32
        %mul3A_423 = arith.muli %scan3A_156, %mul3A_422 : i32
        %swap3A_424 = arith.constant 22 : i32
        %swap3A_425 = arith.index_cast %swap3A_424 : i32 to index
        %swap3A_426 = arith.index_cast %mul3A_423 : i32 to index
        %swap3A_427 = tpu.vector_load %arg9[%swap3A_425, %swap3A_426] {strides = array<i32>} : memref<32x256xf32, #tpu.memory_space<vmem>>, vector<16xf32>,
        tpu.vector_store %arg9[%swap3A_425, %swap3A_426], %gather3A_254 {strides = array<i32>} : memref<32x256xf32, #tpu.memory_space<vmem>>, vector<16xf32>,
        %mul3A_428 = arith.constant 16 : i32
        %mul3A_429 = arith.muli %scan3A_156, %mul3A_428 : i32
        %swap3A_430 = arith.constant 23 : i32
        %swap3A_431 = arith.index_cast %swap3A_430 : i32 to index
        %swap3A_432 = arith.index_cast %mul3A_429 : i32 to index
        %swap3A_433 = tpu.vector_load %arg9[%swap3A_431, %swap3A_432] {strides = array<i32>} : memref<32x256xf32, #tpu.memory_space<vmem>>, vector<16xf32>,
        tpu.vector_store %arg9[%swap3A_431, %swap3A_432], %gather3A_258 {strides = array<i32>} : memref<32x256xf32, #tpu.memory_space<vmem>>, vector<16xf32>,
        %mul3A_434 = arith.constant 16 : i32
        %mul3A_435 = arith.muli %scan3A_156, %mul3A_434 : i32
        %swap3A_436 = arith.constant 24 : i32
        %swap3A_437 = arith.index_cast %swap3A_436 : i32 to index
        %swap3A_438 = arith.index_cast %mul3A_435 : i32 to index
        %swap3A_439 = tpu.vector_load %arg9[%swap3A_437, %swap3A_438] {strides = array<i32>} : memref<32x256xf32, #tpu.memory_space<vmem>>, vector<16xf32>,
        tpu.vector_store %arg9[%swap3A_437, %swap3A_438], %gather3A_262 {strides = array<i32>} : memref<32x256xf32, #tpu.memory_space<vmem>>, vector<16xf32>,
        %mul3A_440 = arith.constant 16 : i32
        %mul3A_441 = arith.muli %scan3A_156, %mul3A_440 : i32
        %swap3A_442 = arith.constant 25 : i32
        %swap3A_443 = arith.index_cast %swap3A_442 : i32 to index
        %swap3A_444 = arith.index_cast %mul3A_441 : i32 to index
        %swap3A_445 = tpu.vector_load %arg9[%swap3A_443, %swap3A_444] {strides = array<i32>} : memref<32x256xf32, #tpu.memory_space<vmem>>, vector<16xf32>,
        tpu.vector_store %arg9[%swap3A_443, %swap3A_444], %gather3A_266 {strides = array<i32>} : memref<32x256xf32, #tpu.memory_space<vmem>>, vector<16xf32>,
        %mul3A_446 = arith.constant 16 : i32
        %mul3A_447 = arith.muli %scan3A_156, %mul3A_446 : i32
        %swap3A_448 = arith.constant 26 : i32
        %swap3A_449 = arith.index_cast %swap3A_448 : i32 to index
        %swap3A_450 = arith.index_cast %mul3A_447 : i32 to index
        %swap3A_451 = tpu.vector_load %arg9[%swap3A_449, %swap3A_450] {strides = array<i32>} : memref<32x256xf32, #tpu.memory_space<vmem>>, vector<16xf32>,
        tpu.vector_store %arg9[%swap3A_449, %swap3A_450], %gather3A_270 {strides = array<i32>} : memref<32x256xf32, #tpu.memory_space<vmem>>, vector<16xf32>,
        %mul3A_452 = arith.constant 16 : i32
        %mul3A_453 = arith.muli %scan3A_156, %mul3A_452 : i32
        %swap3A_454 = arith.constant 27 : i32
        %swap3A_455 = arith.index_cast %swap3A_454 : i32 to index
        %swap3A_456 = arith.index_cast %mul3A_453 : i32 to index
        %swap3A_457 = tpu.vector_load %arg9[%swap3A_455, %swap3A_456] {strides = array<i32>} : memref<32x256xf32, #tpu.memory_space<vmem>>, vector<16xf32>,
        tpu.vector_store %arg9[%swap3A_455, %swap3A_456], %gather3A_274 {strides = array<i32>} : memref<32x256xf32, #tpu.memory_space<vmem>>, vector<16xf32>,
        %mul3A_458 = arith.constant 16 : i32
        %mul3A_459 = arith.muli %scan3A_156, %mul3A_458 : i32
        %swap3A_460 = arith.constant 28 : i32
        %swap3A_461 = arith.index_cast %swap3A_460 : i32 to index
        %swap3A_462 = arith.index_cast %mul3A_459 : i32 to index
        %swap3A_463 = tpu.vector_load %arg9[%swap3A_461, %swap3A_462] {strides = array<i32>} : memref<32x256xf32, #tpu.memory_space<vmem>>, vector<16xf32>,
        tpu.vector_store %arg9[%swap3A_461, %swap3A_462], %gather3A_278 {strides = array<i32>} : memref<32x256xf32, #tpu.memory_space<vmem>>, vector<16xf32>,
        %mul3A_464 = arith.constant 16 : i32
        %mul3A_465 = arith.muli %scan3A_156, %mul3A_464 : i32
        %swap3A_466 = arith.constant 29 : i32
        %swap3A_467 = arith.index_cast %swap3A_466 : i32 to index
        %swap3A_468 = arith.index_cast %mul3A_465 : i32 to index
        %swap3A_469 = tpu.vector_load %arg9[%swap3A_467, %swap3A_468] {strides = array<i32>} : memref<32x256xf32, #tpu.memory_space<vmem>>, vector<16xf32>,
        tpu.vector_store %arg9[%swap3A_467, %swap3A_468], %gather3A_282 {strides = array<i32>} : memref<32x256xf32, #tpu.memory_space<vmem>>, vector<16xf32>,
        %mul3A_470 = arith.constant 16 : i32
        %mul3A_471 = arith.muli %scan3A_156, %mul3A_470 : i32
        %swap3A_472 = arith.constant 30 : i32
        %swap3A_473 = arith.index_cast %swap3A_472 : i32 to index
        %swap3A_474 = arith.index_cast %mul3A_471 : i32 to index
        %swap3A_475 = tpu.vector_load %arg9[%swap3A_473, %swap3A_474] {strides = array<i32>} : memref<32x256xf32, #tpu.memory_space<vmem>>, vector<16xf32>,
        tpu.vector_store %arg9[%swap3A_473, %swap3A_474], %gather3A_286 {strides = array<i32>} : memref<32x256xf32, #tpu.memory_space<vmem>>, vector<16xf32>,
        %mul3A_476 = arith.constant 16 : i32
        %mul3A_477 = arith.muli %scan3A_156, %mul3A_476 : i32
        %swap3A_478 = arith.constant 31 : i32
        %swap3A_479 = arith.index_cast %swap3A_478 : i32 to index
        %swap3A_480 = arith.index_cast %mul3A_477 : i32 to index
        %swap3A_481 = tpu.vector_load %arg9[%swap3A_479, %swap3A_480] {strides = array<i32>} : memref<32x256xf32, #tpu.memory_space<vmem>>, vector<16xf32>,
        tpu.vector_store %arg9[%swap3A_479, %swap3A_480], %gather3A_290 {strides = array<i32>} : memref<32x256xf32, #tpu.memory_space<vmem>>, vector<16xf32>,
        %scan3A_482 = arith.constant 0 : i32
        scf.yield %scan3A_482 : i32
      }
      %scan3A_146 = arith.constant 16 : i32
      %add3A_147 = arith.constant 256 : i32
      %add3A_148 = arith.addi %mul3A_2, %add3A_147 : i32
      %dma_start3A_149 = arith.constant 0 : i32
      %dma_start3A_150 = tpu.memref_slice %arg4[%add3A_106, %dma_start3A_149, %add3A_148] : memref<200x32x16384xf32, #tpu.memory_space<hbm>> -> memref<1x32x256xf32, #tpu.memory_space<hbm>>
      %dma_start3A_151 = tpu.memref_squeeze %dma_start3A_150 : memref<1x32x256xf32, #tpu.memory_space<hbm>> -> memref<32x256xf32, #tpu.memory_space<hbm>>
      %dma_start3A_152 = arith.constant 0 : i32
      %dma_start3A_153 = tpu.memref_slice %arg4[%add3A_106, %dma_start3A_152, %add3A_148] : memref<200x32x16384xf32, #tpu.memory_space<hbm>> -> memref<1x32x256xf32, #tpu.memory_space<hbm>>
      %dma_start3A_154 = tpu.memref_squeeze %dma_start3A_153 : memref<1x32x256xf32, #tpu.memory_space<hbm>> -> memref<32x256xf32, #tpu.memory_space<hbm>>
      tpu.enqueue_dma source(%arg9 : memref<32x256xf32, #tpu.memory_space<vmem>>) target(%dma_start3A_154 : memref<32x256xf32, #tpu.memory_space<hbm>>) target_semaphore(%arg13 : memref<!tpu.dma_semaphore, #tpu.memory_space<semaphore_mem>>)
      %scan3A_155 = arith.constant 0 : i32
      scf.yield %scan3A_155 : i32
    }
    %scan3A_84 = arith.constant 40 : i32
    %dma_wait3A_85 = arith.constant 0 : i32
    %dma_wait3A_86 = arith.constant 0 : i32
    %dma_wait3A_87 = arith.constant 0 : i32
    %dma_wait3A_88 = tpu.memref_slice %arg4[%dma_wait3A_85, %dma_wait3A_86, %dma_wait3A_87] : memref<200x32x16384xf32, #tpu.memory_space<hbm>> -> memref<1x32x256xf32, #tpu.memory_space<hbm>>
    %dma_wait3A_89 = tpu.memref_squeeze %dma_wait3A_88 : memref<1x32x256xf32, #tpu.memory_space<hbm>> -> memref<32x256xf32, #tpu.memory_space<hbm>>
    %dma_wait3A_90 = arith.constant 0 : i32
    %dma_wait3A_91 = arith.constant 0 : i32
    %dma_wait3A_92 = tpu.memref_slice %arg4[%dma_wait3A_85, %dma_wait3A_90, %dma_wait3A_91] : memref<200x32x16384xf32, #tpu.memory_space<hbm>> -> memref<1x32x256xf32, #tpu.memory_space<hbm>>
    %dma_wait3A_93 = tpu.memref_squeeze %dma_wait3A_92 : memref<1x32x256xf32, #tpu.memory_space<hbm>> -> memref<32x256xf32, #tpu.memory_space<hbm>>
    tpu.wait_dma2 semaphore(%arg12 : memref<!tpu.dma_semaphore, #tpu.memory_space<semaphore_mem>>) src(%arg8 : memref<32x256xf32, #tpu.memory_space<vmem>>) dst(%dma_wait3A_93 : memref<32x256xf32, #tpu.memory_space<hbm>>)
    %dma_wait3A_94 = arith.constant 0 : i32
    %dma_wait3A_95 = arith.constant 0 : i32
    %dma_wait3A_96 = arith.constant 0 : i32
    %dma_wait3A_97 = tpu.memref_slice %arg4[%dma_wait3A_94, %dma_wait3A_95, %dma_wait3A_96] : memref<200x32x16384xf32, #tpu.memory_space<hbm>> -> memref<1x32x256xf32, #tpu.memory_space<hbm>>
    %dma_wait3A_98 = tpu.memref_squeeze %dma_wait3A_97 : memref<1x32x256xf32, #tpu.memory_space<hbm>> -> memref<32x256xf32, #tpu.memory_space<hbm>>
    %dma_wait3A_99 = arith.constant 0 : i32
    %dma_wait3A_100 = arith.constant 0 : i32
    %dma_wait3A_101 = tpu.memref_slice %arg4[%dma_wait3A_94, %dma_wait3A_99, %dma_wait3A_100] : memref<200x32x16384xf32, #tpu.memory_space<hbm>> -> memref<1x32x256xf32, #tpu.memory_space<hbm>>
    %dma_wait3A_102 = tpu.memref_squeeze %dma_wait3A_101 : memref<1x32x256xf32, #tpu.memory_space<hbm>> -> memref<32x256xf32, #tpu.memory_space<hbm>>
    tpu.wait_dma2 semaphore(%arg13 : memref<!tpu.dma_semaphore, #tpu.memory_space<semaphore_mem>>) src(%arg9 : memref<32x256xf32, #tpu.memory_space<vmem>>) dst(%dma_wait3A_102 : memref<32x256xf32, #tpu.memory_space<hbm>>)
    return
  }
}

module attributes {stable_mosaic.version = 14 : i64} {
  func.func @_scale_body(%arg0: memref<1000x32xf32, #tpu.memory_space<vmem>>, %arg1: memref<32x1000xf32, #tpu.memory_space<vmem>>) attributes {dimension_semantics = [], scalar_prefetch = 0 : i64, scratch_operands = 0 : i64, tpu.core_type = #tpu.core_type<tc>} {
    %get3A = arith.constant 0 : index
    %get3A_0 = arith.constant 0 : index
    %get3A_1 = vector.load %arg0[%get3A, %get3A_0] : memref<1000x32xf32, #tpu.memory_space<vmem>>, vector<1000x32xf32>
    %transpose3A = tpu.transpose %get3A_1, [1, 0] : vector<1000x32xf32> -> vector<32x1000xf32>
    %mul3A = arith.constant 5.65685415 : f32
    %mul3A_2 = vector.broadcast %mul3A : f32 to vector<32x1000xf32>
    %mul3A_3 = arith.mulf %transpose3A, %mul3A_2 : vector<32x1000xf32>
    %swap3A = arith.constant 0 : index
    %swap3A_4 = arith.constant 0 : index
    %swap3A_5 = vector.load %arg1[%swap3A, %swap3A_4] : memref<32x1000xf32, #tpu.memory_space<vmem>>, vector<32x1000xf32>
    tpu.vector_store %arg1[%swap3A, %swap3A_4], %mul3A_3 {strides = array<i32>} : memref<32x1000xf32, #tpu.memory_space<vmem>>, vector<32x1000xf32>,
    return
  }
}

</mosaic_0001>

<sc_bundles>
// kernel: kernel.4.cloned.1.call-start
scs
__scs_entry_jumppad:
0x0: {  	(pc) =	sbr.rel $0x88, $3  }
0x1: {  	(tag) =	ssettag $0x0;
	lr =	simm.s32 $0x1  }
0x2: {  	[smem:$0x3F9F] =	sst lr;
	_ =	strace $0xD0000000  }
0x3: {  	_ = 	snop  }
0x4: {  	_ = 	snop  }
0x5: {  	_ = 	snop  }
0x6: {  	_ = 	snop  }
0x7: {  	_ = 	snop  }
__scs_overlays_trampoline_lowered:
0x8: {  	[smem:$0x3FAE] =	sst s0  }
0x9: {  	[smem:$0x3FAF] =	sst s1  }
0xa: {  	[smem:$0x3FB0] =	sst s2  }
0xb: {  	[smem:$0x3FB1] =	sst s3  }
0xc: {  	[smem:$0x3FB2] =	sst s4  }
0xd: {  	[smem:$0x3FB3] =	sst s5  }
0xe: {  	[smem:$0x3FB4] =	sst s6  }
0xf: {  	[smem:$0x3FB5] =	sst s7  }
0x10: {  	[smem:$0x3FB6] =	sst s8  }
0x11: {  	[smem:$0x3FB7] =	sst s9;
	s0 =	simm.s32 @!p0 $0x0  }
0x12: {  	s1 =	sld [smem:$0x3F9D];
	s0 =	simm.s32 @p0 $0x1  }
0x13: {  	[smem:$0x3FB8] =	sst s0;
	s0 =	simm.s32 @!p1 $0x0  }
0x14: {  	s2 =	sld [smem:$0x3F9C];
	s0 =	simm.s32 @p1 $0x1  }
0x15: {  	[smem:$0x3FB9] =	sst s0;
	s0 =	simm.s32 @!p2 $0x0  }
0x16: {  	s3 =	sld [smem:$0x3FDB];
	s0 =	simm.s32 @p2 $0x1  }
0x17: {  	s4 =	simm.s32 $0x1BF5;
	[smem:$0x3FBB] =	sst s0  }
0x18: {  	s0 =	sld [smem:$0x3F9E];
	_ =	swait.ge [sflag:s4], $0x0  }
0x19: {  	s7 =	sld [smem:$0x3F9F]  }
0x1a: {  	s8 =	sadd.s32 $0xFFFFE003, lr  }
0x1b: {  	s9 =	sadd.s32 $0xFFFFFEF7, lr;
	s5 =	simm.s32 $0xFFFFFFFF;
	p2 =	slt.u32 s8, $0xFFFFF086  }
0x1c: {  	p1 =	slt.u32 s9, $0xF7A;
	s5 =	simm.s32 @!p2 $0x0  }
0x1d: {  	s5 =	simm.s32 @p1 $0x1;
	p0 =	seq.s32 s7, s2  }
0x1e: {  	s7 =	smul.u32 @!p0 $0xF7A, s2;
	p2 =	seq.s32 @!p0 s5, $0x0  }
0x1f: {  	s9 =	smul.u32 $0xF7A, s1;
	s8 =	simm.s32 @!p0 $0x1BF5;
	p2 =	por !p2, p0  }
0x20: {  	[sflag:s8] =	ssyncset.s32 @!p0 $0xFFFFF086;
	s6 =	sadd.s32 @!p0 s3, s7;
	s7 =	simm.s32 @!p0 $0x108  }
0x21: {  	s3 =	sadd.s32 s3, s9;
	s6 =	sadd.s32 @!p0 $0x88, s6;
	s7 =	simm.s32 @p2 $0x1082  }
0x22: {  	[simem:s7], [sflag:s8] =	dma.local @!p0 [hbm:s6], $0xF7A  }
0x23: {  	s9 =	sor.u32 $0xD0000000, s2;
	s6 =	simm.s32 $0x108;
	_ =	swait.ge @!p0 [sflag:s8], $0x0  }
0x24: {  	s3 =	sadd.s32 $0x88, s3;
	s6 =	simm.s32 @!p1 $0x1082;
	[sflag:s4] =	ssyncset.s32 $0xFFFFF086  }
0x25: {  	[simem:s6], [sflag:s4] =	dma.local [hbm:s3], $0xF7A  }
0x26: {  	[smem:$0x3F9F] =	sst s1;
	(tag) =	ssettag s2;
	_ =	strace s9  }
0x27: {  	s1 =	sld [smem:$0x3FAF]  }
0x28: {  	s2 =	sld [smem:$0x3FB0]  }
0x29: {  	s4 =	sld [smem:$0x3FB2]  }
0x2a: {  	p0 =	seq.s32 s5, $0x0;
	s5 =	sld [smem:$0x3FB3]  }
0x2b: {  	s6 =	sld [smem:$0x3FB4]  }
0x2c: {  	s7 =	sld [smem:$0x3FB5]  }
0x2d: {  	s3 =	simm.s32 $0x108;
	s8 =	sld [smem:$0x3FB6]  }
0x2e: {  	s3 =	simm.s32 @!p0 $0x1082;
	s9 =	sld [smem:$0x3FB7]  }
0x2f: {  	lr =	sadd.s32 s0, s3;
	s0 =	sld [smem:$0x3FAE]  }
0x30: {  	s3 =	sld [smem:$0x3FB1]  }
0x31: {  	[smem:$0x3FBA] =	sst s10  }
0x32: {  	s10 =	sld [smem:$0x3FB8];
	_ =	sdelay $0x3  }
0x33: {  	p0 =	seq.s32 s10, $0x1;
	s10 =	sld [smem:$0x3FBA];
	_ =	sdelay $0x3  }
0x34: {  	[smem:$0x3FBA] =	sst s10  }
0x35: {  	s10 =	sld [smem:$0x3FB9];
	_ =	sdelay $0x3  }
0x36: {  	p1 =	seq.s32 s10, $0x1;
	s10 =	sld [smem:$0x3FBA];
	_ =	sdelay $0x3  }
0x37: {  	[smem:$0x3FBA] =	sst s10  }
0x38: {  	s10 =	sld [smem:$0x3FBB]  }
0x39: {  	_ = 	snop;
	(pc) =	sbr.ind lr, $3  }
0x3a: {  	_ = 	snop  }
0x3b: {  	_ = 	snop  }
0x3c: {  	p2 =	seq.s32 s10, $0x1;
	s10 =	sld [smem:$0x3FBA]  }
0x3d: {  	_ =	shalt  }
0x3e: {  	_ =	shalt  }
0x3f: {  	_ =	shalt  }
0x40: {  	_ =	shalt  }
0x41: {  	_ =	shalt  }
0x42: {  	_ =	shalt  }
0x43: {  	_ =	shalt  }
0x44: {  	_ =	shalt  }
0x45: {  	_ =	shalt  }
0x46: {  	_ =	shalt  }
0x47: {  	_ =	shalt  }
0x48: {  	_ =	shalt  }
0x49: {  	_ =	shalt  }
0x4a: {  	_ =	shalt  }
0x4b: {  	_ =	shalt  }
0x4c: {  	_ =	shalt  }
0x4d: {  	_ =	shalt  }
0x4e: {  	_ =	shalt  }
0x4f: {  	_ =	shalt  }
0x50: {  	_ =	shalt  }
0x51: {  	_ =	shalt  }
0x52: {  	_ =	shalt  }
0x53: {  	_ =	shalt  }
0x54: {  	_ =	shalt  }
0x55: {  	_ =	shalt  }
0x56: {  	_ =	shalt  }
0x57: {  	_ =	shalt  }
0x58: {  	_ =	shalt  }
0x59: {  	_ =	shalt  }
0x5a: {  	_ =	shalt  }
0x5b: {  	_ =	shalt  }
0x5c: {  	_ =	shalt  }
0x5d: {  	_ =	shalt  }
0x5e: {  	_ =	shalt  }
0x5f: {  	_ =	shalt  }
0x60: {  	_ =	shalt  }
0x61: {  	_ =	shalt  }
0x62: {  	_ =	shalt  }
0x63: {  	_ =	shalt  }
0x64: {  	_ =	shalt  }
0x65: {  	_ =	shalt  }
0x66: {  	_ =	shalt  }
0x67: {  	_ =	shalt  }
0x68: {  	_ =	shalt  }
0x69: {  	_ =	shalt  }
0x6a: {  	_ =	shalt  }
0x6b: {  	_ =	shalt  }
0x6c: {  	_ =	shalt  }
0x6d: {  	_ =	shalt  }
0x6e: {  	_ =	shalt  }
0x6f: {  	_ =	shalt  }
0x70: {  	_ =	shalt  }
0x71: {  	_ =	shalt  }
0x72: {  	_ =	shalt  }
0x73: {  	_ =	shalt  }
0x74: {  	_ =	shalt  }
0x75: {  	_ =	shalt  }
0x76: {  	_ =	shalt  }
0x77: {  	_ =	shalt  }
0x78: {  	_ =	shalt  }
0x79: {  	_ =	shalt  }
0x7a: {  	_ =	shalt  }
0x7b: {  	_ =	shalt  }
0x7c: {  	_ =	shalt  }
0x7d: {  	_ =	shalt  }
0x7e: {  	_ =	shalt  }
0x7f: {  	_ =	shalt  }
0x80: {  	_ =	shalt  }
0x81: {  	_ =	shalt  }
0x82: {  	_ =	shalt  }
0x83: {  	_ =	shalt  }
0x84: {  	_ =	shalt  }
0x85: {  	_ =	shalt  }
0x86: {  	_ =	shalt  }
0x87: {  	_ =	shalt  }
.Lfunc_end0:
.L_simem_size_0:
called_computation_lowered:
.L_overlay_start_0:
0x88: {  	s2 =	sld [smem:$0x3FD9]  }
0x89: {  	s3 =	sld [smem:$0x3FFE];
	_ =	sdelay $0x1  }
0x8a: {  	s1 =	srdreg.scid  }
0x8b: {  	s0 =	sand.u32 $0x1, s1  }
0x8c: {  	s17 =	sshll.u32 s0, $0xA;
	s2 =	sadd.s32 s3, s2  }
0x8d: {  	s2 =	sadd.s32 s2, s17  }
0x8e: {  	[smem:$0x3FC6] =	sst s2  }
0x8f: {  	_ = 	snop  }
0x90: {  	s2 =	sld [smem:$0x3FC9]  }
0x91: {  	s18 =	sld [smem:$0x3FD0];
	(tm) =	ssettm $0x1  }
0x92: {  	s4 =	sld [smem:$0x3FFB];
	_ =	sdelay $0x3  }
0x93: {  	_ =	strace s4  }
0x94: {  	s4 =	sld [smem:$0x3FFC];
	_ =	sdelay $0x3  }
0x95: {  	_ =	strace s4  }
0x96: {  	s4 =	sld [smem:$0x3FFD];
	_ =	sdelay $0x3  }
0x97: {  	_ =	strace s4  }
0x98: {  	_ =	strace $0x8FFFFFFF  }
0x99: {  	s19 =	sld [smem:$0x3FDB];
	_ =	sdelay $0x1  }
0x9a: {  	s5 =	simm.s32 $_scs_section_size  }
0x9b: {  	s6 =	simm.s32 $_size__tile_overlayer_lowered;
	s7 =	simm.s32 $_tile_overlayer_lowered  }
0x9c: {  	s22 =	simm.s32 $0x1BFF;
	s21 =	sshll.u32 s7, $0x1;
	s4 =	sadd.s32 s5, s19  }
0x9d: {  	s8 =	simm.s32 $0x0;
	s20 =	sshll.u32 s6, $0x1;
	s6 =	sadd.s32 s21, s4  }
0x9e: {  	[timem:s8], [sflag:s22] =	dma.local [hbm:s6], s20  }
0x9f: {  	_ =	swait.ge [sflag:s22], s20  }
0xa0: {  	s5 =	ssub.s32 $0x0, s20;
	[sflag:s22] =	ssyncset.done $0x0  }
0xa1: {  	[sflag:s22] =	ssyncadd.s32 s5;
	_ =	sdelay $0x1  }
0xa2: {  	s23 =	simm.s32 $0x1B8B  }
0xa3: {  	_ =	swait.ge [sflag:s23], $0x1  }
0xa4: {  	[sflag:s23] =	ssyncset.done $0x0  }
0xa5: {  	s25 =	simm.s32 $0x1B8E;
	s24 =	sld [smem:$0x3FFE];
	[sflag:s23] =	ssyncadd.s32 $0xFFFFFFFF  }
0xa6: {  	s26 =	simm.s32 $execute0_lowered;
	[smem:$0x3FD2] =	sst s25  }
0xa7: {  	s6 =	sshll.u32 s26, $0x1;
	_ =	strace $0x80000046;
	[dreg:$0x1] =	wrdreg $0xFFFFFFFF  }
0xa8: {  	s28 =	simm.s32 $_size_execute0_lowered;
	s4 =	sadd.s32 s4, s6;
	[dreg:$0x0] =	wrdreg $0x0  }
0xa9: {  	s6 =	sshll.u32 s28, $0x1;
	[dreg:$0x2] =	wrdreg s4  }
0xaa: {  	[dreg:$0x3] =	wrdreg s6  }
0xab: {  	[dreg:$0x4] =	wrdreg $0xC0  }
0xac: {  	_ =	task [dreg:s8], $0x5FFFF  }
0xad: {  	[dreg:$0x1] =	wrdreg $0xFFFFFFFF  }
0xae: {  	[dreg:$0x0] =	wrdreg $0x60  }
0xaf: {  	[dreg:$0x2] =	wrdreg s24  }
0xb0: {  	[dreg:$0x3] =	wrdreg s2  }
0xb1: {  	[dreg:$0x4] =	wrdreg s18  }
0xb2: {  	[dreg:$0x5] =	wrdreg $0x9  }
0xb3: {  	_ =	task.clear_ibuf [dreg:s8], $0x6FFFF;
	_ =	strace $0x90000046  }
0xb4: {  	s29 =	simm.s32 $0x9;
	_ =	strace $0x80000048  }
0xb5: {  	_ =	swait.ge [sflag:s29], $0x1  }
0xb6: {  	[sflag:s29] =	ssyncadd.s32 $0xFFFFFFFF  }
0xb7: {  	_ =	strace $0x90000048  }
0xb8: {  	_ =	sfence  }
0xb9: {  	s30 =	sld [smem:$0x0];
	_ =	sdelay $0x2  }
0xba: {  	s31 =	sshll.u32 s1, $0xD;
	s1 =	sshrl.u32 s1, $0x2  }
0xbb: {  	s3 =	sand.u32 $0x4000, s31;
	s1 =	sadd.s32 s1, s30  }
0xbc: {  	s0 =	sor.u32 s3, s0;
	s1 =	sshll.u32 s1, $0x11  }
0xbd: {  	s0 =	sor.u32 s1, s0  }
0xbe: {  	s0 =	sadd.s32 $0x8F2B, s0  }
0xbf: {  	[sflag:s0] =	ssyncadd.remote.s32 $0x1  }
0xc0: {  	_ =	sfence.sel $0xFFFF  }
0xc1: {  	[dreg:$0x0] =	wrdreg $0xFFFFFFFF;
	(pc) =	sbr.abs _section_cstart, $3  }
0xc2: {  	[dreg:$0x1] =	wrdreg $0xFFFFFFFF  }
0xc3: {  	_ =	task.clear_ibuf [dreg:s8], $0x2FFFF;
	_ =	strace $0x9FFFFFFF  }
0xc4: {  	(tm) =	ssettm $0x7FFFFFFF  }
0xc5: {  	_ =	shalt  }
tec
execute0_lowered:
.L_overlay_start_1:
0x0: {  	(tag) =	ssettag $0x1  }
0x1: {  	s0 =	rddreg [dreg:$0x0]  }
0x2: {  	s2 =	rddreg [dreg:$0x1]  }
0x3: {  	s1 =	rddreg [dreg:$0x2];
	s3 =	simm.s32 $0x0  }
0x4: {  	s4 =	srdreg.scid;
	s6 =	stileid.u32;
	s14 =	simm.s32 $0x5  }
0x5: {  	s15 =	simm.s32 $0x1000;
	s16 =	simm.s32 $0x20000;
	s17 =	simm.s32 $0x7D00  }
0x6: {  	s19 =	simm.s32 $0x1;
	s20 =	simm.s32 $0x800;
	s21 =	simm.s32 $0x11D00  }
0x7: {  	s22 =	simm.s32 $0x13D00;
	s23 =	simm.s32 $0x2;
	s24 =	simm.s32 $0x3  }
0x8: {  	s25 =	simm.s32 $0x4;
	s26 =	simm.s32 $0x0;
	[smem:$0x7FF] =	sst s3  }
0x9: {  	s4 =	sand.u32 $0x1, s4;
	s6 =	sshll.u32 s6, $0xA;
	s0 =	sadd.s32 $0x400, s0  }
0xa: {  	_ =	strace $0x80000047;
	s5 =	ssub.s32 $0x2, s4;
	s4 =	sshll.u32 s4, $0x9  }
0xb: {  	[dreg:$0x4] =	wrdreg s0;
	s30 =	sshrl.u32 s5, $0x1;
	s4 =	sor.u32 s4, s6  }
0xc: {  	s0 =	ssub.s32 s5, s30;
	s5 =	sadd.s32 s2, s4;
	s6 =	sadd.s32 s1, s4  }
0xd: {  	s31 =	sshll.u32 s4, $0x3;
	s2 =	sadd.s32 $0x14000, s5;
	s8 =	sadd.s32 $0x100, s6  }
0xe: {  	s9 =	sadd.s32 $0x28000, s5;
	s10 =	sor.u32 $0x800, s31;
	s11 =	sadd.s32 $0x3C000, s5  }
0xf: {  	s12 =	sadd.s32 $0x50000, s5;
	s13 =	smax.u32 s0, $0x1;
	[dreg:$0x5] =	wrdreg s2  }
.LBB2_1:
0x10: {  	s0 =	rddreg [dreg:$0x4]  }
0x11: {  	[tilespmem:s3], [sflag:$0x5] =	stream.linear.gather [hbm4b:s0+s3], $0x7D00, $0x38;
	[tilespmem:$0x15D00] =	vst v63  }
0x12: {  	_ =	swait.ge [sflag:s14], $0x7D00  }
0x13: {  	[sflag:s14] =	ssyncset.done $0x0  }
0x14: {  	[sflag:s14] =	ssyncadd.s32 $0xFFFF8300  }
0x15: {  	[tilespmem:s17], [sflag:$0x1] =	stream.strided.gather [hbm4b:s5+s15], $0x5000, s16, s15, $0x38;
	[tilespmem:$0x15D00] =	vst v63  }
0x16: {  	s2 =	simm.s32 $0xCD00;
	s31 =	rddreg [dreg:$0x5]  }
0x17: {  	[tilespmem:s2], [sflag:$0x2] =	stream.strided.gather [hbm4b:s31+s15], $0x5000, s16, s15, $0x38;
	[tilespmem:$0x15D00] =	vst v63  }
0x18: {  	_ =	swait.ge [sflag:s19], $0x5000  }
0x19: {  	[sflag:s19] =	ssyncset.done $0x0  }
0x1a: {  	s28 =	simm.s32 $0x0;
	[sflag:s19] =	ssyncadd.s32 $0xFFFFB000  }
.LBB2_2:
0x1b: {  	p0 =	seq.s32 s28, $0x0  }
0x1c: {  	s2 =	sshll.u32 s28, $0x9;
	s4 =	sshll.u32 s28, $0x7;
	s0 =	simm.s32 @!p0 $0x3  }
0x1d: {  	s2 =	sand.u32 $0x7000, s2;
	s29 =	sand.u32 $0x380, s4;
	_ =	swait.ge @!p0 [sflag:s0], $0x2000  }
0x1e: {  	s30 =	sadd.s32 $0x7D00, s2;
	s2 =	simm.s32 $0x0;
	[sflag:s0] =	ssyncset.done @!p0 $0x0  }
0x1f: {  	s31 =	sadd.s32 s29, s30;
	[sflag:s0] =	ssyncadd.s32 @!p0 $0xFFFFE000;
	s0 =	simm.s32 $0x0  }
.LBB2_3:
0x20: {  	s18 =	sand.u32 $0x400, s0  }
0x21: {  	s4 =	sand.u32 $0x70, s2;
	s7 =	sadd.s32 s18, s31  }
0x22: {  	s7 =	sadd.s32 s4, s7  }
0x23: {  	v0 =	vld [tilespmem:s7+$0x0];
	_ =	sdelay $0x4  }
0x24: {  	v1 =	vadd.s32 $0x3E8, v0  }
0x25: {  	v2 =	vadd.s32 $0x7D0, v0  }
0x26: {  	v3 =	vadd.s32 $0xBB8, v0  }
0x27: {  	v4 =	vadd.s32 $0xFA0, v0  }
0x28: {  	v6 =	vadd.s32 $0x1388, v0;
	v5 =	vld.idx.msk [tilespmem:v0+s3+$0x0], $0xffff  }
0x29: {  	v7 =	vadd.s32 $0x1770, v0;
	v1 =	vld.idx.msk [tilespmem:v1+s3+$0x0], $0xffff  }
0x2a: {  	v8 =	vadd.s32 $0x1B58, v0;
	v2 =	vld.idx.msk [tilespmem:v2+s3+$0x0], $0xffff  }
0x2b: {  	v9 =	vadd.s32 $0x1F40, v0;
	v3 =	vld.idx.msk [tilespmem:v3+s3+$0x0], $0xffff  }
0x2c: {  	v10 =	vadd.s32 $0x2328, v0;
	v4 =	vld.idx.msk [tilespmem:v4+s3+$0x0], $0xffff  }
0x2d: {  	v11 =	vadd.s32 $0x2710, v0;
	v6 =	vld.idx.msk [tilespmem:v6+s3+$0x0], $0xffff  }
0x2e: {  	v12 =	vadd.s32 $0x2AF8, v0;
	v7 =	vld.idx.msk [tilespmem:v7+s3+$0x0], $0xffff  }
0x2f: {  	v13 =	vadd.s32 $0x2EE0, v0;
	v8 =	vld.idx.msk [tilespmem:v8+s3+$0x0], $0xffff  }
0x30: {  	v14 =	vadd.s32 $0x32C8, v0;
	v9 =	vld.idx.msk [tilespmem:v9+s3+$0x0], $0xffff  }
0x31: {  	v15 =	vadd.s32 $0x36B0, v0;
	v10 =	vld.idx.msk [tilespmem:v10+s3+$0x0], $0xffff  }
0x32: {  	v16 =	vadd.s32 $0x3A98, v0;
	v11 =	vld.idx.msk [tilespmem:v11+s3+$0x0], $0xffff  }
0x33: {  	v17 =	vadd.s32 $0x3E80, v0;
	v12 =	vld.idx.msk [tilespmem:v12+s3+$0x0], $0xffff  }
0x34: {  	v18 =	vadd.s32 $0x4268, v0;
	v13 =	vld.idx.msk [tilespmem:v13+s3+$0x0], $0xffff  }
0x35: {  	v19 =	vadd.s32 $0x4650, v0;
	v14 =	vld.idx.msk [tilespmem:v14+s3+$0x0], $0xffff  }
0x36: {  	v20 =	vadd.s32 $0x4A38, v0;
	v15 =	vld.idx.msk [tilespmem:v15+s3+$0x0], $0xffff  }
0x37: {  	v21 =	vadd.s32 $0x4E20, v0;
	v16 =	vld.idx.msk [tilespmem:v16+s3+$0x0], $0xffff  }
0x38: {  	v22 =	vadd.s32 $0x5208, v0;
	v17 =	vld.idx.msk [tilespmem:v17+s3+$0x0], $0xffff  }
0x39: {  	v23 =	vadd.s32 $0x55F0, v0;
	v18 =	vld.idx.msk [tilespmem:v18+s3+$0x0], $0xffff  }
0x3a: {  	v24 =	vadd.s32 $0x59D8, v0;
	v19 =	vld.idx.msk [tilespmem:v19+s3+$0x0], $0xffff  }
0x3b: {  	v25 =	vadd.s32 $0x5DC0, v0;
	v20 =	vld.idx.msk [tilespmem:v20+s3+$0x0], $0xffff  }
0x3c: {  	v26 =	vadd.s32 $0x61A8, v0;
	v21 =	vld.idx.msk [tilespmem:v21+s3+$0x0], $0xffff  }
0x3d: {  	v27 =	vadd.s32 $0x6590, v0;
	v22 =	vld.idx.msk [tilespmem:v22+s3+$0x0], $0xffff  }
0x3e: {  	v28 =	vadd.s32 $0x6978, v0;
	v23 =	vld.idx.msk [tilespmem:v23+s3+$0x0], $0xffff  }
0x3f: {  	v29 =	vadd.s32 $0x6D60, v0;
	v24 =	vld.idx.msk [tilespmem:v24+s3+$0x0], $0xffff  }
0x40: {  	v30 =	vadd.s32 $0x7148, v0;
	v25 =	vld.idx.msk [tilespmem:v25+s3+$0x0], $0xffff  }
0x41: {  	v31 =	vadd.s32 $0x7530, v0;
	v26 =	vld.idx.msk [tilespmem:v26+s3+$0x0], $0xffff  }
0x42: {  	v0 =	vadd.s32 $0x7918, v0;
	v27 =	vld.idx.msk [tilespmem:v27+s3+$0x0], $0xffff  }
0x43: {  	v28 =	vld.idx.msk [tilespmem:v28+s3+$0x0], $0xffff  }
0x44: {  	v29 =	vld.idx.msk [tilespmem:v29+s3+$0x0], $0xffff  }
0x45: {  	v30 =	vld.idx.msk [tilespmem:v30+s3+$0x0], $0xffff  }
0x46: {  	s4 =	sor.u32 s4, s18;
	v31 =	vld.idx.msk [tilespmem:v31+s3+$0x0], $0xffff  }
0x47: {  	s7 =	sadd.s32 $0x11D00, s4;
	v0 =	vld.idx.msk [tilespmem:v0+s3+$0x0], $0xffff;
	[tilespmem:s4+$0x11D00] =	vst v5  }
0x48: {  	[tilespmem:s7+$0x80] =	vst v1  }
0x49: {  	[tilespmem:s7+$0x100] =	vst v2  }
0x4a: {  	[tilespmem:s7+$0x180] =	vst v3  }
0x4b: {  	[tilespmem:s7+$0x200] =	vst v4  }
0x4c: {  	s18 =	sor.u32 s0, s2;
	[tilespmem:s7+$0x280] =	vst v6  }
0x4d: {  	s18 =	sor.u32 $0x380, s18;
	[tilespmem:s7+$0x300] =	vst v7  }
0x4e: {  	[tilespmem:s18+$0x11D00] =	vst v8  }
0x4f: {  	[tilespmem:s4+$0x12500] =	vst v9  }
0x50: {  	[tilespmem:s4+$0x12580] =	vst v10  }
0x51: {  	[tilespmem:s4+$0x12600] =	vst v11  }
0x52: {  	[tilespmem:s4+$0x12680] =	vst v12  }
0x53: {  	[tilespmem:s4+$0x12700] =	vst v13  }
0x54: {  	[tilespmem:s4+$0x12780] =	vst v14  }
0x55: {  	[tilespmem:s4+$0x12800] =	vst v15  }
0x56: {  	[tilespmem:s4+$0x12880] =	vst v16  }
0x57: {  	[tilespmem:s4+$0x12D00] =	vst v17  }
0x58: {  	[tilespmem:s4+$0x12D80] =	vst v18  }
0x59: {  	[tilespmem:s4+$0x12E00] =	vst v19  }
0x5a: {  	[tilespmem:s4+$0x12E80] =	vst v20  }
0x5b: {  	[tilespmem:s4+$0x12F00] =	vst v21  }
0x5c: {  	[tilespmem:s4+$0x12F80] =	vst v22  }
0x5d: {  	[tilespmem:s4+$0x13000] =	vst v23  }
0x5e: {  	[tilespmem:s4+$0x13080] =	vst v24  }
0x5f: {  	[tilespmem:s4+$0x13500] =	vst v25  }
0x60: {  	[tilespmem:s4+$0x13580] =	vst v26  }
0x61: {  	p1 =	sne.s32 s2, $0xF0;
	[tilespmem:s4+$0x13600] =	vst v27  }
.Ltmp0:
0x62: {  	[tilespmem:s4+$0x13680] =	vst v28;
	(pc) =	sbr.rel @p1 .LBB2_3-.Ltmp0, $4  }
0x63: {  	[tilespmem:s4+$0x13700] =	vst v29  }
0x64: {  	[tilespmem:s4+$0x13780] =	vst v30  }
0x65: {  	[tilespmem:s4+$0x13800] =	vst v31  }
0x66: {  	s0 =	sadd.s32 $0x80, s0;
	s2 =	sadd.s32 $0x10, s2;
	[tilespmem:s4+$0x13880] =	vst v0  }
0x67: {  	s31 =	sshll.u32 s28, $0x10  }
0x68: {  	s0 =	sadd.s32 s31, s6  }
0x69: {  	[hbm4b:s0+s20] =	stream.strided.scatter [tilespmem:s21], [sflag:$0x3], $0x2000, s16, s20, $0x38;
	[tilespmem:$0x15D00] =	vst v63  }
0x6a: {  	s0 =	simm.s32 @!p0 $0x4  }
0x6b: {  	_ =	swait.ge @!p0 [sflag:s0], $0x2000  }
0x6c: {  	[sflag:s0] =	ssyncset.done @!p0 $0x0  }
0x6d: {  	s2 =	simm.s32 $0x0;
	[sflag:s0] =	ssyncadd.s32 @!p0 $0xFFFFE000;
	s0 =	simm.s32 $0x0  }
.LBB2_5:
0x6e: {  	s18 =	sand.u32 $0x400, s0  }
0x6f: {  	s7 =	sadd.s32 s18, s30  }
0x70: {  	s4 =	sand.u32 $0x70, s2;
	s7 =	sadd.s32 s29, s7  }
0x71: {  	s7 =	sadd.s32 s4, s7  }
0x72: {  	v0 =	vld [tilespmem:s7+$0x800];
	_ =	sdelay $0x4  }
0x73: {  	v1 =	vadd.s32 $0x3E8, v0  }
0x74: {  	v2 =	vadd.s32 $0x7D0, v0  }
0x75: {  	v3 =	vadd.s32 $0xBB8, v0  }
0x76: {  	v4 =	vadd.s32 $0xFA0, v0  }
0x77: {  	v6 =	vadd.s32 $0x1388, v0;
	v5 =	vld.idx.msk [tilespmem:v0+s3+$0x0], $0xffff  }
0x78: {  	v7 =	vadd.s32 $0x1770, v0;
	v1 =	vld.idx.msk [tilespmem:v1+s3+$0x0], $0xffff  }
0x79: {  	v8 =	vadd.s32 $0x1B58, v0;
	v2 =	vld.idx.msk [tilespmem:v2+s3+$0x0], $0xffff  }
0x7a: {  	v9 =	vadd.s32 $0x1F40, v0;
	v3 =	vld.idx.msk [tilespmem:v3+s3+$0x0], $0xffff  }
0x7b: {  	v10 =	vadd.s32 $0x2328, v0;
	v4 =	vld.idx.msk [tilespmem:v4+s3+$0x0], $0xffff  }
0x7c: {  	v11 =	vadd.s32 $0x2710, v0;
	v6 =	vld.idx.msk [tilespmem:v6+s3+$0x0], $0xffff  }
0x7d: {  	v12 =	vadd.s32 $0x2AF8, v0;
	v7 =	vld.idx.msk [tilespmem:v7+s3+$0x0], $0xffff  }
0x7e: {  	v13 =	vadd.s32 $0x2EE0, v0;
	v8 =	vld.idx.msk [tilespmem:v8+s3+$0x0], $0xffff  }
0x7f: {  	v14 =	vadd.s32 $0x32C8, v0;
	v9 =	vld.idx.msk [tilespmem:v9+s3+$0x0], $0xffff  }
0x80: {  	v15 =	vadd.s32 $0x36B0, v0;
	v10 =	vld.idx.msk [tilespmem:v10+s3+$0x0], $0xffff  }
0x81: {  	v16 =	vadd.s32 $0x3A98, v0;
	v11 =	vld.idx.msk [tilespmem:v11+s3+$0x0], $0xffff  }
0x82: {  	v17 =	vadd.s32 $0x3E80, v0;
	v12 =	vld.idx.msk [tilespmem:v12+s3+$0x0], $0xffff  }
0x83: {  	v18 =	vadd.s32 $0x4268, v0;
	v13 =	vld.idx.msk [tilespmem:v13+s3+$0x0], $0xffff  }
0x84: {  	v19 =	vadd.s32 $0x4650, v0;
	v14 =	vld.idx.msk [tilespmem:v14+s3+$0x0], $0xffff  }
0x85: {  	v20 =	vadd.s32 $0x4A38, v0;
	v15 =	vld.idx.msk [tilespmem:v15+s3+$0x0], $0xffff  }
0x86: {  	v21 =	vadd.s32 $0x4E20, v0;
	v16 =	vld.idx.msk [tilespmem:v16+s3+$0x0], $0xffff  }
0x87: {  	v22 =	vadd.s32 $0x5208, v0;
	v17 =	vld.idx.msk [tilespmem:v17+s3+$0x0], $0xffff  }
0x88: {  	v23 =	vadd.s32 $0x55F0, v0;
	v18 =	vld.idx.msk [tilespmem:v18+s3+$0x0], $0xffff  }
0x89: {  	v24 =	vadd.s32 $0x59D8, v0;
	v19 =	vld.idx.msk [tilespmem:v19+s3+$0x0], $0xffff  }
0x8a: {  	v25 =	vadd.s32 $0x5DC0, v0;
	v20 =	vld.idx.msk [tilespmem:v20+s3+$0x0], $0xffff  }
0x8b: {  	v26 =	vadd.s32 $0x61A8, v0;
	v21 =	vld.idx.msk [tilespmem:v21+s3+$0x0], $0xffff  }
0x8c: {  	v27 =	vadd.s32 $0x6590, v0;
	v22 =	vld.idx.msk [tilespmem:v22+s3+$0x0], $0xffff  }
0x8d: {  	v28 =	vadd.s32 $0x6978, v0;
	v23 =	vld.idx.msk [tilespmem:v23+s3+$0x0], $0xffff  }
0x8e: {  	v29 =	vadd.s32 $0x6D60, v0;
	v24 =	vld.idx.msk [tilespmem:v24+s3+$0x0], $0xffff  }
0x8f: {  	v30 =	vadd.s32 $0x7148, v0;
	v25 =	vld.idx.msk [tilespmem:v25+s3+$0x0], $0xffff  }
0x90: {  	v31 =	vadd.s32 $0x7530, v0;
	v26 =	vld.idx.msk [tilespmem:v26+s3+$0x0], $0xffff  }
0x91: {  	v0 =	vadd.s32 $0x7918, v0;
	v27 =	vld.idx.msk [tilespmem:v27+s3+$0x0], $0xffff  }
0x92: {  	v28 =	vld.idx.msk [tilespmem:v28+s3+$0x0], $0xffff  }
0x93: {  	v29 =	vld.idx.msk [tilespmem:v29+s3+$0x0], $0xffff  }
0x94: {  	v30 =	vld.idx.msk [tilespmem:v30+s3+$0x0], $0xffff  }
0x95: {  	s4 =	sor.u32 s4, s18;
	v31 =	vld.idx.msk [tilespmem:v31+s3+$0x0], $0xffff  }
0x96: {  	s7 =	sadd.s32 $0x13D00, s4;
	v0 =	vld.idx.msk [tilespmem:v0+s3+$0x0], $0xffff;
	[tilespmem:s4+$0x13D00] =	vst v5  }
0x97: {  	[tilespmem:s7+$0x80] =	vst v1  }
0x98: {  	[tilespmem:s7+$0x100] =	vst v2  }
0x99: {  	[tilespmem:s7+$0x180] =	vst v3  }
0x9a: {  	[tilespmem:s7+$0x200] =	vst v4  }
0x9b: {  	s18 =	sor.u32 s0, s2;
	[tilespmem:s7+$0x280] =	vst v6  }
0x9c: {  	s18 =	sor.u32 $0x380, s18;
	[tilespmem:s7+$0x300] =	vst v7  }
0x9d: {  	[tilespmem:s18+$0x13D00] =	vst v8  }
0x9e: {  	[tilespmem:s4+$0x14500] =	vst v9  }
0x9f: {  	[tilespmem:s4+$0x14580] =	vst v10  }
0xa0: {  	[tilespmem:s4+$0x14600] =	vst v11  }
0xa1: {  	[tilespmem:s4+$0x14680] =	vst v12  }
0xa2: {  	[tilespmem:s4+$0x14700] =	vst v13  }
0xa3: {  	[tilespmem:s4+$0x14780] =	vst v14  }
0xa4: {  	[tilespmem:s4+$0x14800] =	vst v15  }
0xa5: {  	[tilespmem:s4+$0x14880] =	vst v16  }
0xa6: {  	[tilespmem:s4+$0x14D00] =	vst v17  }
0xa7: {  	[tilespmem:s4+$0x14D80] =	vst v18  }
0xa8: {  	[tilespmem:s4+$0x14E00] =	vst v19  }
0xa9: {  	[tilespmem:s4+$0x14E80] =	vst v20  }
0xaa: {  	[tilespmem:s4+$0x14F00] =	vst v21  }
0xab: {  	[tilespmem:s4+$0x14F80] =	vst v22  }
0xac: {  	[tilespmem:s4+$0x15000] =	vst v23  }
0xad: {  	[tilespmem:s4+$0x15080] =	vst v24  }
0xae: {  	[tilespmem:s4+$0x15500] =	vst v25  }
0xaf: {  	[tilespmem:s4+$0x15580] =	vst v26  }
0xb0: {  	p0 =	sne.s32 s2, $0xF0;
	[tilespmem:s4+$0x15600] =	vst v27  }
.Ltmp1:
0xb1: {  	[tilespmem:s4+$0x15680] =	vst v28;
	(pc) =	sbr.rel @p0 .LBB2_5-.Ltmp1, $4  }
0xb2: {  	[tilespmem:s4+$0x15700] =	vst v29  }
0xb3: {  	[tilespmem:s4+$0x15780] =	vst v30  }
0xb4: {  	[tilespmem:s4+$0x15800] =	vst v31  }
0xb5: {  	s0 =	sadd.s32 $0x80, s0;
	s2 =	sadd.s32 $0x10, s2;
	[tilespmem:s4+$0x15880] =	vst v0  }
0xb6: {  	s28 =	sadd.s32 $0x1, s28  }
0xb7: {  	p0 =	sne.s32 s28, $0x28  }
.Ltmp2:
0xb8: {  	_ = 	snop;
	(pc) =	sbr.rel @p0 .LBB2_2-.Ltmp2, $3  }
0xb9: {  	_ =	sdelay $0x1  }
0xba: {  	s0 =	sadd.s32 s31, s8  }
0xbb: {  	[hbm4b:s0+s20] =	stream.strided.scatter [tilespmem:s22], [sflag:$0x4], $0x2000, s16, s20, $0x38;
	[tilespmem:$0x15D00] =	vst v63  }
0xbc: {  	[tilespmem:s17], [sflag:$0x1] =	stream.strided.gather [hbm4b:s9+s15], $0x5000, s16, s15, $0x38;
	[tilespmem:$0x15D00] =	vst v63  }
0xbd: {  	_ =	swait.ge [sflag:s23], $0x5000  }
0xbe: {  	[sflag:s23] =	ssyncset.done $0x0  }
0xbf: {  	s28 =	simm.s32 $0x0;
	[sflag:s23] =	ssyncadd.s32 $0xFFFFB000  }
.LBB2_8:
0xc0: {  	_ =	swait.ge [sflag:s24], $0x2000;
	s0 =	sshll.u32 s28, $0x9  }
0xc1: {  	s2 =	sshll.u32 s28, $0x7;
	[sflag:s24] =	ssyncset.done $0x0;
	s0 =	sand.u32 $0x7000, s0  }
0xc2: {  	s29 =	sand.u32 $0x380, s2;
	s2 =	simm.s32 $0x0;
	s30 =	sadd.s32 $0xCD00, s0  }
0xc3: {  	[sflag:s24] =	ssyncadd.s32 $0xFFFFE000;
	s0 =	simm.s32 $0x0;
	s31 =	sadd.s32 s29, s30  }
.LBB2_9:
0xc4: {  	s18 =	sand.u32 $0x400, s0  }
0xc5: {  	s4 =	sand.u32 $0x70, s2;
	s7 =	sadd.s32 s18, s31  }
0xc6: {  	s7 =	sadd.s32 s4, s7  }
0xc7: {  	v0 =	vld [tilespmem:s7+$0x0];
	_ =	sdelay $0x4  }
0xc8: {  	v1 =	vadd.s32 $0x3E8, v0  }
0xc9: {  	v2 =	vadd.s32 $0x7D0, v0  }
0xca: {  	v3 =	vadd.s32 $0xBB8, v0  }
0xcb: {  	v4 =	vadd.s32 $0xFA0, v0  }
0xcc: {  	v6 =	vadd.s32 $0x1388, v0;
	v5 =	vld.idx.msk [tilespmem:v0+s3+$0x0], $0xffff  }
0xcd: {  	v7 =	vadd.s32 $0x1770, v0;
	v1 =	vld.idx.msk [tilespmem:v1+s3+$0x0], $0xffff  }
0xce: {  	v8 =	vadd.s32 $0x1B58, v0;
	v2 =	vld.idx.msk [tilespmem:v2+s3+$0x0], $0xffff  }
0xcf: {  	v9 =	vadd.s32 $0x1F40, v0;
	v3 =	vld.idx.msk [tilespmem:v3+s3+$0x0], $0xffff  }
0xd0: {  	v10 =	vadd.s32 $0x2328, v0;
	v4 =	vld.idx.msk [tilespmem:v4+s3+$0x0], $0xffff  }
0xd1: {  	v11 =	vadd.s32 $0x2710, v0;
	v6 =	vld.idx.msk [tilespmem:v6+s3+$0x0], $0xffff  }
0xd2: {  	v12 =	vadd.s32 $0x2AF8, v0;
	v7 =	vld.idx.msk [tilespmem:v7+s3+$0x0], $0xffff  }
0xd3: {  	v13 =	vadd.s32 $0x2EE0, v0;
	v8 =	vld.idx.msk [tilespmem:v8+s3+$0x0], $0xffff  }
0xd4: {  	v14 =	vadd.s32 $0x32C8, v0;
	v9 =	vld.idx.msk [tilespmem:v9+s3+$0x0], $0xffff  }
0xd5: {  	v15 =	vadd.s32 $0x36B0, v0;
	v10 =	vld.idx.msk [tilespmem:v10+s3+$0x0], $0xffff  }
0xd6: {  	v16 =	vadd.s32 $0x3A98, v0;
	v11 =	vld.idx.msk [tilespmem:v11+s3+$0x0], $0xffff  }
0xd7: {  	v17 =	vadd.s32 $0x3E80, v0;
	v12 =	vld.idx.msk [tilespmem:v12+s3+$0x0], $0xffff  }
0xd8: {  	v18 =	vadd.s32 $0x4268, v0;
	v13 =	vld.idx.msk [tilespmem:v13+s3+$0x0], $0xffff  }
0xd9: {  	v19 =	vadd.s32 $0x4650, v0;
	v14 =	vld.idx.msk [tilespmem:v14+s3+$0x0], $0xffff  }
0xda: {  	v20 =	vadd.s32 $0x4A38, v0;
	v15 =	vld.idx.msk [tilespmem:v15+s3+$0x0], $0xffff  }
0xdb: {  	v21 =	vadd.s32 $0x4E20, v0;
	v16 =	vld.idx.msk [tilespmem:v16+s3+$0x0], $0xffff  }
0xdc: {  	v22 =	vadd.s32 $0x5208, v0;
	v17 =	vld.idx.msk [tilespmem:v17+s3+$0x0], $0xffff  }
0xdd: {  	v23 =	vadd.s32 $0x55F0, v0;
	v18 =	vld.idx.msk [tilespmem:v18+s3+$0x0], $0xffff  }
0xde: {  	v24 =	vadd.s32 $0x59D8, v0;
	v19 =	vld.idx.msk [tilespmem:v19+s3+$0x0], $0xffff  }
0xdf: {  	v25 =	vadd.s32 $0x5DC0, v0;
	v20 =	vld.idx.msk [tilespmem:v20+s3+$0x0], $0xffff  }
0xe0: {  	v26 =	vadd.s32 $0x61A8, v0;
	v21 =	vld.idx.msk [tilespmem:v21+s3+$0x0], $0xffff  }
0xe1: {  	v27 =	vadd.s32 $0x6590, v0;
	v22 =	vld.idx.msk [tilespmem:v22+s3+$0x0], $0xffff  }
0xe2: {  	v28 =	vadd.s32 $0x6978, v0;
	v23 =	vld.idx.msk [tilespmem:v23+s3+$0x0], $0xffff  }
0xe3: {  	v29 =	vadd.s32 $0x6D60, v0;
	v24 =	vld.idx.msk [tilespmem:v24+s3+$0x0], $0xffff  }
0xe4: {  	v30 =	vadd.s32 $0x7148, v0;
	v25 =	vld.idx.msk [tilespmem:v25+s3+$0x0], $0xffff  }
0xe5: {  	v31 =	vadd.s32 $0x7530, v0;
	v26 =	vld.idx.msk [tilespmem:v26+s3+$0x0], $0xffff  }
0xe6: {  	v0 =	vadd.s32 $0x7918, v0;
	v27 =	vld.idx.msk [tilespmem:v27+s3+$0x0], $0xffff  }
0xe7: {  	v28 =	vld.idx.msk [tilespmem:v28+s3+$0x0], $0xffff  }
0xe8: {  	v29 =	vld.idx.msk [tilespmem:v29+s3+$0x0], $0xffff  }
0xe9: {  	v30 =	vld.idx.msk [tilespmem:v30+s3+$0x0], $0xffff  }
0xea: {  	s4 =	sor.u32 s4, s18;
	v31 =	vld.idx.msk [tilespmem:v31+s3+$0x0], $0xffff  }
0xeb: {  	s7 =	sadd.s32 $0x11D00, s4;
	v0 =	vld.idx.msk [tilespmem:v0+s3+$0x0], $0xffff;
	[tilespmem:s4+$0x11D00] =	vst v5  }
0xec: {  	[tilespmem:s7+$0x80] =	vst v1  }
0xed: {  	[tilespmem:s7+$0x100] =	vst v2  }
0xee: {  	[tilespmem:s7+$0x180] =	vst v3  }
0xef: {  	[tilespmem:s7+$0x200] =	vst v4  }
0xf0: {  	s18 =	sor.u32 s0, s2;
	[tilespmem:s7+$0x280] =	vst v6  }
0xf1: {  	s18 =	sor.u32 $0x380, s18;
	[tilespmem:s7+$0x300] =	vst v7  }
0xf2: {  	[tilespmem:s18+$0x11D00] =	vst v8  }
0xf3: {  	[tilespmem:s4+$0x12500] =	vst v9  }
0xf4: {  	[tilespmem:s4+$0x12580] =	vst v10  }
0xf5: {  	[tilespmem:s4+$0x12600] =	vst v11  }
0xf6: {  	[tilespmem:s4+$0x12680] =	vst v12  }
0xf7: {  	[tilespmem:s4+$0x12700] =	vst v13  }
0xf8: {  	[tilespmem:s4+$0x12780] =	vst v14  }
0xf9: {  	[tilespmem:s4+$0x12800] =	vst v15  }
0xfa: {  	[tilespmem:s4+$0x12880] =	vst v16  }
0xfb: {  	[tilespmem:s4+$0x12D00] =	vst v17  }
0xfc: {  	[tilespmem:s4+$0x12D80] =	vst v18  }
0xfd: {  	[tilespmem:s4+$0x12E00] =	vst v19  }
0xfe: {  	[tilespmem:s4+$0x12E80] =	vst v20  }
0xff: {  	[tilespmem:s4+$0x12F00] =	vst v21  }
0x100: {  	[tilespmem:s4+$0x12F80] =	vst v22  }
0x101: {  	[tilespmem:s4+$0x13000] =	vst v23  }
0x102: {  	[tilespmem:s4+$0x13080] =	vst v24  }
0x103: {  	[tilespmem:s4+$0x13500] =	vst v25  }
0x104: {  	[tilespmem:s4+$0x13580] =	vst v26  }
0x105: {  	p0 =	sne.s32 s2, $0xF0;
	[tilespmem:s4+$0x13600] =	vst v27  }
.Ltmp3:
0x106: {  	[tilespmem:s4+$0x13680] =	vst v28;
	(pc) =	sbr.rel @p0 .LBB2_9-.Ltmp3, $4  }
0x107: {  	[tilespmem:s4+$0x13700] =	vst v29  }
0x108: {  	[tilespmem:s4+$0x13780] =	vst v30  }
0x109: {  	[tilespmem:s4+$0x13800] =	vst v31  }
0x10a: {  	s0 =	sadd.s32 $0x80, s0;
	s2 =	sadd.s32 $0x10, s2;
	[tilespmem:s4+$0x13880] =	vst v0  }
0x10b: {  	s0 =	sshll.u32 s28, $0x13  }
0x10c: {  	s31 =	sadd.s32 $0x1400000, s0  }
0x10d: {  	s0 =	sshrl.u32 s31, $0x3  }
0x10e: {  	s0 =	sadd.s32 s0, s6  }
0x10f: {  	[hbm4b:s0+s20] =	stream.strided.scatter [tilespmem:s21], [sflag:$0x3], $0x2000, s16, s20, $0x38;
	[tilespmem:$0x15D00] =	vst v63  }
0x110: {  	_ =	swait.ge [sflag:s25], $0x2000  }
0x111: {  	[sflag:s25] =	ssyncset.done $0x0  }
0x112: {  	s2 =	simm.s32 $0x0;
	s0 =	simm.s32 $0x0;
	[sflag:s25] =	ssyncadd.s32 $0xFFFFE000  }
.LBB2_11:
0x113: {  	s18 =	sand.u32 $0x400, s0  }
0x114: {  	s7 =	sadd.s32 s18, s30  }
0x115: {  	s4 =	sand.u32 $0x70, s2;
	s7 =	sadd.s32 s29, s7  }
0x116: {  	s7 =	sadd.s32 s4, s7  }
0x117: {  	v0 =	vld [tilespmem:s7+$0x800];
	_ =	sdelay $0x4  }
0x118: {  	v1 =	vadd.s32 $0x3E8, v0  }
0x119: {  	v2 =	vadd.s32 $0x7D0, v0  }
0x11a: {  	v3 =	vadd.s32 $0xBB8, v0  }
0x11b: {  	v4 =	vadd.s32 $0xFA0, v0  }
0x11c: {  	v6 =	vadd.s32 $0x1388, v0;
	v5 =	vld.idx.msk [tilespmem:v0+s3+$0x0], $0xffff  }
0x11d: {  	v7 =	vadd.s32 $0x1770, v0;
	v1 =	vld.idx.msk [tilespmem:v1+s3+$0x0], $0xffff  }
0x11e: {  	v8 =	vadd.s32 $0x1B58, v0;
	v2 =	vld.idx.msk [tilespmem:v2+s3+$0x0], $0xffff  }
0x11f: {  	v9 =	vadd.s32 $0x1F40, v0;
	v3 =	vld.idx.msk [tilespmem:v3+s3+$0x0], $0xffff  }
0x120: {  	v10 =	vadd.s32 $0x2328, v0;
	v4 =	vld.idx.msk [tilespmem:v4+s3+$0x0], $0xffff  }
0x121: {  	v11 =	vadd.s32 $0x2710, v0;
	v6 =	vld.idx.msk [tilespmem:v6+s3+$0x0], $0xffff  }
0x122: {  	v12 =	vadd.s32 $0x2AF8, v0;
	v7 =	vld.idx.msk [tilespmem:v7+s3+$0x0], $0xffff  }
0x123: {  	v13 =	vadd.s32 $0x2EE0, v0;
	v8 =	vld.idx.msk [tilespmem:v8+s3+$0x0], $0xffff  }
0x124: {  	v14 =	vadd.s32 $0x32C8, v0;
	v9 =	vld.idx.msk [tilespmem:v9+s3+$0x0], $0xffff  }
0x125: {  	v15 =	vadd.s32 $0x36B0, v0;
	v10 =	vld.idx.msk [tilespmem:v10+s3+$0x0], $0xffff  }
0x126: {  	v16 =	vadd.s32 $0x3A98, v0;
	v11 =	vld.idx.msk [tilespmem:v11+s3+$0x0], $0xffff  }
0x127: {  	v17 =	vadd.s32 $0x3E80, v0;
	v12 =	vld.idx.msk [tilespmem:v12+s3+$0x0], $0xffff  }
0x128: {  	v18 =	vadd.s32 $0x4268, v0;
	v13 =	vld.idx.msk [tilespmem:v13+s3+$0x0], $0xffff  }
0x129: {  	v19 =	vadd.s32 $0x4650, v0;
	v14 =	vld.idx.msk [tilespmem:v14+s3+$0x0], $0xffff  }
0x12a: {  	v20 =	vadd.s32 $0x4A38, v0;
	v15 =	vld.idx.msk [tilespmem:v15+s3+$0x0], $0xffff  }
0x12b: {  	v21 =	vadd.s32 $0x4E20, v0;
	v16 =	vld.idx.msk [tilespmem:v16+s3+$0x0], $0xffff  }
0x12c: {  	v22 =	vadd.s32 $0x5208, v0;
	v17 =	vld.idx.msk [tilespmem:v17+s3+$0x0], $0xffff  }
0x12d: {  	v23 =	vadd.s32 $0x55F0, v0;
	v18 =	vld.idx.msk [tilespmem:v18+s3+$0x0], $0xffff  }
0x12e: {  	v24 =	vadd.s32 $0x59D8, v0;
	v19 =	vld.idx.msk [tilespmem:v19+s3+$0x0], $0xffff  }
0x12f: {  	v25 =	vadd.s32 $0x5DC0, v0;
	v20 =	vld.idx.msk [tilespmem:v20+s3+$0x0], $0xffff  }
0x130: {  	v26 =	vadd.s32 $0x61A8, v0;
	v21 =	vld.idx.msk [tilespmem:v21+s3+$0x0], $0xffff  }
0x131: {  	v27 =	vadd.s32 $0x6590, v0;
	v22 =	vld.idx.msk [tilespmem:v22+s3+$0x0], $0xffff  }
0x132: {  	v28 =	vadd.s32 $0x6978, v0;
	v23 =	vld.idx.msk [tilespmem:v23+s3+$0x0], $0xffff  }
0x133: {  	v29 =	vadd.s32 $0x6D60, v0;
	v24 =	vld.idx.msk [tilespmem:v24+s3+$0x0], $0xffff  }
0x134: {  	v30 =	vadd.s32 $0x7148, v0;
	v25 =	vld.idx.msk [tilespmem:v25+s3+$0x0], $0xffff  }
0x135: {  	v31 =	vadd.s32 $0x7530, v0;
	v26 =	vld.idx.msk [tilespmem:v26+s3+$0x0], $0xffff  }
0x136: {  	v0 =	vadd.s32 $0x7918, v0;
	v27 =	vld.idx.msk [tilespmem:v27+s3+$0x0], $0xffff  }
0x137: {  	v28 =	vld.idx.msk [tilespmem:v28+s3+$0x0], $0xffff  }
0x138: {  	v29 =	vld.idx.msk [tilespmem:v29+s3+$0x0], $0xffff  }
0x139: {  	v30 =	vld.idx.msk [tilespmem:v30+s3+$0x0], $0xffff  }
0x13a: {  	s4 =	sor.u32 s4, s18;
	v31 =	vld.idx.msk [tilespmem:v31+s3+$0x0], $0xffff  }
0x13b: {  	s7 =	sadd.s32 $0x13D00, s4;
	v0 =	vld.idx.msk [tilespmem:v0+s3+$0x0], $0xffff;
	[tilespmem:s4+$0x13D00] =	vst v5  }
0x13c: {  	[tilespmem:s7+$0x80] =	vst v1  }
0x13d: {  	[tilespmem:s7+$0x100] =	vst v2  }
0x13e: {  	[tilespmem:s7+$0x180] =	vst v3  }
0x13f: {  	[tilespmem:s7+$0x200] =	vst v4  }
0x140: {  	s18 =	sor.u32 s0, s2;
	[tilespmem:s7+$0x280] =	vst v6  }
0x141: {  	s18 =	sor.u32 $0x380, s18;
	[tilespmem:s7+$0x300] =	vst v7  }
0x142: {  	[tilespmem:s18+$0x13D00] =	vst v8  }
0x143: {  	[tilespmem:s4+$0x14500] =	vst v9  }
0x144: {  	[tilespmem:s4+$0x14580] =	vst v10  }
0x145: {  	[tilespmem:s4+$0x14600] =	vst v11  }
0x146: {  	[tilespmem:s4+$0x14680] =	vst v12  }
0x147: {  	[tilespmem:s4+$0x14700] =	vst v13  }
0x148: {  	[tilespmem:s4+$0x14780] =	vst v14  }
0x149: {  	[tilespmem:s4+$0x14800] =	vst v15  }
0x14a: {  	[tilespmem:s4+$0x14880] =	vst v16  }
0x14b: {  	[tilespmem:s4+$0x14D00] =	vst v17  }
0x14c: {  	[tilespmem:s4+$0x14D80] =	vst v18  }
0x14d: {  	[tilespmem:s4+$0x14E00] =	vst v19  }
0x14e: {  	[tilespmem:s4+$0x14E80] =	vst v20  }
0x14f: {  	[tilespmem:s4+$0x14F00] =	vst v21  }
0x150: {  	[tilespmem:s4+$0x14F80] =	vst v22  }
0x151: {  	[tilespmem:s4+$0x15000] =	vst v23  }
0x152: {  	[tilespmem:s4+$0x15080] =	vst v24  }
0x153: {  	[tilespmem:s4+$0x15500] =	vst v25  }
0x154: {  	[tilespmem:s4+$0x15580] =	vst v26  }
0x155: {  	p0 =	sne.s32 s2, $0xF0;
	[tilespmem:s4+$0x15600] =	vst v27  }
.Ltmp4:
0x156: {  	[tilespmem:s4+$0x15680] =	vst v28;
	(pc) =	sbr.rel @p0 .LBB2_11-.Ltmp4, $4  }
0x157: {  	[tilespmem:s4+$0x15700] =	vst v29  }
0x158: {  	[tilespmem:s4+$0x15780] =	vst v30  }
0x159: {  	[tilespmem:s4+$0x15800] =	vst v31  }
0x15a: {  	s0 =	sadd.s32 $0x80, s0;
	s2 =	sadd.s32 $0x10, s2;
	[tilespmem:s4+$0x15880] =	vst v0  }
0x15b: {  	s28 =	sadd.s32 $0x1, s28  }
0x15c: {  	p0 =	sne.s32 s28, $0x28  }
.Ltmp5:
0x15d: {  	_ = 	snop;
	(pc) =	sbr.rel @p0 .LBB2_8-.Ltmp5, $4  }
0x15e: {  	s0 =	sor.u32 s10, s31  }
0x15f: {  	s0 =	sshrl.u32 s0, $0x3  }
0x160: {  	s0 =	sadd.s32 s1, s0  }
0x161: {  	[hbm4b:s0+s20] =	stream.strided.scatter [tilespmem:s22], [sflag:$0x4], $0x2000, s16, s20, $0x38;
	[tilespmem:$0x15D00] =	vst v63  }
0x162: {  	s0 =	simm.s32 $0xCD00  }
0x163: {  	[tilespmem:s0], [sflag:$0x2] =	stream.strided.gather [hbm4b:s11+s15], $0x5000, s16, s15, $0x38;
	[tilespmem:$0x15D00] =	vst v63  }
0x164: {  	_ =	swait.ge [sflag:s19], $0x5000  }
0x165: {  	[sflag:s19] =	ssyncset.done $0x0  }
0x166: {  	s28 =	simm.s32 $0x0;
	[sflag:s19] =	ssyncadd.s32 $0xFFFFB000  }
.LBB2_14:
0x167: {  	_ =	swait.ge [sflag:s24], $0x2000;
	s0 =	sshll.u32 s28, $0x9  }
0x168: {  	s2 =	sshll.u32 s28, $0x7;
	[sflag:s24] =	ssyncset.done $0x0;
	s0 =	sand.u32 $0x7000, s0  }
0x169: {  	s29 =	sand.u32 $0x380, s2;
	s2 =	simm.s32 $0x0;
	s30 =	sadd.s32 $0x7D00, s0  }
0x16a: {  	[sflag:s24] =	ssyncadd.s32 $0xFFFFE000;
	s0 =	simm.s32 $0x0;
	s31 =	sadd.s32 s29, s30  }
.LBB2_15:
0x16b: {  	s18 =	sand.u32 $0x400, s0  }
0x16c: {  	s4 =	sand.u32 $0x70, s2;
	s7 =	sadd.s32 s18, s31  }
0x16d: {  	s7 =	sadd.s32 s4, s7  }
0x16e: {  	v0 =	vld [tilespmem:s7+$0x0];
	_ =	sdelay $0x4  }
0x16f: {  	v1 =	vadd.s32 $0x3E8, v0  }
0x170: {  	v2 =	vadd.s32 $0x7D0, v0  }
0x171: {  	v3 =	vadd.s32 $0xBB8, v0  }
0x172: {  	v4 =	vadd.s32 $0xFA0, v0  }
0x173: {  	v6 =	vadd.s32 $0x1388, v0;
	v5 =	vld.idx.msk [tilespmem:v0+s3+$0x0], $0xffff  }
0x174: {  	v7 =	vadd.s32 $0x1770, v0;
	v1 =	vld.idx.msk [tilespmem:v1+s3+$0x0], $0xffff  }
0x175: {  	v8 =	vadd.s32 $0x1B58, v0;
	v2 =	vld.idx.msk [tilespmem:v2+s3+$0x0], $0xffff  }
0x176: {  	v9 =	vadd.s32 $0x1F40, v0;
	v3 =	vld.idx.msk [tilespmem:v3+s3+$0x0], $0xffff  }
0x177: {  	v10 =	vadd.s32 $0x2328, v0;
	v4 =	vld.idx.msk [tilespmem:v4+s3+$0x0], $0xffff  }
0x178: {  	v11 =	vadd.s32 $0x2710, v0;
	v6 =	vld.idx.msk [tilespmem:v6+s3+$0x0], $0xffff  }
0x179: {  	v12 =	vadd.s32 $0x2AF8, v0;
	v7 =	vld.idx.msk [tilespmem:v7+s3+$0x0], $0xffff  }
0x17a: {  	v13 =	vadd.s32 $0x2EE0, v0;
	v8 =	vld.idx.msk [tilespmem:v8+s3+$0x0], $0xffff  }
0x17b: {  	v14 =	vadd.s32 $0x32C8, v0;
	v9 =	vld.idx.msk [tilespmem:v9+s3+$0x0], $0xffff  }
0x17c: {  	v15 =	vadd.s32 $0x36B0, v0;
	v10 =	vld.idx.msk [tilespmem:v10+s3+$0x0], $0xffff  }
0x17d: {  	v16 =	vadd.s32 $0x3A98, v0;
	v11 =	vld.idx.msk [tilespmem:v11+s3+$0x0], $0xffff  }
0x17e: {  	v17 =	vadd.s32 $0x3E80, v0;
	v12 =	vld.idx.msk [tilespmem:v12+s3+$0x0], $0xffff  }
0x17f: {  	v18 =	vadd.s32 $0x4268, v0;
	v13 =	vld.idx.msk [tilespmem:v13+s3+$0x0], $0xffff  }
0x180: {  	v19 =	vadd.s32 $0x4650, v0;
	v14 =	vld.idx.msk [tilespmem:v14+s3+$0x0], $0xffff  }
0x181: {  	v20 =	vadd.s32 $0x4A38, v0;
	v15 =	vld.idx.msk [tilespmem:v15+s3+$0x0], $0xffff  }
0x182: {  	v21 =	vadd.s32 $0x4E20, v0;
	v16 =	vld.idx.msk [tilespmem:v16+s3+$0x0], $0xffff  }
0x183: {  	v22 =	vadd.s32 $0x5208, v0;
	v17 =	vld.idx.msk [tilespmem:v17+s3+$0x0], $0xffff  }
0x184: {  	v23 =	vadd.s32 $0x55F0, v0;
	v18 =	vld.idx.msk [tilespmem:v18+s3+$0x0], $0xffff  }
0x185: {  	v24 =	vadd.s32 $0x59D8, v0;
	v19 =	vld.idx.msk [tilespmem:v19+s3+$0x0], $0xffff  }
0x186: {  	v25 =	vadd.s32 $0x5DC0, v0;
	v20 =	vld.idx.msk [tilespmem:v20+s3+$0x0], $0xffff  }
0x187: {  	v26 =	vadd.s32 $0x61A8, v0;
	v21 =	vld.idx.msk [tilespmem:v21+s3+$0x0], $0xffff  }
0x188: {  	v27 =	vadd.s32 $0x6590, v0;
	v22 =	vld.idx.msk [tilespmem:v22+s3+$0x0], $0xffff  }
0x189: {  	v28 =	vadd.s32 $0x6978, v0;
	v23 =	vld.idx.msk [tilespmem:v23+s3+$0x0], $0xffff  }
0x18a: {  	v29 =	vadd.s32 $0x6D60, v0;
	v24 =	vld.idx.msk [tilespmem:v24+s3+$0x0], $0xffff  }
0x18b: {  	v30 =	vadd.s32 $0x7148, v0;
	v25 =	vld.idx.msk [tilespmem:v25+s3+$0x0], $0xffff  }
0x18c: {  	v31 =	vadd.s32 $0x7530, v0;
	v26 =	vld.idx.msk [tilespmem:v26+s3+$0x0], $0xffff  }
0x18d: {  	v0 =	vadd.s32 $0x7918, v0;
	v27 =	vld.idx.msk [tilespmem:v27+s3+$0x0], $0xffff  }
0x18e: {  	v28 =	vld.idx.msk [tilespmem:v28+s3+$0x0], $0xffff  }
0x18f: {  	v29 =	vld.idx.msk [tilespmem:v29+s3+$0x0], $0xffff  }
0x190: {  	v30 =	vld.idx.msk [tilespmem:v30+s3+$0x0], $0xffff  }
0x191: {  	s4 =	sor.u32 s4, s18;
	v31 =	vld.idx.msk [tilespmem:v31+s3+$0x0], $0xffff  }
0x192: {  	s7 =	sadd.s32 $0x11D00, s4;
	v0 =	vld.idx.msk [tilespmem:v0+s3+$0x0], $0xffff;
	[tilespmem:s4+$0x11D00] =	vst v5  }
0x193: {  	[tilespmem:s7+$0x80] =	vst v1  }
0x194: {  	[tilespmem:s7+$0x100] =	vst v2  }
0x195: {  	[tilespmem:s7+$0x180] =	vst v3  }
0x196: {  	[tilespmem:s7+$0x200] =	vst v4  }
0x197: {  	s18 =	sor.u32 s0, s2;
	[tilespmem:s7+$0x280] =	vst v6  }
0x198: {  	s18 =	sor.u32 $0x380, s18;
	[tilespmem:s7+$0x300] =	vst v7  }
0x199: {  	[tilespmem:s18+$0x11D00] =	vst v8  }
0x19a: {  	[tilespmem:s4+$0x12500] =	vst v9  }
0x19b: {  	[tilespmem:s4+$0x12580] =	vst v10  }
0x19c: {  	[tilespmem:s4+$0x12600] =	vst v11  }
0x19d: {  	[tilespmem:s4+$0x12680] =	vst v12  }
0x19e: {  	[tilespmem:s4+$0x12700] =	vst v13  }
0x19f: {  	[tilespmem:s4+$0x12780] =	vst v14  }
0x1a0: {  	[tilespmem:s4+$0x12800] =	vst v15  }
0x1a1: {  	[tilespmem:s4+$0x12880] =	vst v16  }
0x1a2: {  	[tilespmem:s4+$0x12D00] =	vst v17  }
0x1a3: {  	[tilespmem:s4+$0x12D80] =	vst v18  }
0x1a4: {  	[tilespmem:s4+$0x12E00] =	vst v19  }
0x1a5: {  	[tilespmem:s4+$0x12E80] =	vst v20  }
0x1a6: {  	[tilespmem:s4+$0x12F00] =	vst v21  }
0x1a7: {  	[tilespmem:s4+$0x12F80] =	vst v22  }
0x1a8: {  	[tilespmem:s4+$0x13000] =	vst v23  }
0x1a9: {  	[tilespmem:s4+$0x13080] =	vst v24  }
0x1aa: {  	[tilespmem:s4+$0x13500] =	vst v25  }
0x1ab: {  	[tilespmem:s4+$0x13580] =	vst v26  }
0x1ac: {  	p0 =	sne.s32 s2, $0xF0;
	[tilespmem:s4+$0x13600] =	vst v27  }
.Ltmp6:
0x1ad: {  	[tilespmem:s4+$0x13680] =	vst v28;
	(pc) =	sbr.rel @p0 .LBB2_15-.Ltmp6, $4  }
0x1ae: {  	[tilespmem:s4+$0x13700] =	vst v29  }
0x1af: {  	[tilespmem:s4+$0x13780] =	vst v30  }
0x1b0: {  	[tilespmem:s4+$0x13800] =	vst v31  }
0x1b1: {  	s0 =	sadd.s32 $0x80, s0;
	s2 =	sadd.s32 $0x10, s2;
	[tilespmem:s4+$0x13880] =	vst v0  }
0x1b2: {  	s0 =	sshll.u32 s28, $0x13  }
0x1b3: {  	s31 =	sadd.s32 $0x2800000, s0  }
0x1b4: {  	s0 =	sshrl.u32 s31, $0x3  }
0x1b5: {  	s0 =	sadd.s32 s0, s6  }
0x1b6: {  	[hbm4b:s0+s20] =	stream.strided.scatter [tilespmem:s21], [sflag:$0x3], $0x2000, s16, s20, $0x38;
	[tilespmem:$0x15D00] =	vst v63  }
0x1b7: {  	_ =	swait.ge [sflag:s25], $0x2000  }
0x1b8: {  	[sflag:s25] =	ssyncset.done $0x0  }
0x1b9: {  	s2 =	simm.s32 $0x0;
	s0 =	simm.s32 $0x0;
	[sflag:s25] =	ssyncadd.s32 $0xFFFFE000  }
.LBB2_17:
0x1ba: {  	s18 =	sand.u32 $0x400, s0  }
0x1bb: {  	s7 =	sadd.s32 s18, s30  }
0x1bc: {  	s4 =	sand.u32 $0x70, s2;
	s7 =	sadd.s32 s29, s7  }
0x1bd: {  	s7 =	sadd.s32 s4, s7  }
0x1be: {  	v0 =	vld [tilespmem:s7+$0x800];
	_ =	sdelay $0x4  }
0x1bf: {  	v1 =	vadd.s32 $0x3E8, v0  }
0x1c0: {  	v2 =	vadd.s32 $0x7D0, v0  }
0x1c1: {  	v3 =	vadd.s32 $0xBB8, v0  }
0x1c2: {  	v4 =	vadd.s32 $0xFA0, v0  }
0x1c3: {  	v6 =	vadd.s32 $0x1388, v0;
	v5 =	vld.idx.msk [tilespmem:v0+s3+$0x0], $0xffff  }
0x1c4: {  	v7 =	vadd.s32 $0x1770, v0;
	v1 =	vld.idx.msk [tilespmem:v1+s3+$0x0], $0xffff  }
0x1c5: {  	v8 =	vadd.s32 $0x1B58, v0;
	v2 =	vld.idx.msk [tilespmem:v2+s3+$0x0], $0xffff  }
0x1c6: {  	v9 =	vadd.s32 $0x1F40, v0;
	v3 =	vld.idx.msk [tilespmem:v3+s3+$0x0], $0xffff  }
0x1c7: {  	v10 =	vadd.s32 $0x2328, v0;
	v4 =	vld.idx.msk [tilespmem:v4+s3+$0x0], $0xffff  }
0x1c8: {  	v11 =	vadd.s32 $0x2710, v0;
	v6 =	vld.idx.msk [tilespmem:v6+s3+$0x0], $0xffff  }
0x1c9: {  	v12 =	vadd.s32 $0x2AF8, v0;
	v7 =	vld.idx.msk [tilespmem:v7+s3+$0x0], $0xffff  }
0x1ca: {  	v13 =	vadd.s32 $0x2EE0, v0;
	v8 =	vld.idx.msk [tilespmem:v8+s3+$0x0], $0xffff  }
0x1cb: {  	v14 =	vadd.s32 $0x32C8, v0;
	v9 =	vld.idx.msk [tilespmem:v9+s3+$0x0], $0xffff  }
0x1cc: {  	v15 =	vadd.s32 $0x36B0, v0;
	v10 =	vld.idx.msk [tilespmem:v10+s3+$0x0], $0xffff  }
0x1cd: {  	v16 =	vadd.s32 $0x3A98, v0;
	v11 =	vld.idx.msk [tilespmem:v11+s3+$0x0], $0xffff  }
0x1ce: {  	v17 =	vadd.s32 $0x3E80, v0;
	v12 =	vld.idx.msk [tilespmem:v12+s3+$0x0], $0xffff  }
0x1cf: {  	v18 =	vadd.s32 $0x4268, v0;
	v13 =	vld.idx.msk [tilespmem:v13+s3+$0x0], $0xffff  }
0x1d0: {  	v19 =	vadd.s32 $0x4650, v0;
	v14 =	vld.idx.msk [tilespmem:v14+s3+$0x0], $0xffff  }
0x1d1: {  	v20 =	vadd.s32 $0x4A38, v0;
	v15 =	vld.idx.msk [tilespmem:v15+s3+$0x0], $0xffff  }
0x1d2: {  	v21 =	vadd.s32 $0x4E20, v0;
	v16 =	vld.idx.msk [tilespmem:v16+s3+$0x0], $0xffff  }
0x1d3: {  	v22 =	vadd.s32 $0x5208, v0;
	v17 =	vld.idx.msk [tilespmem:v17+s3+$0x0], $0xffff  }
0x1d4: {  	v23 =	vadd.s32 $0x55F0, v0;
	v18 =	vld.idx.msk [tilespmem:v18+s3+$0x0], $0xffff  }
0x1d5: {  	v24 =	vadd.s32 $0x59D8, v0;
	v19 =	vld.idx.msk [tilespmem:v19+s3+$0x0], $0xffff  }
0x1d6: {  	v25 =	vadd.s32 $0x5DC0, v0;
	v20 =	vld.idx.msk [tilespmem:v20+s3+$0x0], $0xffff  }
0x1d7: {  	v26 =	vadd.s32 $0x61A8, v0;
	v21 =	vld.idx.msk [tilespmem:v21+s3+$0x0], $0xffff  }
0x1d8: {  	v27 =	vadd.s32 $0x6590, v0;
	v22 =	vld.idx.msk [tilespmem:v22+s3+$0x0], $0xffff  }
0x1d9: {  	v28 =	vadd.s32 $0x6978, v0;
	v23 =	vld.idx.msk [tilespmem:v23+s3+$0x0], $0xffff  }
0x1da: {  	v29 =	vadd.s32 $0x6D60, v0;
	v24 =	vld.idx.msk [tilespmem:v24+s3+$0x0], $0xffff  }
0x1db: {  	v30 =	vadd.s32 $0x7148, v0;
	v25 =	vld.idx.msk [tilespmem:v25+s3+$0x0], $0xffff  }
0x1dc: {  	v31 =	vadd.s32 $0x7530, v0;
	v26 =	vld.idx.msk [tilespmem:v26+s3+$0x0], $0xffff  }
0x1dd: {  	v0 =	vadd.s32 $0x7918, v0;
	v27 =	vld.idx.msk [tilespmem:v27+s3+$0x0], $0xffff  }
0x1de: {  	v28 =	vld.idx.msk [tilespmem:v28+s3+$0x0], $0xffff  }
0x1df: {  	v29 =	vld.idx.msk [tilespmem:v29+s3+$0x0], $0xffff  }
0x1e0: {  	v30 =	vld.idx.msk [tilespmem:v30+s3+$0x0], $0xffff  }
0x1e1: {  	s4 =	sor.u32 s4, s18;
	v31 =	vld.idx.msk [tilespmem:v31+s3+$0x0], $0xffff  }
0x1e2: {  	s7 =	sadd.s32 $0x13D00, s4;
	v0 =	vld.idx.msk [tilespmem:v0+s3+$0x0], $0xffff;
	[tilespmem:s4+$0x13D00] =	vst v5  }
0x1e3: {  	[tilespmem:s7+$0x80] =	vst v1  }
0x1e4: {  	[tilespmem:s7+$0x100] =	vst v2  }
0x1e5: {  	[tilespmem:s7+$0x180] =	vst v3  }
0x1e6: {  	[tilespmem:s7+$0x200] =	vst v4  }
0x1e7: {  	s18 =	sor.u32 s0, s2;
	[tilespmem:s7+$0x280] =	vst v6  }
0x1e8: {  	s18 =	sor.u32 $0x380, s18;
	[tilespmem:s7+$0x300] =	vst v7  }
0x1e9: {  	[tilespmem:s18+$0x13D00] =	vst v8  }
0x1ea: {  	[tilespmem:s4+$0x14500] =	vst v9  }
0x1eb: {  	[tilespmem:s4+$0x14580] =	vst v10  }
0x1ec: {  	[tilespmem:s4+$0x14600] =	vst v11  }
0x1ed: {  	[tilespmem:s4+$0x14680] =	vst v12  }
0x1ee: {  	[tilespmem:s4+$0x14700] =	vst v13  }
0x1ef: {  	[tilespmem:s4+$0x14780] =	vst v14  }
0x1f0: {  	[tilespmem:s4+$0x14800] =	vst v15  }
0x1f1: {  	[tilespmem:s4+$0x14880] =	vst v16  }
0x1f2: {  	[tilespmem:s4+$0x14D00] =	vst v17  }
0x1f3: {  	[tilespmem:s4+$0x14D80] =	vst v18  }
0x1f4: {  	[tilespmem:s4+$0x14E00] =	vst v19  }
0x1f5: {  	[tilespmem:s4+$0x14E80] =	vst v20  }
0x1f6: {  	[tilespmem:s4+$0x14F00] =	vst v21  }
0x1f7: {  	[tilespmem:s4+$0x14F80] =	vst v22  }
0x1f8: {  	[tilespmem:s4+$0x15000] =	vst v23  }
0x1f9: {  	[tilespmem:s4+$0x15080] =	vst v24  }
0x1fa: {  	[tilespmem:s4+$0x15500] =	vst v25  }
0x1fb: {  	[tilespmem:s4+$0x15580] =	vst v26  }
0x1fc: {  	p0 =	sne.s32 s2, $0xF0;
	[tilespmem:s4+$0x15600] =	vst v27  }
.Ltmp7:
0x1fd: {  	[tilespmem:s4+$0x15680] =	vst v28;
	(pc) =	sbr.rel @p0 .LBB2_17-.Ltmp7, $4  }
0x1fe: {  	[tilespmem:s4+$0x15700] =	vst v29  }
0x1ff: {  	[tilespmem:s4+$0x15780] =	vst v30  }
0x200: {  	[tilespmem:s4+$0x15800] =	vst v31  }
0x201: {  	s0 =	sadd.s32 $0x80, s0;
	s2 =	sadd.s32 $0x10, s2;
	[tilespmem:s4+$0x15880] =	vst v0  }
0x202: {  	s28 =	sadd.s32 $0x1, s28  }
0x203: {  	p0 =	sne.s32 s28, $0x28  }
.Ltmp8:
0x204: {  	_ = 	snop;
	(pc) =	sbr.rel @p0 .LBB2_14-.Ltmp8, $4  }
0x205: {  	s0 =	sor.u32 s10, s31  }
0x206: {  	s0 =	sshrl.u32 s0, $0x3  }
0x207: {  	s0 =	sadd.s32 s1, s0  }
0x208: {  	[hbm4b:s0+s20] =	stream.strided.scatter [tilespmem:s22], [sflag:$0x4], $0x2000, s16, s20, $0x38;
	[tilespmem:$0x15D00] =	vst v63  }
0x209: {  	[tilespmem:s17], [sflag:$0x1] =	stream.strided.gather [hbm4b:s12+s15], $0x5000, s16, s15, $0x38;
	[tilespmem:$0x15D00] =	vst v63  }
0x20a: {  	_ =	swait.ge [sflag:s23], $0x5000  }
0x20b: {  	[sflag:s23] =	ssyncset.done $0x0  }
0x20c: {  	s28 =	simm.s32 $0x0;
	[sflag:s23] =	ssyncadd.s32 $0xFFFFB000  }
.LBB2_20:
0x20d: {  	_ =	swait.ge [sflag:s24], $0x2000;
	s0 =	sshll.u32 s28, $0x9  }
0x20e: {  	s2 =	sshll.u32 s28, $0x7;
	[sflag:s24] =	ssyncset.done $0x0;
	s0 =	sand.u32 $0x7000, s0  }
0x20f: {  	s29 =	sand.u32 $0x380, s2;
	s2 =	simm.s32 $0x0;
	s30 =	sadd.s32 $0xCD00, s0  }
0x210: {  	[sflag:s24] =	ssyncadd.s32 $0xFFFFE000;
	s0 =	simm.s32 $0x0;
	s31 =	sadd.s32 s29, s30  }
.LBB2_21:
0x211: {  	s18 =	sand.u32 $0x400, s0  }
0x212: {  	s4 =	sand.u32 $0x70, s2;
	s7 =	sadd.s32 s18, s31  }
0x213: {  	s7 =	sadd.s32 s4, s7  }
0x214: {  	v0 =	vld [tilespmem:s7+$0x0];
	_ =	sdelay $0x4  }
0x215: {  	v1 =	vadd.s32 $0x3E8, v0  }
0x216: {  	v2 =	vadd.s32 $0x7D0, v0  }
0x217: {  	v3 =	vadd.s32 $0xBB8, v0  }
0x218: {  	v4 =	vadd.s32 $0xFA0, v0  }
0x219: {  	v6 =	vadd.s32 $0x1388, v0;
	v5 =	vld.idx.msk [tilespmem:v0+s3+$0x0], $0xffff  }
0x21a: {  	v7 =	vadd.s32 $0x1770, v0;
	v1 =	vld.idx.msk [tilespmem:v1+s3+$0x0], $0xffff  }
0x21b: {  	v8 =	vadd.s32 $0x1B58, v0;
	v2 =	vld.idx.msk [tilespmem:v2+s3+$0x0], $0xffff  }
0x21c: {  	v9 =	vadd.s32 $0x1F40, v0;
	v3 =	vld.idx.msk [tilespmem:v3+s3+$0x0], $0xffff  }
0x21d: {  	v10 =	vadd.s32 $0x2328, v0;
	v4 =	vld.idx.msk [tilespmem:v4+s3+$0x0], $0xffff  }
0x21e: {  	v11 =	vadd.s32 $0x2710, v0;
	v6 =	vld.idx.msk [tilespmem:v6+s3+$0x0], $0xffff  }
0x21f: {  	v12 =	vadd.s32 $0x2AF8, v0;
	v7 =	vld.idx.msk [tilespmem:v7+s3+$0x0], $0xffff  }
0x220: {  	v13 =	vadd.s32 $0x2EE0, v0;
	v8 =	vld.idx.msk [tilespmem:v8+s3+$0x0], $0xffff  }
0x221: {  	v14 =	vadd.s32 $0x32C8, v0;
	v9 =	vld.idx.msk [tilespmem:v9+s3+$0x0], $0xffff  }
0x222: {  	v15 =	vadd.s32 $0x36B0, v0;
	v10 =	vld.idx.msk [tilespmem:v10+s3+$0x0], $0xffff  }
0x223: {  	v16 =	vadd.s32 $0x3A98, v0;
	v11 =	vld.idx.msk [tilespmem:v11+s3+$0x0], $0xffff  }
0x224: {  	v17 =	vadd.s32 $0x3E80, v0;
	v12 =	vld.idx.msk [tilespmem:v12+s3+$0x0], $0xffff  }
0x225: {  	v18 =	vadd.s32 $0x4268, v0;
	v13 =	vld.idx.msk [tilespmem:v13+s3+$0x0], $0xffff  }
0x226: {  	v19 =	vadd.s32 $0x4650, v0;
	v14 =	vld.idx.msk [tilespmem:v14+s3+$0x0], $0xffff  }
0x227: {  	v20 =	vadd.s32 $0x4A38, v0;
	v15 =	vld.idx.msk [tilespmem:v15+s3+$0x0], $0xffff  }
0x228: {  	v21 =	vadd.s32 $0x4E20, v0;
	v16 =	vld.idx.msk [tilespmem:v16+s3+$0x0], $0xffff  }
0x229: {  	v22 =	vadd.s32 $0x5208, v0;
	v17 =	vld.idx.msk [tilespmem:v17+s3+$0x0], $0xffff  }
0x22a: {  	v23 =	vadd.s32 $0x55F0, v0;
	v18 =	vld.idx.msk [tilespmem:v18+s3+$0x0], $0xffff  }
0x22b: {  	v24 =	vadd.s32 $0x59D8, v0;
	v19 =	vld.idx.msk [tilespmem:v19+s3+$0x0], $0xffff  }
0x22c: {  	v25 =	vadd.s32 $0x5DC0, v0;
	v20 =	vld.idx.msk [tilespmem:v20+s3+$0x0], $0xffff  }
0x22d: {  	v26 =	vadd.s32 $0x61A8, v0;
	v21 =	vld.idx.msk [tilespmem:v21+s3+$0x0], $0xffff  }
0x22e: {  	v27 =	vadd.s32 $0x6590, v0;
	v22 =	vld.idx.msk [tilespmem:v22+s3+$0x0], $0xffff  }
0x22f: {  	v28 =	vadd.s32 $0x6978, v0;
	v23 =	vld.idx.msk [tilespmem:v23+s3+$0x0], $0xffff  }
0x230: {  	v29 =	vadd.s32 $0x6D60, v0;
	v24 =	vld.idx.msk [tilespmem:v24+s3+$0x0], $0xffff  }
0x231: {  	v30 =	vadd.s32 $0x7148, v0;
	v25 =	vld.idx.msk [tilespmem:v25+s3+$0x0], $0xffff  }
0x232: {  	v31 =	vadd.s32 $0x7530, v0;
	v26 =	vld.idx.msk [tilespmem:v26+s3+$0x0], $0xffff  }
0x233: {  	v0 =	vadd.s32 $0x7918, v0;
	v27 =	vld.idx.msk [tilespmem:v27+s3+$0x0], $0xffff  }
0x234: {  	v28 =	vld.idx.msk [tilespmem:v28+s3+$0x0], $0xffff  }
0x235: {  	v29 =	vld.idx.msk [tilespmem:v29+s3+$0x0], $0xffff  }
0x236: {  	v30 =	vld.idx.msk [tilespmem:v30+s3+$0x0], $0xffff  }
0x237: {  	s4 =	sor.u32 s4, s18;
	v31 =	vld.idx.msk [tilespmem:v31+s3+$0x0], $0xffff  }
0x238: {  	s7 =	sadd.s32 $0x11D00, s4;
	v0 =	vld.idx.msk [tilespmem:v0+s3+$0x0], $0xffff;
	[tilespmem:s4+$0x11D00] =	vst v5  }
0x239: {  	[tilespmem:s7+$0x80] =	vst v1  }
0x23a: {  	[tilespmem:s7+$0x100] =	vst v2  }
0x23b: {  	[tilespmem:s7+$0x180] =	vst v3  }
0x23c: {  	[tilespmem:s7+$0x200] =	vst v4  }
0x23d: {  	s18 =	sor.u32 s0, s2;
	[tilespmem:s7+$0x280] =	vst v6  }
0x23e: {  	s18 =	sor.u32 $0x380, s18;
	[tilespmem:s7+$0x300] =	vst v7  }
0x23f: {  	[tilespmem:s18+$0x11D00] =	vst v8  }
0x240: {  	[tilespmem:s4+$0x12500] =	vst v9  }
0x241: {  	[tilespmem:s4+$0x12580] =	vst v10  }
0x242: {  	[tilespmem:s4+$0x12600] =	vst v11  }
0x243: {  	[tilespmem:s4+$0x12680] =	vst v12  }
0x244: {  	[tilespmem:s4+$0x12700] =	vst v13  }
0x245: {  	[tilespmem:s4+$0x12780] =	vst v14  }
0x246: {  	[tilespmem:s4+$0x12800] =	vst v15  }
0x247: {  	[tilespmem:s4+$0x12880] =	vst v16  }
0x248: {  	[tilespmem:s4+$0x12D00] =	vst v17  }
0x249: {  	[tilespmem:s4+$0x12D80] =	vst v18  }
0x24a: {  	[tilespmem:s4+$0x12E00] =	vst v19  }
0x24b: {  	[tilespmem:s4+$0x12E80] =	vst v20  }
0x24c: {  	[tilespmem:s4+$0x12F00] =	vst v21  }
0x24d: {  	[tilespmem:s4+$0x12F80] =	vst v22  }
0x24e: {  	[tilespmem:s4+$0x13000] =	vst v23  }
0x24f: {  	[tilespmem:s4+$0x13080] =	vst v24  }
0x250: {  	[tilespmem:s4+$0x13500] =	vst v25  }
0x251: {  	[tilespmem:s4+$0x13580] =	vst v26  }
0x252: {  	p0 =	sne.s32 s2, $0xF0;
	[tilespmem:s4+$0x13600] =	vst v27  }
.Ltmp9:
0x253: {  	[tilespmem:s4+$0x13680] =	vst v28;
	(pc) =	sbr.rel @p0 .LBB2_21-.Ltmp9, $4  }
0x254: {  	[tilespmem:s4+$0x13700] =	vst v29  }
0x255: {  	[tilespmem:s4+$0x13780] =	vst v30  }
0x256: {  	[tilespmem:s4+$0x13800] =	vst v31  }
0x257: {  	s0 =	sadd.s32 $0x80, s0;
	s2 =	sadd.s32 $0x10, s2;
	[tilespmem:s4+$0x13880] =	vst v0  }
0x258: {  	s0 =	sshll.u32 s28, $0x13  }
0x259: {  	s31 =	sadd.s32 $0x3C00000, s0  }
0x25a: {  	s0 =	sshrl.u32 s31, $0x3  }
0x25b: {  	s0 =	sadd.s32 s0, s6  }
0x25c: {  	[hbm4b:s0+s20] =	stream.strided.scatter [tilespmem:s21], [sflag:$0x3], $0x2000, s16, s20, $0x38;
	[tilespmem:$0x15D00] =	vst v63  }
0x25d: {  	_ =	swait.ge [sflag:s25], $0x2000  }
0x25e: {  	[sflag:s25] =	ssyncset.done $0x0  }
0x25f: {  	s2 =	simm.s32 $0x0;
	s0 =	simm.s32 $0x0;
	[sflag:s25] =	ssyncadd.s32 $0xFFFFE000  }
.LBB2_23:
0x260: {  	s18 =	sand.u32 $0x400, s0  }
0x261: {  	s7 =	sadd.s32 s18, s30  }
0x262: {  	s4 =	sand.u32 $0x70, s2;
	s7 =	sadd.s32 s29, s7  }
0x263: {  	s7 =	sadd.s32 s4, s7  }
0x264: {  	v0 =	vld [tilespmem:s7+$0x800];
	_ =	sdelay $0x4  }
0x265: {  	v1 =	vadd.s32 $0x3E8, v0  }
0x266: {  	v2 =	vadd.s32 $0x7D0, v0  }
0x267: {  	v3 =	vadd.s32 $0xBB8, v0  }
0x268: {  	v4 =	vadd.s32 $0xFA0, v0  }
0x269: {  	v6 =	vadd.s32 $0x1388, v0;
	v5 =	vld.idx.msk [tilespmem:v0+s3+$0x0], $0xffff  }
0x26a: {  	v7 =	vadd.s32 $0x1770, v0;
	v1 =	vld.idx.msk [tilespmem:v1+s3+$0x0], $0xffff  }
0x26b: {  	v8 =	vadd.s32 $0x1B58, v0;
	v2 =	vld.idx.msk [tilespmem:v2+s3+$0x0], $0xffff  }
0x26c: {  	v9 =	vadd.s32 $0x1F40, v0;
	v3 =	vld.idx.msk [tilespmem:v3+s3+$0x0], $0xffff  }
0x26d: {  	v10 =	vadd.s32 $0x2328, v0;
	v4 =	vld.idx.msk [tilespmem:v4+s3+$0x0], $0xffff  }
0x26e: {  	v11 =	vadd.s32 $0x2710, v0;
	v6 =	vld.idx.msk [tilespmem:v6+s3+$0x0], $0xffff  }
0x26f: {  	v12 =	vadd.s32 $0x2AF8, v0;
	v7 =	vld.idx.msk [tilespmem:v7+s3+$0x0], $0xffff  }
0x270: {  	v13 =	vadd.s32 $0x2EE0, v0;
	v8 =	vld.idx.msk [tilespmem:v8+s3+$0x0], $0xffff  }
0x271: {  	v14 =	vadd.s32 $0x32C8, v0;
	v9 =	vld.idx.msk [tilespmem:v9+s3+$0x0], $0xffff  }
0x272: {  	v15 =	vadd.s32 $0x36B0, v0;
	v10 =	vld.idx.msk [tilespmem:v10+s3+$0x0], $0xffff  }
0x273: {  	v16 =	vadd.s32 $0x3A98, v0;
	v11 =	vld.idx.msk [tilespmem:v11+s3+$0x0], $0xffff  }
0x274: {  	v17 =	vadd.s32 $0x3E80, v0;
	v12 =	vld.idx.msk [tilespmem:v12+s3+$0x0], $0xffff  }
0x275: {  	v18 =	vadd.s32 $0x4268, v0;
	v13 =	vld.idx.msk [tilespmem:v13+s3+$0x0], $0xffff  }
0x276: {  	v19 =	vadd.s32 $0x4650, v0;
	v14 =	vld.idx.msk [tilespmem:v14+s3+$0x0], $0xffff  }
0x277: {  	v20 =	vadd.s32 $0x4A38, v0;
	v15 =	vld.idx.msk [tilespmem:v15+s3+$0x0], $0xffff  }
0x278: {  	v21 =	vadd.s32 $0x4E20, v0;
	v16 =	vld.idx.msk [tilespmem:v16+s3+$0x0], $0xffff  }
0x279: {  	v22 =	vadd.s32 $0x5208, v0;
	v17 =	vld.idx.msk [tilespmem:v17+s3+$0x0], $0xffff  }
0x27a: {  	v23 =	vadd.s32 $0x55F0, v0;
	v18 =	vld.idx.msk [tilespmem:v18+s3+$0x0], $0xffff  }
0x27b: {  	v24 =	vadd.s32 $0x59D8, v0;
	v19 =	vld.idx.msk [tilespmem:v19+s3+$0x0], $0xffff  }
0x27c: {  	v25 =	vadd.s32 $0x5DC0, v0;
	v20 =	vld.idx.msk [tilespmem:v20+s3+$0x0], $0xffff  }
0x27d: {  	v26 =	vadd.s32 $0x61A8, v0;
	v21 =	vld.idx.msk [tilespmem:v21+s3+$0x0], $0xffff  }
0x27e: {  	v27 =	vadd.s32 $0x6590, v0;
	v22 =	vld.idx.msk [tilespmem:v22+s3+$0x0], $0xffff  }
0x27f: {  	v28 =	vadd.s32 $0x6978, v0;
	v23 =	vld.idx.msk [tilespmem:v23+s3+$0x0], $0xffff  }
0x280: {  	v29 =	vadd.s32 $0x6D60, v0;
	v24 =	vld.idx.msk [tilespmem:v24+s3+$0x0], $0xffff  }
0x281: {  	v30 =	vadd.s32 $0x7148, v0;
	v25 =	vld.idx.msk [tilespmem:v25+s3+$0x0], $0xffff  }
0x282: {  	v31 =	vadd.s32 $0x7530, v0;
	v26 =	vld.idx.msk [tilespmem:v26+s3+$0x0], $0xffff  }
0x283: {  	v0 =	vadd.s32 $0x7918, v0;
	v27 =	vld.idx.msk [tilespmem:v27+s3+$0x0], $0xffff  }
0x284: {  	v28 =	vld.idx.msk [tilespmem:v28+s3+$0x0], $0xffff  }
0x285: {  	v29 =	vld.idx.msk [tilespmem:v29+s3+$0x0], $0xffff  }
0x286: {  	v30 =	vld.idx.msk [tilespmem:v30+s3+$0x0], $0xffff  }
0x287: {  	s4 =	sor.u32 s4, s18;
	v31 =	vld.idx.msk [tilespmem:v31+s3+$0x0], $0xffff  }
0x288: {  	s7 =	sadd.s32 $0x13D00, s4;
	v0 =	vld.idx.msk [tilespmem:v0+s3+$0x0], $0xffff;
	[tilespmem:s4+$0x13D00] =	vst v5  }
0x289: {  	[tilespmem:s7+$0x80] =	vst v1  }
0x28a: {  	[tilespmem:s7+$0x100] =	vst v2  }
0x28b: {  	[tilespmem:s7+$0x180] =	vst v3  }
0x28c: {  	[tilespmem:s7+$0x200] =	vst v4  }
0x28d: {  	s18 =	sor.u32 s0, s2;
	[tilespmem:s7+$0x280] =	vst v6  }
0x28e: {  	s18 =	sor.u32 $0x380, s18;
	[tilespmem:s7+$0x300] =	vst v7  }
0x28f: {  	[tilespmem:s18+$0x13D00] =	vst v8  }
0x290: {  	[tilespmem:s4+$0x14500] =	vst v9  }
0x291: {  	[tilespmem:s4+$0x14580] =	vst v10  }
0x292: {  	[tilespmem:s4+$0x14600] =	vst v11  }
0x293: {  	[tilespmem:s4+$0x14680] =	vst v12  }
0x294: {  	[tilespmem:s4+$0x14700] =	vst v13  }
0x295: {  	[tilespmem:s4+$0x14780] =	vst v14  }
0x296: {  	[tilespmem:s4+$0x14800] =	vst v15  }
0x297: {  	[tilespmem:s4+$0x14880] =	vst v16  }
0x298: {  	[tilespmem:s4+$0x14D00] =	vst v17  }
0x299: {  	[tilespmem:s4+$0x14D80] =	vst v18  }
0x29a: {  	[tilespmem:s4+$0x14E00] =	vst v19  }
0x29b: {  	[tilespmem:s4+$0x14E80] =	vst v20  }
0x29c: {  	[tilespmem:s4+$0x14F00] =	vst v21  }
0x29d: {  	[tilespmem:s4+$0x14F80] =	vst v22  }
0x29e: {  	[tilespmem:s4+$0x15000] =	vst v23  }
0x29f: {  	[tilespmem:s4+$0x15080] =	vst v24  }
0x2a0: {  	[tilespmem:s4+$0x15500] =	vst v25  }
0x2a1: {  	[tilespmem:s4+$0x15580] =	vst v26  }
0x2a2: {  	p0 =	sne.s32 s2, $0xF0;
	[tilespmem:s4+$0x15600] =	vst v27  }
.Ltmp10:
0x2a3: {  	[tilespmem:s4+$0x15680] =	vst v28;
	(pc) =	sbr.rel @p0 .LBB2_23-.Ltmp10, $4  }
0x2a4: {  	[tilespmem:s4+$0x15700] =	vst v29  }
0x2a5: {  	[tilespmem:s4+$0x15780] =	vst v30  }
0x2a6: {  	[tilespmem:s4+$0x15800] =	vst v31  }
0x2a7: {  	s0 =	sadd.s32 $0x80, s0;
	s2 =	sadd.s32 $0x10, s2;
	[tilespmem:s4+$0x15880] =	vst v0  }
0x2a8: {  	s28 =	sadd.s32 $0x1, s28  }
0x2a9: {  	p0 =	sne.s32 s28, $0x28  }
.Ltmp11:
0x2aa: {  	_ = 	snop;
	(pc) =	sbr.rel @p0 .LBB2_20-.Ltmp11, $4  }
0x2ab: {  	s0 =	sor.u32 s10, s31  }
0x2ac: {  	s0 =	sshrl.u32 s0, $0x3  }
0x2ad: {  	s0 =	sadd.s32 s1, s0  }
0x2ae: {  	[hbm4b:s0+s20] =	stream.strided.scatter [tilespmem:s22], [sflag:$0x4], $0x2000, s16, s20, $0x38;
	[tilespmem:$0x15D00] =	vst v63  }
0x2af: {  	_ =	swait.ge [sflag:s19], $0x5000  }
0x2b0: {  	[sflag:s19] =	ssyncset.done $0x0  }
0x2b1: {  	s28 =	simm.s32 $0x0;
	[sflag:s19] =	ssyncadd.s32 $0xFFFFB000  }
.LBB2_26:
0x2b2: {  	_ =	swait.ge [sflag:s24], $0x2000;
	s0 =	sshll.u32 s28, $0x9  }
0x2b3: {  	s2 =	sshll.u32 s28, $0x7;
	[sflag:s24] =	ssyncset.done $0x0;
	s0 =	sand.u32 $0x7000, s0  }
0x2b4: {  	s29 =	sand.u32 $0x380, s2;
	s2 =	simm.s32 $0x0;
	s30 =	sadd.s32 $0x7D00, s0  }
0x2b5: {  	[sflag:s24] =	ssyncadd.s32 $0xFFFFE000;
	s0 =	simm.s32 $0x0;
	s31 =	sadd.s32 s29, s30  }
.LBB2_27:
0x2b6: {  	s18 =	sand.u32 $0x400, s0  }
0x2b7: {  	s4 =	sand.u32 $0x70, s2;
	s7 =	sadd.s32 s18, s31  }
0x2b8: {  	s7 =	sadd.s32 s4, s7  }
0x2b9: {  	v0 =	vld [tilespmem:s7+$0x0];
	_ =	sdelay $0x4  }
0x2ba: {  	v1 =	vadd.s32 $0x3E8, v0  }
0x2bb: {  	v2 =	vadd.s32 $0x7D0, v0  }
0x2bc: {  	v3 =	vadd.s32 $0xBB8, v0  }
0x2bd: {  	v4 =	vadd.s32 $0xFA0, v0  }
0x2be: {  	v6 =	vadd.s32 $0x1388, v0;
	v5 =	vld.idx.msk [tilespmem:v0+s3+$0x0], $0xffff  }
0x2bf: {  	v7 =	vadd.s32 $0x1770, v0;
	v1 =	vld.idx.msk [tilespmem:v1+s3+$0x0], $0xffff  }
0x2c0: {  	v8 =	vadd.s32 $0x1B58, v0;
	v2 =	vld.idx.msk [tilespmem:v2+s3+$0x0], $0xffff  }
0x2c1: {  	v9 =	vadd.s32 $0x1F40, v0;
	v3 =	vld.idx.msk [tilespmem:v3+s3+$0x0], $0xffff  }
0x2c2: {  	v10 =	vadd.s32 $0x2328, v0;
	v4 =	vld.idx.msk [tilespmem:v4+s3+$0x0], $0xffff  }
0x2c3: {  	v11 =	vadd.s32 $0x2710, v0;
	v6 =	vld.idx.msk [tilespmem:v6+s3+$0x0], $0xffff  }
0x2c4: {  	v12 =	vadd.s32 $0x2AF8, v0;
	v7 =	vld.idx.msk [tilespmem:v7+s3+$0x0], $0xffff  }
0x2c5: {  	v13 =	vadd.s32 $0x2EE0, v0;
	v8 =	vld.idx.msk [tilespmem:v8+s3+$0x0], $0xffff  }
0x2c6: {  	v14 =	vadd.s32 $0x32C8, v0;
	v9 =	vld.idx.msk [tilespmem:v9+s3+$0x0], $0xffff  }
0x2c7: {  	v15 =	vadd.s32 $0x36B0, v0;
	v10 =	vld.idx.msk [tilespmem:v10+s3+$0x0], $0xffff  }
0x2c8: {  	v16 =	vadd.s32 $0x3A98, v0;
	v11 =	vld.idx.msk [tilespmem:v11+s3+$0x0], $0xffff  }
0x2c9: {  	v17 =	vadd.s32 $0x3E80, v0;
	v12 =	vld.idx.msk [tilespmem:v12+s3+$0x0], $0xffff  }
0x2ca: {  	v18 =	vadd.s32 $0x4268, v0;
	v13 =	vld.idx.msk [tilespmem:v13+s3+$0x0], $0xffff  }
0x2cb: {  	v19 =	vadd.s32 $0x4650, v0;
	v14 =	vld.idx.msk [tilespmem:v14+s3+$0x0], $0xffff  }
0x2cc: {  	v20 =	vadd.s32 $0x4A38, v0;
	v15 =	vld.idx.msk [tilespmem:v15+s3+$0x0], $0xffff  }
0x2cd: {  	v21 =	vadd.s32 $0x4E20, v0;
	v16 =	vld.idx.msk [tilespmem:v16+s3+$0x0], $0xffff  }
0x2ce: {  	v22 =	vadd.s32 $0x5208, v0;
	v17 =	vld.idx.msk [tilespmem:v17+s3+$0x0], $0xffff  }
0x2cf: {  	v23 =	vadd.s32 $0x55F0, v0;
	v18 =	vld.idx.msk [tilespmem:v18+s3+$0x0], $0xffff  }
0x2d0: {  	v24 =	vadd.s32 $0x59D8, v0;
	v19 =	vld.idx.msk [tilespmem:v19+s3+$0x0], $0xffff  }
0x2d1: {  	v25 =	vadd.s32 $0x5DC0, v0;
	v20 =	vld.idx.msk [tilespmem:v20+s3+$0x0], $0xffff  }
0x2d2: {  	v26 =	vadd.s32 $0x61A8, v0;
	v21 =	vld.idx.msk [tilespmem:v21+s3+$0x0], $0xffff  }
0x2d3: {  	v27 =	vadd.s32 $0x6590, v0;
	v22 =	vld.idx.msk [tilespmem:v22+s3+$0x0], $0xffff  }
0x2d4: {  	v28 =	vadd.s32 $0x6978, v0;
	v23 =	vld.idx.msk [tilespmem:v23+s3+$0x0], $0xffff  }
0x2d5: {  	v29 =	vadd.s32 $0x6D60, v0;
	v24 =	vld.idx.msk [tilespmem:v24+s3+$0x0], $0xffff  }
0x2d6: {  	v30 =	vadd.s32 $0x7148, v0;
	v25 =	vld.idx.msk [tilespmem:v25+s3+$0x0], $0xffff  }
0x2d7: {  	v31 =	vadd.s32 $0x7530, v0;
	v26 =	vld.idx.msk [tilespmem:v26+s3+$0x0], $0xffff  }
0x2d8: {  	v0 =	vadd.s32 $0x7918, v0;
	v27 =	vld.idx.msk [tilespmem:v27+s3+$0x0], $0xffff  }
0x2d9: {  	v28 =	vld.idx.msk [tilespmem:v28+s3+$0x0], $0xffff  }
0x2da: {  	v29 =	vld.idx.msk [tilespmem:v29+s3+$0x0], $0xffff  }
0x2db: {  	v30 =	vld.idx.msk [tilespmem:v30+s3+$0x0], $0xffff  }
0x2dc: {  	s4 =	sor.u32 s4, s18;
	v31 =	vld.idx.msk [tilespmem:v31+s3+$0x0], $0xffff  }
0x2dd: {  	s7 =	sadd.s32 $0x11D00, s4;
	v0 =	vld.idx.msk [tilespmem:v0+s3+$0x0], $0xffff;
	[tilespmem:s4+$0x11D00] =	vst v5  }
0x2de: {  	[tilespmem:s7+$0x80] =	vst v1  }
0x2df: {  	[tilespmem:s7+$0x100] =	vst v2  }
0x2e0: {  	[tilespmem:s7+$0x180] =	vst v3  }
0x2e1: {  	[tilespmem:s7+$0x200] =	vst v4  }
0x2e2: {  	s18 =	sor.u32 s0, s2;
	[tilespmem:s7+$0x280] =	vst v6  }
0x2e3: {  	s18 =	sor.u32 $0x380, s18;
	[tilespmem:s7+$0x300] =	vst v7  }
0x2e4: {  	[tilespmem:s18+$0x11D00] =	vst v8  }
0x2e5: {  	[tilespmem:s4+$0x12500] =	vst v9  }
0x2e6: {  	[tilespmem:s4+$0x12580] =	vst v10  }
0x2e7: {  	[tilespmem:s4+$0x12600] =	vst v11  }
0x2e8: {  	[tilespmem:s4+$0x12680] =	vst v12  }
0x2e9: {  	[tilespmem:s4+$0x12700] =	vst v13  }
0x2ea: {  	[tilespmem:s4+$0x12780] =	vst v14  }
0x2eb: {  	[tilespmem:s4+$0x12800] =	vst v15  }
0x2ec: {  	[tilespmem:s4+$0x12880] =	vst v16  }
0x2ed: {  	[tilespmem:s4+$0x12D00] =	vst v17  }
0x2ee: {  	[tilespmem:s4+$0x12D80] =	vst v18  }
0x2ef: {  	[tilespmem:s4+$0x12E00] =	vst v19  }
0x2f0: {  	[tilespmem:s4+$0x12E80] =	vst v20  }
0x2f1: {  	[tilespmem:s4+$0x12F00] =	vst v21  }
0x2f2: {  	[tilespmem:s4+$0x12F80] =	vst v22  }
0x2f3: {  	[tilespmem:s4+$0x13000] =	vst v23  }
0x2f4: {  	[tilespmem:s4+$0x13080] =	vst v24  }
0x2f5: {  	[tilespmem:s4+$0x13500] =	vst v25  }
0x2f6: {  	[tilespmem:s4+$0x13580] =	vst v26  }
0x2f7: {  	p0 =	sne.s32 s2, $0xF0;
	[tilespmem:s4+$0x13600] =	vst v27  }
.Ltmp12:
0x2f8: {  	[tilespmem:s4+$0x13680] =	vst v28;
	(pc) =	sbr.rel @p0 .LBB2_27-.Ltmp12, $4  }
0x2f9: {  	[tilespmem:s4+$0x13700] =	vst v29  }
0x2fa: {  	[tilespmem:s4+$0x13780] =	vst v30  }
0x2fb: {  	[tilespmem:s4+$0x13800] =	vst v31  }
0x2fc: {  	s0 =	sadd.s32 $0x80, s0;
	s2 =	sadd.s32 $0x10, s2;
	[tilespmem:s4+$0x13880] =	vst v0  }
0x2fd: {  	s0 =	sshll.u32 s28, $0x13  }
0x2fe: {  	s31 =	sadd.s32 $0x5000000, s0  }
0x2ff: {  	s0 =	sshrl.u32 s31, $0x3  }
0x300: {  	s0 =	sadd.s32 s0, s6  }
0x301: {  	[hbm4b:s0+s20] =	stream.strided.scatter [tilespmem:s21], [sflag:$0x3], $0x2000, s16, s20, $0x38;
	[tilespmem:$0x15D00] =	vst v63  }
0x302: {  	_ =	swait.ge [sflag:s25], $0x2000  }
0x303: {  	[sflag:s25] =	ssyncset.done $0x0  }
0x304: {  	s2 =	simm.s32 $0x0;
	s0 =	simm.s32 $0x0;
	[sflag:s25] =	ssyncadd.s32 $0xFFFFE000  }
.LBB2_29:
0x305: {  	s18 =	sand.u32 $0x400, s0  }
0x306: {  	s7 =	sadd.s32 s18, s30  }
0x307: {  	s4 =	sand.u32 $0x70, s2;
	s7 =	sadd.s32 s29, s7  }
0x308: {  	s7 =	sadd.s32 s4, s7  }
0x309: {  	v0 =	vld [tilespmem:s7+$0x800];
	_ =	sdelay $0x4  }
0x30a: {  	v1 =	vadd.s32 $0x3E8, v0  }
0x30b: {  	v2 =	vadd.s32 $0x7D0, v0  }
0x30c: {  	v3 =	vadd.s32 $0xBB8, v0  }
0x30d: {  	v4 =	vadd.s32 $0xFA0, v0  }
0x30e: {  	v6 =	vadd.s32 $0x1388, v0;
	v5 =	vld.idx.msk [tilespmem:v0+s3+$0x0], $0xffff  }
0x30f: {  	v7 =	vadd.s32 $0x1770, v0;
	v1 =	vld.idx.msk [tilespmem:v1+s3+$0x0], $0xffff  }
0x310: {  	v8 =	vadd.s32 $0x1B58, v0;
	v2 =	vld.idx.msk [tilespmem:v2+s3+$0x0], $0xffff  }
0x311: {  	v9 =	vadd.s32 $0x1F40, v0;
	v3 =	vld.idx.msk [tilespmem:v3+s3+$0x0], $0xffff  }
0x312: {  	v10 =	vadd.s32 $0x2328, v0;
	v4 =	vld.idx.msk [tilespmem:v4+s3+$0x0], $0xffff  }
0x313: {  	v11 =	vadd.s32 $0x2710, v0;
	v6 =	vld.idx.msk [tilespmem:v6+s3+$0x0], $0xffff  }
0x314: {  	v12 =	vadd.s32 $0x2AF8, v0;
	v7 =	vld.idx.msk [tilespmem:v7+s3+$0x0], $0xffff  }
0x315: {  	v13 =	vadd.s32 $0x2EE0, v0;
	v8 =	vld.idx.msk [tilespmem:v8+s3+$0x0], $0xffff  }
0x316: {  	v14 =	vadd.s32 $0x32C8, v0;
	v9 =	vld.idx.msk [tilespmem:v9+s3+$0x0], $0xffff  }
0x317: {  	v15 =	vadd.s32 $0x36B0, v0;
	v10 =	vld.idx.msk [tilespmem:v10+s3+$0x0], $0xffff  }
0x318: {  	v16 =	vadd.s32 $0x3A98, v0;
	v11 =	vld.idx.msk [tilespmem:v11+s3+$0x0], $0xffff  }
0x319: {  	v17 =	vadd.s32 $0x3E80, v0;
	v12 =	vld.idx.msk [tilespmem:v12+s3+$0x0], $0xffff  }
0x31a: {  	v18 =	vadd.s32 $0x4268, v0;
	v13 =	vld.idx.msk [tilespmem:v13+s3+$0x0], $0xffff  }
0x31b: {  	v19 =	vadd.s32 $0x4650, v0;
	v14 =	vld.idx.msk [tilespmem:v14+s3+$0x0], $0xffff  }
0x31c: {  	v20 =	vadd.s32 $0x4A38, v0;
	v15 =	vld.idx.msk [tilespmem:v15+s3+$0x0], $0xffff  }
0x31d: {  	v21 =	vadd.s32 $0x4E20, v0;
	v16 =	vld.idx.msk [tilespmem:v16+s3+$0x0], $0xffff  }
0x31e: {  	v22 =	vadd.s32 $0x5208, v0;
	v17 =	vld.idx.msk [tilespmem:v17+s3+$0x0], $0xffff  }
0x31f: {  	v23 =	vadd.s32 $0x55F0, v0;
	v18 =	vld.idx.msk [tilespmem:v18+s3+$0x0], $0xffff  }
0x320: {  	v24 =	vadd.s32 $0x59D8, v0;
	v19 =	vld.idx.msk [tilespmem:v19+s3+$0x0], $0xffff  }
0x321: {  	v25 =	vadd.s32 $0x5DC0, v0;
	v20 =	vld.idx.msk [tilespmem:v20+s3+$0x0], $0xffff  }
0x322: {  	v26 =	vadd.s32 $0x61A8, v0;
	v21 =	vld.idx.msk [tilespmem:v21+s3+$0x0], $0xffff  }
0x323: {  	v27 =	vadd.s32 $0x6590, v0;
	v22 =	vld.idx.msk [tilespmem:v22+s3+$0x0], $0xffff  }
0x324: {  	v28 =	vadd.s32 $0x6978, v0;
	v23 =	vld.idx.msk [tilespmem:v23+s3+$0x0], $0xffff  }
0x325: {  	v29 =	vadd.s32 $0x6D60, v0;
	v24 =	vld.idx.msk [tilespmem:v24+s3+$0x0], $0xffff  }
0x326: {  	v30 =	vadd.s32 $0x7148, v0;
	v25 =	vld.idx.msk [tilespmem:v25+s3+$0x0], $0xffff  }
0x327: {  	v31 =	vadd.s32 $0x7530, v0;
	v26 =	vld.idx.msk [tilespmem:v26+s3+$0x0], $0xffff  }
0x328: {  	v0 =	vadd.s32 $0x7918, v0;
	v27 =	vld.idx.msk [tilespmem:v27+s3+$0x0], $0xffff  }
0x329: {  	v28 =	vld.idx.msk [tilespmem:v28+s3+$0x0], $0xffff  }
0x32a: {  	v29 =	vld.idx.msk [tilespmem:v29+s3+$0x0], $0xffff  }
0x32b: {  	v30 =	vld.idx.msk [tilespmem:v30+s3+$0x0], $0xffff  }
0x32c: {  	s4 =	sor.u32 s4, s18;
	v31 =	vld.idx.msk [tilespmem:v31+s3+$0x0], $0xffff  }
0x32d: {  	s7 =	sadd.s32 $0x13D00, s4;
	v0 =	vld.idx.msk [tilespmem:v0+s3+$0x0], $0xffff;
	[tilespmem:s4+$0x13D00] =	vst v5  }
0x32e: {  	[tilespmem:s7+$0x80] =	vst v1  }
0x32f: {  	[tilespmem:s7+$0x100] =	vst v2  }
0x330: {  	[tilespmem:s7+$0x180] =	vst v3  }
0x331: {  	[tilespmem:s7+$0x200] =	vst v4  }
0x332: {  	s18 =	sor.u32 s0, s2;
	[tilespmem:s7+$0x280] =	vst v6  }
0x333: {  	s18 =	sor.u32 $0x380, s18;
	[tilespmem:s7+$0x300] =	vst v7  }
0x334: {  	[tilespmem:s18+$0x13D00] =	vst v8  }
0x335: {  	[tilespmem:s4+$0x14500] =	vst v9  }
0x336: {  	[tilespmem:s4+$0x14580] =	vst v10  }
0x337: {  	[tilespmem:s4+$0x14600] =	vst v11  }
0x338: {  	[tilespmem:s4+$0x14680] =	vst v12  }
0x339: {  	[tilespmem:s4+$0x14700] =	vst v13  }
0x33a: {  	[tilespmem:s4+$0x14780] =	vst v14  }
0x33b: {  	[tilespmem:s4+$0x14800] =	vst v15  }
0x33c: {  	[tilespmem:s4+$0x14880] =	vst v16  }
0x33d: {  	[tilespmem:s4+$0x14D00] =	vst v17  }
0x33e: {  	[tilespmem:s4+$0x14D80] =	vst v18  }
0x33f: {  	[tilespmem:s4+$0x14E00] =	vst v19  }
0x340: {  	[tilespmem:s4+$0x14E80] =	vst v20  }
0x341: {  	[tilespmem:s4+$0x14F00] =	vst v21  }
0x342: {  	[tilespmem:s4+$0x14F80] =	vst v22  }
0x343: {  	[tilespmem:s4+$0x15000] =	vst v23  }
0x344: {  	[tilespmem:s4+$0x15080] =	vst v24  }
0x345: {  	[tilespmem:s4+$0x15500] =	vst v25  }
0x346: {  	[tilespmem:s4+$0x15580] =	vst v26  }
0x347: {  	p0 =	sne.s32 s2, $0xF0;
	[tilespmem:s4+$0x15600] =	vst v27  }
.Ltmp13:
0x348: {  	[tilespmem:s4+$0x15680] =	vst v28;
	(pc) =	sbr.rel @p0 .LBB2_29-.Ltmp13, $4  }
0x349: {  	[tilespmem:s4+$0x15700] =	vst v29  }
0x34a: {  	[tilespmem:s4+$0x15780] =	vst v30  }
0x34b: {  	[tilespmem:s4+$0x15800] =	vst v31  }
0x34c: {  	s0 =	sadd.s32 $0x80, s0;
	s2 =	sadd.s32 $0x10, s2;
	[tilespmem:s4+$0x15880] =	vst v0  }
0x34d: {  	s28 =	sadd.s32 $0x1, s28  }
0x34e: {  	p0 =	sne.s32 s28, $0x28  }
.Ltmp14:
0x34f: {  	_ = 	snop;
	(pc) =	sbr.rel @p0 .LBB2_26-.Ltmp14, $4  }
0x350: {  	s0 =	sor.u32 s10, s31  }
0x351: {  	s0 =	sshrl.u32 s0, $0x3  }
0x352: {  	s0 =	sadd.s32 s1, s0  }
0x353: {  	[hbm4b:s0+s20] =	stream.strided.scatter [tilespmem:s22], [sflag:$0x4], $0x2000, s16, s20, $0x38;
	[tilespmem:$0x15D00] =	vst v63  }
0x354: {  	s26 =	sadd.s32 $0x1, s26  }
0x355: {  	_ =	swait.ge [sflag:s24], $0x2000;
	p0 =	sne.s32 s26, s13  }
.Ltmp15:
0x356: {  	[sflag:s24] =	ssyncset.done $0x0;
	(pc) =	sbr.rel @p0 .LBB2_1-.Ltmp15, $4  }
0x357: {  	[sflag:s24] =	ssyncadd.s32 $0xFFFFE000  }
0x358: {  	_ =	swait.ge [sflag:s25], $0x2000  }
0x359: {  	[sflag:s25] =	ssyncset.done $0x0  }
0x35a: {  	[sflag:s25] =	ssyncadd.s32 $0xFFFFE000  }
0x35b: {  	_ =	sfence.sel $0x180000  }
0x35c: {  	[bflag:$0x0] =	sbarrier.arrive $0xFFFF  }
0x35d: {  	_ =	strace $0x90000047  }
0x35e: {  	s0 =	stileid.u32;
	[bflag:$0x2] =	sbarrier.arrive $0xFFFF  }
0x35f: {  	p0 =	sne.s32 s0, $0x0;
	s0 =	rddreg [dreg:$0x3]  }
0x360: {  	s0 =	sadd.s32 @!p0 $0x100000, s0  }
0x361: {  	[sflag:s0] =	ssyncadd.tile.s32 @!p0 $0x1;
	_ =	shalt  }
.Lfunc_end2:
_tile_overlayer_lowered:
.L_overlay_start_2:
0x362: {  	(tag) =	ssettag $0x2  }
0x363: {  	s0 =	rddreg [dreg:$0x0];
	s2 =	stileid.u32  }
0x364: {  	s1 =	rddreg [dreg:$0x1];
	p0 =	sne.s32 s2, $0x0  }
0x365: {  	s3 =	rddreg [dreg:$0x2];
	[bflag:$0x3] =	sbarrier.arrive $0xFFFF;
	s2 =	simm.s32 @!p0 $0x1C05  }
0x366: {  	[timem:s3], [sflag:s2] =	dma.local @!p0 [hbm:s0], s1  }
0x367: {  	s0 =	simm.s32 @!p0 $0x5  }
0x368: {  	_ =	swait.ge @!p0 [sflag:s0], s1  }
0x369: {  	s1 =	ssub.s32 @!p0 $0x0, s1;
	[sflag:s0] =	ssyncset.done @!p0 $0x0  }
0x36a: {  	[sflag:s0] =	ssyncadd.s32 @!p0 s1  }
0x36b: {  	[bflag:$0x3] =	sbarrier.arrive $0xFFFF  }
0x36c: {  	_ =	shalt  }

</sc_bundles>
